<compile_context>
chip_gen: v7x
topology: tpu7x:2x2x1
jax: 0.10.2.dev20260603
libtpu: 0.0.44.dev20260713+nightly
codegen_flags: <defaults>
</compile_context>

<pallas_src>
import functools

import jax
import jax.numpy as jnp
from jax import lax
from jax.experimental import pallas as pl
from jax.experimental.pallas import tpu as pltpu
from jax.experimental.pallas import tpu_sc as plsc

NC = 2
NS = 16
NW = NC * NS
CHUNK = 128
DEG_W = 128
IDXB = 8


def _sc_mesh():
    return plsc.VectorSubcoreMesh(
        core_axis_name="c", subcore_axis_name="s", num_cores=NC, num_subcores=NS
    )


def _make_deg_kernel(n_pad, g_chunks, rpt):
    nblocks = g_chunks // IDXB

    @functools.partial(
        pl.kernel,
        out_type=jax.ShapeDtypeStruct((NC, n_pad, DEG_W), jnp.float32),
        mesh=_sc_mesh(),
        scratch_types=[
            pltpu.VMEM((IDXB, CHUNK), jnp.int32),
            pltpu.VMEM((CHUNK, DEG_W), jnp.float32),
            pltpu.VMEM_SHARED((n_pad, DEG_W), jnp.float32),
        ],
    )
    def deg_kernel(dst_hbm, ones_hbm, zeros_hbm, out_hbm, dib, ones_t, acc):
        cid = lax.axis_index("c")
        sid = lax.axis_index("s")
        wid = sid * NC + cid

        pltpu.sync_copy(ones_hbm, ones_t)
        pltpu.sync_copy(zeros_hbm, acc.at[pl.ds(sid * rpt, rpt)])
        plsc.subcore_barrier()

        def blk(i, carry):
            pltpu.sync_copy(dst_hbm.at[wid, i], dib)
            for c in range(IDXB):
                pltpu.sync_copy(ones_t, acc.at[dib.at[c]], add=True)
            return carry

        lax.fori_loop(0, nblocks, blk, 0)
        plsc.subcore_barrier()
        pltpu.sync_copy(
            acc.at[pl.ds(sid * rpt, rpt)],
            out_hbm.at[cid, pl.ds(sid * rpt, rpt)],
        )

    return deg_kernel


def _make_agg_kernel(n, d, n_pad, nblk0, nblk1, rpt):

    @functools.partial(
        pl.kernel,
        out_type=jax.ShapeDtypeStruct((NC, n_pad, d), jnp.float32),
        mesh=_sc_mesh(),
        scratch_types=(
            [pltpu.VMEM((IDXB, CHUNK), jnp.int32)] * 2
            + [pltpu.VMEM((CHUNK, d), jnp.float32)] * 2
            + [pltpu.VMEM_SHARED((n_pad, d), jnp.float32)]
            + [pltpu.SemaphoreType.DMA] * 2
        ),
    )
    def agg_kernel(h_hbm, s0_hbm, d0_hbm, s1_hbm, d1_hbm, zeros_hbm, out_hbm,
                   sib, dib, rows0, rows1, acc, gsem0, gsem1):
        rows = (rows0, rows1)
        gsem = (gsem0, gsem1)

        cid = lax.axis_index("c")
        sid = lax.axis_index("s")

        pltpu.sync_copy(zeros_hbm, acc.at[pl.ds(sid * rpt, rpt)])
        plsc.subcore_barrier()

        def run(src_hbm, dst_hbm, nblocks):
            def do_block(i, carry):
                pltpu.sync_copy(src_hbm.at[sid, i], sib)
                pltpu.sync_copy(dst_hbm.at[sid, i], dib)
                for c in range(IDXB):
                    h = c % 2
                    pltpu.async_copy(h_hbm.at[sib.at[c]], rows[h], gsem[h]).wait()
                    pltpu.sync_copy(rows[h], acc.at[dib.at[c]], add=True)
                return carry

            lax.fori_loop(0, nblocks, do_block, 0)

        @pl.when(cid == 0)
        def _():
            run(s0_hbm, d0_hbm, nblk0)

        @pl.when(cid == 1)
        def _():
            run(s1_hbm, d1_hbm, nblk1)

        plsc.subcore_barrier()
        pltpu.sync_copy(
            acc.at[pl.ds(sid * rpt, rpt)],
            out_hbm.at[cid, pl.ds(sid * rpt, rpt)],
        )

    return agg_kernel


def _dis(degp_ref):
    deg = degp_ref[0, :, 0:1] + degp_ref[1, :, 0:1] + 1.0
    return lax.rsqrt(deg)


def _mm_pre_body(x_ref, w_ref, degp_ref, o_ref):
    h = jnp.dot(x_ref[...], w_ref[...], preferred_element_type=jnp.float32)
    o_ref[...] = h * _dis(degp_ref)


def _mm_mid_body(accp_ref, h_ref, degp_ref, b_ref, w_ref, o_ref):
    dis = _dis(degp_ref)
    s = (accp_ref[0] + accp_ref[1] + h_ref[...]) * dis + b_ref[...]
    a = jnp.maximum(s, 0.0)
    o_ref[...] = jnp.dot(a, w_ref[...], preferred_element_type=jnp.float32) * dis


def _final_body(d_out, accp_ref, h_ref, degp_ref, b_ref, o_ref):
    dis = _dis(degp_ref)
    s = (accp_ref[0] + accp_ref[1] + h_ref[...]) * dis + b_ref[...]
    o_ref[...] = s[:, :d_out]


def _row_block(n):
    for r in (2000, 1000, 500, 250):
        if n % r == 0:
            return r
    return n


def kernel(x, edge_index, W1, b1, W2, b2, W_out, b_out):
    n, d_in = x.shape
    e = edge_index.shape[1]
    d_hid = W1.shape[1]
    d_out = W_out.shape[1]
    f32 = jnp.float32

    g_chunks = -(-e // (NW * CHUNK))
    g_chunks = -(-g_chunks // (2 * IDXB)) * (2 * IDXB)
    e_pad = NW * CHUNK * g_chunks
    pad = e_pad - e
    nblk = g_chunks // IDXB
    src_f = jnp.concatenate([edge_index[0], jnp.zeros((pad,), jnp.int32)])
    dst_f = jnp.concatenate([edge_index[1], jnp.full((pad,), n, jnp.int32)])
    src_p = src_f.reshape(NW, nblk, IDXB, CHUNK)
    dst_p = dst_f.reshape(NW, nblk, IDXB, CHUNK)
    blk_per_sid = e_pad // (NS * IDXB * CHUNK)
    nblk0 = (4 * blk_per_sid) // 5
    nblk1 = blk_per_sid - nblk0
    e0 = NS * nblk0 * IDXB * CHUNK
    s0 = src_f[:e0].reshape(NS, nblk0, IDXB, CHUNK)
    d0 = dst_f[:e0].reshape(NS, nblk0, IDXB, CHUNK)
    s1 = src_f[e0:].reshape(NS, nblk1, IDXB, CHUNK)
    d1 = dst_f[e0:].reshape(NS, nblk1, IDXB, CHUNK)

    rpt = -(-(n + 8) // (NS * 8)) * 8
    n_pad = rpt * NS

    ones = jnp.ones((CHUNK, DEG_W), f32)
    zeros_deg = jnp.zeros((rpt, DEG_W), f32)
    zeros_hid = jnp.zeros((rpt, d_hid), f32)
    W_out_p = jnp.pad(W_out, ((0, 0), (0, d_hid - d_out)))
    b_out_p = jnp.pad(b_out, (0, d_hid - d_out))

    deg_kernel = _make_deg_kernel(n_pad, g_chunks, rpt)
    agg_hid = _make_agg_kernel(n, d_hid, n_pad, nblk0, nblk1, rpt)

    r = _row_block(n)
    grid = (n // r,)

    def degp_spec():
        return pl.BlockSpec((NC, r, DEG_W), lambda i: (0, i, 0))

    def accp_spec(d):
        return pl.BlockSpec((NC, r, d), lambda i: (0, i, 0))

    mm_pre = pl.pallas_call(
        _mm_pre_body,
        grid=grid,
        in_specs=[
            pl.BlockSpec((r, d_in), lambda i: (i, 0)),
            pl.BlockSpec((d_in, d_hid), lambda i: (0, 0)),
            degp_spec(),
        ],
        out_specs=pl.BlockSpec((r, d_hid), lambda i: (i, 0)),
        out_shape=jax.ShapeDtypeStruct((n, d_hid), f32),
    )

    def mm_mid(d_next):
        return pl.pallas_call(
            _mm_mid_body,
            grid=grid,
            in_specs=[
                accp_spec(d_hid),
                pl.BlockSpec((r, d_hid), lambda i: (i, 0)),
                degp_spec(),
                pl.BlockSpec((1, d_hid), lambda i: (0, 0)),
                pl.BlockSpec((d_hid, d_next), lambda i: (0, 0)),
            ],
            out_specs=pl.BlockSpec((r, d_next), lambda i: (i, 0)),
            out_shape=jax.ShapeDtypeStruct((n, d_next), f32),
        )

    final = pl.pallas_call(
        functools.partial(_final_body, d_out),
        grid=grid,
        in_specs=[
            accp_spec(d_hid),
            pl.BlockSpec((r, d_hid), lambda i: (i, 0)),
            degp_spec(),
            pl.BlockSpec((1, d_hid), lambda i: (0, 0)),
        ],
        out_specs=pl.BlockSpec((r, d_out), lambda i: (i, 0)),
        out_shape=jax.ShapeDtypeStruct((n, d_out), f32),
    )

    degp = deg_kernel(dst_p, ones, zeros_deg)
    h1 = mm_pre(x, W1, degp)
    a1 = agg_hid(h1, s0, d0, s1, d1, zeros_hid)
    h2 = mm_mid(d_hid)(a1, h1, degp, b1.reshape(1, -1), W2)
    a2 = agg_hid(h2, s0, d0, s1, d1, zeros_hid)
    h3 = mm_mid(d_hid)(a2, h2, degp, b2.reshape(1, -1), W_out_p)
    a3 = agg_hid(h3, s0, d0, s1, d1, zeros_hid)
    out = final(a3, h3, degp, b_out_p.reshape(1, -1))
    return out

# --- scband reference (transcript-rebuilt; emitter-appended) ---
"""Pipeline reference for scband-gcnclassifier-2448131358809 (READ-ONLY COPY).

The authoritative reference and input builder live on the scoring server;
editing this copy changes nothing except your own understanding.
"""

import jax, jax.numpy as jnp
import numpy as np

N = 10000
E = 320000
D_IN = 128
D_HID = 128
D_OUT = 64


def gcn_conv(x, edge_index, W, b):
    # Faithful PyG GCNConv: add self-loops, symmetric normalization D^-1/2 A D^-1/2,
    # linear transform, scatter-add aggregation over dst nodes, then bias.
    n = x.shape[0]
    loop = jnp.arange(n, dtype=edge_index.dtype)
    src = jnp.concatenate([edge_index[0], loop])
    dst = jnp.concatenate([edge_index[1], loop])
    deg = jnp.zeros((n,), dtype=x.dtype).at[dst].add(1.0)
    deg_inv_sqrt = jnp.where(deg > 0, jax.lax.rsqrt(deg), 0.0)
    norm = deg_inv_sqrt[src] * deg_inv_sqrt[dst]
    h = x @ W
    msg = h[src] * norm[:, None]
    out = jnp.zeros((n, h.shape[1]), dtype=x.dtype).at[dst].add(msg)
    return out + b


def setup_inputs(seed: int = 0):
    key = jax.random.key(seed)
    ks = jax.random.split(key, 10)
    x = jax.random.normal(ks[0], (N, D_IN), dtype=jnp.float32)
    edge_index = jax.random.randint(ks[1], (2, E), 0, N, dtype=jnp.int32)
    W1 = jax.random.normal(ks[2], (D_IN, D_HID), dtype=jnp.float32) * 0.05
    b1 = jnp.zeros((D_HID,), dtype=jnp.float32)
    W2 = jax.random.normal(ks[3], (D_HID, D_HID), dtype=jnp.float32) * 0.05
    b2 = jnp.zeros((D_HID,), dtype=jnp.float32)
    W_out = jax.random.normal(ks[4], (D_HID, D_OUT), dtype=jnp.float32) * 0.05
    b_out = jnp.zeros((D_OUT,), dtype=jnp.float32)
    return {"x": x, "edge_index": edge_index, "W1": W1, "b1": b1, "W2": W2, "b2": b2, "W_out": W_out, "b_out": b_out}


def reference(x, edge_index, W1, b1, W2, b2, W_out, b_out):
    h = jax.nn.relu(gcn_conv(x, edge_index, W1, b1))
    h = jax.nn.relu(gcn_conv(h, edge_index, W2, b2))
    out = gcn_conv(h, edge_index, W_out, b_out)
    return out

if __name__ == "__main__":
    import jax
    _d = setup_inputs()
    print(jax.jit(kernel)(*tuple(_d.values())))

</pallas_src>

<mosaic_0001>
#map = affine_map<(d0, d1) -> (0, 0, 0, 0)>
#map1 = affine_map<(d0, d1) -> (0, 0)>
#map2 = affine_map<(d0, d1) -> (0, 0, 0)>
module attributes {stable_mosaic.version = 14 : i64} {
  func.func @deg_kernel(%arg0: i32, %arg1: i32, %arg2: memref<32x10x8x128xi32, #tpu.memory_space<hbm>>, %arg3: memref<128x128xf32, #tpu.memory_space<hbm>>, %arg4: memref<632x128xf32, #tpu.memory_space<hbm>>, %arg5: memref<2x10112x128xf32, #tpu.memory_space<hbm>>, %arg6: memref<8x128xi32, #tpu.memory_space<vmem>>, %arg7: memref<128x128xf32, #tpu.memory_space<vmem>>, %arg8: memref<10112x128xf32, #tpu.memory_space<vmem_shared>>) attributes {dimension_semantics = [#tpu.dimension_semantics<core_parallel>, #tpu.dimension_semantics<subcore_parallel>], iteration_bounds = array<i64: 2, 16>, scalar_prefetch = 0 : i64, scratch_operands = 3 : i64, tpu.core_type = #tpu.core_type<sc_vector_subcore>, window_params = [{transform_indices = #map}, {transform_indices = #map1}, {transform_indices = #map1}, {transform_indices = #map2}]} {
    %mul3A = arith.constant 2 : i32
    %mul3A_0 = arith.muli %arg1, %mul3A : i32
    %add3A = arith.addi %mul3A_0, %arg0 : i32
    "tpu.region"() ({
      %run_scoped3A = tpu.sem_alloc : memref<!tpu.dma_semaphore, #tpu.memory_space<semaphore_mem>>
      tpu.enqueue_dma source(%arg3 : memref<128x128xf32, #tpu.memory_space<hbm>>) target(%arg7 : memref<128x128xf32, #tpu.memory_space<vmem>>) target_semaphore(%run_scoped3A : memref<!tpu.dma_semaphore, #tpu.memory_space<semaphore_mem>>)
      tpu.wait_dma2 semaphore(%run_scoped3A : memref<!tpu.dma_semaphore, #tpu.memory_space<semaphore_mem>>) src(%arg3 : memref<128x128xf32, #tpu.memory_space<hbm>>) dst(%arg7 : memref<128x128xf32, #tpu.memory_space<vmem>>)
      tpu.yield
    }) : () -> ()
    %mul3A_1 = arith.constant 632 : i32
    %mul3A_2 = arith.muli %arg1, %mul3A_1 : i32
    "tpu.region"() ({
      %run_scoped3A = tpu.sem_alloc : memref<!tpu.dma_semaphore, #tpu.memory_space<semaphore_mem>>
      %dma_start3A = arith.constant 0 : i32
      %dma_start3A_13 = tpu.memref_slice %arg8[%mul3A_2, %dma_start3A] : memref<10112x128xf32, #tpu.memory_space<vmem_shared>> -> memref<632x128xf32, #tpu.memory_space<vmem_shared>>
      tpu.enqueue_dma source(%arg4 : memref<632x128xf32, #tpu.memory_space<hbm>>) target(%dma_start3A_13 : memref<632x128xf32, #tpu.memory_space<vmem_shared>>) target_semaphore(%run_scoped3A : memref<!tpu.dma_semaphore, #tpu.memory_space<semaphore_mem>>)
      %dma_wait3A = arith.constant 0 : i32
      %dma_wait3A_14 = tpu.memref_slice %arg8[%mul3A_2, %dma_wait3A] : memref<10112x128xf32, #tpu.memory_space<vmem_shared>> -> memref<632x128xf32, #tpu.memory_space<vmem_shared>>
      tpu.wait_dma2 semaphore(%run_scoped3A : memref<!tpu.dma_semaphore, #tpu.memory_space<semaphore_mem>>) src(%arg4 : memref<632x128xf32, #tpu.memory_space<hbm>>) dst(%dma_wait3A_14 : memref<632x128xf32, #tpu.memory_space<vmem_shared>>)
      tpu.yield
    }) : () -> ()
    %barrier3A = arith.constant 0 : index
    tpu.barrier barrier_id(%barrier3A)
    %scan3A = arith.constant 0 : i32
    %scan3A_3 = arith.constant 0 : i32
    %scan3A_4 = arith.constant 10 : i32
    %scan3A_5 = arith.addi %scan3A_3, %scan3A_4 : i32
    %scan3A_6 = arith.constant 1 : i32
    scf.for %scan3A_13 = %scan3A_3 to %scan3A_5 step %scan3A_6  : i32 {
      "tpu.region"() ({
        %run_scoped3A_21 = tpu.sem_alloc : memref<!tpu.dma_semaphore, #tpu.memory_space<semaphore_mem>>
        %dma_start3A = arith.constant 0 : i32
        %dma_start3A_22 = arith.constant 0 : i32
        %dma_start3A_23 = tpu.memref_slice %arg2[%add3A, %scan3A_13, %dma_start3A, %dma_start3A_22] : memref<32x10x8x128xi32, #tpu.memory_space<hbm>> -> memref<1x1x8x128xi32, #tpu.memory_space<hbm>>
        %dma_start3A_24 = tpu.memref_squeeze %dma_start3A_23 : memref<1x1x8x128xi32, #tpu.memory_space<hbm>> -> memref<8x128xi32, #tpu.memory_space<hbm>>
        %dma_start3A_25 = arith.constant 0 : i32
        %dma_start3A_26 = arith.constant 0 : i32
        %dma_start3A_27 = tpu.memref_slice %arg2[%add3A, %scan3A_13, %dma_start3A_25, %dma_start3A_26] : memref<32x10x8x128xi32, #tpu.memory_space<hbm>> -> memref<1x1x8x128xi32, #tpu.memory_space<hbm>>
        %dma_start3A_28 = tpu.memref_squeeze %dma_start3A_27 : memref<1x1x8x128xi32, #tpu.memory_space<hbm>> -> memref<8x128xi32, #tpu.memory_space<hbm>>
        tpu.enqueue_dma source(%dma_start3A_28 : memref<8x128xi32, #tpu.memory_space<hbm>>) target(%arg6 : memref<8x128xi32, #tpu.memory_space<vmem>>) target_semaphore(%run_scoped3A_21 : memref<!tpu.dma_semaphore, #tpu.memory_space<semaphore_mem>>)
        %dma_wait3A = arith.constant 0 : i32
        %dma_wait3A_29 = arith.constant 0 : i32
        %dma_wait3A_30 = tpu.memref_slice %arg2[%add3A, %scan3A_13, %dma_wait3A, %dma_wait3A_29] : memref<32x10x8x128xi32, #tpu.memory_space<hbm>> -> memref<1x1x8x128xi32, #tpu.memory_space<hbm>>
        %dma_wait3A_31 = tpu.memref_squeeze %dma_wait3A_30 : memref<1x1x8x128xi32, #tpu.memory_space<hbm>> -> memref<8x128xi32, #tpu.memory_space<hbm>>
        %dma_wait3A_32 = arith.constant 0 : i32
        %dma_wait3A_33 = arith.constant 0 : i32
        %dma_wait3A_34 = tpu.memref_slice %arg2[%add3A, %scan3A_13, %dma_wait3A_32, %dma_wait3A_33] : memref<32x10x8x128xi32, #tpu.memory_space<hbm>> -> memref<1x1x8x128xi32, #tpu.memory_space<hbm>>
        %dma_wait3A_35 = tpu.memref_squeeze %dma_wait3A_34 : memref<1x1x8x128xi32, #tpu.memory_space<hbm>> -> memref<8x128xi32, #tpu.memory_space<hbm>>
        tpu.wait_dma2 semaphore(%run_scoped3A_21 : memref<!tpu.dma_semaphore, #tpu.memory_space<semaphore_mem>>) src(%dma_wait3A_35 : memref<8x128xi32, #tpu.memory_space<hbm>>) dst(%arg6 : memref<8x128xi32, #tpu.memory_space<vmem>>)
        tpu.yield
      }) : () -> ()
      %run_scoped3A = arith.constant 0 : i32
      "tpu.region"() ({
        %run_scoped3A_21 = tpu.sem_alloc : memref<!tpu.dma_semaphore, #tpu.memory_space<semaphore_mem>>
        %dma_start3A = arith.constant 0 : i32
        %dma_start3A_22 = tpu.memref_slice %arg6[%run_scoped3A, %dma_start3A] : memref<8x128xi32, #tpu.memory_space<vmem>> -> memref<1x128xi32, #tpu.memory_space<vmem>>
        %dma_start3A_23 = tpu.memref_squeeze %dma_start3A_22 : memref<1x128xi32, #tpu.memory_space<vmem>> -> memref<128xi32, #tpu.memory_space<vmem>>
        %dma_start3A_24 = arith.constant 0 : i32
        %dma_start3A_25 = arith.constant 0 : i32
        %dma_start3A_26 = tpu.memref_slice %arg8[%dma_start3A_24, %dma_start3A_25] : memref<10112x128xf32, #tpu.memory_space<vmem_shared>> -> memref<10112x128xf32, #tpu.memory_space<vmem_shared>>
        tpu.enqueue_indirect_dma source(%arg7 : memref<128x128xf32, #tpu.memory_space<vmem>>) target(%dma_start3A_26 : memref<10112x128xf32, #tpu.memory_space<vmem_shared>>) offsets(%dma_start3A_23 : memref<128xi32, #tpu.memory_space<vmem>>) semaphore(%run_scoped3A_21 : memref<!tpu.dma_semaphore, #tpu.memory_space<semaphore_mem>>) {add = true}
        %dma_wait3A = arith.constant 0 : i32
        %dma_wait3A_27 = tpu.memref_slice %arg6[%run_scoped3A, %dma_wait3A] : memref<8x128xi32, #tpu.memory_space<vmem>> -> memref<1x128xi32, #tpu.memory_space<vmem>>
        %dma_wait3A_28 = tpu.memref_squeeze %dma_wait3A_27 : memref<1x128xi32, #tpu.memory_space<vmem>> -> memref<128xi32, #tpu.memory_space<vmem>>
        %dma_wait3A_29 = arith.constant 0 : i32
        %dma_wait3A_30 = arith.constant 0 : i32
        %dma_wait3A_31 = tpu.memref_slice %arg8[%dma_wait3A_29, %dma_wait3A_30] : memref<10112x128xf32, #tpu.memory_space<vmem_shared>> -> memref<10112x128xf32, #tpu.memory_space<vmem_shared>>
        tpu.wait_indirect_dma semaphore(%run_scoped3A_21 : memref<!tpu.dma_semaphore, #tpu.memory_space<semaphore_mem>>) src(%arg7 : memref<128x128xf32, #tpu.memory_space<vmem>>) dst(%dma_wait3A_31 : memref<10112x128xf32, #tpu.memory_space<vmem_shared>>)
        tpu.yield
      }) : () -> ()
      %run_scoped3A_14 = arith.constant 1 : i32
      "tpu.region"() ({
        %run_scoped3A_21 = tpu.sem_alloc : memref<!tpu.dma_semaphore, #tpu.memory_space<semaphore_mem>>
        %dma_start3A = arith.constant 0 : i32
        %dma_start3A_22 = tpu.memref_slice %arg6[%run_scoped3A_14, %dma_start3A] : memref<8x128xi32, #tpu.memory_space<vmem>> -> memref<1x128xi32, #tpu.memory_space<vmem>>
        %dma_start3A_23 = tpu.memref_squeeze %dma_start3A_22 : memref<1x128xi32, #tpu.memory_space<vmem>> -> memref<128xi32, #tpu.memory_space<vmem>>
        %dma_start3A_24 = arith.constant 0 : i32
        %dma_start3A_25 = arith.constant 0 : i32
        %dma_start3A_26 = tpu.memref_slice %arg8[%dma_start3A_24, %dma_start3A_25] : memref<10112x128xf32, #tpu.memory_space<vmem_shared>> -> memref<10112x128xf32, #tpu.memory_space<vmem_shared>>
        tpu.enqueue_indirect_dma source(%arg7 : memref<128x128xf32, #tpu.memory_space<vmem>>) target(%dma_start3A_26 : memref<10112x128xf32, #tpu.memory_space<vmem_shared>>) offsets(%dma_start3A_23 : memref<128xi32, #tpu.memory_space<vmem>>) semaphore(%run_scoped3A_21 : memref<!tpu.dma_semaphore, #tpu.memory_space<semaphore_mem>>) {add = true}
        %dma_wait3A = arith.constant 0 : i32
        %dma_wait3A_27 = tpu.memref_slice %arg6[%run_scoped3A_14, %dma_wait3A] : memref<8x128xi32, #tpu.memory_space<vmem>> -> memref<1x128xi32, #tpu.memory_space<vmem>>
        %dma_wait3A_28 = tpu.memref_squeeze %dma_wait3A_27 : memref<1x128xi32, #tpu.memory_space<vmem>> -> memref<128xi32, #tpu.memory_space<vmem>>
        %dma_wait3A_29 = arith.constant 0 : i32
        %dma_wait3A_30 = arith.constant 0 : i32
        %dma_wait3A_31 = tpu.memref_slice %arg8[%dma_wait3A_29, %dma_wait3A_30] : memref<10112x128xf32, #tpu.memory_space<vmem_shared>> -> memref<10112x128xf32, #tpu.memory_space<vmem_shared>>
        tpu.wait_indirect_dma semaphore(%run_scoped3A_21 : memref<!tpu.dma_semaphore, #tpu.memory_space<semaphore_mem>>) src(%arg7 : memref<128x128xf32, #tpu.memory_space<vmem>>) dst(%dma_wait3A_31 : memref<10112x128xf32, #tpu.memory_space<vmem_shared>>)
        tpu.yield
      }) : () -> ()
      %run_scoped3A_15 = arith.constant 2 : i32
      "tpu.region"() ({
        %run_scoped3A_21 = tpu.sem_alloc : memref<!tpu.dma_semaphore, #tpu.memory_space<semaphore_mem>>
        %dma_start3A = arith.constant 0 : i32
        %dma_start3A_22 = tpu.memref_slice %arg6[%run_scoped3A_15, %dma_start3A] : memref<8x128xi32, #tpu.memory_space<vmem>> -> memref<1x128xi32, #tpu.memory_space<vmem>>
        %dma_start3A_23 = tpu.memref_squeeze %dma_start3A_22 : memref<1x128xi32, #tpu.memory_space<vmem>> -> memref<128xi32, #tpu.memory_space<vmem>>
        %dma_start3A_24 = arith.constant 0 : i32
        %dma_start3A_25 = arith.constant 0 : i32
        %dma_start3A_26 = tpu.memref_slice %arg8[%dma_start3A_24, %dma_start3A_25] : memref<10112x128xf32, #tpu.memory_space<vmem_shared>> -> memref<10112x128xf32, #tpu.memory_space<vmem_shared>>
        tpu.enqueue_indirect_dma source(%arg7 : memref<128x128xf32, #tpu.memory_space<vmem>>) target(%dma_start3A_26 : memref<10112x128xf32, #tpu.memory_space<vmem_shared>>) offsets(%dma_start3A_23 : memref<128xi32, #tpu.memory_space<vmem>>) semaphore(%run_scoped3A_21 : memref<!tpu.dma_semaphore, #tpu.memory_space<semaphore_mem>>) {add = true}
        %dma_wait3A = arith.constant 0 : i32
        %dma_wait3A_27 = tpu.memref_slice %arg6[%run_scoped3A_15, %dma_wait3A] : memref<8x128xi32, #tpu.memory_space<vmem>> -> memref<1x128xi32, #tpu.memory_space<vmem>>
        %dma_wait3A_28 = tpu.memref_squeeze %dma_wait3A_27 : memref<1x128xi32, #tpu.memory_space<vmem>> -> memref<128xi32, #tpu.memory_space<vmem>>
        %dma_wait3A_29 = arith.constant 0 : i32
        %dma_wait3A_30 = arith.constant 0 : i32
        %dma_wait3A_31 = tpu.memref_slice %arg8[%dma_wait3A_29, %dma_wait3A_30] : memref<10112x128xf32, #tpu.memory_space<vmem_shared>> -> memref<10112x128xf32, #tpu.memory_space<vmem_shared>>
        tpu.wait_indirect_dma semaphore(%run_scoped3A_21 : memref<!tpu.dma_semaphore, #tpu.memory_space<semaphore_mem>>) src(%arg7 : memref<128x128xf32, #tpu.memory_space<vmem>>) dst(%dma_wait3A_31 : memref<10112x128xf32, #tpu.memory_space<vmem_shared>>)
        tpu.yield
      }) : () -> ()
      %run_scoped3A_16 = arith.constant 3 : i32
      "tpu.region"() ({
        %run_scoped3A_21 = tpu.sem_alloc : memref<!tpu.dma_semaphore, #tpu.memory_space<semaphore_mem>>
        %dma_start3A = arith.constant 0 : i32
        %dma_start3A_22 = tpu.memref_slice %arg6[%run_scoped3A_16, %dma_start3A] : memref<8x128xi32, #tpu.memory_space<vmem>> -> memref<1x128xi32, #tpu.memory_space<vmem>>
        %dma_start3A_23 = tpu.memref_squeeze %dma_start3A_22 : memref<1x128xi32, #tpu.memory_space<vmem>> -> memref<128xi32, #tpu.memory_space<vmem>>
        %dma_start3A_24 = arith.constant 0 : i32
        %dma_start3A_25 = arith.constant 0 : i32
        %dma_start3A_26 = tpu.memref_slice %arg8[%dma_start3A_24, %dma_start3A_25] : memref<10112x128xf32, #tpu.memory_space<vmem_shared>> -> memref<10112x128xf32, #tpu.memory_space<vmem_shared>>
        tpu.enqueue_indirect_dma source(%arg7 : memref<128x128xf32, #tpu.memory_space<vmem>>) target(%dma_start3A_26 : memref<10112x128xf32, #tpu.memory_space<vmem_shared>>) offsets(%dma_start3A_23 : memref<128xi32, #tpu.memory_space<vmem>>) semaphore(%run_scoped3A_21 : memref<!tpu.dma_semaphore, #tpu.memory_space<semaphore_mem>>) {add = true}
        %dma_wait3A = arith.constant 0 : i32
        %dma_wait3A_27 = tpu.memref_slice %arg6[%run_scoped3A_16, %dma_wait3A] : memref<8x128xi32, #tpu.memory_space<vmem>> -> memref<1x128xi32, #tpu.memory_space<vmem>>
        %dma_wait3A_28 = tpu.memref_squeeze %dma_wait3A_27 : memref<1x128xi32, #tpu.memory_space<vmem>> -> memref<128xi32, #tpu.memory_space<vmem>>
        %dma_wait3A_29 = arith.constant 0 : i32
        %dma_wait3A_30 = arith.constant 0 : i32
        %dma_wait3A_31 = tpu.memref_slice %arg8[%dma_wait3A_29, %dma_wait3A_30] : memref<10112x128xf32, #tpu.memory_space<vmem_shared>> -> memref<10112x128xf32, #tpu.memory_space<vmem_shared>>
        tpu.wait_indirect_dma semaphore(%run_scoped3A_21 : memref<!tpu.dma_semaphore, #tpu.memory_space<semaphore_mem>>) src(%arg7 : memref<128x128xf32, #tpu.memory_space<vmem>>) dst(%dma_wait3A_31 : memref<10112x128xf32, #tpu.memory_space<vmem_shared>>)
        tpu.yield
      }) : () -> ()
      %run_scoped3A_17 = arith.constant 4 : i32
      "tpu.region"() ({
        %run_scoped3A_21 = tpu.sem_alloc : memref<!tpu.dma_semaphore, #tpu.memory_space<semaphore_mem>>
        %dma_start3A = arith.constant 0 : i32
        %dma_start3A_22 = tpu.memref_slice %arg6[%run_scoped3A_17, %dma_start3A] : memref<8x128xi32, #tpu.memory_space<vmem>> -> memref<1x128xi32, #tpu.memory_space<vmem>>
        %dma_start3A_23 = tpu.memref_squeeze %dma_start3A_22 : memref<1x128xi32, #tpu.memory_space<vmem>> -> memref<128xi32, #tpu.memory_space<vmem>>
        %dma_start3A_24 = arith.constant 0 : i32
        %dma_start3A_25 = arith.constant 0 : i32
        %dma_start3A_26 = tpu.memref_slice %arg8[%dma_start3A_24, %dma_start3A_25] : memref<10112x128xf32, #tpu.memory_space<vmem_shared>> -> memref<10112x128xf32, #tpu.memory_space<vmem_shared>>
        tpu.enqueue_indirect_dma source(%arg7 : memref<128x128xf32, #tpu.memory_space<vmem>>) target(%dma_start3A_26 : memref<10112x128xf32, #tpu.memory_space<vmem_shared>>) offsets(%dma_start3A_23 : memref<128xi32, #tpu.memory_space<vmem>>) semaphore(%run_scoped3A_21 : memref<!tpu.dma_semaphore, #tpu.memory_space<semaphore_mem>>) {add = true}
        %dma_wait3A = arith.constant 0 : i32
        %dma_wait3A_27 = tpu.memref_slice %arg6[%run_scoped3A_17, %dma_wait3A] : memref<8x128xi32, #tpu.memory_space<vmem>> -> memref<1x128xi32, #tpu.memory_space<vmem>>
        %dma_wait3A_28 = tpu.memref_squeeze %dma_wait3A_27 : memref<1x128xi32, #tpu.memory_space<vmem>> -> memref<128xi32, #tpu.memory_space<vmem>>
        %dma_wait3A_29 = arith.constant 0 : i32
        %dma_wait3A_30 = arith.constant 0 : i32
        %dma_wait3A_31 = tpu.memref_slice %arg8[%dma_wait3A_29, %dma_wait3A_30] : memref<10112x128xf32, #tpu.memory_space<vmem_shared>> -> memref<10112x128xf32, #tpu.memory_space<vmem_shared>>
        tpu.wait_indirect_dma semaphore(%run_scoped3A_21 : memref<!tpu.dma_semaphore, #tpu.memory_space<semaphore_mem>>) src(%arg7 : memref<128x128xf32, #tpu.memory_space<vmem>>) dst(%dma_wait3A_31 : memref<10112x128xf32, #tpu.memory_space<vmem_shared>>)
        tpu.yield
      }) : () -> ()
      %run_scoped3A_18 = arith.constant 5 : i32
      "tpu.region"() ({
        %run_scoped3A_21 = tpu.sem_alloc : memref<!tpu.dma_semaphore, #tpu.memory_space<semaphore_mem>>
        %dma_start3A = arith.constant 0 : i32
        %dma_start3A_22 = tpu.memref_slice %arg6[%run_scoped3A_18, %dma_start3A] : memref<8x128xi32, #tpu.memory_space<vmem>> -> memref<1x128xi32, #tpu.memory_space<vmem>>
        %dma_start3A_23 = tpu.memref_squeeze %dma_start3A_22 : memref<1x128xi32, #tpu.memory_space<vmem>> -> memref<128xi32, #tpu.memory_space<vmem>>
        %dma_start3A_24 = arith.constant 0 : i32
        %dma_start3A_25 = arith.constant 0 : i32
        %dma_start3A_26 = tpu.memref_slice %arg8[%dma_start3A_24, %dma_start3A_25] : memref<10112x128xf32, #tpu.memory_space<vmem_shared>> -> memref<10112x128xf32, #tpu.memory_space<vmem_shared>>
        tpu.enqueue_indirect_dma source(%arg7 : memref<128x128xf32, #tpu.memory_space<vmem>>) target(%dma_start3A_26 : memref<10112x128xf32, #tpu.memory_space<vmem_shared>>) offsets(%dma_start3A_23 : memref<128xi32, #tpu.memory_space<vmem>>) semaphore(%run_scoped3A_21 : memref<!tpu.dma_semaphore, #tpu.memory_space<semaphore_mem>>) {add = true}
        %dma_wait3A = arith.constant 0 : i32
        %dma_wait3A_27 = tpu.memref_slice %arg6[%run_scoped3A_18, %dma_wait3A] : memref<8x128xi32, #tpu.memory_space<vmem>> -> memref<1x128xi32, #tpu.memory_space<vmem>>
        %dma_wait3A_28 = tpu.memref_squeeze %dma_wait3A_27 : memref<1x128xi32, #tpu.memory_space<vmem>> -> memref<128xi32, #tpu.memory_space<vmem>>
        %dma_wait3A_29 = arith.constant 0 : i32
        %dma_wait3A_30 = arith.constant 0 : i32
        %dma_wait3A_31 = tpu.memref_slice %arg8[%dma_wait3A_29, %dma_wait3A_30] : memref<10112x128xf32, #tpu.memory_space<vmem_shared>> -> memref<10112x128xf32, #tpu.memory_space<vmem_shared>>
        tpu.wait_indirect_dma semaphore(%run_scoped3A_21 : memref<!tpu.dma_semaphore, #tpu.memory_space<semaphore_mem>>) src(%arg7 : memref<128x128xf32, #tpu.memory_space<vmem>>) dst(%dma_wait3A_31 : memref<10112x128xf32, #tpu.memory_space<vmem_shared>>)
        tpu.yield
      }) : () -> ()
      %run_scoped3A_19 = arith.constant 6 : i32
      "tpu.region"() ({
        %run_scoped3A_21 = tpu.sem_alloc : memref<!tpu.dma_semaphore, #tpu.memory_space<semaphore_mem>>
        %dma_start3A = arith.constant 0 : i32
        %dma_start3A_22 = tpu.memref_slice %arg6[%run_scoped3A_19, %dma_start3A] : memref<8x128xi32, #tpu.memory_space<vmem>> -> memref<1x128xi32, #tpu.memory_space<vmem>>
        %dma_start3A_23 = tpu.memref_squeeze %dma_start3A_22 : memref<1x128xi32, #tpu.memory_space<vmem>> -> memref<128xi32, #tpu.memory_space<vmem>>
        %dma_start3A_24 = arith.constant 0 : i32
        %dma_start3A_25 = arith.constant 0 : i32
        %dma_start3A_26 = tpu.memref_slice %arg8[%dma_start3A_24, %dma_start3A_25] : memref<10112x128xf32, #tpu.memory_space<vmem_shared>> -> memref<10112x128xf32, #tpu.memory_space<vmem_shared>>
        tpu.enqueue_indirect_dma source(%arg7 : memref<128x128xf32, #tpu.memory_space<vmem>>) target(%dma_start3A_26 : memref<10112x128xf32, #tpu.memory_space<vmem_shared>>) offsets(%dma_start3A_23 : memref<128xi32, #tpu.memory_space<vmem>>) semaphore(%run_scoped3A_21 : memref<!tpu.dma_semaphore, #tpu.memory_space<semaphore_mem>>) {add = true}
        %dma_wait3A = arith.constant 0 : i32
        %dma_wait3A_27 = tpu.memref_slice %arg6[%run_scoped3A_19, %dma_wait3A] : memref<8x128xi32, #tpu.memory_space<vmem>> -> memref<1x128xi32, #tpu.memory_space<vmem>>
        %dma_wait3A_28 = tpu.memref_squeeze %dma_wait3A_27 : memref<1x128xi32, #tpu.memory_space<vmem>> -> memref<128xi32, #tpu.memory_space<vmem>>
        %dma_wait3A_29 = arith.constant 0 : i32
        %dma_wait3A_30 = arith.constant 0 : i32
        %dma_wait3A_31 = tpu.memref_slice %arg8[%dma_wait3A_29, %dma_wait3A_30] : memref<10112x128xf32, #tpu.memory_space<vmem_shared>> -> memref<10112x128xf32, #tpu.memory_space<vmem_shared>>
        tpu.wait_indirect_dma semaphore(%run_scoped3A_21 : memref<!tpu.dma_semaphore, #tpu.memory_space<semaphore_mem>>) src(%arg7 : memref<128x128xf32, #tpu.memory_space<vmem>>) dst(%dma_wait3A_31 : memref<10112x128xf32, #tpu.memory_space<vmem_shared>>)
        tpu.yield
      }) : () -> ()
      %run_scoped3A_20 = arith.constant 7 : i32
      "tpu.region"() ({
        %run_scoped3A_21 = tpu.sem_alloc : memref<!tpu.dma_semaphore, #tpu.memory_space<semaphore_mem>>
        %dma_start3A = arith.constant 0 : i32
        %dma_start3A_22 = tpu.memref_slice %arg6[%run_scoped3A_20, %dma_start3A] : memref<8x128xi32, #tpu.memory_space<vmem>> -> memref<1x128xi32, #tpu.memory_space<vmem>>
        %dma_start3A_23 = tpu.memref_squeeze %dma_start3A_22 : memref<1x128xi32, #tpu.memory_space<vmem>> -> memref<128xi32, #tpu.memory_space<vmem>>
        %dma_start3A_24 = arith.constant 0 : i32
        %dma_start3A_25 = arith.constant 0 : i32
        %dma_start3A_26 = tpu.memref_slice %arg8[%dma_start3A_24, %dma_start3A_25] : memref<10112x128xf32, #tpu.memory_space<vmem_shared>> -> memref<10112x128xf32, #tpu.memory_space<vmem_shared>>
        tpu.enqueue_indirect_dma source(%arg7 : memref<128x128xf32, #tpu.memory_space<vmem>>) target(%dma_start3A_26 : memref<10112x128xf32, #tpu.memory_space<vmem_shared>>) offsets(%dma_start3A_23 : memref<128xi32, #tpu.memory_space<vmem>>) semaphore(%run_scoped3A_21 : memref<!tpu.dma_semaphore, #tpu.memory_space<semaphore_mem>>) {add = true}
        %dma_wait3A = arith.constant 0 : i32
        %dma_wait3A_27 = tpu.memref_slice %arg6[%run_scoped3A_20, %dma_wait3A] : memref<8x128xi32, #tpu.memory_space<vmem>> -> memref<1x128xi32, #tpu.memory_space<vmem>>
        %dma_wait3A_28 = tpu.memref_squeeze %dma_wait3A_27 : memref<1x128xi32, #tpu.memory_space<vmem>> -> memref<128xi32, #tpu.memory_space<vmem>>
        %dma_wait3A_29 = arith.constant 0 : i32
        %dma_wait3A_30 = arith.constant 0 : i32
        %dma_wait3A_31 = tpu.memref_slice %arg8[%dma_wait3A_29, %dma_wait3A_30] : memref<10112x128xf32, #tpu.memory_space<vmem_shared>> -> memref<10112x128xf32, #tpu.memory_space<vmem_shared>>
        tpu.wait_indirect_dma semaphore(%run_scoped3A_21 : memref<!tpu.dma_semaphore, #tpu.memory_space<semaphore_mem>>) src(%arg7 : memref<128x128xf32, #tpu.memory_space<vmem>>) dst(%dma_wait3A_31 : memref<10112x128xf32, #tpu.memory_space<vmem_shared>>)
        tpu.yield
      }) : () -> ()
    }
    %scan3A_7 = arith.constant 10 : i32
    %barrier3A_8 = arith.constant 0 : index
    tpu.barrier barrier_id(%barrier3A_8)
    %mul3A_9 = arith.constant 632 : i32
    %mul3A_10 = arith.muli %arg1, %mul3A_9 : i32
    %mul3A_11 = arith.constant 632 : i32
    %mul3A_12 = arith.muli %arg1, %mul3A_11 : i32
    "tpu.region"() ({
      %run_scoped3A = tpu.sem_alloc : memref<!tpu.dma_semaphore, #tpu.memory_space<semaphore_mem>>
      %dma_start3A = arith.constant 0 : i32
      %dma_start3A_13 = tpu.memref_slice %arg5[%arg0, %mul3A_12, %dma_start3A] : memref<2x10112x128xf32, #tpu.memory_space<hbm>> -> memref<1x632x128xf32, #tpu.memory_space<hbm>>
      %dma_start3A_14 = tpu.memref_squeeze %dma_start3A_13 : memref<1x632x128xf32, #tpu.memory_space<hbm>> -> memref<632x128xf32, #tpu.memory_space<hbm>>
      %dma_start3A_15 = arith.constant 0 : i32
      %dma_start3A_16 = tpu.memref_slice %arg8[%mul3A_10, %dma_start3A_15] : memref<10112x128xf32, #tpu.memory_space<vmem_shared>> -> memref<632x128xf32, #tpu.memory_space<vmem_shared>>
      tpu.enqueue_dma source(%dma_start3A_16 : memref<632x128xf32, #tpu.memory_space<vmem_shared>>) target(%dma_start3A_14 : memref<632x128xf32, #tpu.memory_space<hbm>>) target_semaphore(%run_scoped3A : memref<!tpu.dma_semaphore, #tpu.memory_space<semaphore_mem>>)
      %dma_wait3A = arith.constant 0 : i32
      %dma_wait3A_17 = tpu.memref_slice %arg5[%arg0, %mul3A_12, %dma_wait3A] : memref<2x10112x128xf32, #tpu.memory_space<hbm>> -> memref<1x632x128xf32, #tpu.memory_space<hbm>>
      %dma_wait3A_18 = tpu.memref_squeeze %dma_wait3A_17 : memref<1x632x128xf32, #tpu.memory_space<hbm>> -> memref<632x128xf32, #tpu.memory_space<hbm>>
      %dma_wait3A_19 = arith.constant 0 : i32
      %dma_wait3A_20 = tpu.memref_slice %arg8[%mul3A_10, %dma_wait3A_19] : memref<10112x128xf32, #tpu.memory_space<vmem_shared>> -> memref<632x128xf32, #tpu.memory_space<vmem_shared>>
      tpu.wait_dma2 semaphore(%run_scoped3A : memref<!tpu.dma_semaphore, #tpu.memory_space<semaphore_mem>>) src(%dma_wait3A_20 : memref<632x128xf32, #tpu.memory_space<vmem_shared>>) dst(%dma_wait3A_18 : memref<632x128xf32, #tpu.memory_space<hbm>>)
      tpu.yield
    }) : () -> ()
    return
  }
}

#map = affine_map<(d0, d1) -> (0, 0)>
#map1 = affine_map<(d0, d1) -> (0, 0, 0, 0)>
#map2 = affine_map<(d0, d1) -> (0, 0, 0)>
module attributes {stable_mosaic.version = 14 : i64} {
  func.func @agg_kernel(%arg0: i32, %arg1: i32, %arg2: memref<10000x128xf32, #tpu.memory_space<hbm>>, %arg3: memref<16x16x8x128xi32, #tpu.memory_space<hbm>>, %arg4: memref<16x16x8x128xi32, #tpu.memory_space<hbm>>, %arg5: memref<16x4x8x128xi32, #tpu.memory_space<hbm>>, %arg6: memref<16x4x8x128xi32, #tpu.memory_space<hbm>>, %arg7: memref<632x128xf32, #tpu.memory_space<hbm>>, %arg8: memref<2x10112x128xf32, #tpu.memory_space<hbm>>, %arg9: memref<8x128xi32, #tpu.memory_space<vmem>>, %arg10: memref<8x128xi32, #tpu.memory_space<vmem>>, %arg11: memref<128x128xf32, #tpu.memory_space<vmem>>, %arg12: memref<128x128xf32, #tpu.memory_space<vmem>>, %arg13: memref<10112x128xf32, #tpu.memory_space<vmem_shared>>, %arg14: memref<!tpu.dma_semaphore, #tpu.memory_space<semaphore_mem>>, %arg15: memref<!tpu.dma_semaphore, #tpu.memory_space<semaphore_mem>>) attributes {dimension_semantics = [#tpu.dimension_semantics<core_parallel>, #tpu.dimension_semantics<subcore_parallel>], iteration_bounds = array<i64: 2, 16>, scalar_prefetch = 0 : i64, scratch_operands = 7 : i64, tpu.core_type = #tpu.core_type<sc_vector_subcore>, window_params = [{transform_indices = #map}, {transform_indices = #map1}, {transform_indices = #map1}, {transform_indices = #map1}, {transform_indices = #map1}, {transform_indices = #map}, {transform_indices = #map2}]} {
    %mul3A = arith.constant 632 : i32
    %mul3A_0 = arith.muli %arg1, %mul3A : i32
    "tpu.region"() ({
      %run_scoped3A = tpu.sem_alloc : memref<!tpu.dma_semaphore, #tpu.memory_space<semaphore_mem>>
      %dma_start3A = arith.constant 0 : i32
      %dma_start3A_13 = tpu.memref_slice %arg13[%mul3A_0, %dma_start3A] : memref<10112x128xf32, #tpu.memory_space<vmem_shared>> -> memref<632x128xf32, #tpu.memory_space<vmem_shared>>
      tpu.enqueue_dma source(%arg7 : memref<632x128xf32, #tpu.memory_space<hbm>>) target(%dma_start3A_13 : memref<632x128xf32, #tpu.memory_space<vmem_shared>>) target_semaphore(%run_scoped3A : memref<!tpu.dma_semaphore, #tpu.memory_space<semaphore_mem>>)
      %dma_wait3A = arith.constant 0 : i32
      %dma_wait3A_14 = tpu.memref_slice %arg13[%mul3A_0, %dma_wait3A] : memref<10112x128xf32, #tpu.memory_space<vmem_shared>> -> memref<632x128xf32, #tpu.memory_space<vmem_shared>>
      tpu.wait_dma2 semaphore(%run_scoped3A : memref<!tpu.dma_semaphore, #tpu.memory_space<semaphore_mem>>) src(%arg7 : memref<632x128xf32, #tpu.memory_space<hbm>>) dst(%dma_wait3A_14 : memref<632x128xf32, #tpu.memory_space<vmem_shared>>)
      tpu.yield
    }) : () -> ()
    %barrier3A = arith.constant 0 : index
    tpu.barrier barrier_id(%barrier3A)
    %eq3A = arith.constant 0 : i32
    %eq3A_1 = arith.cmpi eq, %arg0, %eq3A : i32
    %convert_element_type3A = arith.extui %eq3A_1 : i1 to i32
    %cond3A = arith.constant 0 : i32
    %cond3A_2 = arith.cmpi ne, %convert_element_type3A, %cond3A : i32
    scf.if %cond3A_2 {
      %scan3A = arith.constant 0 : i32
      %scan3A_13 = arith.constant 0 : i32
      %scan3A_14 = arith.constant 16 : i32
      %scan3A_15 = arith.addi %scan3A_13, %scan3A_14 : i32
      %scan3A_16 = arith.constant 1 : i32
      scf.for %scan3A_18 = %scan3A_13 to %scan3A_15 step %scan3A_16  : i32 {
        "tpu.region"() ({
          %run_scoped3A_136 = tpu.sem_alloc : memref<!tpu.dma_semaphore, #tpu.memory_space<semaphore_mem>>
          %dma_start3A_137 = arith.constant 0 : i32
          %dma_start3A_138 = arith.constant 0 : i32
          %dma_start3A_139 = tpu.memref_slice %arg3[%arg1, %scan3A_18, %dma_start3A_137, %dma_start3A_138] : memref<16x16x8x128xi32, #tpu.memory_space<hbm>> -> memref<1x1x8x128xi32, #tpu.memory_space<hbm>>
          %dma_start3A_140 = tpu.memref_squeeze %dma_start3A_139 : memref<1x1x8x128xi32, #tpu.memory_space<hbm>> -> memref<8x128xi32, #tpu.memory_space<hbm>>
          %dma_start3A_141 = arith.constant 0 : i32
          %dma_start3A_142 = arith.constant 0 : i32
          %dma_start3A_143 = tpu.memref_slice %arg3[%arg1, %scan3A_18, %dma_start3A_141, %dma_start3A_142] : memref<16x16x8x128xi32, #tpu.memory_space<hbm>> -> memref<1x1x8x128xi32, #tpu.memory_space<hbm>>
          %dma_start3A_144 = tpu.memref_squeeze %dma_start3A_143 : memref<1x1x8x128xi32, #tpu.memory_space<hbm>> -> memref<8x128xi32, #tpu.memory_space<hbm>>
          tpu.enqueue_dma source(%dma_start3A_144 : memref<8x128xi32, #tpu.memory_space<hbm>>) target(%arg9 : memref<8x128xi32, #tpu.memory_space<vmem>>) target_semaphore(%run_scoped3A_136 : memref<!tpu.dma_semaphore, #tpu.memory_space<semaphore_mem>>)
          %dma_wait3A_145 = arith.constant 0 : i32
          %dma_wait3A_146 = arith.constant 0 : i32
          %dma_wait3A_147 = tpu.memref_slice %arg3[%arg1, %scan3A_18, %dma_wait3A_145, %dma_wait3A_146] : memref<16x16x8x128xi32, #tpu.memory_space<hbm>> -> memref<1x1x8x128xi32, #tpu.memory_space<hbm>>
          %dma_wait3A_148 = tpu.memref_squeeze %dma_wait3A_147 : memref<1x1x8x128xi32, #tpu.memory_space<hbm>> -> memref<8x128xi32, #tpu.memory_space<hbm>>
          %dma_wait3A_149 = arith.constant 0 : i32
          %dma_wait3A_150 = arith.constant 0 : i32
          %dma_wait3A_151 = tpu.memref_slice %arg3[%arg1, %scan3A_18, %dma_wait3A_149, %dma_wait3A_150] : memref<16x16x8x128xi32, #tpu.memory_space<hbm>> -> memref<1x1x8x128xi32, #tpu.memory_space<hbm>>
          %dma_wait3A_152 = tpu.memref_squeeze %dma_wait3A_151 : memref<1x1x8x128xi32, #tpu.memory_space<hbm>> -> memref<8x128xi32, #tpu.memory_space<hbm>>
          tpu.wait_dma2 semaphore(%run_scoped3A_136 : memref<!tpu.dma_semaphore, #tpu.memory_space<semaphore_mem>>) src(%dma_wait3A_152 : memref<8x128xi32, #tpu.memory_space<hbm>>) dst(%arg9 : memref<8x128xi32, #tpu.memory_space<vmem>>)
          tpu.yield
        }) : () -> ()
        "tpu.region"() ({
          %run_scoped3A_136 = tpu.sem_alloc : memref<!tpu.dma_semaphore, #tpu.memory_space<semaphore_mem>>
          %dma_start3A_137 = arith.constant 0 : i32
          %dma_start3A_138 = arith.constant 0 : i32
          %dma_start3A_139 = tpu.memref_slice %arg4[%arg1, %scan3A_18, %dma_start3A_137, %dma_start3A_138] : memref<16x16x8x128xi32, #tpu.memory_space<hbm>> -> memref<1x1x8x128xi32, #tpu.memory_space<hbm>>
          %dma_start3A_140 = tpu.memref_squeeze %dma_start3A_139 : memref<1x1x8x128xi32, #tpu.memory_space<hbm>> -> memref<8x128xi32, #tpu.memory_space<hbm>>
          %dma_start3A_141 = arith.constant 0 : i32
          %dma_start3A_142 = arith.constant 0 : i32
          %dma_start3A_143 = tpu.memref_slice %arg4[%arg1, %scan3A_18, %dma_start3A_141, %dma_start3A_142] : memref<16x16x8x128xi32, #tpu.memory_space<hbm>> -> memref<1x1x8x128xi32, #tpu.memory_space<hbm>>
          %dma_start3A_144 = tpu.memref_squeeze %dma_start3A_143 : memref<1x1x8x128xi32, #tpu.memory_space<hbm>> -> memref<8x128xi32, #tpu.memory_space<hbm>>
          tpu.enqueue_dma source(%dma_start3A_144 : memref<8x128xi32, #tpu.memory_space<hbm>>) target(%arg10 : memref<8x128xi32, #tpu.memory_space<vmem>>) target_semaphore(%run_scoped3A_136 : memref<!tpu.dma_semaphore, #tpu.memory_space<semaphore_mem>>)
          %dma_wait3A_145 = arith.constant 0 : i32
          %dma_wait3A_146 = arith.constant 0 : i32
          %dma_wait3A_147 = tpu.memref_slice %arg4[%arg1, %scan3A_18, %dma_wait3A_145, %dma_wait3A_146] : memref<16x16x8x128xi32, #tpu.memory_space<hbm>> -> memref<1x1x8x128xi32, #tpu.memory_space<hbm>>
          %dma_wait3A_148 = tpu.memref_squeeze %dma_wait3A_147 : memref<1x1x8x128xi32, #tpu.memory_space<hbm>> -> memref<8x128xi32, #tpu.memory_space<hbm>>
          %dma_wait3A_149 = arith.constant 0 : i32
          %dma_wait3A_150 = arith.constant 0 : i32
          %dma_wait3A_151 = tpu.memref_slice %arg4[%arg1, %scan3A_18, %dma_wait3A_149, %dma_wait3A_150] : memref<16x16x8x128xi32, #tpu.memory_space<hbm>> -> memref<1x1x8x128xi32, #tpu.memory_space<hbm>>
          %dma_wait3A_152 = tpu.memref_squeeze %dma_wait3A_151 : memref<1x1x8x128xi32, #tpu.memory_space<hbm>> -> memref<8x128xi32, #tpu.memory_space<hbm>>
          tpu.wait_dma2 semaphore(%run_scoped3A_136 : memref<!tpu.dma_semaphore, #tpu.memory_space<semaphore_mem>>) src(%dma_wait3A_152 : memref<8x128xi32, #tpu.memory_space<hbm>>) dst(%arg10 : memref<8x128xi32, #tpu.memory_space<vmem>>)
          tpu.yield
        }) : () -> ()
        %dma_start3A = arith.constant 0 : i32
        %dma_start3A_19 = arith.constant 0 : i32
        %dma_start3A_20 = tpu.memref_slice %arg9[%dma_start3A, %dma_start3A_19] : memref<8x128xi32, #tpu.memory_space<vmem>> -> memref<1x128xi32, #tpu.memory_space<vmem>>
        %dma_start3A_21 = tpu.memref_squeeze %dma_start3A_20 : memref<1x128xi32, #tpu.memory_space<vmem>> -> memref<128xi32, #tpu.memory_space<vmem>>
        %dma_start3A_22 = arith.constant 0 : i32
        %dma_start3A_23 = arith.constant 0 : i32
        %dma_start3A_24 = tpu.memref_slice %arg2[%dma_start3A_22, %dma_start3A_23] : memref<10000x128xf32, #tpu.memory_space<hbm>> -> memref<10000x128xf32, #tpu.memory_space<hbm>>
        tpu.enqueue_indirect_dma source(%dma_start3A_24 : memref<10000x128xf32, #tpu.memory_space<hbm>>) target(%arg11 : memref<128x128xf32, #tpu.memory_space<vmem>>) offsets(%dma_start3A_21 : memref<128xi32, #tpu.memory_space<vmem>>) semaphore(%arg14 : memref<!tpu.dma_semaphore, #tpu.memory_space<semaphore_mem>>)
        %dma_wait3A = arith.constant 0 : i32
        %dma_wait3A_25 = arith.constant 0 : i32
        %dma_wait3A_26 = tpu.memref_slice %arg9[%dma_wait3A, %dma_wait3A_25] : memref<8x128xi32, #tpu.memory_space<vmem>> -> memref<1x128xi32, #tpu.memory_space<vmem>>
        %dma_wait3A_27 = tpu.memref_squeeze %dma_wait3A_26 : memref<1x128xi32, #tpu.memory_space<vmem>> -> memref<128xi32, #tpu.memory_space<vmem>>
        %dma_wait3A_28 = arith.constant 0 : i32
        %dma_wait3A_29 = arith.constant 0 : i32
        %dma_wait3A_30 = tpu.memref_slice %arg2[%dma_wait3A_28, %dma_wait3A_29] : memref<10000x128xf32, #tpu.memory_space<hbm>> -> memref<10000x128xf32, #tpu.memory_space<hbm>>
        tpu.wait_indirect_dma semaphore(%arg14 : memref<!tpu.dma_semaphore, #tpu.memory_space<semaphore_mem>>) src(%dma_wait3A_30 : memref<10000x128xf32, #tpu.memory_space<hbm>>) dst(%arg11 : memref<128x128xf32, #tpu.memory_space<vmem>>)
        %run_scoped3A = arith.constant 0 : i32
        "tpu.region"() ({
          %run_scoped3A_136 = tpu.sem_alloc : memref<!tpu.dma_semaphore, #tpu.memory_space<semaphore_mem>>
          %dma_start3A_137 = arith.constant 0 : i32
          %dma_start3A_138 = tpu.memref_slice %arg10[%run_scoped3A, %dma_start3A_137] : memref<8x128xi32, #tpu.memory_space<vmem>> -> memref<1x128xi32, #tpu.memory_space<vmem>>
          %dma_start3A_139 = tpu.memref_squeeze %dma_start3A_138 : memref<1x128xi32, #tpu.memory_space<vmem>> -> memref<128xi32, #tpu.memory_space<vmem>>
          %dma_start3A_140 = arith.constant 0 : i32
          %dma_start3A_141 = arith.constant 0 : i32
          %dma_start3A_142 = tpu.memref_slice %arg13[%dma_start3A_140, %dma_start3A_141] : memref<10112x128xf32, #tpu.memory_space<vmem_shared>> -> memref<10112x128xf32, #tpu.memory_space<vmem_shared>>
          tpu.enqueue_indirect_dma source(%arg11 : memref<128x128xf32, #tpu.memory_space<vmem>>) target(%dma_start3A_142 : memref<10112x128xf32, #tpu.memory_space<vmem_shared>>) offsets(%dma_start3A_139 : memref<128xi32, #tpu.memory_space<vmem>>) semaphore(%run_scoped3A_136 : memref<!tpu.dma_semaphore, #tpu.memory_space<semaphore_mem>>) {add = true}
          %dma_wait3A_143 = arith.constant 0 : i32
          %dma_wait3A_144 = tpu.memref_slice %arg10[%run_scoped3A, %dma_wait3A_143] : memref<8x128xi32, #tpu.memory_space<vmem>> -> memref<1x128xi32, #tpu.memory_space<vmem>>
          %dma_wait3A_145 = tpu.memref_squeeze %dma_wait3A_144 : memref<1x128xi32, #tpu.memory_space<vmem>> -> memref<128xi32, #tpu.memory_space<vmem>>
          %dma_wait3A_146 = arith.constant 0 : i32
          %dma_wait3A_147 = arith.constant 0 : i32
          %dma_wait3A_148 = tpu.memref_slice %arg13[%dma_wait3A_146, %dma_wait3A_147] : memref<10112x128xf32, #tpu.memory_space<vmem_shared>> -> memref<10112x128xf32, #tpu.memory_space<vmem_shared>>
          tpu.wait_indirect_dma semaphore(%run_scoped3A_136 : memref<!tpu.dma_semaphore, #tpu.memory_space<semaphore_mem>>) src(%arg11 : memref<128x128xf32, #tpu.memory_space<vmem>>) dst(%dma_wait3A_148 : memref<10112x128xf32, #tpu.memory_space<vmem_shared>>)
          tpu.yield
        }) : () -> ()
        %dma_start3A_31 = arith.constant 1 : i32
        %dma_start3A_32 = arith.constant 0 : i32
        %dma_start3A_33 = tpu.memref_slice %arg9[%dma_start3A_31, %dma_start3A_32] : memref<8x128xi32, #tpu.memory_space<vmem>> -> memref<1x128xi32, #tpu.memory_space<vmem>>
        %dma_start3A_34 = tpu.memref_squeeze %dma_start3A_33 : memref<1x128xi32, #tpu.memory_space<vmem>> -> memref<128xi32, #tpu.memory_space<vmem>>
        %dma_start3A_35 = arith.constant 0 : i32
        %dma_start3A_36 = arith.constant 0 : i32
        %dma_start3A_37 = tpu.memref_slice %arg2[%dma_start3A_35, %dma_start3A_36] : memref<10000x128xf32, #tpu.memory_space<hbm>> -> memref<10000x128xf32, #tpu.memory_space<hbm>>
        tpu.enqueue_indirect_dma source(%dma_start3A_37 : memref<10000x128xf32, #tpu.memory_space<hbm>>) target(%arg12 : memref<128x128xf32, #tpu.memory_space<vmem>>) offsets(%dma_start3A_34 : memref<128xi32, #tpu.memory_space<vmem>>) semaphore(%arg15 : memref<!tpu.dma_semaphore, #tpu.memory_space<semaphore_mem>>)
        %dma_wait3A_38 = arith.constant 1 : i32
        %dma_wait3A_39 = arith.constant 0 : i32
        %dma_wait3A_40 = tpu.memref_slice %arg9[%dma_wait3A_38, %dma_wait3A_39] : memref<8x128xi32, #tpu.memory_space<vmem>> -> memref<1x128xi32, #tpu.memory_space<vmem>>
        %dma_wait3A_41 = tpu.memref_squeeze %dma_wait3A_40 : memref<1x128xi32, #tpu.memory_space<vmem>> -> memref<128xi32, #tpu.memory_space<vmem>>
        %dma_wait3A_42 = arith.constant 0 : i32
        %dma_wait3A_43 = arith.constant 0 : i32
        %dma_wait3A_44 = tpu.memref_slice %arg2[%dma_wait3A_42, %dma_wait3A_43] : memref<10000x128xf32, #tpu.memory_space<hbm>> -> memref<10000x128xf32, #tpu.memory_space<hbm>>
        tpu.wait_indirect_dma semaphore(%arg15 : memref<!tpu.dma_semaphore, #tpu.memory_space<semaphore_mem>>) src(%dma_wait3A_44 : memref<10000x128xf32, #tpu.memory_space<hbm>>) dst(%arg12 : memref<128x128xf32, #tpu.memory_space<vmem>>)
        %run_scoped3A_45 = arith.constant 1 : i32
        "tpu.region"() ({
          %run_scoped3A_136 = tpu.sem_alloc : memref<!tpu.dma_semaphore, #tpu.memory_space<semaphore_mem>>
          %dma_start3A_137 = arith.constant 0 : i32
          %dma_start3A_138 = tpu.memref_slice %arg10[%run_scoped3A_45, %dma_start3A_137] : memref<8x128xi32, #tpu.memory_space<vmem>> -> memref<1x128xi32, #tpu.memory_space<vmem>>
          %dma_start3A_139 = tpu.memref_squeeze %dma_start3A_138 : memref<1x128xi32, #tpu.memory_space<vmem>> -> memref<128xi32, #tpu.memory_space<vmem>>
          %dma_start3A_140 = arith.constant 0 : i32
          %dma_start3A_141 = arith.constant 0 : i32
          %dma_start3A_142 = tpu.memref_slice %arg13[%dma_start3A_140, %dma_start3A_141] : memref<10112x128xf32, #tpu.memory_space<vmem_shared>> -> memref<10112x128xf32, #tpu.memory_space<vmem_shared>>
          tpu.enqueue_indirect_dma source(%arg12 : memref<128x128xf32, #tpu.memory_space<vmem>>) target(%dma_start3A_142 : memref<10112x128xf32, #tpu.memory_space<vmem_shared>>) offsets(%dma_start3A_139 : memref<128xi32, #tpu.memory_space<vmem>>) semaphore(%run_scoped3A_136 : memref<!tpu.dma_semaphore, #tpu.memory_space<semaphore_mem>>) {add = true}
          %dma_wait3A_143 = arith.constant 0 : i32
          %dma_wait3A_144 = tpu.memref_slice %arg10[%run_scoped3A_45, %dma_wait3A_143] : memref<8x128xi32, #tpu.memory_space<vmem>> -> memref<1x128xi32, #tpu.memory_space<vmem>>
          %dma_wait3A_145 = tpu.memref_squeeze %dma_wait3A_144 : memref<1x128xi32, #tpu.memory_space<vmem>> -> memref<128xi32, #tpu.memory_space<vmem>>
          %dma_wait3A_146 = arith.constant 0 : i32
          %dma_wait3A_147 = arith.constant 0 : i32
          %dma_wait3A_148 = tpu.memref_slice %arg13[%dma_wait3A_146, %dma_wait3A_147] : memref<10112x128xf32, #tpu.memory_space<vmem_shared>> -> memref<10112x128xf32, #tpu.memory_space<vmem_shared>>
          tpu.wait_indirect_dma semaphore(%run_scoped3A_136 : memref<!tpu.dma_semaphore, #tpu.memory_space<semaphore_mem>>) src(%arg12 : memref<128x128xf32, #tpu.memory_space<vmem>>) dst(%dma_wait3A_148 : memref<10112x128xf32, #tpu.memory_space<vmem_shared>>)
          tpu.yield
        }) : () -> ()
        %dma_start3A_46 = arith.constant 2 : i32
        %dma_start3A_47 = arith.constant 0 : i32
        %dma_start3A_48 = tpu.memref_slice %arg9[%dma_start3A_46, %dma_start3A_47] : memref<8x128xi32, #tpu.memory_space<vmem>> -> memref<1x128xi32, #tpu.memory_space<vmem>>
        %dma_start3A_49 = tpu.memref_squeeze %dma_start3A_48 : memref<1x128xi32, #tpu.memory_space<vmem>> -> memref<128xi32, #tpu.memory_space<vmem>>
        %dma_start3A_50 = arith.constant 0 : i32
        %dma_start3A_51 = arith.constant 0 : i32
        %dma_start3A_52 = tpu.memref_slice %arg2[%dma_start3A_50, %dma_start3A_51] : memref<10000x128xf32, #tpu.memory_space<hbm>> -> memref<10000x128xf32, #tpu.memory_space<hbm>>
        tpu.enqueue_indirect_dma source(%dma_start3A_52 : memref<10000x128xf32, #tpu.memory_space<hbm>>) target(%arg11 : memref<128x128xf32, #tpu.memory_space<vmem>>) offsets(%dma_start3A_49 : memref<128xi32, #tpu.memory_space<vmem>>) semaphore(%arg14 : memref<!tpu.dma_semaphore, #tpu.memory_space<semaphore_mem>>)
        %dma_wait3A_53 = arith.constant 2 : i32
        %dma_wait3A_54 = arith.constant 0 : i32
        %dma_wait3A_55 = tpu.memref_slice %arg9[%dma_wait3A_53, %dma_wait3A_54] : memref<8x128xi32, #tpu.memory_space<vmem>> -> memref<1x128xi32, #tpu.memory_space<vmem>>
        %dma_wait3A_56 = tpu.memref_squeeze %dma_wait3A_55 : memref<1x128xi32, #tpu.memory_space<vmem>> -> memref<128xi32, #tpu.memory_space<vmem>>
        %dma_wait3A_57 = arith.constant 0 : i32
        %dma_wait3A_58 = arith.constant 0 : i32
        %dma_wait3A_59 = tpu.memref_slice %arg2[%dma_wait3A_57, %dma_wait3A_58] : memref<10000x128xf32, #tpu.memory_space<hbm>> -> memref<10000x128xf32, #tpu.memory_space<hbm>>
        tpu.wait_indirect_dma semaphore(%arg14 : memref<!tpu.dma_semaphore, #tpu.memory_space<semaphore_mem>>) src(%dma_wait3A_59 : memref<10000x128xf32, #tpu.memory_space<hbm>>) dst(%arg11 : memref<128x128xf32, #tpu.memory_space<vmem>>)
        %run_scoped3A_60 = arith.constant 2 : i32
        "tpu.region"() ({
          %run_scoped3A_136 = tpu.sem_alloc : memref<!tpu.dma_semaphore, #tpu.memory_space<semaphore_mem>>
          %dma_start3A_137 = arith.constant 0 : i32
          %dma_start3A_138 = tpu.memref_slice %arg10[%run_scoped3A_60, %dma_start3A_137] : memref<8x128xi32, #tpu.memory_space<vmem>> -> memref<1x128xi32, #tpu.memory_space<vmem>>
          %dma_start3A_139 = tpu.memref_squeeze %dma_start3A_138 : memref<1x128xi32, #tpu.memory_space<vmem>> -> memref<128xi32, #tpu.memory_space<vmem>>
          %dma_start3A_140 = arith.constant 0 : i32
          %dma_start3A_141 = arith.constant 0 : i32
          %dma_start3A_142 = tpu.memref_slice %arg13[%dma_start3A_140, %dma_start3A_141] : memref<10112x128xf32, #tpu.memory_space<vmem_shared>> -> memref<10112x128xf32, #tpu.memory_space<vmem_shared>>
          tpu.enqueue_indirect_dma source(%arg11 : memref<128x128xf32, #tpu.memory_space<vmem>>) target(%dma_start3A_142 : memref<10112x128xf32, #tpu.memory_space<vmem_shared>>) offsets(%dma_start3A_139 : memref<128xi32, #tpu.memory_space<vmem>>) semaphore(%run_scoped3A_136 : memref<!tpu.dma_semaphore, #tpu.memory_space<semaphore_mem>>) {add = true}
          %dma_wait3A_143 = arith.constant 0 : i32
          %dma_wait3A_144 = tpu.memref_slice %arg10[%run_scoped3A_60, %dma_wait3A_143] : memref<8x128xi32, #tpu.memory_space<vmem>> -> memref<1x128xi32, #tpu.memory_space<vmem>>
          %dma_wait3A_145 = tpu.memref_squeeze %dma_wait3A_144 : memref<1x128xi32, #tpu.memory_space<vmem>> -> memref<128xi32, #tpu.memory_space<vmem>>
          %dma_wait3A_146 = arith.constant 0 : i32
          %dma_wait3A_147 = arith.constant 0 : i32
          %dma_wait3A_148 = tpu.memref_slice %arg13[%dma_wait3A_146, %dma_wait3A_147] : memref<10112x128xf32, #tpu.memory_space<vmem_shared>> -> memref<10112x128xf32, #tpu.memory_space<vmem_shared>>
          tpu.wait_indirect_dma semaphore(%run_scoped3A_136 : memref<!tpu.dma_semaphore, #tpu.memory_space<semaphore_mem>>) src(%arg11 : memref<128x128xf32, #tpu.memory_space<vmem>>) dst(%dma_wait3A_148 : memref<10112x128xf32, #tpu.memory_space<vmem_shared>>)
          tpu.yield
        }) : () -> ()
        %dma_start3A_61 = arith.constant 3 : i32
        %dma_start3A_62 = arith.constant 0 : i32
        %dma_start3A_63 = tpu.memref_slice %arg9[%dma_start3A_61, %dma_start3A_62] : memref<8x128xi32, #tpu.memory_space<vmem>> -> memref<1x128xi32, #tpu.memory_space<vmem>>
        %dma_start3A_64 = tpu.memref_squeeze %dma_start3A_63 : memref<1x128xi32, #tpu.memory_space<vmem>> -> memref<128xi32, #tpu.memory_space<vmem>>
        %dma_start3A_65 = arith.constant 0 : i32
        %dma_start3A_66 = arith.constant 0 : i32
        %dma_start3A_67 = tpu.memref_slice %arg2[%dma_start3A_65, %dma_start3A_66] : memref<10000x128xf32, #tpu.memory_space<hbm>> -> memref<10000x128xf32, #tpu.memory_space<hbm>>
        tpu.enqueue_indirect_dma source(%dma_start3A_67 : memref<10000x128xf32, #tpu.memory_space<hbm>>) target(%arg12 : memref<128x128xf32, #tpu.memory_space<vmem>>) offsets(%dma_start3A_64 : memref<128xi32, #tpu.memory_space<vmem>>) semaphore(%arg15 : memref<!tpu.dma_semaphore, #tpu.memory_space<semaphore_mem>>)
        %dma_wait3A_68 = arith.constant 3 : i32
        %dma_wait3A_69 = arith.constant 0 : i32
        %dma_wait3A_70 = tpu.memref_slice %arg9[%dma_wait3A_68, %dma_wait3A_69] : memref<8x128xi32, #tpu.memory_space<vmem>> -> memref<1x128xi32, #tpu.memory_space<vmem>>
        %dma_wait3A_71 = tpu.memref_squeeze %dma_wait3A_70 : memref<1x128xi32, #tpu.memory_space<vmem>> -> memref<128xi32, #tpu.memory_space<vmem>>
        %dma_wait3A_72 = arith.constant 0 : i32
        %dma_wait3A_73 = arith.constant 0 : i32
        %dma_wait3A_74 = tpu.memref_slice %arg2[%dma_wait3A_72, %dma_wait3A_73] : memref<10000x128xf32, #tpu.memory_space<hbm>> -> memref<10000x128xf32, #tpu.memory_space<hbm>>
        tpu.wait_indirect_dma semaphore(%arg15 : memref<!tpu.dma_semaphore, #tpu.memory_space<semaphore_mem>>) src(%dma_wait3A_74 : memref<10000x128xf32, #tpu.memory_space<hbm>>) dst(%arg12 : memref<128x128xf32, #tpu.memory_space<vmem>>)
        %run_scoped3A_75 = arith.constant 3 : i32
        "tpu.region"() ({
          %run_scoped3A_136 = tpu.sem_alloc : memref<!tpu.dma_semaphore, #tpu.memory_space<semaphore_mem>>
          %dma_start3A_137 = arith.constant 0 : i32
          %dma_start3A_138 = tpu.memref_slice %arg10[%run_scoped3A_75, %dma_start3A_137] : memref<8x128xi32, #tpu.memory_space<vmem>> -> memref<1x128xi32, #tpu.memory_space<vmem>>
          %dma_start3A_139 = tpu.memref_squeeze %dma_start3A_138 : memref<1x128xi32, #tpu.memory_space<vmem>> -> memref<128xi32, #tpu.memory_space<vmem>>
          %dma_start3A_140 = arith.constant 0 : i32
          %dma_start3A_141 = arith.constant 0 : i32
          %dma_start3A_142 = tpu.memref_slice %arg13[%dma_start3A_140, %dma_start3A_141] : memref<10112x128xf32, #tpu.memory_space<vmem_shared>> -> memref<10112x128xf32, #tpu.memory_space<vmem_shared>>
          tpu.enqueue_indirect_dma source(%arg12 : memref<128x128xf32, #tpu.memory_space<vmem>>) target(%dma_start3A_142 : memref<10112x128xf32, #tpu.memory_space<vmem_shared>>) offsets(%dma_start3A_139 : memref<128xi32, #tpu.memory_space<vmem>>) semaphore(%run_scoped3A_136 : memref<!tpu.dma_semaphore, #tpu.memory_space<semaphore_mem>>) {add = true}
          %dma_wait3A_143 = arith.constant 0 : i32
          %dma_wait3A_144 = tpu.memref_slice %arg10[%run_scoped3A_75, %dma_wait3A_143] : memref<8x128xi32, #tpu.memory_space<vmem>> -> memref<1x128xi32, #tpu.memory_space<vmem>>
          %dma_wait3A_145 = tpu.memref_squeeze %dma_wait3A_144 : memref<1x128xi32, #tpu.memory_space<vmem>> -> memref<128xi32, #tpu.memory_space<vmem>>
          %dma_wait3A_146 = arith.constant 0 : i32
          %dma_wait3A_147 = arith.constant 0 : i32
          %dma_wait3A_148 = tpu.memref_slice %arg13[%dma_wait3A_146, %dma_wait3A_147] : memref<10112x128xf32, #tpu.memory_space<vmem_shared>> -> memref<10112x128xf32, #tpu.memory_space<vmem_shared>>
          tpu.wait_indirect_dma semaphore(%run_scoped3A_136 : memref<!tpu.dma_semaphore, #tpu.memory_space<semaphore_mem>>) src(%arg12 : memref<128x128xf32, #tpu.memory_space<vmem>>) dst(%dma_wait3A_148 : memref<10112x128xf32, #tpu.memory_space<vmem_shared>>)
          tpu.yield
        }) : () -> ()
        %dma_start3A_76 = arith.constant 4 : i32
        %dma_start3A_77 = arith.constant 0 : i32
        %dma_start3A_78 = tpu.memref_slice %arg9[%dma_start3A_76, %dma_start3A_77] : memref<8x128xi32, #tpu.memory_space<vmem>> -> memref<1x128xi32, #tpu.memory_space<vmem>>
        %dma_start3A_79 = tpu.memref_squeeze %dma_start3A_78 : memref<1x128xi32, #tpu.memory_space<vmem>> -> memref<128xi32, #tpu.memory_space<vmem>>
        %dma_start3A_80 = arith.constant 0 : i32
        %dma_start3A_81 = arith.constant 0 : i32
        %dma_start3A_82 = tpu.memref_slice %arg2[%dma_start3A_80, %dma_start3A_81] : memref<10000x128xf32, #tpu.memory_space<hbm>> -> memref<10000x128xf32, #tpu.memory_space<hbm>>
        tpu.enqueue_indirect_dma source(%dma_start3A_82 : memref<10000x128xf32, #tpu.memory_space<hbm>>) target(%arg11 : memref<128x128xf32, #tpu.memory_space<vmem>>) offsets(%dma_start3A_79 : memref<128xi32, #tpu.memory_space<vmem>>) semaphore(%arg14 : memref<!tpu.dma_semaphore, #tpu.memory_space<semaphore_mem>>)
        %dma_wait3A_83 = arith.constant 4 : i32
        %dma_wait3A_84 = arith.constant 0 : i32
        %dma_wait3A_85 = tpu.memref_slice %arg9[%dma_wait3A_83, %dma_wait3A_84] : memref<8x128xi32, #tpu.memory_space<vmem>> -> memref<1x128xi32, #tpu.memory_space<vmem>>
        %dma_wait3A_86 = tpu.memref_squeeze %dma_wait3A_85 : memref<1x128xi32, #tpu.memory_space<vmem>> -> memref<128xi32, #tpu.memory_space<vmem>>
        %dma_wait3A_87 = arith.constant 0 : i32
        %dma_wait3A_88 = arith.constant 0 : i32
        %dma_wait3A_89 = tpu.memref_slice %arg2[%dma_wait3A_87, %dma_wait3A_88] : memref<10000x128xf32, #tpu.memory_space<hbm>> -> memref<10000x128xf32, #tpu.memory_space<hbm>>
        tpu.wait_indirect_dma semaphore(%arg14 : memref<!tpu.dma_semaphore, #tpu.memory_space<semaphore_mem>>) src(%dma_wait3A_89 : memref<10000x128xf32, #tpu.memory_space<hbm>>) dst(%arg11 : memref<128x128xf32, #tpu.memory_space<vmem>>)
        %run_scoped3A_90 = arith.constant 4 : i32
        "tpu.region"() ({
          %run_scoped3A_136 = tpu.sem_alloc : memref<!tpu.dma_semaphore, #tpu.memory_space<semaphore_mem>>
          %dma_start3A_137 = arith.constant 0 : i32
          %dma_start3A_138 = tpu.memref_slice %arg10[%run_scoped3A_90, %dma_start3A_137] : memref<8x128xi32, #tpu.memory_space<vmem>> -> memref<1x128xi32, #tpu.memory_space<vmem>>
          %dma_start3A_139 = tpu.memref_squeeze %dma_start3A_138 : memref<1x128xi32, #tpu.memory_space<vmem>> -> memref<128xi32, #tpu.memory_space<vmem>>
          %dma_start3A_140 = arith.constant 0 : i32
          %dma_start3A_141 = arith.constant 0 : i32
          %dma_start3A_142 = tpu.memref_slice %arg13[%dma_start3A_140, %dma_start3A_141] : memref<10112x128xf32, #tpu.memory_space<vmem_shared>> -> memref<10112x128xf32, #tpu.memory_space<vmem_shared>>
          tpu.enqueue_indirect_dma source(%arg11 : memref<128x128xf32, #tpu.memory_space<vmem>>) target(%dma_start3A_142 : memref<10112x128xf32, #tpu.memory_space<vmem_shared>>) offsets(%dma_start3A_139 : memref<128xi32, #tpu.memory_space<vmem>>) semaphore(%run_scoped3A_136 : memref<!tpu.dma_semaphore, #tpu.memory_space<semaphore_mem>>) {add = true}
          %dma_wait3A_143 = arith.constant 0 : i32
          %dma_wait3A_144 = tpu.memref_slice %arg10[%run_scoped3A_90, %dma_wait3A_143] : memref<8x128xi32, #tpu.memory_space<vmem>> -> memref<1x128xi32, #tpu.memory_space<vmem>>
          %dma_wait3A_145 = tpu.memref_squeeze %dma_wait3A_144 : memref<1x128xi32, #tpu.memory_space<vmem>> -> memref<128xi32, #tpu.memory_space<vmem>>
          %dma_wait3A_146 = arith.constant 0 : i32
          %dma_wait3A_147 = arith.constant 0 : i32
          %dma_wait3A_148 = tpu.memref_slice %arg13[%dma_wait3A_146, %dma_wait3A_147] : memref<10112x128xf32, #tpu.memory_space<vmem_shared>> -> memref<10112x128xf32, #tpu.memory_space<vmem_shared>>
          tpu.wait_indirect_dma semaphore(%run_scoped3A_136 : memref<!tpu.dma_semaphore, #tpu.memory_space<semaphore_mem>>) src(%arg11 : memref<128x128xf32, #tpu.memory_space<vmem>>) dst(%dma_wait3A_148 : memref<10112x128xf32, #tpu.memory_space<vmem_shared>>)
          tpu.yield
        }) : () -> ()
        %dma_start3A_91 = arith.constant 5 : i32
        %dma_start3A_92 = arith.constant 0 : i32
        %dma_start3A_93 = tpu.memref_slice %arg9[%dma_start3A_91, %dma_start3A_92] : memref<8x128xi32, #tpu.memory_space<vmem>> -> memref<1x128xi32, #tpu.memory_space<vmem>>
        %dma_start3A_94 = tpu.memref_squeeze %dma_start3A_93 : memref<1x128xi32, #tpu.memory_space<vmem>> -> memref<128xi32, #tpu.memory_space<vmem>>
        %dma_start3A_95 = arith.constant 0 : i32
        %dma_start3A_96 = arith.constant 0 : i32
        %dma_start3A_97 = tpu.memref_slice %arg2[%dma_start3A_95, %dma_start3A_96] : memref<10000x128xf32, #tpu.memory_space<hbm>> -> memref<10000x128xf32, #tpu.memory_space<hbm>>
        tpu.enqueue_indirect_dma source(%dma_start3A_97 : memref<10000x128xf32, #tpu.memory_space<hbm>>) target(%arg12 : memref<128x128xf32, #tpu.memory_space<vmem>>) offsets(%dma_start3A_94 : memref<128xi32, #tpu.memory_space<vmem>>) semaphore(%arg15 : memref<!tpu.dma_semaphore, #tpu.memory_space<semaphore_mem>>)
        %dma_wait3A_98 = arith.constant 5 : i32
        %dma_wait3A_99 = arith.constant 0 : i32
        %dma_wait3A_100 = tpu.memref_slice %arg9[%dma_wait3A_98, %dma_wait3A_99] : memref<8x128xi32, #tpu.memory_space<vmem>> -> memref<1x128xi32, #tpu.memory_space<vmem>>
        %dma_wait3A_101 = tpu.memref_squeeze %dma_wait3A_100 : memref<1x128xi32, #tpu.memory_space<vmem>> -> memref<128xi32, #tpu.memory_space<vmem>>
        %dma_wait3A_102 = arith.constant 0 : i32
        %dma_wait3A_103 = arith.constant 0 : i32
        %dma_wait3A_104 = tpu.memref_slice %arg2[%dma_wait3A_102, %dma_wait3A_103] : memref<10000x128xf32, #tpu.memory_space<hbm>> -> memref<10000x128xf32, #tpu.memory_space<hbm>>
        tpu.wait_indirect_dma semaphore(%arg15 : memref<!tpu.dma_semaphore, #tpu.memory_space<semaphore_mem>>) src(%dma_wait3A_104 : memref<10000x128xf32, #tpu.memory_space<hbm>>) dst(%arg12 : memref<128x128xf32, #tpu.memory_space<vmem>>)
        %run_scoped3A_105 = arith.constant 5 : i32
        "tpu.region"() ({
          %run_scoped3A_136 = tpu.sem_alloc : memref<!tpu.dma_semaphore, #tpu.memory_space<semaphore_mem>>
          %dma_start3A_137 = arith.constant 0 : i32
          %dma_start3A_138 = tpu.memref_slice %arg10[%run_scoped3A_105, %dma_start3A_137] : memref<8x128xi32, #tpu.memory_space<vmem>> -> memref<1x128xi32, #tpu.memory_space<vmem>>
          %dma_start3A_139 = tpu.memref_squeeze %dma_start3A_138 : memref<1x128xi32, #tpu.memory_space<vmem>> -> memref<128xi32, #tpu.memory_space<vmem>>
          %dma_start3A_140 = arith.constant 0 : i32
          %dma_start3A_141 = arith.constant 0 : i32
          %dma_start3A_142 = tpu.memref_slice %arg13[%dma_start3A_140, %dma_start3A_141] : memref<10112x128xf32, #tpu.memory_space<vmem_shared>> -> memref<10112x128xf32, #tpu.memory_space<vmem_shared>>
          tpu.enqueue_indirect_dma source(%arg12 : memref<128x128xf32, #tpu.memory_space<vmem>>) target(%dma_start3A_142 : memref<10112x128xf32, #tpu.memory_space<vmem_shared>>) offsets(%dma_start3A_139 : memref<128xi32, #tpu.memory_space<vmem>>) semaphore(%run_scoped3A_136 : memref<!tpu.dma_semaphore, #tpu.memory_space<semaphore_mem>>) {add = true}
          %dma_wait3A_143 = arith.constant 0 : i32
          %dma_wait3A_144 = tpu.memref_slice %arg10[%run_scoped3A_105, %dma_wait3A_143] : memref<8x128xi32, #tpu.memory_space<vmem>> -> memref<1x128xi32, #tpu.memory_space<vmem>>
          %dma_wait3A_145 = tpu.memref_squeeze %dma_wait3A_144 : memref<1x128xi32, #tpu.memory_space<vmem>> -> memref<128xi32, #tpu.memory_space<vmem>>
          %dma_wait3A_146 = arith.constant 0 : i32
          %dma_wait3A_147 = arith.constant 0 : i32
          %dma_wait3A_148 = tpu.memref_slice %arg13[%dma_wait3A_146, %dma_wait3A_147] : memref<10112x128xf32, #tpu.memory_space<vmem_shared>> -> memref<10112x128xf32, #tpu.memory_space<vmem_shared>>
          tpu.wait_indirect_dma semaphore(%run_scoped3A_136 : memref<!tpu.dma_semaphore, #tpu.memory_space<semaphore_mem>>) src(%arg12 : memref<128x128xf32, #tpu.memory_space<vmem>>) dst(%dma_wait3A_148 : memref<10112x128xf32, #tpu.memory_space<vmem_shared>>)
          tpu.yield
        }) : () -> ()
        %dma_start3A_106 = arith.constant 6 : i32
        %dma_start3A_107 = arith.constant 0 : i32
        %dma_start3A_108 = tpu.memref_slice %arg9[%dma_start3A_106, %dma_start3A_107] : memref<8x128xi32, #tpu.memory_space<vmem>> -> memref<1x128xi32, #tpu.memory_space<vmem>>
        %dma_start3A_109 = tpu.memref_squeeze %dma_start3A_108 : memref<1x128xi32, #tpu.memory_space<vmem>> -> memref<128xi32, #tpu.memory_space<vmem>>
        %dma_start3A_110 = arith.constant 0 : i32
        %dma_start3A_111 = arith.constant 0 : i32
        %dma_start3A_112 = tpu.memref_slice %arg2[%dma_start3A_110, %dma_start3A_111] : memref<10000x128xf32, #tpu.memory_space<hbm>> -> memref<10000x128xf32, #tpu.memory_space<hbm>>
        tpu.enqueue_indirect_dma source(%dma_start3A_112 : memref<10000x128xf32, #tpu.memory_space<hbm>>) target(%arg11 : memref<128x128xf32, #tpu.memory_space<vmem>>) offsets(%dma_start3A_109 : memref<128xi32, #tpu.memory_space<vmem>>) semaphore(%arg14 : memref<!tpu.dma_semaphore, #tpu.memory_space<semaphore_mem>>)
        %dma_wait3A_113 = arith.constant 6 : i32
        %dma_wait3A_114 = arith.constant 0 : i32
        %dma_wait3A_115 = tpu.memref_slice %arg9[%dma_wait3A_113, %dma_wait3A_114] : memref<8x128xi32, #tpu.memory_space<vmem>> -> memref<1x128xi32, #tpu.memory_space<vmem>>
        %dma_wait3A_116 = tpu.memref_squeeze %dma_wait3A_115 : memref<1x128xi32, #tpu.memory_space<vmem>> -> memref<128xi32, #tpu.memory_space<vmem>>
        %dma_wait3A_117 = arith.constant 0 : i32
        %dma_wait3A_118 = arith.constant 0 : i32
        %dma_wait3A_119 = tpu.memref_slice %arg2[%dma_wait3A_117, %dma_wait3A_118] : memref<10000x128xf32, #tpu.memory_space<hbm>> -> memref<10000x128xf32, #tpu.memory_space<hbm>>
        tpu.wait_indirect_dma semaphore(%arg14 : memref<!tpu.dma_semaphore, #tpu.memory_space<semaphore_mem>>) src(%dma_wait3A_119 : memref<10000x128xf32, #tpu.memory_space<hbm>>) dst(%arg11 : memref<128x128xf32, #tpu.memory_space<vmem>>)
        %run_scoped3A_120 = arith.constant 6 : i32
        "tpu.region"() ({
          %run_scoped3A_136 = tpu.sem_alloc : memref<!tpu.dma_semaphore, #tpu.memory_space<semaphore_mem>>
          %dma_start3A_137 = arith.constant 0 : i32
          %dma_start3A_138 = tpu.memref_slice %arg10[%run_scoped3A_120, %dma_start3A_137] : memref<8x128xi32, #tpu.memory_space<vmem>> -> memref<1x128xi32, #tpu.memory_space<vmem>>
          %dma_start3A_139 = tpu.memref_squeeze %dma_start3A_138 : memref<1x128xi32, #tpu.memory_space<vmem>> -> memref<128xi32, #tpu.memory_space<vmem>>
          %dma_start3A_140 = arith.constant 0 : i32
          %dma_start3A_141 = arith.constant 0 : i32
          %dma_start3A_142 = tpu.memref_slice %arg13[%dma_start3A_140, %dma_start3A_141] : memref<10112x128xf32, #tpu.memory_space<vmem_shared>> -> memref<10112x128xf32, #tpu.memory_space<vmem_shared>>
          tpu.enqueue_indirect_dma source(%arg11 : memref<128x128xf32, #tpu.memory_space<vmem>>) target(%dma_start3A_142 : memref<10112x128xf32, #tpu.memory_space<vmem_shared>>) offsets(%dma_start3A_139 : memref<128xi32, #tpu.memory_space<vmem>>) semaphore(%run_scoped3A_136 : memref<!tpu.dma_semaphore, #tpu.memory_space<semaphore_mem>>) {add = true}
          %dma_wait3A_143 = arith.constant 0 : i32
          %dma_wait3A_144 = tpu.memref_slice %arg10[%run_scoped3A_120, %dma_wait3A_143] : memref<8x128xi32, #tpu.memory_space<vmem>> -> memref<1x128xi32, #tpu.memory_space<vmem>>
          %dma_wait3A_145 = tpu.memref_squeeze %dma_wait3A_144 : memref<1x128xi32, #tpu.memory_space<vmem>> -> memref<128xi32, #tpu.memory_space<vmem>>
          %dma_wait3A_146 = arith.constant 0 : i32
          %dma_wait3A_147 = arith.constant 0 : i32
          %dma_wait3A_148 = tpu.memref_slice %arg13[%dma_wait3A_146, %dma_wait3A_147] : memref<10112x128xf32, #tpu.memory_space<vmem_shared>> -> memref<10112x128xf32, #tpu.memory_space<vmem_shared>>
          tpu.wait_indirect_dma semaphore(%run_scoped3A_136 : memref<!tpu.dma_semaphore, #tpu.memory_space<semaphore_mem>>) src(%arg11 : memref<128x128xf32, #tpu.memory_space<vmem>>) dst(%dma_wait3A_148 : memref<10112x128xf32, #tpu.memory_space<vmem_shared>>)
          tpu.yield
        }) : () -> ()
        %dma_start3A_121 = arith.constant 7 : i32
        %dma_start3A_122 = arith.constant 0 : i32
        %dma_start3A_123 = tpu.memref_slice %arg9[%dma_start3A_121, %dma_start3A_122] : memref<8x128xi32, #tpu.memory_space<vmem>> -> memref<1x128xi32, #tpu.memory_space<vmem>>
        %dma_start3A_124 = tpu.memref_squeeze %dma_start3A_123 : memref<1x128xi32, #tpu.memory_space<vmem>> -> memref<128xi32, #tpu.memory_space<vmem>>
        %dma_start3A_125 = arith.constant 0 : i32
        %dma_start3A_126 = arith.constant 0 : i32
        %dma_start3A_127 = tpu.memref_slice %arg2[%dma_start3A_125, %dma_start3A_126] : memref<10000x128xf32, #tpu.memory_space<hbm>> -> memref<10000x128xf32, #tpu.memory_space<hbm>>
        tpu.enqueue_indirect_dma source(%dma_start3A_127 : memref<10000x128xf32, #tpu.memory_space<hbm>>) target(%arg12 : memref<128x128xf32, #tpu.memory_space<vmem>>) offsets(%dma_start3A_124 : memref<128xi32, #tpu.memory_space<vmem>>) semaphore(%arg15 : memref<!tpu.dma_semaphore, #tpu.memory_space<semaphore_mem>>)
        %dma_wait3A_128 = arith.constant 7 : i32
        %dma_wait3A_129 = arith.constant 0 : i32
        %dma_wait3A_130 = tpu.memref_slice %arg9[%dma_wait3A_128, %dma_wait3A_129] : memref<8x128xi32, #tpu.memory_space<vmem>> -> memref<1x128xi32, #tpu.memory_space<vmem>>
        %dma_wait3A_131 = tpu.memref_squeeze %dma_wait3A_130 : memref<1x128xi32, #tpu.memory_space<vmem>> -> memref<128xi32, #tpu.memory_space<vmem>>
        %dma_wait3A_132 = arith.constant 0 : i32
        %dma_wait3A_133 = arith.constant 0 : i32
        %dma_wait3A_134 = tpu.memref_slice %arg2[%dma_wait3A_132, %dma_wait3A_133] : memref<10000x128xf32, #tpu.memory_space<hbm>> -> memref<10000x128xf32, #tpu.memory_space<hbm>>
        tpu.wait_indirect_dma semaphore(%arg15 : memref<!tpu.dma_semaphore, #tpu.memory_space<semaphore_mem>>) src(%dma_wait3A_134 : memref<10000x128xf32, #tpu.memory_space<hbm>>) dst(%arg12 : memref<128x128xf32, #tpu.memory_space<vmem>>)
        %run_scoped3A_135 = arith.constant 7 : i32
        "tpu.region"() ({
          %run_scoped3A_136 = tpu.sem_alloc : memref<!tpu.dma_semaphore, #tpu.memory_space<semaphore_mem>>
          %dma_start3A_137 = arith.constant 0 : i32
          %dma_start3A_138 = tpu.memref_slice %arg10[%run_scoped3A_135, %dma_start3A_137] : memref<8x128xi32, #tpu.memory_space<vmem>> -> memref<1x128xi32, #tpu.memory_space<vmem>>
          %dma_start3A_139 = tpu.memref_squeeze %dma_start3A_138 : memref<1x128xi32, #tpu.memory_space<vmem>> -> memref<128xi32, #tpu.memory_space<vmem>>
          %dma_start3A_140 = arith.constant 0 : i32
          %dma_start3A_141 = arith.constant 0 : i32
          %dma_start3A_142 = tpu.memref_slice %arg13[%dma_start3A_140, %dma_start3A_141] : memref<10112x128xf32, #tpu.memory_space<vmem_shared>> -> memref<10112x128xf32, #tpu.memory_space<vmem_shared>>
          tpu.enqueue_indirect_dma source(%arg12 : memref<128x128xf32, #tpu.memory_space<vmem>>) target(%dma_start3A_142 : memref<10112x128xf32, #tpu.memory_space<vmem_shared>>) offsets(%dma_start3A_139 : memref<128xi32, #tpu.memory_space<vmem>>) semaphore(%run_scoped3A_136 : memref<!tpu.dma_semaphore, #tpu.memory_space<semaphore_mem>>) {add = true}
          %dma_wait3A_143 = arith.constant 0 : i32
          %dma_wait3A_144 = tpu.memref_slice %arg10[%run_scoped3A_135, %dma_wait3A_143] : memref<8x128xi32, #tpu.memory_space<vmem>> -> memref<1x128xi32, #tpu.memory_space<vmem>>
          %dma_wait3A_145 = tpu.memref_squeeze %dma_wait3A_144 : memref<1x128xi32, #tpu.memory_space<vmem>> -> memref<128xi32, #tpu.memory_space<vmem>>
          %dma_wait3A_146 = arith.constant 0 : i32
          %dma_wait3A_147 = arith.constant 0 : i32
          %dma_wait3A_148 = tpu.memref_slice %arg13[%dma_wait3A_146, %dma_wait3A_147] : memref<10112x128xf32, #tpu.memory_space<vmem_shared>> -> memref<10112x128xf32, #tpu.memory_space<vmem_shared>>
          tpu.wait_indirect_dma semaphore(%run_scoped3A_136 : memref<!tpu.dma_semaphore, #tpu.memory_space<semaphore_mem>>) src(%arg12 : memref<128x128xf32, #tpu.memory_space<vmem>>) dst(%dma_wait3A_148 : memref<10112x128xf32, #tpu.memory_space<vmem_shared>>)
          tpu.yield
        }) : () -> ()
      }
      %scan3A_17 = arith.constant 16 : i32
    } else {
    }
    %eq3A_3 = arith.constant 1 : i32
    %eq3A_4 = arith.cmpi eq, %arg0, %eq3A_3 : i32
    %convert_element_type3A_5 = arith.extui %eq3A_4 : i1 to i32
    %cond3A_6 = arith.constant 0 : i32
    %cond3A_7 = arith.cmpi ne, %convert_element_type3A_5, %cond3A_6 : i32
    scf.if %cond3A_7 {
      %scan3A = arith.constant 0 : i32
      %scan3A_13 = arith.constant 0 : i32
      %scan3A_14 = arith.constant 4 : i32
      %scan3A_15 = arith.addi %scan3A_13, %scan3A_14 : i32
      %scan3A_16 = arith.constant 1 : i32
      scf.for %scan3A_18 = %scan3A_13 to %scan3A_15 step %scan3A_16  : i32 {
        "tpu.region"() ({
          %run_scoped3A_136 = tpu.sem_alloc : memref<!tpu.dma_semaphore, #tpu.memory_space<semaphore_mem>>
          %dma_start3A_137 = arith.constant 0 : i32
          %dma_start3A_138 = arith.constant 0 : i32
          %dma_start3A_139 = tpu.memref_slice %arg5[%arg1, %scan3A_18, %dma_start3A_137, %dma_start3A_138] : memref<16x4x8x128xi32, #tpu.memory_space<hbm>> -> memref<1x1x8x128xi32, #tpu.memory_space<hbm>>
          %dma_start3A_140 = tpu.memref_squeeze %dma_start3A_139 : memref<1x1x8x128xi32, #tpu.memory_space<hbm>> -> memref<8x128xi32, #tpu.memory_space<hbm>>
          %dma_start3A_141 = arith.constant 0 : i32
          %dma_start3A_142 = arith.constant 0 : i32
          %dma_start3A_143 = tpu.memref_slice %arg5[%arg1, %scan3A_18, %dma_start3A_141, %dma_start3A_142] : memref<16x4x8x128xi32, #tpu.memory_space<hbm>> -> memref<1x1x8x128xi32, #tpu.memory_space<hbm>>
          %dma_start3A_144 = tpu.memref_squeeze %dma_start3A_143 : memref<1x1x8x128xi32, #tpu.memory_space<hbm>> -> memref<8x128xi32, #tpu.memory_space<hbm>>
          tpu.enqueue_dma source(%dma_start3A_144 : memref<8x128xi32, #tpu.memory_space<hbm>>) target(%arg9 : memref<8x128xi32, #tpu.memory_space<vmem>>) target_semaphore(%run_scoped3A_136 : memref<!tpu.dma_semaphore, #tpu.memory_space<semaphore_mem>>)
          %dma_wait3A_145 = arith.constant 0 : i32
          %dma_wait3A_146 = arith.constant 0 : i32
          %dma_wait3A_147 = tpu.memref_slice %arg5[%arg1, %scan3A_18, %dma_wait3A_145, %dma_wait3A_146] : memref<16x4x8x128xi32, #tpu.memory_space<hbm>> -> memref<1x1x8x128xi32, #tpu.memory_space<hbm>>
          %dma_wait3A_148 = tpu.memref_squeeze %dma_wait3A_147 : memref<1x1x8x128xi32, #tpu.memory_space<hbm>> -> memref<8x128xi32, #tpu.memory_space<hbm>>
          %dma_wait3A_149 = arith.constant 0 : i32
          %dma_wait3A_150 = arith.constant 0 : i32
          %dma_wait3A_151 = tpu.memref_slice %arg5[%arg1, %scan3A_18, %dma_wait3A_149, %dma_wait3A_150] : memref<16x4x8x128xi32, #tpu.memory_space<hbm>> -> memref<1x1x8x128xi32, #tpu.memory_space<hbm>>
          %dma_wait3A_152 = tpu.memref_squeeze %dma_wait3A_151 : memref<1x1x8x128xi32, #tpu.memory_space<hbm>> -> memref<8x128xi32, #tpu.memory_space<hbm>>
          tpu.wait_dma2 semaphore(%run_scoped3A_136 : memref<!tpu.dma_semaphore, #tpu.memory_space<semaphore_mem>>) src(%dma_wait3A_152 : memref<8x128xi32, #tpu.memory_space<hbm>>) dst(%arg9 : memref<8x128xi32, #tpu.memory_space<vmem>>)
          tpu.yield
        }) : () -> ()
        "tpu.region"() ({
          %run_scoped3A_136 = tpu.sem_alloc : memref<!tpu.dma_semaphore, #tpu.memory_space<semaphore_mem>>
          %dma_start3A_137 = arith.constant 0 : i32
          %dma_start3A_138 = arith.constant 0 : i32
          %dma_start3A_139 = tpu.memref_slice %arg6[%arg1, %scan3A_18, %dma_start3A_137, %dma_start3A_138] : memref<16x4x8x128xi32, #tpu.memory_space<hbm>> -> memref<1x1x8x128xi32, #tpu.memory_space<hbm>>
          %dma_start3A_140 = tpu.memref_squeeze %dma_start3A_139 : memref<1x1x8x128xi32, #tpu.memory_space<hbm>> -> memref<8x128xi32, #tpu.memory_space<hbm>>
          %dma_start3A_141 = arith.constant 0 : i32
          %dma_start3A_142 = arith.constant 0 : i32
          %dma_start3A_143 = tpu.memref_slice %arg6[%arg1, %scan3A_18, %dma_start3A_141, %dma_start3A_142] : memref<16x4x8x128xi32, #tpu.memory_space<hbm>> -> memref<1x1x8x128xi32, #tpu.memory_space<hbm>>
          %dma_start3A_144 = tpu.memref_squeeze %dma_start3A_143 : memref<1x1x8x128xi32, #tpu.memory_space<hbm>> -> memref<8x128xi32, #tpu.memory_space<hbm>>
          tpu.enqueue_dma source(%dma_start3A_144 : memref<8x128xi32, #tpu.memory_space<hbm>>) target(%arg10 : memref<8x128xi32, #tpu.memory_space<vmem>>) target_semaphore(%run_scoped3A_136 : memref<!tpu.dma_semaphore, #tpu.memory_space<semaphore_mem>>)
          %dma_wait3A_145 = arith.constant 0 : i32
          %dma_wait3A_146 = arith.constant 0 : i32
          %dma_wait3A_147 = tpu.memref_slice %arg6[%arg1, %scan3A_18, %dma_wait3A_145, %dma_wait3A_146] : memref<16x4x8x128xi32, #tpu.memory_space<hbm>> -> memref<1x1x8x128xi32, #tpu.memory_space<hbm>>
          %dma_wait3A_148 = tpu.memref_squeeze %dma_wait3A_147 : memref<1x1x8x128xi32, #tpu.memory_space<hbm>> -> memref<8x128xi32, #tpu.memory_space<hbm>>
          %dma_wait3A_149 = arith.constant 0 : i32
          %dma_wait3A_150 = arith.constant 0 : i32
          %dma_wait3A_151 = tpu.memref_slice %arg6[%arg1, %scan3A_18, %dma_wait3A_149, %dma_wait3A_150] : memref<16x4x8x128xi32, #tpu.memory_space<hbm>> -> memref<1x1x8x128xi32, #tpu.memory_space<hbm>>
          %dma_wait3A_152 = tpu.memref_squeeze %dma_wait3A_151 : memref<1x1x8x128xi32, #tpu.memory_space<hbm>> -> memref<8x128xi32, #tpu.memory_space<hbm>>
          tpu.wait_dma2 semaphore(%run_scoped3A_136 : memref<!tpu.dma_semaphore, #tpu.memory_space<semaphore_mem>>) src(%dma_wait3A_152 : memref<8x128xi32, #tpu.memory_space<hbm>>) dst(%arg10 : memref<8x128xi32, #tpu.memory_space<vmem>>)
          tpu.yield
        }) : () -> ()
        %dma_start3A = arith.constant 0 : i32
        %dma_start3A_19 = arith.constant 0 : i32
        %dma_start3A_20 = tpu.memref_slice %arg9[%dma_start3A, %dma_start3A_19] : memref<8x128xi32, #tpu.memory_space<vmem>> -> memref<1x128xi32, #tpu.memory_space<vmem>>
        %dma_start3A_21 = tpu.memref_squeeze %dma_start3A_20 : memref<1x128xi32, #tpu.memory_space<vmem>> -> memref<128xi32, #tpu.memory_space<vmem>>
        %dma_start3A_22 = arith.constant 0 : i32
        %dma_start3A_23 = arith.constant 0 : i32
        %dma_start3A_24 = tpu.memref_slice %arg2[%dma_start3A_22, %dma_start3A_23] : memref<10000x128xf32, #tpu.memory_space<hbm>> -> memref<10000x128xf32, #tpu.memory_space<hbm>>
        tpu.enqueue_indirect_dma source(%dma_start3A_24 : memref<10000x128xf32, #tpu.memory_space<hbm>>) target(%arg11 : memref<128x128xf32, #tpu.memory_space<vmem>>) offsets(%dma_start3A_21 : memref<128xi32, #tpu.memory_space<vmem>>) semaphore(%arg14 : memref<!tpu.dma_semaphore, #tpu.memory_space<semaphore_mem>>)
        %dma_wait3A = arith.constant 0 : i32
        %dma_wait3A_25 = arith.constant 0 : i32
        %dma_wait3A_26 = tpu.memref_slice %arg9[%dma_wait3A, %dma_wait3A_25] : memref<8x128xi32, #tpu.memory_space<vmem>> -> memref<1x128xi32, #tpu.memory_space<vmem>>
        %dma_wait3A_27 = tpu.memref_squeeze %dma_wait3A_26 : memref<1x128xi32, #tpu.memory_space<vmem>> -> memref<128xi32, #tpu.memory_space<vmem>>
        %dma_wait3A_28 = arith.constant 0 : i32
        %dma_wait3A_29 = arith.constant 0 : i32
        %dma_wait3A_30 = tpu.memref_slice %arg2[%dma_wait3A_28, %dma_wait3A_29] : memref<10000x128xf32, #tpu.memory_space<hbm>> -> memref<10000x128xf32, #tpu.memory_space<hbm>>
        tpu.wait_indirect_dma semaphore(%arg14 : memref<!tpu.dma_semaphore, #tpu.memory_space<semaphore_mem>>) src(%dma_wait3A_30 : memref<10000x128xf32, #tpu.memory_space<hbm>>) dst(%arg11 : memref<128x128xf32, #tpu.memory_space<vmem>>)
        %run_scoped3A = arith.constant 0 : i32
        "tpu.region"() ({
          %run_scoped3A_136 = tpu.sem_alloc : memref<!tpu.dma_semaphore, #tpu.memory_space<semaphore_mem>>
          %dma_start3A_137 = arith.constant 0 : i32
          %dma_start3A_138 = tpu.memref_slice %arg10[%run_scoped3A, %dma_start3A_137] : memref<8x128xi32, #tpu.memory_space<vmem>> -> memref<1x128xi32, #tpu.memory_space<vmem>>
          %dma_start3A_139 = tpu.memref_squeeze %dma_start3A_138 : memref<1x128xi32, #tpu.memory_space<vmem>> -> memref<128xi32, #tpu.memory_space<vmem>>
          %dma_start3A_140 = arith.constant 0 : i32
          %dma_start3A_141 = arith.constant 0 : i32
          %dma_start3A_142 = tpu.memref_slice %arg13[%dma_start3A_140, %dma_start3A_141] : memref<10112x128xf32, #tpu.memory_space<vmem_shared>> -> memref<10112x128xf32, #tpu.memory_space<vmem_shared>>
          tpu.enqueue_indirect_dma source(%arg11 : memref<128x128xf32, #tpu.memory_space<vmem>>) target(%dma_start3A_142 : memref<10112x128xf32, #tpu.memory_space<vmem_shared>>) offsets(%dma_start3A_139 : memref<128xi32, #tpu.memory_space<vmem>>) semaphore(%run_scoped3A_136 : memref<!tpu.dma_semaphore, #tpu.memory_space<semaphore_mem>>) {add = true}
          %dma_wait3A_143 = arith.constant 0 : i32
          %dma_wait3A_144 = tpu.memref_slice %arg10[%run_scoped3A, %dma_wait3A_143] : memref<8x128xi32, #tpu.memory_space<vmem>> -> memref<1x128xi32, #tpu.memory_space<vmem>>
          %dma_wait3A_145 = tpu.memref_squeeze %dma_wait3A_144 : memref<1x128xi32, #tpu.memory_space<vmem>> -> memref<128xi32, #tpu.memory_space<vmem>>
          %dma_wait3A_146 = arith.constant 0 : i32
          %dma_wait3A_147 = arith.constant 0 : i32
          %dma_wait3A_148 = tpu.memref_slice %arg13[%dma_wait3A_146, %dma_wait3A_147] : memref<10112x128xf32, #tpu.memory_space<vmem_shared>> -> memref<10112x128xf32, #tpu.memory_space<vmem_shared>>
          tpu.wait_indirect_dma semaphore(%run_scoped3A_136 : memref<!tpu.dma_semaphore, #tpu.memory_space<semaphore_mem>>) src(%arg11 : memref<128x128xf32, #tpu.memory_space<vmem>>) dst(%dma_wait3A_148 : memref<10112x128xf32, #tpu.memory_space<vmem_shared>>)
          tpu.yield
        }) : () -> ()
        %dma_start3A_31 = arith.constant 1 : i32
        %dma_start3A_32 = arith.constant 0 : i32
        %dma_start3A_33 = tpu.memref_slice %arg9[%dma_start3A_31, %dma_start3A_32] : memref<8x128xi32, #tpu.memory_space<vmem>> -> memref<1x128xi32, #tpu.memory_space<vmem>>
        %dma_start3A_34 = tpu.memref_squeeze %dma_start3A_33 : memref<1x128xi32, #tpu.memory_space<vmem>> -> memref<128xi32, #tpu.memory_space<vmem>>
        %dma_start3A_35 = arith.constant 0 : i32
        %dma_start3A_36 = arith.constant 0 : i32
        %dma_start3A_37 = tpu.memref_slice %arg2[%dma_start3A_35, %dma_start3A_36] : memref<10000x128xf32, #tpu.memory_space<hbm>> -> memref<10000x128xf32, #tpu.memory_space<hbm>>
        tpu.enqueue_indirect_dma source(%dma_start3A_37 : memref<10000x128xf32, #tpu.memory_space<hbm>>) target(%arg12 : memref<128x128xf32, #tpu.memory_space<vmem>>) offsets(%dma_start3A_34 : memref<128xi32, #tpu.memory_space<vmem>>) semaphore(%arg15 : memref<!tpu.dma_semaphore, #tpu.memory_space<semaphore_mem>>)
        %dma_wait3A_38 = arith.constant 1 : i32
        %dma_wait3A_39 = arith.constant 0 : i32
        %dma_wait3A_40 = tpu.memref_slice %arg9[%dma_wait3A_38, %dma_wait3A_39] : memref<8x128xi32, #tpu.memory_space<vmem>> -> memref<1x128xi32, #tpu.memory_space<vmem>>
        %dma_wait3A_41 = tpu.memref_squeeze %dma_wait3A_40 : memref<1x128xi32, #tpu.memory_space<vmem>> -> memref<128xi32, #tpu.memory_space<vmem>>
        %dma_wait3A_42 = arith.constant 0 : i32
        %dma_wait3A_43 = arith.constant 0 : i32
        %dma_wait3A_44 = tpu.memref_slice %arg2[%dma_wait3A_42, %dma_wait3A_43] : memref<10000x128xf32, #tpu.memory_space<hbm>> -> memref<10000x128xf32, #tpu.memory_space<hbm>>
        tpu.wait_indirect_dma semaphore(%arg15 : memref<!tpu.dma_semaphore, #tpu.memory_space<semaphore_mem>>) src(%dma_wait3A_44 : memref<10000x128xf32, #tpu.memory_space<hbm>>) dst(%arg12 : memref<128x128xf32, #tpu.memory_space<vmem>>)
        %run_scoped3A_45 = arith.constant 1 : i32
        "tpu.region"() ({
          %run_scoped3A_136 = tpu.sem_alloc : memref<!tpu.dma_semaphore, #tpu.memory_space<semaphore_mem>>
          %dma_start3A_137 = arith.constant 0 : i32
          %dma_start3A_138 = tpu.memref_slice %arg10[%run_scoped3A_45, %dma_start3A_137] : memref<8x128xi32, #tpu.memory_space<vmem>> -> memref<1x128xi32, #tpu.memory_space<vmem>>
          %dma_start3A_139 = tpu.memref_squeeze %dma_start3A_138 : memref<1x128xi32, #tpu.memory_space<vmem>> -> memref<128xi32, #tpu.memory_space<vmem>>
          %dma_start3A_140 = arith.constant 0 : i32
          %dma_start3A_141 = arith.constant 0 : i32
          %dma_start3A_142 = tpu.memref_slice %arg13[%dma_start3A_140, %dma_start3A_141] : memref<10112x128xf32, #tpu.memory_space<vmem_shared>> -> memref<10112x128xf32, #tpu.memory_space<vmem_shared>>
          tpu.enqueue_indirect_dma source(%arg12 : memref<128x128xf32, #tpu.memory_space<vmem>>) target(%dma_start3A_142 : memref<10112x128xf32, #tpu.memory_space<vmem_shared>>) offsets(%dma_start3A_139 : memref<128xi32, #tpu.memory_space<vmem>>) semaphore(%run_scoped3A_136 : memref<!tpu.dma_semaphore, #tpu.memory_space<semaphore_mem>>) {add = true}
          %dma_wait3A_143 = arith.constant 0 : i32
          %dma_wait3A_144 = tpu.memref_slice %arg10[%run_scoped3A_45, %dma_wait3A_143] : memref<8x128xi32, #tpu.memory_space<vmem>> -> memref<1x128xi32, #tpu.memory_space<vmem>>
          %dma_wait3A_145 = tpu.memref_squeeze %dma_wait3A_144 : memref<1x128xi32, #tpu.memory_space<vmem>> -> memref<128xi32, #tpu.memory_space<vmem>>
          %dma_wait3A_146 = arith.constant 0 : i32
          %dma_wait3A_147 = arith.constant 0 : i32
          %dma_wait3A_148 = tpu.memref_slice %arg13[%dma_wait3A_146, %dma_wait3A_147] : memref<10112x128xf32, #tpu.memory_space<vmem_shared>> -> memref<10112x128xf32, #tpu.memory_space<vmem_shared>>
          tpu.wait_indirect_dma semaphore(%run_scoped3A_136 : memref<!tpu.dma_semaphore, #tpu.memory_space<semaphore_mem>>) src(%arg12 : memref<128x128xf32, #tpu.memory_space<vmem>>) dst(%dma_wait3A_148 : memref<10112x128xf32, #tpu.memory_space<vmem_shared>>)
          tpu.yield
        }) : () -> ()
        %dma_start3A_46 = arith.constant 2 : i32
        %dma_start3A_47 = arith.constant 0 : i32
        %dma_start3A_48 = tpu.memref_slice %arg9[%dma_start3A_46, %dma_start3A_47] : memref<8x128xi32, #tpu.memory_space<vmem>> -> memref<1x128xi32, #tpu.memory_space<vmem>>
        %dma_start3A_49 = tpu.memref_squeeze %dma_start3A_48 : memref<1x128xi32, #tpu.memory_space<vmem>> -> memref<128xi32, #tpu.memory_space<vmem>>
        %dma_start3A_50 = arith.constant 0 : i32
        %dma_start3A_51 = arith.constant 0 : i32
        %dma_start3A_52 = tpu.memref_slice %arg2[%dma_start3A_50, %dma_start3A_51] : memref<10000x128xf32, #tpu.memory_space<hbm>> -> memref<10000x128xf32, #tpu.memory_space<hbm>>
        tpu.enqueue_indirect_dma source(%dma_start3A_52 : memref<10000x128xf32, #tpu.memory_space<hbm>>) target(%arg11 : memref<128x128xf32, #tpu.memory_space<vmem>>) offsets(%dma_start3A_49 : memref<128xi32, #tpu.memory_space<vmem>>) semaphore(%arg14 : memref<!tpu.dma_semaphore, #tpu.memory_space<semaphore_mem>>)
        %dma_wait3A_53 = arith.constant 2 : i32
        %dma_wait3A_54 = arith.constant 0 : i32
        %dma_wait3A_55 = tpu.memref_slice %arg9[%dma_wait3A_53, %dma_wait3A_54] : memref<8x128xi32, #tpu.memory_space<vmem>> -> memref<1x128xi32, #tpu.memory_space<vmem>>
        %dma_wait3A_56 = tpu.memref_squeeze %dma_wait3A_55 : memref<1x128xi32, #tpu.memory_space<vmem>> -> memref<128xi32, #tpu.memory_space<vmem>>
        %dma_wait3A_57 = arith.constant 0 : i32
        %dma_wait3A_58 = arith.constant 0 : i32
        %dma_wait3A_59 = tpu.memref_slice %arg2[%dma_wait3A_57, %dma_wait3A_58] : memref<10000x128xf32, #tpu.memory_space<hbm>> -> memref<10000x128xf32, #tpu.memory_space<hbm>>
        tpu.wait_indirect_dma semaphore(%arg14 : memref<!tpu.dma_semaphore, #tpu.memory_space<semaphore_mem>>) src(%dma_wait3A_59 : memref<10000x128xf32, #tpu.memory_space<hbm>>) dst(%arg11 : memref<128x128xf32, #tpu.memory_space<vmem>>)
        %run_scoped3A_60 = arith.constant 2 : i32
        "tpu.region"() ({
          %run_scoped3A_136 = tpu.sem_alloc : memref<!tpu.dma_semaphore, #tpu.memory_space<semaphore_mem>>
          %dma_start3A_137 = arith.constant 0 : i32
          %dma_start3A_138 = tpu.memref_slice %arg10[%run_scoped3A_60, %dma_start3A_137] : memref<8x128xi32, #tpu.memory_space<vmem>> -> memref<1x128xi32, #tpu.memory_space<vmem>>
          %dma_start3A_139 = tpu.memref_squeeze %dma_start3A_138 : memref<1x128xi32, #tpu.memory_space<vmem>> -> memref<128xi32, #tpu.memory_space<vmem>>
          %dma_start3A_140 = arith.constant 0 : i32
          %dma_start3A_141 = arith.constant 0 : i32
          %dma_start3A_142 = tpu.memref_slice %arg13[%dma_start3A_140, %dma_start3A_141] : memref<10112x128xf32, #tpu.memory_space<vmem_shared>> -> memref<10112x128xf32, #tpu.memory_space<vmem_shared>>
          tpu.enqueue_indirect_dma source(%arg11 : memref<128x128xf32, #tpu.memory_space<vmem>>) target(%dma_start3A_142 : memref<10112x128xf32, #tpu.memory_space<vmem_shared>>) offsets(%dma_start3A_139 : memref<128xi32, #tpu.memory_space<vmem>>) semaphore(%run_scoped3A_136 : memref<!tpu.dma_semaphore, #tpu.memory_space<semaphore_mem>>) {add = true}
          %dma_wait3A_143 = arith.constant 0 : i32
          %dma_wait3A_144 = tpu.memref_slice %arg10[%run_scoped3A_60, %dma_wait3A_143] : memref<8x128xi32, #tpu.memory_space<vmem>> -> memref<1x128xi32, #tpu.memory_space<vmem>>
          %dma_wait3A_145 = tpu.memref_squeeze %dma_wait3A_144 : memref<1x128xi32, #tpu.memory_space<vmem>> -> memref<128xi32, #tpu.memory_space<vmem>>
          %dma_wait3A_146 = arith.constant 0 : i32
          %dma_wait3A_147 = arith.constant 0 : i32
          %dma_wait3A_148 = tpu.memref_slice %arg13[%dma_wait3A_146, %dma_wait3A_147] : memref<10112x128xf32, #tpu.memory_space<vmem_shared>> -> memref<10112x128xf32, #tpu.memory_space<vmem_shared>>
          tpu.wait_indirect_dma semaphore(%run_scoped3A_136 : memref<!tpu.dma_semaphore, #tpu.memory_space<semaphore_mem>>) src(%arg11 : memref<128x128xf32, #tpu.memory_space<vmem>>) dst(%dma_wait3A_148 : memref<10112x128xf32, #tpu.memory_space<vmem_shared>>)
          tpu.yield
        }) : () -> ()
        %dma_start3A_61 = arith.constant 3 : i32
        %dma_start3A_62 = arith.constant 0 : i32
        %dma_start3A_63 = tpu.memref_slice %arg9[%dma_start3A_61, %dma_start3A_62] : memref<8x128xi32, #tpu.memory_space<vmem>> -> memref<1x128xi32, #tpu.memory_space<vmem>>
        %dma_start3A_64 = tpu.memref_squeeze %dma_start3A_63 : memref<1x128xi32, #tpu.memory_space<vmem>> -> memref<128xi32, #tpu.memory_space<vmem>>
        %dma_start3A_65 = arith.constant 0 : i32
        %dma_start3A_66 = arith.constant 0 : i32
        %dma_start3A_67 = tpu.memref_slice %arg2[%dma_start3A_65, %dma_start3A_66] : memref<10000x128xf32, #tpu.memory_space<hbm>> -> memref<10000x128xf32, #tpu.memory_space<hbm>>
        tpu.enqueue_indirect_dma source(%dma_start3A_67 : memref<10000x128xf32, #tpu.memory_space<hbm>>) target(%arg12 : memref<128x128xf32, #tpu.memory_space<vmem>>) offsets(%dma_start3A_64 : memref<128xi32, #tpu.memory_space<vmem>>) semaphore(%arg15 : memref<!tpu.dma_semaphore, #tpu.memory_space<semaphore_mem>>)
        %dma_wait3A_68 = arith.constant 3 : i32
        %dma_wait3A_69 = arith.constant 0 : i32
        %dma_wait3A_70 = tpu.memref_slice %arg9[%dma_wait3A_68, %dma_wait3A_69] : memref<8x128xi32, #tpu.memory_space<vmem>> -> memref<1x128xi32, #tpu.memory_space<vmem>>
        %dma_wait3A_71 = tpu.memref_squeeze %dma_wait3A_70 : memref<1x128xi32, #tpu.memory_space<vmem>> -> memref<128xi32, #tpu.memory_space<vmem>>
        %dma_wait3A_72 = arith.constant 0 : i32
        %dma_wait3A_73 = arith.constant 0 : i32
        %dma_wait3A_74 = tpu.memref_slice %arg2[%dma_wait3A_72, %dma_wait3A_73] : memref<10000x128xf32, #tpu.memory_space<hbm>> -> memref<10000x128xf32, #tpu.memory_space<hbm>>
        tpu.wait_indirect_dma semaphore(%arg15 : memref<!tpu.dma_semaphore, #tpu.memory_space<semaphore_mem>>) src(%dma_wait3A_74 : memref<10000x128xf32, #tpu.memory_space<hbm>>) dst(%arg12 : memref<128x128xf32, #tpu.memory_space<vmem>>)
        %run_scoped3A_75 = arith.constant 3 : i32
        "tpu.region"() ({
          %run_scoped3A_136 = tpu.sem_alloc : memref<!tpu.dma_semaphore, #tpu.memory_space<semaphore_mem>>
          %dma_start3A_137 = arith.constant 0 : i32
          %dma_start3A_138 = tpu.memref_slice %arg10[%run_scoped3A_75, %dma_start3A_137] : memref<8x128xi32, #tpu.memory_space<vmem>> -> memref<1x128xi32, #tpu.memory_space<vmem>>
          %dma_start3A_139 = tpu.memref_squeeze %dma_start3A_138 : memref<1x128xi32, #tpu.memory_space<vmem>> -> memref<128xi32, #tpu.memory_space<vmem>>
          %dma_start3A_140 = arith.constant 0 : i32
          %dma_start3A_141 = arith.constant 0 : i32
          %dma_start3A_142 = tpu.memref_slice %arg13[%dma_start3A_140, %dma_start3A_141] : memref<10112x128xf32, #tpu.memory_space<vmem_shared>> -> memref<10112x128xf32, #tpu.memory_space<vmem_shared>>
          tpu.enqueue_indirect_dma source(%arg12 : memref<128x128xf32, #tpu.memory_space<vmem>>) target(%dma_start3A_142 : memref<10112x128xf32, #tpu.memory_space<vmem_shared>>) offsets(%dma_start3A_139 : memref<128xi32, #tpu.memory_space<vmem>>) semaphore(%run_scoped3A_136 : memref<!tpu.dma_semaphore, #tpu.memory_space<semaphore_mem>>) {add = true}
          %dma_wait3A_143 = arith.constant 0 : i32
          %dma_wait3A_144 = tpu.memref_slice %arg10[%run_scoped3A_75, %dma_wait3A_143] : memref<8x128xi32, #tpu.memory_space<vmem>> -> memref<1x128xi32, #tpu.memory_space<vmem>>
          %dma_wait3A_145 = tpu.memref_squeeze %dma_wait3A_144 : memref<1x128xi32, #tpu.memory_space<vmem>> -> memref<128xi32, #tpu.memory_space<vmem>>
          %dma_wait3A_146 = arith.constant 0 : i32
          %dma_wait3A_147 = arith.constant 0 : i32
          %dma_wait3A_148 = tpu.memref_slice %arg13[%dma_wait3A_146, %dma_wait3A_147] : memref<10112x128xf32, #tpu.memory_space<vmem_shared>> -> memref<10112x128xf32, #tpu.memory_space<vmem_shared>>
          tpu.wait_indirect_dma semaphore(%run_scoped3A_136 : memref<!tpu.dma_semaphore, #tpu.memory_space<semaphore_mem>>) src(%arg12 : memref<128x128xf32, #tpu.memory_space<vmem>>) dst(%dma_wait3A_148 : memref<10112x128xf32, #tpu.memory_space<vmem_shared>>)
          tpu.yield
        }) : () -> ()
        %dma_start3A_76 = arith.constant 4 : i32
        %dma_start3A_77 = arith.constant 0 : i32
        %dma_start3A_78 = tpu.memref_slice %arg9[%dma_start3A_76, %dma_start3A_77] : memref<8x128xi32, #tpu.memory_space<vmem>> -> memref<1x128xi32, #tpu.memory_space<vmem>>
        %dma_start3A_79 = tpu.memref_squeeze %dma_start3A_78 : memref<1x128xi32, #tpu.memory_space<vmem>> -> memref<128xi32, #tpu.memory_space<vmem>>
        %dma_start3A_80 = arith.constant 0 : i32
        %dma_start3A_81 = arith.constant 0 : i32
        %dma_start3A_82 = tpu.memref_slice %arg2[%dma_start3A_80, %dma_start3A_81] : memref<10000x128xf32, #tpu.memory_space<hbm>> -> memref<10000x128xf32, #tpu.memory_space<hbm>>
        tpu.enqueue_indirect_dma source(%dma_start3A_82 : memref<10000x128xf32, #tpu.memory_space<hbm>>) target(%arg11 : memref<128x128xf32, #tpu.memory_space<vmem>>) offsets(%dma_start3A_79 : memref<128xi32, #tpu.memory_space<vmem>>) semaphore(%arg14 : memref<!tpu.dma_semaphore, #tpu.memory_space<semaphore_mem>>)
        %dma_wait3A_83 = arith.constant 4 : i32
        %dma_wait3A_84 = arith.constant 0 : i32
        %dma_wait3A_85 = tpu.memref_slice %arg9[%dma_wait3A_83, %dma_wait3A_84] : memref<8x128xi32, #tpu.memory_space<vmem>> -> memref<1x128xi32, #tpu.memory_space<vmem>>
        %dma_wait3A_86 = tpu.memref_squeeze %dma_wait3A_85 : memref<1x128xi32, #tpu.memory_space<vmem>> -> memref<128xi32, #tpu.memory_space<vmem>>
        %dma_wait3A_87 = arith.constant 0 : i32
        %dma_wait3A_88 = arith.constant 0 : i32
        %dma_wait3A_89 = tpu.memref_slice %arg2[%dma_wait3A_87, %dma_wait3A_88] : memref<10000x128xf32, #tpu.memory_space<hbm>> -> memref<10000x128xf32, #tpu.memory_space<hbm>>
        tpu.wait_indirect_dma semaphore(%arg14 : memref<!tpu.dma_semaphore, #tpu.memory_space<semaphore_mem>>) src(%dma_wait3A_89 : memref<10000x128xf32, #tpu.memory_space<hbm>>) dst(%arg11 : memref<128x128xf32, #tpu.memory_space<vmem>>)
        %run_scoped3A_90 = arith.constant 4 : i32
        "tpu.region"() ({
          %run_scoped3A_136 = tpu.sem_alloc : memref<!tpu.dma_semaphore, #tpu.memory_space<semaphore_mem>>
          %dma_start3A_137 = arith.constant 0 : i32
          %dma_start3A_138 = tpu.memref_slice %arg10[%run_scoped3A_90, %dma_start3A_137] : memref<8x128xi32, #tpu.memory_space<vmem>> -> memref<1x128xi32, #tpu.memory_space<vmem>>
          %dma_start3A_139 = tpu.memref_squeeze %dma_start3A_138 : memref<1x128xi32, #tpu.memory_space<vmem>> -> memref<128xi32, #tpu.memory_space<vmem>>
          %dma_start3A_140 = arith.constant 0 : i32
          %dma_start3A_141 = arith.constant 0 : i32
          %dma_start3A_142 = tpu.memref_slice %arg13[%dma_start3A_140, %dma_start3A_141] : memref<10112x128xf32, #tpu.memory_space<vmem_shared>> -> memref<10112x128xf32, #tpu.memory_space<vmem_shared>>
          tpu.enqueue_indirect_dma source(%arg11 : memref<128x128xf32, #tpu.memory_space<vmem>>) target(%dma_start3A_142 : memref<10112x128xf32, #tpu.memory_space<vmem_shared>>) offsets(%dma_start3A_139 : memref<128xi32, #tpu.memory_space<vmem>>) semaphore(%run_scoped3A_136 : memref<!tpu.dma_semaphore, #tpu.memory_space<semaphore_mem>>) {add = true}
          %dma_wait3A_143 = arith.constant 0 : i32
          %dma_wait3A_144 = tpu.memref_slice %arg10[%run_scoped3A_90, %dma_wait3A_143] : memref<8x128xi32, #tpu.memory_space<vmem>> -> memref<1x128xi32, #tpu.memory_space<vmem>>
          %dma_wait3A_145 = tpu.memref_squeeze %dma_wait3A_144 : memref<1x128xi32, #tpu.memory_space<vmem>> -> memref<128xi32, #tpu.memory_space<vmem>>
          %dma_wait3A_146 = arith.constant 0 : i32
          %dma_wait3A_147 = arith.constant 0 : i32
          %dma_wait3A_148 = tpu.memref_slice %arg13[%dma_wait3A_146, %dma_wait3A_147] : memref<10112x128xf32, #tpu.memory_space<vmem_shared>> -> memref<10112x128xf32, #tpu.memory_space<vmem_shared>>
          tpu.wait_indirect_dma semaphore(%run_scoped3A_136 : memref<!tpu.dma_semaphore, #tpu.memory_space<semaphore_mem>>) src(%arg11 : memref<128x128xf32, #tpu.memory_space<vmem>>) dst(%dma_wait3A_148 : memref<10112x128xf32, #tpu.memory_space<vmem_shared>>)
          tpu.yield
        }) : () -> ()
        %dma_start3A_91 = arith.constant 5 : i32
        %dma_start3A_92 = arith.constant 0 : i32
        %dma_start3A_93 = tpu.memref_slice %arg9[%dma_start3A_91, %dma_start3A_92] : memref<8x128xi32, #tpu.memory_space<vmem>> -> memref<1x128xi32, #tpu.memory_space<vmem>>
        %dma_start3A_94 = tpu.memref_squeeze %dma_start3A_93 : memref<1x128xi32, #tpu.memory_space<vmem>> -> memref<128xi32, #tpu.memory_space<vmem>>
        %dma_start3A_95 = arith.constant 0 : i32
        %dma_start3A_96 = arith.constant 0 : i32
        %dma_start3A_97 = tpu.memref_slice %arg2[%dma_start3A_95, %dma_start3A_96] : memref<10000x128xf32, #tpu.memory_space<hbm>> -> memref<10000x128xf32, #tpu.memory_space<hbm>>
        tpu.enqueue_indirect_dma source(%dma_start3A_97 : memref<10000x128xf32, #tpu.memory_space<hbm>>) target(%arg12 : memref<128x128xf32, #tpu.memory_space<vmem>>) offsets(%dma_start3A_94 : memref<128xi32, #tpu.memory_space<vmem>>) semaphore(%arg15 : memref<!tpu.dma_semaphore, #tpu.memory_space<semaphore_mem>>)
        %dma_wait3A_98 = arith.constant 5 : i32
        %dma_wait3A_99 = arith.constant 0 : i32
        %dma_wait3A_100 = tpu.memref_slice %arg9[%dma_wait3A_98, %dma_wait3A_99] : memref<8x128xi32, #tpu.memory_space<vmem>> -> memref<1x128xi32, #tpu.memory_space<vmem>>
        %dma_wait3A_101 = tpu.memref_squeeze %dma_wait3A_100 : memref<1x128xi32, #tpu.memory_space<vmem>> -> memref<128xi32, #tpu.memory_space<vmem>>
        %dma_wait3A_102 = arith.constant 0 : i32
        %dma_wait3A_103 = arith.constant 0 : i32
        %dma_wait3A_104 = tpu.memref_slice %arg2[%dma_wait3A_102, %dma_wait3A_103] : memref<10000x128xf32, #tpu.memory_space<hbm>> -> memref<10000x128xf32, #tpu.memory_space<hbm>>
        tpu.wait_indirect_dma semaphore(%arg15 : memref<!tpu.dma_semaphore, #tpu.memory_space<semaphore_mem>>) src(%dma_wait3A_104 : memref<10000x128xf32, #tpu.memory_space<hbm>>) dst(%arg12 : memref<128x128xf32, #tpu.memory_space<vmem>>)
        %run_scoped3A_105 = arith.constant 5 : i32
        "tpu.region"() ({
          %run_scoped3A_136 = tpu.sem_alloc : memref<!tpu.dma_semaphore, #tpu.memory_space<semaphore_mem>>
          %dma_start3A_137 = arith.constant 0 : i32
          %dma_start3A_138 = tpu.memref_slice %arg10[%run_scoped3A_105, %dma_start3A_137] : memref<8x128xi32, #tpu.memory_space<vmem>> -> memref<1x128xi32, #tpu.memory_space<vmem>>
          %dma_start3A_139 = tpu.memref_squeeze %dma_start3A_138 : memref<1x128xi32, #tpu.memory_space<vmem>> -> memref<128xi32, #tpu.memory_space<vmem>>
          %dma_start3A_140 = arith.constant 0 : i32
          %dma_start3A_141 = arith.constant 0 : i32
          %dma_start3A_142 = tpu.memref_slice %arg13[%dma_start3A_140, %dma_start3A_141] : memref<10112x128xf32, #tpu.memory_space<vmem_shared>> -> memref<10112x128xf32, #tpu.memory_space<vmem_shared>>
          tpu.enqueue_indirect_dma source(%arg12 : memref<128x128xf32, #tpu.memory_space<vmem>>) target(%dma_start3A_142 : memref<10112x128xf32, #tpu.memory_space<vmem_shared>>) offsets(%dma_start3A_139 : memref<128xi32, #tpu.memory_space<vmem>>) semaphore(%run_scoped3A_136 : memref<!tpu.dma_semaphore, #tpu.memory_space<semaphore_mem>>) {add = true}
          %dma_wait3A_143 = arith.constant 0 : i32
          %dma_wait3A_144 = tpu.memref_slice %arg10[%run_scoped3A_105, %dma_wait3A_143] : memref<8x128xi32, #tpu.memory_space<vmem>> -> memref<1x128xi32, #tpu.memory_space<vmem>>
          %dma_wait3A_145 = tpu.memref_squeeze %dma_wait3A_144 : memref<1x128xi32, #tpu.memory_space<vmem>> -> memref<128xi32, #tpu.memory_space<vmem>>
          %dma_wait3A_146 = arith.constant 0 : i32
          %dma_wait3A_147 = arith.constant 0 : i32
          %dma_wait3A_148 = tpu.memref_slice %arg13[%dma_wait3A_146, %dma_wait3A_147] : memref<10112x128xf32, #tpu.memory_space<vmem_shared>> -> memref<10112x128xf32, #tpu.memory_space<vmem_shared>>
          tpu.wait_indirect_dma semaphore(%run_scoped3A_136 : memref<!tpu.dma_semaphore, #tpu.memory_space<semaphore_mem>>) src(%arg12 : memref<128x128xf32, #tpu.memory_space<vmem>>) dst(%dma_wait3A_148 : memref<10112x128xf32, #tpu.memory_space<vmem_shared>>)
          tpu.yield
        }) : () -> ()
        %dma_start3A_106 = arith.constant 6 : i32
        %dma_start3A_107 = arith.constant 0 : i32
        %dma_start3A_108 = tpu.memref_slice %arg9[%dma_start3A_106, %dma_start3A_107] : memref<8x128xi32, #tpu.memory_space<vmem>> -> memref<1x128xi32, #tpu.memory_space<vmem>>
        %dma_start3A_109 = tpu.memref_squeeze %dma_start3A_108 : memref<1x128xi32, #tpu.memory_space<vmem>> -> memref<128xi32, #tpu.memory_space<vmem>>
        %dma_start3A_110 = arith.constant 0 : i32
        %dma_start3A_111 = arith.constant 0 : i32
        %dma_start3A_112 = tpu.memref_slice %arg2[%dma_start3A_110, %dma_start3A_111] : memref<10000x128xf32, #tpu.memory_space<hbm>> -> memref<10000x128xf32, #tpu.memory_space<hbm>>
        tpu.enqueue_indirect_dma source(%dma_start3A_112 : memref<10000x128xf32, #tpu.memory_space<hbm>>) target(%arg11 : memref<128x128xf32, #tpu.memory_space<vmem>>) offsets(%dma_start3A_109 : memref<128xi32, #tpu.memory_space<vmem>>) semaphore(%arg14 : memref<!tpu.dma_semaphore, #tpu.memory_space<semaphore_mem>>)
        %dma_wait3A_113 = arith.constant 6 : i32
        %dma_wait3A_114 = arith.constant 0 : i32
        %dma_wait3A_115 = tpu.memref_slice %arg9[%dma_wait3A_113, %dma_wait3A_114] : memref<8x128xi32, #tpu.memory_space<vmem>> -> memref<1x128xi32, #tpu.memory_space<vmem>>
        %dma_wait3A_116 = tpu.memref_squeeze %dma_wait3A_115 : memref<1x128xi32, #tpu.memory_space<vmem>> -> memref<128xi32, #tpu.memory_space<vmem>>
        %dma_wait3A_117 = arith.constant 0 : i32
        %dma_wait3A_118 = arith.constant 0 : i32
        %dma_wait3A_119 = tpu.memref_slice %arg2[%dma_wait3A_117, %dma_wait3A_118] : memref<10000x128xf32, #tpu.memory_space<hbm>> -> memref<10000x128xf32, #tpu.memory_space<hbm>>
        tpu.wait_indirect_dma semaphore(%arg14 : memref<!tpu.dma_semaphore, #tpu.memory_space<semaphore_mem>>) src(%dma_wait3A_119 : memref<10000x128xf32, #tpu.memory_space<hbm>>) dst(%arg11 : memref<128x128xf32, #tpu.memory_space<vmem>>)
        %run_scoped3A_120 = arith.constant 6 : i32
        "tpu.region"() ({
          %run_scoped3A_136 = tpu.sem_alloc : memref<!tpu.dma_semaphore, #tpu.memory_space<semaphore_mem>>
          %dma_start3A_137 = arith.constant 0 : i32
          %dma_start3A_138 = tpu.memref_slice %arg10[%run_scoped3A_120, %dma_start3A_137] : memref<8x128xi32, #tpu.memory_space<vmem>> -> memref<1x128xi32, #tpu.memory_space<vmem>>
          %dma_start3A_139 = tpu.memref_squeeze %dma_start3A_138 : memref<1x128xi32, #tpu.memory_space<vmem>> -> memref<128xi32, #tpu.memory_space<vmem>>
          %dma_start3A_140 = arith.constant 0 : i32
          %dma_start3A_141 = arith.constant 0 : i32
          %dma_start3A_142 = tpu.memref_slice %arg13[%dma_start3A_140, %dma_start3A_141] : memref<10112x128xf32, #tpu.memory_space<vmem_shared>> -> memref<10112x128xf32, #tpu.memory_space<vmem_shared>>
          tpu.enqueue_indirect_dma source(%arg11 : memref<128x128xf32, #tpu.memory_space<vmem>>) target(%dma_start3A_142 : memref<10112x128xf32, #tpu.memory_space<vmem_shared>>) offsets(%dma_start3A_139 : memref<128xi32, #tpu.memory_space<vmem>>) semaphore(%run_scoped3A_136 : memref<!tpu.dma_semaphore, #tpu.memory_space<semaphore_mem>>) {add = true}
          %dma_wait3A_143 = arith.constant 0 : i32
          %dma_wait3A_144 = tpu.memref_slice %arg10[%run_scoped3A_120, %dma_wait3A_143] : memref<8x128xi32, #tpu.memory_space<vmem>> -> memref<1x128xi32, #tpu.memory_space<vmem>>
          %dma_wait3A_145 = tpu.memref_squeeze %dma_wait3A_144 : memref<1x128xi32, #tpu.memory_space<vmem>> -> memref<128xi32, #tpu.memory_space<vmem>>
          %dma_wait3A_146 = arith.constant 0 : i32
          %dma_wait3A_147 = arith.constant 0 : i32
          %dma_wait3A_148 = tpu.memref_slice %arg13[%dma_wait3A_146, %dma_wait3A_147] : memref<10112x128xf32, #tpu.memory_space<vmem_shared>> -> memref<10112x128xf32, #tpu.memory_space<vmem_shared>>
          tpu.wait_indirect_dma semaphore(%run_scoped3A_136 : memref<!tpu.dma_semaphore, #tpu.memory_space<semaphore_mem>>) src(%arg11 : memref<128x128xf32, #tpu.memory_space<vmem>>) dst(%dma_wait3A_148 : memref<10112x128xf32, #tpu.memory_space<vmem_shared>>)
          tpu.yield
        }) : () -> ()
        %dma_start3A_121 = arith.constant 7 : i32
        %dma_start3A_122 = arith.constant 0 : i32
        %dma_start3A_123 = tpu.memref_slice %arg9[%dma_start3A_121, %dma_start3A_122] : memref<8x128xi32, #tpu.memory_space<vmem>> -> memref<1x128xi32, #tpu.memory_space<vmem>>
        %dma_start3A_124 = tpu.memref_squeeze %dma_start3A_123 : memref<1x128xi32, #tpu.memory_space<vmem>> -> memref<128xi32, #tpu.memory_space<vmem>>
        %dma_start3A_125 = arith.constant 0 : i32
        %dma_start3A_126 = arith.constant 0 : i32
        %dma_start3A_127 = tpu.memref_slice %arg2[%dma_start3A_125, %dma_start3A_126] : memref<10000x128xf32, #tpu.memory_space<hbm>> -> memref<10000x128xf32, #tpu.memory_space<hbm>>
        tpu.enqueue_indirect_dma source(%dma_start3A_127 : memref<10000x128xf32, #tpu.memory_space<hbm>>) target(%arg12 : memref<128x128xf32, #tpu.memory_space<vmem>>) offsets(%dma_start3A_124 : memref<128xi32, #tpu.memory_space<vmem>>) semaphore(%arg15 : memref<!tpu.dma_semaphore, #tpu.memory_space<semaphore_mem>>)
        %dma_wait3A_128 = arith.constant 7 : i32
        %dma_wait3A_129 = arith.constant 0 : i32
        %dma_wait3A_130 = tpu.memref_slice %arg9[%dma_wait3A_128, %dma_wait3A_129] : memref<8x128xi32, #tpu.memory_space<vmem>> -> memref<1x128xi32, #tpu.memory_space<vmem>>
        %dma_wait3A_131 = tpu.memref_squeeze %dma_wait3A_130 : memref<1x128xi32, #tpu.memory_space<vmem>> -> memref<128xi32, #tpu.memory_space<vmem>>
        %dma_wait3A_132 = arith.constant 0 : i32
        %dma_wait3A_133 = arith.constant 0 : i32
        %dma_wait3A_134 = tpu.memref_slice %arg2[%dma_wait3A_132, %dma_wait3A_133] : memref<10000x128xf32, #tpu.memory_space<hbm>> -> memref<10000x128xf32, #tpu.memory_space<hbm>>
        tpu.wait_indirect_dma semaphore(%arg15 : memref<!tpu.dma_semaphore, #tpu.memory_space<semaphore_mem>>) src(%dma_wait3A_134 : memref<10000x128xf32, #tpu.memory_space<hbm>>) dst(%arg12 : memref<128x128xf32, #tpu.memory_space<vmem>>)
        %run_scoped3A_135 = arith.constant 7 : i32
        "tpu.region"() ({
          %run_scoped3A_136 = tpu.sem_alloc : memref<!tpu.dma_semaphore, #tpu.memory_space<semaphore_mem>>
          %dma_start3A_137 = arith.constant 0 : i32
          %dma_start3A_138 = tpu.memref_slice %arg10[%run_scoped3A_135, %dma_start3A_137] : memref<8x128xi32, #tpu.memory_space<vmem>> -> memref<1x128xi32, #tpu.memory_space<vmem>>
          %dma_start3A_139 = tpu.memref_squeeze %dma_start3A_138 : memref<1x128xi32, #tpu.memory_space<vmem>> -> memref<128xi32, #tpu.memory_space<vmem>>
          %dma_start3A_140 = arith.constant 0 : i32
          %dma_start3A_141 = arith.constant 0 : i32
          %dma_start3A_142 = tpu.memref_slice %arg13[%dma_start3A_140, %dma_start3A_141] : memref<10112x128xf32, #tpu.memory_space<vmem_shared>> -> memref<10112x128xf32, #tpu.memory_space<vmem_shared>>
          tpu.enqueue_indirect_dma source(%arg12 : memref<128x128xf32, #tpu.memory_space<vmem>>) target(%dma_start3A_142 : memref<10112x128xf32, #tpu.memory_space<vmem_shared>>) offsets(%dma_start3A_139 : memref<128xi32, #tpu.memory_space<vmem>>) semaphore(%run_scoped3A_136 : memref<!tpu.dma_semaphore, #tpu.memory_space<semaphore_mem>>) {add = true}
          %dma_wait3A_143 = arith.constant 0 : i32
          %dma_wait3A_144 = tpu.memref_slice %arg10[%run_scoped3A_135, %dma_wait3A_143] : memref<8x128xi32, #tpu.memory_space<vmem>> -> memref<1x128xi32, #tpu.memory_space<vmem>>
          %dma_wait3A_145 = tpu.memref_squeeze %dma_wait3A_144 : memref<1x128xi32, #tpu.memory_space<vmem>> -> memref<128xi32, #tpu.memory_space<vmem>>
          %dma_wait3A_146 = arith.constant 0 : i32
          %dma_wait3A_147 = arith.constant 0 : i32
          %dma_wait3A_148 = tpu.memref_slice %arg13[%dma_wait3A_146, %dma_wait3A_147] : memref<10112x128xf32, #tpu.memory_space<vmem_shared>> -> memref<10112x128xf32, #tpu.memory_space<vmem_shared>>
          tpu.wait_indirect_dma semaphore(%run_scoped3A_136 : memref<!tpu.dma_semaphore, #tpu.memory_space<semaphore_mem>>) src(%arg12 : memref<128x128xf32, #tpu.memory_space<vmem>>) dst(%dma_wait3A_148 : memref<10112x128xf32, #tpu.memory_space<vmem_shared>>)
          tpu.yield
        }) : () -> ()
      }
      %scan3A_17 = arith.constant 4 : i32
    } else {
    }
    %barrier3A_8 = arith.constant 0 : index
    tpu.barrier barrier_id(%barrier3A_8)
    %mul3A_9 = arith.constant 632 : i32
    %mul3A_10 = arith.muli %arg1, %mul3A_9 : i32
    %mul3A_11 = arith.constant 632 : i32
    %mul3A_12 = arith.muli %arg1, %mul3A_11 : i32
    "tpu.region"() ({
      %run_scoped3A = tpu.sem_alloc : memref<!tpu.dma_semaphore, #tpu.memory_space<semaphore_mem>>
      %dma_start3A = arith.constant 0 : i32
      %dma_start3A_13 = tpu.memref_slice %arg8[%arg0, %mul3A_12, %dma_start3A] : memref<2x10112x128xf32, #tpu.memory_space<hbm>> -> memref<1x632x128xf32, #tpu.memory_space<hbm>>
      %dma_start3A_14 = tpu.memref_squeeze %dma_start3A_13 : memref<1x632x128xf32, #tpu.memory_space<hbm>> -> memref<632x128xf32, #tpu.memory_space<hbm>>
      %dma_start3A_15 = arith.constant 0 : i32
      %dma_start3A_16 = tpu.memref_slice %arg13[%mul3A_10, %dma_start3A_15] : memref<10112x128xf32, #tpu.memory_space<vmem_shared>> -> memref<632x128xf32, #tpu.memory_space<vmem_shared>>
      tpu.enqueue_dma source(%dma_start3A_16 : memref<632x128xf32, #tpu.memory_space<vmem_shared>>) target(%dma_start3A_14 : memref<632x128xf32, #tpu.memory_space<hbm>>) target_semaphore(%run_scoped3A : memref<!tpu.dma_semaphore, #tpu.memory_space<semaphore_mem>>)
      %dma_wait3A = arith.constant 0 : i32
      %dma_wait3A_17 = tpu.memref_slice %arg8[%arg0, %mul3A_12, %dma_wait3A] : memref<2x10112x128xf32, #tpu.memory_space<hbm>> -> memref<1x632x128xf32, #tpu.memory_space<hbm>>
      %dma_wait3A_18 = tpu.memref_squeeze %dma_wait3A_17 : memref<1x632x128xf32, #tpu.memory_space<hbm>> -> memref<632x128xf32, #tpu.memory_space<hbm>>
      %dma_wait3A_19 = arith.constant 0 : i32
      %dma_wait3A_20 = tpu.memref_slice %arg13[%mul3A_10, %dma_wait3A_19] : memref<10112x128xf32, #tpu.memory_space<vmem_shared>> -> memref<632x128xf32, #tpu.memory_space<vmem_shared>>
      tpu.wait_dma2 semaphore(%run_scoped3A : memref<!tpu.dma_semaphore, #tpu.memory_space<semaphore_mem>>) src(%dma_wait3A_20 : memref<632x128xf32, #tpu.memory_space<vmem_shared>>) dst(%dma_wait3A_18 : memref<632x128xf32, #tpu.memory_space<hbm>>)
      tpu.yield
    }) : () -> ()
    return
  }
}

#map = affine_map<(d0, d1) -> (0, 0)>
#map1 = affine_map<(d0, d1) -> (0, 0, 0, 0)>
#map2 = affine_map<(d0, d1) -> (0, 0, 0)>
module attributes {stable_mosaic.version = 14 : i64} {
  func.func @agg_kernel(%arg0: i32, %arg1: i32, %arg2: memref<10000x128xf32, #tpu.memory_space<hbm>>, %arg3: memref<16x16x8x128xi32, #tpu.memory_space<hbm>>, %arg4: memref<16x16x8x128xi32, #tpu.memory_space<hbm>>, %arg5: memref<16x4x8x128xi32, #tpu.memory_space<hbm>>, %arg6: memref<16x4x8x128xi32, #tpu.memory_space<hbm>>, %arg7: memref<632x128xf32, #tpu.memory_space<hbm>>, %arg8: memref<2x10112x128xf32, #tpu.memory_space<hbm>>, %arg9: memref<8x128xi32, #tpu.memory_space<vmem>>, %arg10: memref<8x128xi32, #tpu.memory_space<vmem>>, %arg11: memref<128x128xf32, #tpu.memory_space<vmem>>, %arg12: memref<128x128xf32, #tpu.memory_space<vmem>>, %arg13: memref<10112x128xf32, #tpu.memory_space<vmem_shared>>, %arg14: memref<!tpu.dma_semaphore, #tpu.memory_space<semaphore_mem>>, %arg15: memref<!tpu.dma_semaphore, #tpu.memory_space<semaphore_mem>>) attributes {dimension_semantics = [#tpu.dimension_semantics<core_parallel>, #tpu.dimension_semantics<subcore_parallel>], iteration_bounds = array<i64: 2, 16>, scalar_prefetch = 0 : i64, scratch_operands = 7 : i64, tpu.core_type = #tpu.core_type<sc_vector_subcore>, window_params = [{transform_indices = #map}, {transform_indices = #map1}, {transform_indices = #map1}, {transform_indices = #map1}, {transform_indices = #map1}, {transform_indices = #map}, {transform_indices = #map2}]} {
    %mul3A = arith.constant 632 : i32
    %mul3A_0 = arith.muli %arg1, %mul3A : i32
    "tpu.region"() ({
      %run_scoped3A = tpu.sem_alloc : memref<!tpu.dma_semaphore, #tpu.memory_space<semaphore_mem>>
      %dma_start3A = arith.constant 0 : i32
      %dma_start3A_13 = tpu.memref_slice %arg13[%mul3A_0, %dma_start3A] : memref<10112x128xf32, #tpu.memory_space<vmem_shared>> -> memref<632x128xf32, #tpu.memory_space<vmem_shared>>
      tpu.enqueue_dma source(%arg7 : memref<632x128xf32, #tpu.memory_space<hbm>>) target(%dma_start3A_13 : memref<632x128xf32, #tpu.memory_space<vmem_shared>>) target_semaphore(%run_scoped3A : memref<!tpu.dma_semaphore, #tpu.memory_space<semaphore_mem>>)
      %dma_wait3A = arith.constant 0 : i32
      %dma_wait3A_14 = tpu.memref_slice %arg13[%mul3A_0, %dma_wait3A] : memref<10112x128xf32, #tpu.memory_space<vmem_shared>> -> memref<632x128xf32, #tpu.memory_space<vmem_shared>>
      tpu.wait_dma2 semaphore(%run_scoped3A : memref<!tpu.dma_semaphore, #tpu.memory_space<semaphore_mem>>) src(%arg7 : memref<632x128xf32, #tpu.memory_space<hbm>>) dst(%dma_wait3A_14 : memref<632x128xf32, #tpu.memory_space<vmem_shared>>)
      tpu.yield
    }) : () -> ()
    %barrier3A = arith.constant 0 : index
    tpu.barrier barrier_id(%barrier3A)
    %eq3A = arith.constant 0 : i32
    %eq3A_1 = arith.cmpi eq, %arg0, %eq3A : i32
    %convert_element_type3A = arith.extui %eq3A_1 : i1 to i32
    %cond3A = arith.constant 0 : i32
    %cond3A_2 = arith.cmpi ne, %convert_element_type3A, %cond3A : i32
    scf.if %cond3A_2 {
      %scan3A = arith.constant 0 : i32
      %scan3A_13 = arith.constant 0 : i32
      %scan3A_14 = arith.constant 16 : i32
      %scan3A_15 = arith.addi %scan3A_13, %scan3A_14 : i32
      %scan3A_16 = arith.constant 1 : i32
      scf.for %scan3A_18 = %scan3A_13 to %scan3A_15 step %scan3A_16  : i32 {
        "tpu.region"() ({
          %run_scoped3A_136 = tpu.sem_alloc : memref<!tpu.dma_semaphore, #tpu.memory_space<semaphore_mem>>
          %dma_start3A_137 = arith.constant 0 : i32
          %dma_start3A_138 = arith.constant 0 : i32
          %dma_start3A_139 = tpu.memref_slice %arg3[%arg1, %scan3A_18, %dma_start3A_137, %dma_start3A_138] : memref<16x16x8x128xi32, #tpu.memory_space<hbm>> -> memref<1x1x8x128xi32, #tpu.memory_space<hbm>>
          %dma_start3A_140 = tpu.memref_squeeze %dma_start3A_139 : memref<1x1x8x128xi32, #tpu.memory_space<hbm>> -> memref<8x128xi32, #tpu.memory_space<hbm>>
          %dma_start3A_141 = arith.constant 0 : i32
          %dma_start3A_142 = arith.constant 0 : i32
          %dma_start3A_143 = tpu.memref_slice %arg3[%arg1, %scan3A_18, %dma_start3A_141, %dma_start3A_142] : memref<16x16x8x128xi32, #tpu.memory_space<hbm>> -> memref<1x1x8x128xi32, #tpu.memory_space<hbm>>
          %dma_start3A_144 = tpu.memref_squeeze %dma_start3A_143 : memref<1x1x8x128xi32, #tpu.memory_space<hbm>> -> memref<8x128xi32, #tpu.memory_space<hbm>>
          tpu.enqueue_dma source(%dma_start3A_144 : memref<8x128xi32, #tpu.memory_space<hbm>>) target(%arg9 : memref<8x128xi32, #tpu.memory_space<vmem>>) target_semaphore(%run_scoped3A_136 : memref<!tpu.dma_semaphore, #tpu.memory_space<semaphore_mem>>)
          %dma_wait3A_145 = arith.constant 0 : i32
          %dma_wait3A_146 = arith.constant 0 : i32
          %dma_wait3A_147 = tpu.memref_slice %arg3[%arg1, %scan3A_18, %dma_wait3A_145, %dma_wait3A_146] : memref<16x16x8x128xi32, #tpu.memory_space<hbm>> -> memref<1x1x8x128xi32, #tpu.memory_space<hbm>>
          %dma_wait3A_148 = tpu.memref_squeeze %dma_wait3A_147 : memref<1x1x8x128xi32, #tpu.memory_space<hbm>> -> memref<8x128xi32, #tpu.memory_space<hbm>>
          %dma_wait3A_149 = arith.constant 0 : i32
          %dma_wait3A_150 = arith.constant 0 : i32
          %dma_wait3A_151 = tpu.memref_slice %arg3[%arg1, %scan3A_18, %dma_wait3A_149, %dma_wait3A_150] : memref<16x16x8x128xi32, #tpu.memory_space<hbm>> -> memref<1x1x8x128xi32, #tpu.memory_space<hbm>>
          %dma_wait3A_152 = tpu.memref_squeeze %dma_wait3A_151 : memref<1x1x8x128xi32, #tpu.memory_space<hbm>> -> memref<8x128xi32, #tpu.memory_space<hbm>>
          tpu.wait_dma2 semaphore(%run_scoped3A_136 : memref<!tpu.dma_semaphore, #tpu.memory_space<semaphore_mem>>) src(%dma_wait3A_152 : memref<8x128xi32, #tpu.memory_space<hbm>>) dst(%arg9 : memref<8x128xi32, #tpu.memory_space<vmem>>)
          tpu.yield
        }) : () -> ()
        "tpu.region"() ({
          %run_scoped3A_136 = tpu.sem_alloc : memref<!tpu.dma_semaphore, #tpu.memory_space<semaphore_mem>>
          %dma_start3A_137 = arith.constant 0 : i32
          %dma_start3A_138 = arith.constant 0 : i32
          %dma_start3A_139 = tpu.memref_slice %arg4[%arg1, %scan3A_18, %dma_start3A_137, %dma_start3A_138] : memref<16x16x8x128xi32, #tpu.memory_space<hbm>> -> memref<1x1x8x128xi32, #tpu.memory_space<hbm>>
          %dma_start3A_140 = tpu.memref_squeeze %dma_start3A_139 : memref<1x1x8x128xi32, #tpu.memory_space<hbm>> -> memref<8x128xi32, #tpu.memory_space<hbm>>
          %dma_start3A_141 = arith.constant 0 : i32
          %dma_start3A_142 = arith.constant 0 : i32
          %dma_start3A_143 = tpu.memref_slice %arg4[%arg1, %scan3A_18, %dma_start3A_141, %dma_start3A_142] : memref<16x16x8x128xi32, #tpu.memory_space<hbm>> -> memref<1x1x8x128xi32, #tpu.memory_space<hbm>>
          %dma_start3A_144 = tpu.memref_squeeze %dma_start3A_143 : memref<1x1x8x128xi32, #tpu.memory_space<hbm>> -> memref<8x128xi32, #tpu.memory_space<hbm>>
          tpu.enqueue_dma source(%dma_start3A_144 : memref<8x128xi32, #tpu.memory_space<hbm>>) target(%arg10 : memref<8x128xi32, #tpu.memory_space<vmem>>) target_semaphore(%run_scoped3A_136 : memref<!tpu.dma_semaphore, #tpu.memory_space<semaphore_mem>>)
          %dma_wait3A_145 = arith.constant 0 : i32
          %dma_wait3A_146 = arith.constant 0 : i32
          %dma_wait3A_147 = tpu.memref_slice %arg4[%arg1, %scan3A_18, %dma_wait3A_145, %dma_wait3A_146] : memref<16x16x8x128xi32, #tpu.memory_space<hbm>> -> memref<1x1x8x128xi32, #tpu.memory_space<hbm>>
          %dma_wait3A_148 = tpu.memref_squeeze %dma_wait3A_147 : memref<1x1x8x128xi32, #tpu.memory_space<hbm>> -> memref<8x128xi32, #tpu.memory_space<hbm>>
          %dma_wait3A_149 = arith.constant 0 : i32
          %dma_wait3A_150 = arith.constant 0 : i32
          %dma_wait3A_151 = tpu.memref_slice %arg4[%arg1, %scan3A_18, %dma_wait3A_149, %dma_wait3A_150] : memref<16x16x8x128xi32, #tpu.memory_space<hbm>> -> memref<1x1x8x128xi32, #tpu.memory_space<hbm>>
          %dma_wait3A_152 = tpu.memref_squeeze %dma_wait3A_151 : memref<1x1x8x128xi32, #tpu.memory_space<hbm>> -> memref<8x128xi32, #tpu.memory_space<hbm>>
          tpu.wait_dma2 semaphore(%run_scoped3A_136 : memref<!tpu.dma_semaphore, #tpu.memory_space<semaphore_mem>>) src(%dma_wait3A_152 : memref<8x128xi32, #tpu.memory_space<hbm>>) dst(%arg10 : memref<8x128xi32, #tpu.memory_space<vmem>>)
          tpu.yield
        }) : () -> ()
        %dma_start3A = arith.constant 0 : i32
        %dma_start3A_19 = arith.constant 0 : i32
        %dma_start3A_20 = tpu.memref_slice %arg9[%dma_start3A, %dma_start3A_19] : memref<8x128xi32, #tpu.memory_space<vmem>> -> memref<1x128xi32, #tpu.memory_space<vmem>>
        %dma_start3A_21 = tpu.memref_squeeze %dma_start3A_20 : memref<1x128xi32, #tpu.memory_space<vmem>> -> memref<128xi32, #tpu.memory_space<vmem>>
        %dma_start3A_22 = arith.constant 0 : i32
        %dma_start3A_23 = arith.constant 0 : i32
        %dma_start3A_24 = tpu.memref_slice %arg2[%dma_start3A_22, %dma_start3A_23] : memref<10000x128xf32, #tpu.memory_space<hbm>> -> memref<10000x128xf32, #tpu.memory_space<hbm>>
        tpu.enqueue_indirect_dma source(%dma_start3A_24 : memref<10000x128xf32, #tpu.memory_space<hbm>>) target(%arg11 : memref<128x128xf32, #tpu.memory_space<vmem>>) offsets(%dma_start3A_21 : memref<128xi32, #tpu.memory_space<vmem>>) semaphore(%arg14 : memref<!tpu.dma_semaphore, #tpu.memory_space<semaphore_mem>>)
        %dma_wait3A = arith.constant 0 : i32
        %dma_wait3A_25 = arith.constant 0 : i32
        %dma_wait3A_26 = tpu.memref_slice %arg9[%dma_wait3A, %dma_wait3A_25] : memref<8x128xi32, #tpu.memory_space<vmem>> -> memref<1x128xi32, #tpu.memory_space<vmem>>
        %dma_wait3A_27 = tpu.memref_squeeze %dma_wait3A_26 : memref<1x128xi32, #tpu.memory_space<vmem>> -> memref<128xi32, #tpu.memory_space<vmem>>
        %dma_wait3A_28 = arith.constant 0 : i32
        %dma_wait3A_29 = arith.constant 0 : i32
        %dma_wait3A_30 = tpu.memref_slice %arg2[%dma_wait3A_28, %dma_wait3A_29] : memref<10000x128xf32, #tpu.memory_space<hbm>> -> memref<10000x128xf32, #tpu.memory_space<hbm>>
        tpu.wait_indirect_dma semaphore(%arg14 : memref<!tpu.dma_semaphore, #tpu.memory_space<semaphore_mem>>) src(%dma_wait3A_30 : memref<10000x128xf32, #tpu.memory_space<hbm>>) dst(%arg11 : memref<128x128xf32, #tpu.memory_space<vmem>>)
        %run_scoped3A = arith.constant 0 : i32
        "tpu.region"() ({
          %run_scoped3A_136 = tpu.sem_alloc : memref<!tpu.dma_semaphore, #tpu.memory_space<semaphore_mem>>
          %dma_start3A_137 = arith.constant 0 : i32
          %dma_start3A_138 = tpu.memref_slice %arg10[%run_scoped3A, %dma_start3A_137] : memref<8x128xi32, #tpu.memory_space<vmem>> -> memref<1x128xi32, #tpu.memory_space<vmem>>
          %dma_start3A_139 = tpu.memref_squeeze %dma_start3A_138 : memref<1x128xi32, #tpu.memory_space<vmem>> -> memref<128xi32, #tpu.memory_space<vmem>>
          %dma_start3A_140 = arith.constant 0 : i32
          %dma_start3A_141 = arith.constant 0 : i32
          %dma_start3A_142 = tpu.memref_slice %arg13[%dma_start3A_140, %dma_start3A_141] : memref<10112x128xf32, #tpu.memory_space<vmem_shared>> -> memref<10112x128xf32, #tpu.memory_space<vmem_shared>>
          tpu.enqueue_indirect_dma source(%arg11 : memref<128x128xf32, #tpu.memory_space<vmem>>) target(%dma_start3A_142 : memref<10112x128xf32, #tpu.memory_space<vmem_shared>>) offsets(%dma_start3A_139 : memref<128xi32, #tpu.memory_space<vmem>>) semaphore(%run_scoped3A_136 : memref<!tpu.dma_semaphore, #tpu.memory_space<semaphore_mem>>) {add = true}
          %dma_wait3A_143 = arith.constant 0 : i32
          %dma_wait3A_144 = tpu.memref_slice %arg10[%run_scoped3A, %dma_wait3A_143] : memref<8x128xi32, #tpu.memory_space<vmem>> -> memref<1x128xi32, #tpu.memory_space<vmem>>
          %dma_wait3A_145 = tpu.memref_squeeze %dma_wait3A_144 : memref<1x128xi32, #tpu.memory_space<vmem>> -> memref<128xi32, #tpu.memory_space<vmem>>
          %dma_wait3A_146 = arith.constant 0 : i32
          %dma_wait3A_147 = arith.constant 0 : i32
          %dma_wait3A_148 = tpu.memref_slice %arg13[%dma_wait3A_146, %dma_wait3A_147] : memref<10112x128xf32, #tpu.memory_space<vmem_shared>> -> memref<10112x128xf32, #tpu.memory_space<vmem_shared>>
          tpu.wait_indirect_dma semaphore(%run_scoped3A_136 : memref<!tpu.dma_semaphore, #tpu.memory_space<semaphore_mem>>) src(%arg11 : memref<128x128xf32, #tpu.memory_space<vmem>>) dst(%dma_wait3A_148 : memref<10112x128xf32, #tpu.memory_space<vmem_shared>>)
          tpu.yield
        }) : () -> ()
        %dma_start3A_31 = arith.constant 1 : i32
        %dma_start3A_32 = arith.constant 0 : i32
        %dma_start3A_33 = tpu.memref_slice %arg9[%dma_start3A_31, %dma_start3A_32] : memref<8x128xi32, #tpu.memory_space<vmem>> -> memref<1x128xi32, #tpu.memory_space<vmem>>
        %dma_start3A_34 = tpu.memref_squeeze %dma_start3A_33 : memref<1x128xi32, #tpu.memory_space<vmem>> -> memref<128xi32, #tpu.memory_space<vmem>>
        %dma_start3A_35 = arith.constant 0 : i32
        %dma_start3A_36 = arith.constant 0 : i32
        %dma_start3A_37 = tpu.memref_slice %arg2[%dma_start3A_35, %dma_start3A_36] : memref<10000x128xf32, #tpu.memory_space<hbm>> -> memref<10000x128xf32, #tpu.memory_space<hbm>>
        tpu.enqueue_indirect_dma source(%dma_start3A_37 : memref<10000x128xf32, #tpu.memory_space<hbm>>) target(%arg12 : memref<128x128xf32, #tpu.memory_space<vmem>>) offsets(%dma_start3A_34 : memref<128xi32, #tpu.memory_space<vmem>>) semaphore(%arg15 : memref<!tpu.dma_semaphore, #tpu.memory_space<semaphore_mem>>)
        %dma_wait3A_38 = arith.constant 1 : i32
        %dma_wait3A_39 = arith.constant 0 : i32
        %dma_wait3A_40 = tpu.memref_slice %arg9[%dma_wait3A_38, %dma_wait3A_39] : memref<8x128xi32, #tpu.memory_space<vmem>> -> memref<1x128xi32, #tpu.memory_space<vmem>>
        %dma_wait3A_41 = tpu.memref_squeeze %dma_wait3A_40 : memref<1x128xi32, #tpu.memory_space<vmem>> -> memref<128xi32, #tpu.memory_space<vmem>>
        %dma_wait3A_42 = arith.constant 0 : i32
        %dma_wait3A_43 = arith.constant 0 : i32
        %dma_wait3A_44 = tpu.memref_slice %arg2[%dma_wait3A_42, %dma_wait3A_43] : memref<10000x128xf32, #tpu.memory_space<hbm>> -> memref<10000x128xf32, #tpu.memory_space<hbm>>
        tpu.wait_indirect_dma semaphore(%arg15 : memref<!tpu.dma_semaphore, #tpu.memory_space<semaphore_mem>>) src(%dma_wait3A_44 : memref<10000x128xf32, #tpu.memory_space<hbm>>) dst(%arg12 : memref<128x128xf32, #tpu.memory_space<vmem>>)
        %run_scoped3A_45 = arith.constant 1 : i32
        "tpu.region"() ({
          %run_scoped3A_136 = tpu.sem_alloc : memref<!tpu.dma_semaphore, #tpu.memory_space<semaphore_mem>>
          %dma_start3A_137 = arith.constant 0 : i32
          %dma_start3A_138 = tpu.memref_slice %arg10[%run_scoped3A_45, %dma_start3A_137] : memref<8x128xi32, #tpu.memory_space<vmem>> -> memref<1x128xi32, #tpu.memory_space<vmem>>
          %dma_start3A_139 = tpu.memref_squeeze %dma_start3A_138 : memref<1x128xi32, #tpu.memory_space<vmem>> -> memref<128xi32, #tpu.memory_space<vmem>>
          %dma_start3A_140 = arith.constant 0 : i32
          %dma_start3A_141 = arith.constant 0 : i32
          %dma_start3A_142 = tpu.memref_slice %arg13[%dma_start3A_140, %dma_start3A_141] : memref<10112x128xf32, #tpu.memory_space<vmem_shared>> -> memref<10112x128xf32, #tpu.memory_space<vmem_shared>>
          tpu.enqueue_indirect_dma source(%arg12 : memref<128x128xf32, #tpu.memory_space<vmem>>) target(%dma_start3A_142 : memref<10112x128xf32, #tpu.memory_space<vmem_shared>>) offsets(%dma_start3A_139 : memref<128xi32, #tpu.memory_space<vmem>>) semaphore(%run_scoped3A_136 : memref<!tpu.dma_semaphore, #tpu.memory_space<semaphore_mem>>) {add = true}
          %dma_wait3A_143 = arith.constant 0 : i32
          %dma_wait3A_144 = tpu.memref_slice %arg10[%run_scoped3A_45, %dma_wait3A_143] : memref<8x128xi32, #tpu.memory_space<vmem>> -> memref<1x128xi32, #tpu.memory_space<vmem>>
          %dma_wait3A_145 = tpu.memref_squeeze %dma_wait3A_144 : memref<1x128xi32, #tpu.memory_space<vmem>> -> memref<128xi32, #tpu.memory_space<vmem>>
          %dma_wait3A_146 = arith.constant 0 : i32
          %dma_wait3A_147 = arith.constant 0 : i32
          %dma_wait3A_148 = tpu.memref_slice %arg13[%dma_wait3A_146, %dma_wait3A_147] : memref<10112x128xf32, #tpu.memory_space<vmem_shared>> -> memref<10112x128xf32, #tpu.memory_space<vmem_shared>>
          tpu.wait_indirect_dma semaphore(%run_scoped3A_136 : memref<!tpu.dma_semaphore, #tpu.memory_space<semaphore_mem>>) src(%arg12 : memref<128x128xf32, #tpu.memory_space<vmem>>) dst(%dma_wait3A_148 : memref<10112x128xf32, #tpu.memory_space<vmem_shared>>)
          tpu.yield
        }) : () -> ()
        %dma_start3A_46 = arith.constant 2 : i32
        %dma_start3A_47 = arith.constant 0 : i32
        %dma_start3A_48 = tpu.memref_slice %arg9[%dma_start3A_46, %dma_start3A_47] : memref<8x128xi32, #tpu.memory_space<vmem>> -> memref<1x128xi32, #tpu.memory_space<vmem>>
        %dma_start3A_49 = tpu.memref_squeeze %dma_start3A_48 : memref<1x128xi32, #tpu.memory_space<vmem>> -> memref<128xi32, #tpu.memory_space<vmem>>
        %dma_start3A_50 = arith.constant 0 : i32
        %dma_start3A_51 = arith.constant 0 : i32
        %dma_start3A_52 = tpu.memref_slice %arg2[%dma_start3A_50, %dma_start3A_51] : memref<10000x128xf32, #tpu.memory_space<hbm>> -> memref<10000x128xf32, #tpu.memory_space<hbm>>
        tpu.enqueue_indirect_dma source(%dma_start3A_52 : memref<10000x128xf32, #tpu.memory_space<hbm>>) target(%arg11 : memref<128x128xf32, #tpu.memory_space<vmem>>) offsets(%dma_start3A_49 : memref<128xi32, #tpu.memory_space<vmem>>) semaphore(%arg14 : memref<!tpu.dma_semaphore, #tpu.memory_space<semaphore_mem>>)
        %dma_wait3A_53 = arith.constant 2 : i32
        %dma_wait3A_54 = arith.constant 0 : i32
        %dma_wait3A_55 = tpu.memref_slice %arg9[%dma_wait3A_53, %dma_wait3A_54] : memref<8x128xi32, #tpu.memory_space<vmem>> -> memref<1x128xi32, #tpu.memory_space<vmem>>
        %dma_wait3A_56 = tpu.memref_squeeze %dma_wait3A_55 : memref<1x128xi32, #tpu.memory_space<vmem>> -> memref<128xi32, #tpu.memory_space<vmem>>
        %dma_wait3A_57 = arith.constant 0 : i32
        %dma_wait3A_58 = arith.constant 0 : i32
        %dma_wait3A_59 = tpu.memref_slice %arg2[%dma_wait3A_57, %dma_wait3A_58] : memref<10000x128xf32, #tpu.memory_space<hbm>> -> memref<10000x128xf32, #tpu.memory_space<hbm>>
        tpu.wait_indirect_dma semaphore(%arg14 : memref<!tpu.dma_semaphore, #tpu.memory_space<semaphore_mem>>) src(%dma_wait3A_59 : memref<10000x128xf32, #tpu.memory_space<hbm>>) dst(%arg11 : memref<128x128xf32, #tpu.memory_space<vmem>>)
        %run_scoped3A_60 = arith.constant 2 : i32
        "tpu.region"() ({
          %run_scoped3A_136 = tpu.sem_alloc : memref<!tpu.dma_semaphore, #tpu.memory_space<semaphore_mem>>
          %dma_start3A_137 = arith.constant 0 : i32
          %dma_start3A_138 = tpu.memref_slice %arg10[%run_scoped3A_60, %dma_start3A_137] : memref<8x128xi32, #tpu.memory_space<vmem>> -> memref<1x128xi32, #tpu.memory_space<vmem>>
          %dma_start3A_139 = tpu.memref_squeeze %dma_start3A_138 : memref<1x128xi32, #tpu.memory_space<vmem>> -> memref<128xi32, #tpu.memory_space<vmem>>
          %dma_start3A_140 = arith.constant 0 : i32
          %dma_start3A_141 = arith.constant 0 : i32
          %dma_start3A_142 = tpu.memref_slice %arg13[%dma_start3A_140, %dma_start3A_141] : memref<10112x128xf32, #tpu.memory_space<vmem_shared>> -> memref<10112x128xf32, #tpu.memory_space<vmem_shared>>
          tpu.enqueue_indirect_dma source(%arg11 : memref<128x128xf32, #tpu.memory_space<vmem>>) target(%dma_start3A_142 : memref<10112x128xf32, #tpu.memory_space<vmem_shared>>) offsets(%dma_start3A_139 : memref<128xi32, #tpu.memory_space<vmem>>) semaphore(%run_scoped3A_136 : memref<!tpu.dma_semaphore, #tpu.memory_space<semaphore_mem>>) {add = true}
          %dma_wait3A_143 = arith.constant 0 : i32
          %dma_wait3A_144 = tpu.memref_slice %arg10[%run_scoped3A_60, %dma_wait3A_143] : memref<8x128xi32, #tpu.memory_space<vmem>> -> memref<1x128xi32, #tpu.memory_space<vmem>>
          %dma_wait3A_145 = tpu.memref_squeeze %dma_wait3A_144 : memref<1x128xi32, #tpu.memory_space<vmem>> -> memref<128xi32, #tpu.memory_space<vmem>>
          %dma_wait3A_146 = arith.constant 0 : i32
          %dma_wait3A_147 = arith.constant 0 : i32
          %dma_wait3A_148 = tpu.memref_slice %arg13[%dma_wait3A_146, %dma_wait3A_147] : memref<10112x128xf32, #tpu.memory_space<vmem_shared>> -> memref<10112x128xf32, #tpu.memory_space<vmem_shared>>
          tpu.wait_indirect_dma semaphore(%run_scoped3A_136 : memref<!tpu.dma_semaphore, #tpu.memory_space<semaphore_mem>>) src(%arg11 : memref<128x128xf32, #tpu.memory_space<vmem>>) dst(%dma_wait3A_148 : memref<10112x128xf32, #tpu.memory_space<vmem_shared>>)
          tpu.yield
        }) : () -> ()
        %dma_start3A_61 = arith.constant 3 : i32
        %dma_start3A_62 = arith.constant 0 : i32
        %dma_start3A_63 = tpu.memref_slice %arg9[%dma_start3A_61, %dma_start3A_62] : memref<8x128xi32, #tpu.memory_space<vmem>> -> memref<1x128xi32, #tpu.memory_space<vmem>>
        %dma_start3A_64 = tpu.memref_squeeze %dma_start3A_63 : memref<1x128xi32, #tpu.memory_space<vmem>> -> memref<128xi32, #tpu.memory_space<vmem>>
        %dma_start3A_65 = arith.constant 0 : i32
        %dma_start3A_66 = arith.constant 0 : i32
        %dma_start3A_67 = tpu.memref_slice %arg2[%dma_start3A_65, %dma_start3A_66] : memref<10000x128xf32, #tpu.memory_space<hbm>> -> memref<10000x128xf32, #tpu.memory_space<hbm>>
        tpu.enqueue_indirect_dma source(%dma_start3A_67 : memref<10000x128xf32, #tpu.memory_space<hbm>>) target(%arg12 : memref<128x128xf32, #tpu.memory_space<vmem>>) offsets(%dma_start3A_64 : memref<128xi32, #tpu.memory_space<vmem>>) semaphore(%arg15 : memref<!tpu.dma_semaphore, #tpu.memory_space<semaphore_mem>>)
        %dma_wait3A_68 = arith.constant 3 : i32
        %dma_wait3A_69 = arith.constant 0 : i32
        %dma_wait3A_70 = tpu.memref_slice %arg9[%dma_wait3A_68, %dma_wait3A_69] : memref<8x128xi32, #tpu.memory_space<vmem>> -> memref<1x128xi32, #tpu.memory_space<vmem>>
        %dma_wait3A_71 = tpu.memref_squeeze %dma_wait3A_70 : memref<1x128xi32, #tpu.memory_space<vmem>> -> memref<128xi32, #tpu.memory_space<vmem>>
        %dma_wait3A_72 = arith.constant 0 : i32
        %dma_wait3A_73 = arith.constant 0 : i32
        %dma_wait3A_74 = tpu.memref_slice %arg2[%dma_wait3A_72, %dma_wait3A_73] : memref<10000x128xf32, #tpu.memory_space<hbm>> -> memref<10000x128xf32, #tpu.memory_space<hbm>>
        tpu.wait_indirect_dma semaphore(%arg15 : memref<!tpu.dma_semaphore, #tpu.memory_space<semaphore_mem>>) src(%dma_wait3A_74 : memref<10000x128xf32, #tpu.memory_space<hbm>>) dst(%arg12 : memref<128x128xf32, #tpu.memory_space<vmem>>)
        %run_scoped3A_75 = arith.constant 3 : i32
        "tpu.region"() ({
          %run_scoped3A_136 = tpu.sem_alloc : memref<!tpu.dma_semaphore, #tpu.memory_space<semaphore_mem>>
          %dma_start3A_137 = arith.constant 0 : i32
          %dma_start3A_138 = tpu.memref_slice %arg10[%run_scoped3A_75, %dma_start3A_137] : memref<8x128xi32, #tpu.memory_space<vmem>> -> memref<1x128xi32, #tpu.memory_space<vmem>>
          %dma_start3A_139 = tpu.memref_squeeze %dma_start3A_138 : memref<1x128xi32, #tpu.memory_space<vmem>> -> memref<128xi32, #tpu.memory_space<vmem>>
          %dma_start3A_140 = arith.constant 0 : i32
          %dma_start3A_141 = arith.constant 0 : i32
          %dma_start3A_142 = tpu.memref_slice %arg13[%dma_start3A_140, %dma_start3A_141] : memref<10112x128xf32, #tpu.memory_space<vmem_shared>> -> memref<10112x128xf32, #tpu.memory_space<vmem_shared>>
          tpu.enqueue_indirect_dma source(%arg12 : memref<128x128xf32, #tpu.memory_space<vmem>>) target(%dma_start3A_142 : memref<10112x128xf32, #tpu.memory_space<vmem_shared>>) offsets(%dma_start3A_139 : memref<128xi32, #tpu.memory_space<vmem>>) semaphore(%run_scoped3A_136 : memref<!tpu.dma_semaphore, #tpu.memory_space<semaphore_mem>>) {add = true}
          %dma_wait3A_143 = arith.constant 0 : i32
          %dma_wait3A_144 = tpu.memref_slice %arg10[%run_scoped3A_75, %dma_wait3A_143] : memref<8x128xi32, #tpu.memory_space<vmem>> -> memref<1x128xi32, #tpu.memory_space<vmem>>
          %dma_wait3A_145 = tpu.memref_squeeze %dma_wait3A_144 : memref<1x128xi32, #tpu.memory_space<vmem>> -> memref<128xi32, #tpu.memory_space<vmem>>
          %dma_wait3A_146 = arith.constant 0 : i32
          %dma_wait3A_147 = arith.constant 0 : i32
          %dma_wait3A_148 = tpu.memref_slice %arg13[%dma_wait3A_146, %dma_wait3A_147] : memref<10112x128xf32, #tpu.memory_space<vmem_shared>> -> memref<10112x128xf32, #tpu.memory_space<vmem_shared>>
          tpu.wait_indirect_dma semaphore(%run_scoped3A_136 : memref<!tpu.dma_semaphore, #tpu.memory_space<semaphore_mem>>) src(%arg12 : memref<128x128xf32, #tpu.memory_space<vmem>>) dst(%dma_wait3A_148 : memref<10112x128xf32, #tpu.memory_space<vmem_shared>>)
          tpu.yield
        }) : () -> ()
        %dma_start3A_76 = arith.constant 4 : i32
        %dma_start3A_77 = arith.constant 0 : i32
        %dma_start3A_78 = tpu.memref_slice %arg9[%dma_start3A_76, %dma_start3A_77] : memref<8x128xi32, #tpu.memory_space<vmem>> -> memref<1x128xi32, #tpu.memory_space<vmem>>
        %dma_start3A_79 = tpu.memref_squeeze %dma_start3A_78 : memref<1x128xi32, #tpu.memory_space<vmem>> -> memref<128xi32, #tpu.memory_space<vmem>>
        %dma_start3A_80 = arith.constant 0 : i32
        %dma_start3A_81 = arith.constant 0 : i32
        %dma_start3A_82 = tpu.memref_slice %arg2[%dma_start3A_80, %dma_start3A_81] : memref<10000x128xf32, #tpu.memory_space<hbm>> -> memref<10000x128xf32, #tpu.memory_space<hbm>>
        tpu.enqueue_indirect_dma source(%dma_start3A_82 : memref<10000x128xf32, #tpu.memory_space<hbm>>) target(%arg11 : memref<128x128xf32, #tpu.memory_space<vmem>>) offsets(%dma_start3A_79 : memref<128xi32, #tpu.memory_space<vmem>>) semaphore(%arg14 : memref<!tpu.dma_semaphore, #tpu.memory_space<semaphore_mem>>)
        %dma_wait3A_83 = arith.constant 4 : i32
        %dma_wait3A_84 = arith.constant 0 : i32
        %dma_wait3A_85 = tpu.memref_slice %arg9[%dma_wait3A_83, %dma_wait3A_84] : memref<8x128xi32, #tpu.memory_space<vmem>> -> memref<1x128xi32, #tpu.memory_space<vmem>>
        %dma_wait3A_86 = tpu.memref_squeeze %dma_wait3A_85 : memref<1x128xi32, #tpu.memory_space<vmem>> -> memref<128xi32, #tpu.memory_space<vmem>>
        %dma_wait3A_87 = arith.constant 0 : i32
        %dma_wait3A_88 = arith.constant 0 : i32
        %dma_wait3A_89 = tpu.memref_slice %arg2[%dma_wait3A_87, %dma_wait3A_88] : memref<10000x128xf32, #tpu.memory_space<hbm>> -> memref<10000x128xf32, #tpu.memory_space<hbm>>
        tpu.wait_indirect_dma semaphore(%arg14 : memref<!tpu.dma_semaphore, #tpu.memory_space<semaphore_mem>>) src(%dma_wait3A_89 : memref<10000x128xf32, #tpu.memory_space<hbm>>) dst(%arg11 : memref<128x128xf32, #tpu.memory_space<vmem>>)
        %run_scoped3A_90 = arith.constant 4 : i32
        "tpu.region"() ({
          %run_scoped3A_136 = tpu.sem_alloc : memref<!tpu.dma_semaphore, #tpu.memory_space<semaphore_mem>>
          %dma_start3A_137 = arith.constant 0 : i32
          %dma_start3A_138 = tpu.memref_slice %arg10[%run_scoped3A_90, %dma_start3A_137] : memref<8x128xi32, #tpu.memory_space<vmem>> -> memref<1x128xi32, #tpu.memory_space<vmem>>
          %dma_start3A_139 = tpu.memref_squeeze %dma_start3A_138 : memref<1x128xi32, #tpu.memory_space<vmem>> -> memref<128xi32, #tpu.memory_space<vmem>>
          %dma_start3A_140 = arith.constant 0 : i32
          %dma_start3A_141 = arith.constant 0 : i32
          %dma_start3A_142 = tpu.memref_slice %arg13[%dma_start3A_140, %dma_start3A_141] : memref<10112x128xf32, #tpu.memory_space<vmem_shared>> -> memref<10112x128xf32, #tpu.memory_space<vmem_shared>>
          tpu.enqueue_indirect_dma source(%arg11 : memref<128x128xf32, #tpu.memory_space<vmem>>) target(%dma_start3A_142 : memref<10112x128xf32, #tpu.memory_space<vmem_shared>>) offsets(%dma_start3A_139 : memref<128xi32, #tpu.memory_space<vmem>>) semaphore(%run_scoped3A_136 : memref<!tpu.dma_semaphore, #tpu.memory_space<semaphore_mem>>) {add = true}
          %dma_wait3A_143 = arith.constant 0 : i32
          %dma_wait3A_144 = tpu.memref_slice %arg10[%run_scoped3A_90, %dma_wait3A_143] : memref<8x128xi32, #tpu.memory_space<vmem>> -> memref<1x128xi32, #tpu.memory_space<vmem>>
          %dma_wait3A_145 = tpu.memref_squeeze %dma_wait3A_144 : memref<1x128xi32, #tpu.memory_space<vmem>> -> memref<128xi32, #tpu.memory_space<vmem>>
          %dma_wait3A_146 = arith.constant 0 : i32
          %dma_wait3A_147 = arith.constant 0 : i32
          %dma_wait3A_148 = tpu.memref_slice %arg13[%dma_wait3A_146, %dma_wait3A_147] : memref<10112x128xf32, #tpu.memory_space<vmem_shared>> -> memref<10112x128xf32, #tpu.memory_space<vmem_shared>>
          tpu.wait_indirect_dma semaphore(%run_scoped3A_136 : memref<!tpu.dma_semaphore, #tpu.memory_space<semaphore_mem>>) src(%arg11 : memref<128x128xf32, #tpu.memory_space<vmem>>) dst(%dma_wait3A_148 : memref<10112x128xf32, #tpu.memory_space<vmem_shared>>)
          tpu.yield
        }) : () -> ()
        %dma_start3A_91 = arith.constant 5 : i32
        %dma_start3A_92 = arith.constant 0 : i32
        %dma_start3A_93 = tpu.memref_slice %arg9[%dma_start3A_91, %dma_start3A_92] : memref<8x128xi32, #tpu.memory_space<vmem>> -> memref<1x128xi32, #tpu.memory_space<vmem>>
        %dma_start3A_94 = tpu.memref_squeeze %dma_start3A_93 : memref<1x128xi32, #tpu.memory_space<vmem>> -> memref<128xi32, #tpu.memory_space<vmem>>
        %dma_start3A_95 = arith.constant 0 : i32
        %dma_start3A_96 = arith.constant 0 : i32
        %dma_start3A_97 = tpu.memref_slice %arg2[%dma_start3A_95, %dma_start3A_96] : memref<10000x128xf32, #tpu.memory_space<hbm>> -> memref<10000x128xf32, #tpu.memory_space<hbm>>
        tpu.enqueue_indirect_dma source(%dma_start3A_97 : memref<10000x128xf32, #tpu.memory_space<hbm>>) target(%arg12 : memref<128x128xf32, #tpu.memory_space<vmem>>) offsets(%dma_start3A_94 : memref<128xi32, #tpu.memory_space<vmem>>) semaphore(%arg15 : memref<!tpu.dma_semaphore, #tpu.memory_space<semaphore_mem>>)
        %dma_wait3A_98 = arith.constant 5 : i32
        %dma_wait3A_99 = arith.constant 0 : i32
        %dma_wait3A_100 = tpu.memref_slice %arg9[%dma_wait3A_98, %dma_wait3A_99] : memref<8x128xi32, #tpu.memory_space<vmem>> -> memref<1x128xi32, #tpu.memory_space<vmem>>
        %dma_wait3A_101 = tpu.memref_squeeze %dma_wait3A_100 : memref<1x128xi32, #tpu.memory_space<vmem>> -> memref<128xi32, #tpu.memory_space<vmem>>
        %dma_wait3A_102 = arith.constant 0 : i32
        %dma_wait3A_103 = arith.constant 0 : i32
        %dma_wait3A_104 = tpu.memref_slice %arg2[%dma_wait3A_102, %dma_wait3A_103] : memref<10000x128xf32, #tpu.memory_space<hbm>> -> memref<10000x128xf32, #tpu.memory_space<hbm>>
        tpu.wait_indirect_dma semaphore(%arg15 : memref<!tpu.dma_semaphore, #tpu.memory_space<semaphore_mem>>) src(%dma_wait3A_104 : memref<10000x128xf32, #tpu.memory_space<hbm>>) dst(%arg12 : memref<128x128xf32, #tpu.memory_space<vmem>>)
        %run_scoped3A_105 = arith.constant 5 : i32
        "tpu.region"() ({
          %run_scoped3A_136 = tpu.sem_alloc : memref<!tpu.dma_semaphore, #tpu.memory_space<semaphore_mem>>
          %dma_start3A_137 = arith.constant 0 : i32
          %dma_start3A_138 = tpu.memref_slice %arg10[%run_scoped3A_105, %dma_start3A_137] : memref<8x128xi32, #tpu.memory_space<vmem>> -> memref<1x128xi32, #tpu.memory_space<vmem>>
          %dma_start3A_139 = tpu.memref_squeeze %dma_start3A_138 : memref<1x128xi32, #tpu.memory_space<vmem>> -> memref<128xi32, #tpu.memory_space<vmem>>
          %dma_start3A_140 = arith.constant 0 : i32
          %dma_start3A_141 = arith.constant 0 : i32
          %dma_start3A_142 = tpu.memref_slice %arg13[%dma_start3A_140, %dma_start3A_141] : memref<10112x128xf32, #tpu.memory_space<vmem_shared>> -> memref<10112x128xf32, #tpu.memory_space<vmem_shared>>
          tpu.enqueue_indirect_dma source(%arg12 : memref<128x128xf32, #tpu.memory_space<vmem>>) target(%dma_start3A_142 : memref<10112x128xf32, #tpu.memory_space<vmem_shared>>) offsets(%dma_start3A_139 : memref<128xi32, #tpu.memory_space<vmem>>) semaphore(%run_scoped3A_136 : memref<!tpu.dma_semaphore, #tpu.memory_space<semaphore_mem>>) {add = true}
          %dma_wait3A_143 = arith.constant 0 : i32
          %dma_wait3A_144 = tpu.memref_slice %arg10[%run_scoped3A_105, %dma_wait3A_143] : memref<8x128xi32, #tpu.memory_space<vmem>> -> memref<1x128xi32, #tpu.memory_space<vmem>>
          %dma_wait3A_145 = tpu.memref_squeeze %dma_wait3A_144 : memref<1x128xi32, #tpu.memory_space<vmem>> -> memref<128xi32, #tpu.memory_space<vmem>>
          %dma_wait3A_146 = arith.constant 0 : i32
          %dma_wait3A_147 = arith.constant 0 : i32
          %dma_wait3A_148 = tpu.memref_slice %arg13[%dma_wait3A_146, %dma_wait3A_147] : memref<10112x128xf32, #tpu.memory_space<vmem_shared>> -> memref<10112x128xf32, #tpu.memory_space<vmem_shared>>
          tpu.wait_indirect_dma semaphore(%run_scoped3A_136 : memref<!tpu.dma_semaphore, #tpu.memory_space<semaphore_mem>>) src(%arg12 : memref<128x128xf32, #tpu.memory_space<vmem>>) dst(%dma_wait3A_148 : memref<10112x128xf32, #tpu.memory_space<vmem_shared>>)
          tpu.yield
        }) : () -> ()
        %dma_start3A_106 = arith.constant 6 : i32
        %dma_start3A_107 = arith.constant 0 : i32
        %dma_start3A_108 = tpu.memref_slice %arg9[%dma_start3A_106, %dma_start3A_107] : memref<8x128xi32, #tpu.memory_space<vmem>> -> memref<1x128xi32, #tpu.memory_space<vmem>>
        %dma_start3A_109 = tpu.memref_squeeze %dma_start3A_108 : memref<1x128xi32, #tpu.memory_space<vmem>> -> memref<128xi32, #tpu.memory_space<vmem>>
        %dma_start3A_110 = arith.constant 0 : i32
        %dma_start3A_111 = arith.constant 0 : i32
        %dma_start3A_112 = tpu.memref_slice %arg2[%dma_start3A_110, %dma_start3A_111] : memref<10000x128xf32, #tpu.memory_space<hbm>> -> memref<10000x128xf32, #tpu.memory_space<hbm>>
        tpu.enqueue_indirect_dma source(%dma_start3A_112 : memref<10000x128xf32, #tpu.memory_space<hbm>>) target(%arg11 : memref<128x128xf32, #tpu.memory_space<vmem>>) offsets(%dma_start3A_109 : memref<128xi32, #tpu.memory_space<vmem>>) semaphore(%arg14 : memref<!tpu.dma_semaphore, #tpu.memory_space<semaphore_mem>>)
        %dma_wait3A_113 = arith.constant 6 : i32
        %dma_wait3A_114 = arith.constant 0 : i32
        %dma_wait3A_115 = tpu.memref_slice %arg9[%dma_wait3A_113, %dma_wait3A_114] : memref<8x128xi32, #tpu.memory_space<vmem>> -> memref<1x128xi32, #tpu.memory_space<vmem>>
        %dma_wait3A_116 = tpu.memref_squeeze %dma_wait3A_115 : memref<1x128xi32, #tpu.memory_space<vmem>> -> memref<128xi32, #tpu.memory_space<vmem>>
        %dma_wait3A_117 = arith.constant 0 : i32
        %dma_wait3A_118 = arith.constant 0 : i32
        %dma_wait3A_119 = tpu.memref_slice %arg2[%dma_wait3A_117, %dma_wait3A_118] : memref<10000x128xf32, #tpu.memory_space<hbm>> -> memref<10000x128xf32, #tpu.memory_space<hbm>>
        tpu.wait_indirect_dma semaphore(%arg14 : memref<!tpu.dma_semaphore, #tpu.memory_space<semaphore_mem>>) src(%dma_wait3A_119 : memref<10000x128xf32, #tpu.memory_space<hbm>>) dst(%arg11 : memref<128x128xf32, #tpu.memory_space<vmem>>)
        %run_scoped3A_120 = arith.constant 6 : i32
        "tpu.region"() ({
          %run_scoped3A_136 = tpu.sem_alloc : memref<!tpu.dma_semaphore, #tpu.memory_space<semaphore_mem>>
          %dma_start3A_137 = arith.constant 0 : i32
          %dma_start3A_138 = tpu.memref_slice %arg10[%run_scoped3A_120, %dma_start3A_137] : memref<8x128xi32, #tpu.memory_space<vmem>> -> memref<1x128xi32, #tpu.memory_space<vmem>>
          %dma_start3A_139 = tpu.memref_squeeze %dma_start3A_138 : memref<1x128xi32, #tpu.memory_space<vmem>> -> memref<128xi32, #tpu.memory_space<vmem>>
          %dma_start3A_140 = arith.constant 0 : i32
          %dma_start3A_141 = arith.constant 0 : i32
          %dma_start3A_142 = tpu.memref_slice %arg13[%dma_start3A_140, %dma_start3A_141] : memref<10112x128xf32, #tpu.memory_space<vmem_shared>> -> memref<10112x128xf32, #tpu.memory_space<vmem_shared>>
          tpu.enqueue_indirect_dma source(%arg11 : memref<128x128xf32, #tpu.memory_space<vmem>>) target(%dma_start3A_142 : memref<10112x128xf32, #tpu.memory_space<vmem_shared>>) offsets(%dma_start3A_139 : memref<128xi32, #tpu.memory_space<vmem>>) semaphore(%run_scoped3A_136 : memref<!tpu.dma_semaphore, #tpu.memory_space<semaphore_mem>>) {add = true}
          %dma_wait3A_143 = arith.constant 0 : i32
          %dma_wait3A_144 = tpu.memref_slice %arg10[%run_scoped3A_120, %dma_wait3A_143] : memref<8x128xi32, #tpu.memory_space<vmem>> -> memref<1x128xi32, #tpu.memory_space<vmem>>
          %dma_wait3A_145 = tpu.memref_squeeze %dma_wait3A_144 : memref<1x128xi32, #tpu.memory_space<vmem>> -> memref<128xi32, #tpu.memory_space<vmem>>
          %dma_wait3A_146 = arith.constant 0 : i32
          %dma_wait3A_147 = arith.constant 0 : i32
          %dma_wait3A_148 = tpu.memref_slice %arg13[%dma_wait3A_146, %dma_wait3A_147] : memref<10112x128xf32, #tpu.memory_space<vmem_shared>> -> memref<10112x128xf32, #tpu.memory_space<vmem_shared>>
          tpu.wait_indirect_dma semaphore(%run_scoped3A_136 : memref<!tpu.dma_semaphore, #tpu.memory_space<semaphore_mem>>) src(%arg11 : memref<128x128xf32, #tpu.memory_space<vmem>>) dst(%dma_wait3A_148 : memref<10112x128xf32, #tpu.memory_space<vmem_shared>>)
          tpu.yield
        }) : () -> ()
        %dma_start3A_121 = arith.constant 7 : i32
        %dma_start3A_122 = arith.constant 0 : i32
        %dma_start3A_123 = tpu.memref_slice %arg9[%dma_start3A_121, %dma_start3A_122] : memref<8x128xi32, #tpu.memory_space<vmem>> -> memref<1x128xi32, #tpu.memory_space<vmem>>
        %dma_start3A_124 = tpu.memref_squeeze %dma_start3A_123 : memref<1x128xi32, #tpu.memory_space<vmem>> -> memref<128xi32, #tpu.memory_space<vmem>>
        %dma_start3A_125 = arith.constant 0 : i32
        %dma_start3A_126 = arith.constant 0 : i32
        %dma_start3A_127 = tpu.memref_slice %arg2[%dma_start3A_125, %dma_start3A_126] : memref<10000x128xf32, #tpu.memory_space<hbm>> -> memref<10000x128xf32, #tpu.memory_space<hbm>>
        tpu.enqueue_indirect_dma source(%dma_start3A_127 : memref<10000x128xf32, #tpu.memory_space<hbm>>) target(%arg12 : memref<128x128xf32, #tpu.memory_space<vmem>>) offsets(%dma_start3A_124 : memref<128xi32, #tpu.memory_space<vmem>>) semaphore(%arg15 : memref<!tpu.dma_semaphore, #tpu.memory_space<semaphore_mem>>)
        %dma_wait3A_128 = arith.constant 7 : i32
        %dma_wait3A_129 = arith.constant 0 : i32
        %dma_wait3A_130 = tpu.memref_slice %arg9[%dma_wait3A_128, %dma_wait3A_129] : memref<8x128xi32, #tpu.memory_space<vmem>> -> memref<1x128xi32, #tpu.memory_space<vmem>>
        %dma_wait3A_131 = tpu.memref_squeeze %dma_wait3A_130 : memref<1x128xi32, #tpu.memory_space<vmem>> -> memref<128xi32, #tpu.memory_space<vmem>>
        %dma_wait3A_132 = arith.constant 0 : i32
        %dma_wait3A_133 = arith.constant 0 : i32
        %dma_wait3A_134 = tpu.memref_slice %arg2[%dma_wait3A_132, %dma_wait3A_133] : memref<10000x128xf32, #tpu.memory_space<hbm>> -> memref<10000x128xf32, #tpu.memory_space<hbm>>
        tpu.wait_indirect_dma semaphore(%arg15 : memref<!tpu.dma_semaphore, #tpu.memory_space<semaphore_mem>>) src(%dma_wait3A_134 : memref<10000x128xf32, #tpu.memory_space<hbm>>) dst(%arg12 : memref<128x128xf32, #tpu.memory_space<vmem>>)
        %run_scoped3A_135 = arith.constant 7 : i32
        "tpu.region"() ({
          %run_scoped3A_136 = tpu.sem_alloc : memref<!tpu.dma_semaphore, #tpu.memory_space<semaphore_mem>>
          %dma_start3A_137 = arith.constant 0 : i32
          %dma_start3A_138 = tpu.memref_slice %arg10[%run_scoped3A_135, %dma_start3A_137] : memref<8x128xi32, #tpu.memory_space<vmem>> -> memref<1x128xi32, #tpu.memory_space<vmem>>
          %dma_start3A_139 = tpu.memref_squeeze %dma_start3A_138 : memref<1x128xi32, #tpu.memory_space<vmem>> -> memref<128xi32, #tpu.memory_space<vmem>>
          %dma_start3A_140 = arith.constant 0 : i32
          %dma_start3A_141 = arith.constant 0 : i32
          %dma_start3A_142 = tpu.memref_slice %arg13[%dma_start3A_140, %dma_start3A_141] : memref<10112x128xf32, #tpu.memory_space<vmem_shared>> -> memref<10112x128xf32, #tpu.memory_space<vmem_shared>>
          tpu.enqueue_indirect_dma source(%arg12 : memref<128x128xf32, #tpu.memory_space<vmem>>) target(%dma_start3A_142 : memref<10112x128xf32, #tpu.memory_space<vmem_shared>>) offsets(%dma_start3A_139 : memref<128xi32, #tpu.memory_space<vmem>>) semaphore(%run_scoped3A_136 : memref<!tpu.dma_semaphore, #tpu.memory_space<semaphore_mem>>) {add = true}
          %dma_wait3A_143 = arith.constant 0 : i32
          %dma_wait3A_144 = tpu.memref_slice %arg10[%run_scoped3A_135, %dma_wait3A_143] : memref<8x128xi32, #tpu.memory_space<vmem>> -> memref<1x128xi32, #tpu.memory_space<vmem>>
          %dma_wait3A_145 = tpu.memref_squeeze %dma_wait3A_144 : memref<1x128xi32, #tpu.memory_space<vmem>> -> memref<128xi32, #tpu.memory_space<vmem>>
          %dma_wait3A_146 = arith.constant 0 : i32
          %dma_wait3A_147 = arith.constant 0 : i32
          %dma_wait3A_148 = tpu.memref_slice %arg13[%dma_wait3A_146, %dma_wait3A_147] : memref<10112x128xf32, #tpu.memory_space<vmem_shared>> -> memref<10112x128xf32, #tpu.memory_space<vmem_shared>>
          tpu.wait_indirect_dma semaphore(%run_scoped3A_136 : memref<!tpu.dma_semaphore, #tpu.memory_space<semaphore_mem>>) src(%arg12 : memref<128x128xf32, #tpu.memory_space<vmem>>) dst(%dma_wait3A_148 : memref<10112x128xf32, #tpu.memory_space<vmem_shared>>)
          tpu.yield
        }) : () -> ()
      }
      %scan3A_17 = arith.constant 16 : i32
    } else {
    }
    %eq3A_3 = arith.constant 1 : i32
    %eq3A_4 = arith.cmpi eq, %arg0, %eq3A_3 : i32
    %convert_element_type3A_5 = arith.extui %eq3A_4 : i1 to i32
    %cond3A_6 = arith.constant 0 : i32
    %cond3A_7 = arith.cmpi ne, %convert_element_type3A_5, %cond3A_6 : i32
    scf.if %cond3A_7 {
      %scan3A = arith.constant 0 : i32
      %scan3A_13 = arith.constant 0 : i32
      %scan3A_14 = arith.constant 4 : i32
      %scan3A_15 = arith.addi %scan3A_13, %scan3A_14 : i32
      %scan3A_16 = arith.constant 1 : i32
      scf.for %scan3A_18 = %scan3A_13 to %scan3A_15 step %scan3A_16  : i32 {
        "tpu.region"() ({
          %run_scoped3A_136 = tpu.sem_alloc : memref<!tpu.dma_semaphore, #tpu.memory_space<semaphore_mem>>
          %dma_start3A_137 = arith.constant 0 : i32
          %dma_start3A_138 = arith.constant 0 : i32
          %dma_start3A_139 = tpu.memref_slice %arg5[%arg1, %scan3A_18, %dma_start3A_137, %dma_start3A_138] : memref<16x4x8x128xi32, #tpu.memory_space<hbm>> -> memref<1x1x8x128xi32, #tpu.memory_space<hbm>>
          %dma_start3A_140 = tpu.memref_squeeze %dma_start3A_139 : memref<1x1x8x128xi32, #tpu.memory_space<hbm>> -> memref<8x128xi32, #tpu.memory_space<hbm>>
          %dma_start3A_141 = arith.constant 0 : i32
          %dma_start3A_142 = arith.constant 0 : i32
          %dma_start3A_143 = tpu.memref_slice %arg5[%arg1, %scan3A_18, %dma_start3A_141, %dma_start3A_142] : memref<16x4x8x128xi32, #tpu.memory_space<hbm>> -> memref<1x1x8x128xi32, #tpu.memory_space<hbm>>
          %dma_start3A_144 = tpu.memref_squeeze %dma_start3A_143 : memref<1x1x8x128xi32, #tpu.memory_space<hbm>> -> memref<8x128xi32, #tpu.memory_space<hbm>>
          tpu.enqueue_dma source(%dma_start3A_144 : memref<8x128xi32, #tpu.memory_space<hbm>>) target(%arg9 : memref<8x128xi32, #tpu.memory_space<vmem>>) target_semaphore(%run_scoped3A_136 : memref<!tpu.dma_semaphore, #tpu.memory_space<semaphore_mem>>)
          %dma_wait3A_145 = arith.constant 0 : i32
          %dma_wait3A_146 = arith.constant 0 : i32
          %dma_wait3A_147 = tpu.memref_slice %arg5[%arg1, %scan3A_18, %dma_wait3A_145, %dma_wait3A_146] : memref<16x4x8x128xi32, #tpu.memory_space<hbm>> -> memref<1x1x8x128xi32, #tpu.memory_space<hbm>>
          %dma_wait3A_148 = tpu.memref_squeeze %dma_wait3A_147 : memref<1x1x8x128xi32, #tpu.memory_space<hbm>> -> memref<8x128xi32, #tpu.memory_space<hbm>>
          %dma_wait3A_149 = arith.constant 0 : i32
          %dma_wait3A_150 = arith.constant 0 : i32
          %dma_wait3A_151 = tpu.memref_slice %arg5[%arg1, %scan3A_18, %dma_wait3A_149, %dma_wait3A_150] : memref<16x4x8x128xi32, #tpu.memory_space<hbm>> -> memref<1x1x8x128xi32, #tpu.memory_space<hbm>>
          %dma_wait3A_152 = tpu.memref_squeeze %dma_wait3A_151 : memref<1x1x8x128xi32, #tpu.memory_space<hbm>> -> memref<8x128xi32, #tpu.memory_space<hbm>>
          tpu.wait_dma2 semaphore(%run_scoped3A_136 : memref<!tpu.dma_semaphore, #tpu.memory_space<semaphore_mem>>) src(%dma_wait3A_152 : memref<8x128xi32, #tpu.memory_space<hbm>>) dst(%arg9 : memref<8x128xi32, #tpu.memory_space<vmem>>)
          tpu.yield
        }) : () -> ()
        "tpu.region"() ({
          %run_scoped3A_136 = tpu.sem_alloc : memref<!tpu.dma_semaphore, #tpu.memory_space<semaphore_mem>>
          %dma_start3A_137 = arith.constant 0 : i32
          %dma_start3A_138 = arith.constant 0 : i32
          %dma_start3A_139 = tpu.memref_slice %arg6[%arg1, %scan3A_18, %dma_start3A_137, %dma_start3A_138] : memref<16x4x8x128xi32, #tpu.memory_space<hbm>> -> memref<1x1x8x128xi32, #tpu.memory_space<hbm>>
          %dma_start3A_140 = tpu.memref_squeeze %dma_start3A_139 : memref<1x1x8x128xi32, #tpu.memory_space<hbm>> -> memref<8x128xi32, #tpu.memory_space<hbm>>
          %dma_start3A_141 = arith.constant 0 : i32
          %dma_start3A_142 = arith.constant 0 : i32
          %dma_start3A_143 = tpu.memref_slice %arg6[%arg1, %scan3A_18, %dma_start3A_141, %dma_start3A_142] : memref<16x4x8x128xi32, #tpu.memory_space<hbm>> -> memref<1x1x8x128xi32, #tpu.memory_space<hbm>>
          %dma_start3A_144 = tpu.memref_squeeze %dma_start3A_143 : memref<1x1x8x128xi32, #tpu.memory_space<hbm>> -> memref<8x128xi32, #tpu.memory_space<hbm>>
          tpu.enqueue_dma source(%dma_start3A_144 : memref<8x128xi32, #tpu.memory_space<hbm>>) target(%arg10 : memref<8x128xi32, #tpu.memory_space<vmem>>) target_semaphore(%run_scoped3A_136 : memref<!tpu.dma_semaphore, #tpu.memory_space<semaphore_mem>>)
          %dma_wait3A_145 = arith.constant 0 : i32
          %dma_wait3A_146 = arith.constant 0 : i32
          %dma_wait3A_147 = tpu.memref_slice %arg6[%arg1, %scan3A_18, %dma_wait3A_145, %dma_wait3A_146] : memref<16x4x8x128xi32, #tpu.memory_space<hbm>> -> memref<1x1x8x128xi32, #tpu.memory_space<hbm>>
          %dma_wait3A_148 = tpu.memref_squeeze %dma_wait3A_147 : memref<1x1x8x128xi32, #tpu.memory_space<hbm>> -> memref<8x128xi32, #tpu.memory_space<hbm>>
          %dma_wait3A_149 = arith.constant 0 : i32
          %dma_wait3A_150 = arith.constant 0 : i32
          %dma_wait3A_151 = tpu.memref_slice %arg6[%arg1, %scan3A_18, %dma_wait3A_149, %dma_wait3A_150] : memref<16x4x8x128xi32, #tpu.memory_space<hbm>> -> memref<1x1x8x128xi32, #tpu.memory_space<hbm>>
          %dma_wait3A_152 = tpu.memref_squeeze %dma_wait3A_151 : memref<1x1x8x128xi32, #tpu.memory_space<hbm>> -> memref<8x128xi32, #tpu.memory_space<hbm>>
          tpu.wait_dma2 semaphore(%run_scoped3A_136 : memref<!tpu.dma_semaphore, #tpu.memory_space<semaphore_mem>>) src(%dma_wait3A_152 : memref<8x128xi32, #tpu.memory_space<hbm>>) dst(%arg10 : memref<8x128xi32, #tpu.memory_space<vmem>>)
          tpu.yield
        }) : () -> ()
        %dma_start3A = arith.constant 0 : i32
        %dma_start3A_19 = arith.constant 0 : i32
        %dma_start3A_20 = tpu.memref_slice %arg9[%dma_start3A, %dma_start3A_19] : memref<8x128xi32, #tpu.memory_space<vmem>> -> memref<1x128xi32, #tpu.memory_space<vmem>>
        %dma_start3A_21 = tpu.memref_squeeze %dma_start3A_20 : memref<1x128xi32, #tpu.memory_space<vmem>> -> memref<128xi32, #tpu.memory_space<vmem>>
        %dma_start3A_22 = arith.constant 0 : i32
        %dma_start3A_23 = arith.constant 0 : i32
        %dma_start3A_24 = tpu.memref_slice %arg2[%dma_start3A_22, %dma_start3A_23] : memref<10000x128xf32, #tpu.memory_space<hbm>> -> memref<10000x128xf32, #tpu.memory_space<hbm>>
        tpu.enqueue_indirect_dma source(%dma_start3A_24 : memref<10000x128xf32, #tpu.memory_space<hbm>>) target(%arg11 : memref<128x128xf32, #tpu.memory_space<vmem>>) offsets(%dma_start3A_21 : memref<128xi32, #tpu.memory_space<vmem>>) semaphore(%arg14 : memref<!tpu.dma_semaphore, #tpu.memory_space<semaphore_mem>>)
        %dma_wait3A = arith.constant 0 : i32
        %dma_wait3A_25 = arith.constant 0 : i32
        %dma_wait3A_26 = tpu.memref_slice %arg9[%dma_wait3A, %dma_wait3A_25] : memref<8x128xi32, #tpu.memory_space<vmem>> -> memref<1x128xi32, #tpu.memory_space<vmem>>
        %dma_wait3A_27 = tpu.memref_squeeze %dma_wait3A_26 : memref<1x128xi32, #tpu.memory_space<vmem>> -> memref<128xi32, #tpu.memory_space<vmem>>
        %dma_wait3A_28 = arith.constant 0 : i32
        %dma_wait3A_29 = arith.constant 0 : i32
        %dma_wait3A_30 = tpu.memref_slice %arg2[%dma_wait3A_28, %dma_wait3A_29] : memref<10000x128xf32, #tpu.memory_space<hbm>> -> memref<10000x128xf32, #tpu.memory_space<hbm>>
        tpu.wait_indirect_dma semaphore(%arg14 : memref<!tpu.dma_semaphore, #tpu.memory_space<semaphore_mem>>) src(%dma_wait3A_30 : memref<10000x128xf32, #tpu.memory_space<hbm>>) dst(%arg11 : memref<128x128xf32, #tpu.memory_space<vmem>>)
        %run_scoped3A = arith.constant 0 : i32
        "tpu.region"() ({
          %run_scoped3A_136 = tpu.sem_alloc : memref<!tpu.dma_semaphore, #tpu.memory_space<semaphore_mem>>
          %dma_start3A_137 = arith.constant 0 : i32
          %dma_start3A_138 = tpu.memref_slice %arg10[%run_scoped3A, %dma_start3A_137] : memref<8x128xi32, #tpu.memory_space<vmem>> -> memref<1x128xi32, #tpu.memory_space<vmem>>
          %dma_start3A_139 = tpu.memref_squeeze %dma_start3A_138 : memref<1x128xi32, #tpu.memory_space<vmem>> -> memref<128xi32, #tpu.memory_space<vmem>>
          %dma_start3A_140 = arith.constant 0 : i32
          %dma_start3A_141 = arith.constant 0 : i32
          %dma_start3A_142 = tpu.memref_slice %arg13[%dma_start3A_140, %dma_start3A_141] : memref<10112x128xf32, #tpu.memory_space<vmem_shared>> -> memref<10112x128xf32, #tpu.memory_space<vmem_shared>>
          tpu.enqueue_indirect_dma source(%arg11 : memref<128x128xf32, #tpu.memory_space<vmem>>) target(%dma_start3A_142 : memref<10112x128xf32, #tpu.memory_space<vmem_shared>>) offsets(%dma_start3A_139 : memref<128xi32, #tpu.memory_space<vmem>>) semaphore(%run_scoped3A_136 : memref<!tpu.dma_semaphore, #tpu.memory_space<semaphore_mem>>) {add = true}
          %dma_wait3A_143 = arith.constant 0 : i32
          %dma_wait3A_144 = tpu.memref_slice %arg10[%run_scoped3A, %dma_wait3A_143] : memref<8x128xi32, #tpu.memory_space<vmem>> -> memref<1x128xi32, #tpu.memory_space<vmem>>
          %dma_wait3A_145 = tpu.memref_squeeze %dma_wait3A_144 : memref<1x128xi32, #tpu.memory_space<vmem>> -> memref<128xi32, #tpu.memory_space<vmem>>
          %dma_wait3A_146 = arith.constant 0 : i32
          %dma_wait3A_147 = arith.constant 0 : i32
          %dma_wait3A_148 = tpu.memref_slice %arg13[%dma_wait3A_146, %dma_wait3A_147] : memref<10112x128xf32, #tpu.memory_space<vmem_shared>> -> memref<10112x128xf32, #tpu.memory_space<vmem_shared>>
          tpu.wait_indirect_dma semaphore(%run_scoped3A_136 : memref<!tpu.dma_semaphore, #tpu.memory_space<semaphore_mem>>) src(%arg11 : memref<128x128xf32, #tpu.memory_space<vmem>>) dst(%dma_wait3A_148 : memref<10112x128xf32, #tpu.memory_space<vmem_shared>>)
          tpu.yield
        }) : () -> ()
        %dma_start3A_31 = arith.constant 1 : i32
        %dma_start3A_32 = arith.constant 0 : i32
        %dma_start3A_33 = tpu.memref_slice %arg9[%dma_start3A_31, %dma_start3A_32] : memref<8x128xi32, #tpu.memory_space<vmem>> -> memref<1x128xi32, #tpu.memory_space<vmem>>
        %dma_start3A_34 = tpu.memref_squeeze %dma_start3A_33 : memref<1x128xi32, #tpu.memory_space<vmem>> -> memref<128xi32, #tpu.memory_space<vmem>>
        %dma_start3A_35 = arith.constant 0 : i32
        %dma_start3A_36 = arith.constant 0 : i32
        %dma_start3A_37 = tpu.memref_slice %arg2[%dma_start3A_35, %dma_start3A_36] : memref<10000x128xf32, #tpu.memory_space<hbm>> -> memref<10000x128xf32, #tpu.memory_space<hbm>>
        tpu.enqueue_indirect_dma source(%dma_start3A_37 : memref<10000x128xf32, #tpu.memory_space<hbm>>) target(%arg12 : memref<128x128xf32, #tpu.memory_space<vmem>>) offsets(%dma_start3A_34 : memref<128xi32, #tpu.memory_space<vmem>>) semaphore(%arg15 : memref<!tpu.dma_semaphore, #tpu.memory_space<semaphore_mem>>)
        %dma_wait3A_38 = arith.constant 1 : i32
        %dma_wait3A_39 = arith.constant 0 : i32
        %dma_wait3A_40 = tpu.memref_slice %arg9[%dma_wait3A_38, %dma_wait3A_39] : memref<8x128xi32, #tpu.memory_space<vmem>> -> memref<1x128xi32, #tpu.memory_space<vmem>>
        %dma_wait3A_41 = tpu.memref_squeeze %dma_wait3A_40 : memref<1x128xi32, #tpu.memory_space<vmem>> -> memref<128xi32, #tpu.memory_space<vmem>>
        %dma_wait3A_42 = arith.constant 0 : i32
        %dma_wait3A_43 = arith.constant 0 : i32
        %dma_wait3A_44 = tpu.memref_slice %arg2[%dma_wait3A_42, %dma_wait3A_43] : memref<10000x128xf32, #tpu.memory_space<hbm>> -> memref<10000x128xf32, #tpu.memory_space<hbm>>
        tpu.wait_indirect_dma semaphore(%arg15 : memref<!tpu.dma_semaphore, #tpu.memory_space<semaphore_mem>>) src(%dma_wait3A_44 : memref<10000x128xf32, #tpu.memory_space<hbm>>) dst(%arg12 : memref<128x128xf32, #tpu.memory_space<vmem>>)
        %run_scoped3A_45 = arith.constant 1 : i32
        "tpu.region"() ({
          %run_scoped3A_136 = tpu.sem_alloc : memref<!tpu.dma_semaphore, #tpu.memory_space<semaphore_mem>>
          %dma_start3A_137 = arith.constant 0 : i32
          %dma_start3A_138 = tpu.memref_slice %arg10[%run_scoped3A_45, %dma_start3A_137] : memref<8x128xi32, #tpu.memory_space<vmem>> -> memref<1x128xi32, #tpu.memory_space<vmem>>
          %dma_start3A_139 = tpu.memref_squeeze %dma_start3A_138 : memref<1x128xi32, #tpu.memory_space<vmem>> -> memref<128xi32, #tpu.memory_space<vmem>>
          %dma_start3A_140 = arith.constant 0 : i32
          %dma_start3A_141 = arith.constant 0 : i32
          %dma_start3A_142 = tpu.memref_slice %arg13[%dma_start3A_140, %dma_start3A_141] : memref<10112x128xf32, #tpu.memory_space<vmem_shared>> -> memref<10112x128xf32, #tpu.memory_space<vmem_shared>>
          tpu.enqueue_indirect_dma source(%arg12 : memref<128x128xf32, #tpu.memory_space<vmem>>) target(%dma_start3A_142 : memref<10112x128xf32, #tpu.memory_space<vmem_shared>>) offsets(%dma_start3A_139 : memref<128xi32, #tpu.memory_space<vmem>>) semaphore(%run_scoped3A_136 : memref<!tpu.dma_semaphore, #tpu.memory_space<semaphore_mem>>) {add = true}
          %dma_wait3A_143 = arith.constant 0 : i32
          %dma_wait3A_144 = tpu.memref_slice %arg10[%run_scoped3A_45, %dma_wait3A_143] : memref<8x128xi32, #tpu.memory_space<vmem>> -> memref<1x128xi32, #tpu.memory_space<vmem>>
          %dma_wait3A_145 = tpu.memref_squeeze %dma_wait3A_144 : memref<1x128xi32, #tpu.memory_space<vmem>> -> memref<128xi32, #tpu.memory_space<vmem>>
          %dma_wait3A_146 = arith.constant 0 : i32
          %dma_wait3A_147 = arith.constant 0 : i32
          %dma_wait3A_148 = tpu.memref_slice %arg13[%dma_wait3A_146, %dma_wait3A_147] : memref<10112x128xf32, #tpu.memory_space<vmem_shared>> -> memref<10112x128xf32, #tpu.memory_space<vmem_shared>>
          tpu.wait_indirect_dma semaphore(%run_scoped3A_136 : memref<!tpu.dma_semaphore, #tpu.memory_space<semaphore_mem>>) src(%arg12 : memref<128x128xf32, #tpu.memory_space<vmem>>) dst(%dma_wait3A_148 : memref<10112x128xf32, #tpu.memory_space<vmem_shared>>)
          tpu.yield
        }) : () -> ()
        %dma_start3A_46 = arith.constant 2 : i32
        %dma_start3A_47 = arith.constant 0 : i32
        %dma_start3A_48 = tpu.memref_slice %arg9[%dma_start3A_46, %dma_start3A_47] : memref<8x128xi32, #tpu.memory_space<vmem>> -> memref<1x128xi32, #tpu.memory_space<vmem>>
        %dma_start3A_49 = tpu.memref_squeeze %dma_start3A_48 : memref<1x128xi32, #tpu.memory_space<vmem>> -> memref<128xi32, #tpu.memory_space<vmem>>
        %dma_start3A_50 = arith.constant 0 : i32
        %dma_start3A_51 = arith.constant 0 : i32
        %dma_start3A_52 = tpu.memref_slice %arg2[%dma_start3A_50, %dma_start3A_51] : memref<10000x128xf32, #tpu.memory_space<hbm>> -> memref<10000x128xf32, #tpu.memory_space<hbm>>
        tpu.enqueue_indirect_dma source(%dma_start3A_52 : memref<10000x128xf32, #tpu.memory_space<hbm>>) target(%arg11 : memref<128x128xf32, #tpu.memory_space<vmem>>) offsets(%dma_start3A_49 : memref<128xi32, #tpu.memory_space<vmem>>) semaphore(%arg14 : memref<!tpu.dma_semaphore, #tpu.memory_space<semaphore_mem>>)
        %dma_wait3A_53 = arith.constant 2 : i32
        %dma_wait3A_54 = arith.constant 0 : i32
        %dma_wait3A_55 = tpu.memref_slice %arg9[%dma_wait3A_53, %dma_wait3A_54] : memref<8x128xi32, #tpu.memory_space<vmem>> -> memref<1x128xi32, #tpu.memory_space<vmem>>
        %dma_wait3A_56 = tpu.memref_squeeze %dma_wait3A_55 : memref<1x128xi32, #tpu.memory_space<vmem>> -> memref<128xi32, #tpu.memory_space<vmem>>
        %dma_wait3A_57 = arith.constant 0 : i32
        %dma_wait3A_58 = arith.constant 0 : i32
        %dma_wait3A_59 = tpu.memref_slice %arg2[%dma_wait3A_57, %dma_wait3A_58] : memref<10000x128xf32, #tpu.memory_space<hbm>> -> memref<10000x128xf32, #tpu.memory_space<hbm>>
        tpu.wait_indirect_dma semaphore(%arg14 : memref<!tpu.dma_semaphore, #tpu.memory_space<semaphore_mem>>) src(%dma_wait3A_59 : memref<10000x128xf32, #tpu.memory_space<hbm>>) dst(%arg11 : memref<128x128xf32, #tpu.memory_space<vmem>>)
        %run_scoped3A_60 = arith.constant 2 : i32
        "tpu.region"() ({
          %run_scoped3A_136 = tpu.sem_alloc : memref<!tpu.dma_semaphore, #tpu.memory_space<semaphore_mem>>
          %dma_start3A_137 = arith.constant 0 : i32
          %dma_start3A_138 = tpu.memref_slice %arg10[%run_scoped3A_60, %dma_start3A_137] : memref<8x128xi32, #tpu.memory_space<vmem>> -> memref<1x128xi32, #tpu.memory_space<vmem>>
          %dma_start3A_139 = tpu.memref_squeeze %dma_start3A_138 : memref<1x128xi32, #tpu.memory_space<vmem>> -> memref<128xi32, #tpu.memory_space<vmem>>
          %dma_start3A_140 = arith.constant 0 : i32
          %dma_start3A_141 = arith.constant 0 : i32
          %dma_start3A_142 = tpu.memref_slice %arg13[%dma_start3A_140, %dma_start3A_141] : memref<10112x128xf32, #tpu.memory_space<vmem_shared>> -> memref<10112x128xf32, #tpu.memory_space<vmem_shared>>
          tpu.enqueue_indirect_dma source(%arg11 : memref<128x128xf32, #tpu.memory_space<vmem>>) target(%dma_start3A_142 : memref<10112x128xf32, #tpu.memory_space<vmem_shared>>) offsets(%dma_start3A_139 : memref<128xi32, #tpu.memory_space<vmem>>) semaphore(%run_scoped3A_136 : memref<!tpu.dma_semaphore, #tpu.memory_space<semaphore_mem>>) {add = true}
          %dma_wait3A_143 = arith.constant 0 : i32
          %dma_wait3A_144 = tpu.memref_slice %arg10[%run_scoped3A_60, %dma_wait3A_143] : memref<8x128xi32, #tpu.memory_space<vmem>> -> memref<1x128xi32, #tpu.memory_space<vmem>>
          %dma_wait3A_145 = tpu.memref_squeeze %dma_wait3A_144 : memref<1x128xi32, #tpu.memory_space<vmem>> -> memref<128xi32, #tpu.memory_space<vmem>>
          %dma_wait3A_146 = arith.constant 0 : i32
          %dma_wait3A_147 = arith.constant 0 : i32
          %dma_wait3A_148 = tpu.memref_slice %arg13[%dma_wait3A_146, %dma_wait3A_147] : memref<10112x128xf32, #tpu.memory_space<vmem_shared>> -> memref<10112x128xf32, #tpu.memory_space<vmem_shared>>
          tpu.wait_indirect_dma semaphore(%run_scoped3A_136 : memref<!tpu.dma_semaphore, #tpu.memory_space<semaphore_mem>>) src(%arg11 : memref<128x128xf32, #tpu.memory_space<vmem>>) dst(%dma_wait3A_148 : memref<10112x128xf32, #tpu.memory_space<vmem_shared>>)
          tpu.yield
        }) : () -> ()
        %dma_start3A_61 = arith.constant 3 : i32
        %dma_start3A_62 = arith.constant 0 : i32
        %dma_start3A_63 = tpu.memref_slice %arg9[%dma_start3A_61, %dma_start3A_62] : memref<8x128xi32, #tpu.memory_space<vmem>> -> memref<1x128xi32, #tpu.memory_space<vmem>>
        %dma_start3A_64 = tpu.memref_squeeze %dma_start3A_63 : memref<1x128xi32, #tpu.memory_space<vmem>> -> memref<128xi32, #tpu.memory_space<vmem>>
        %dma_start3A_65 = arith.constant 0 : i32
        %dma_start3A_66 = arith.constant 0 : i32
        %dma_start3A_67 = tpu.memref_slice %arg2[%dma_start3A_65, %dma_start3A_66] : memref<10000x128xf32, #tpu.memory_space<hbm>> -> memref<10000x128xf32, #tpu.memory_space<hbm>>
        tpu.enqueue_indirect_dma source(%dma_start3A_67 : memref<10000x128xf32, #tpu.memory_space<hbm>>) target(%arg12 : memref<128x128xf32, #tpu.memory_space<vmem>>) offsets(%dma_start3A_64 : memref<128xi32, #tpu.memory_space<vmem>>) semaphore(%arg15 : memref<!tpu.dma_semaphore, #tpu.memory_space<semaphore_mem>>)
        %dma_wait3A_68 = arith.constant 3 : i32
        %dma_wait3A_69 = arith.constant 0 : i32
        %dma_wait3A_70 = tpu.memref_slice %arg9[%dma_wait3A_68, %dma_wait3A_69] : memref<8x128xi32, #tpu.memory_space<vmem>> -> memref<1x128xi32, #tpu.memory_space<vmem>>
        %dma_wait3A_71 = tpu.memref_squeeze %dma_wait3A_70 : memref<1x128xi32, #tpu.memory_space<vmem>> -> memref<128xi32, #tpu.memory_space<vmem>>
        %dma_wait3A_72 = arith.constant 0 : i32
        %dma_wait3A_73 = arith.constant 0 : i32
        %dma_wait3A_74 = tpu.memref_slice %arg2[%dma_wait3A_72, %dma_wait3A_73] : memref<10000x128xf32, #tpu.memory_space<hbm>> -> memref<10000x128xf32, #tpu.memory_space<hbm>>
        tpu.wait_indirect_dma semaphore(%arg15 : memref<!tpu.dma_semaphore, #tpu.memory_space<semaphore_mem>>) src(%dma_wait3A_74 : memref<10000x128xf32, #tpu.memory_space<hbm>>) dst(%arg12 : memref<128x128xf32, #tpu.memory_space<vmem>>)
        %run_scoped3A_75 = arith.constant 3 : i32
        "tpu.region"() ({
          %run_scoped3A_136 = tpu.sem_alloc : memref<!tpu.dma_semaphore, #tpu.memory_space<semaphore_mem>>
          %dma_start3A_137 = arith.constant 0 : i32
          %dma_start3A_138 = tpu.memref_slice %arg10[%run_scoped3A_75, %dma_start3A_137] : memref<8x128xi32, #tpu.memory_space<vmem>> -> memref<1x128xi32, #tpu.memory_space<vmem>>
          %dma_start3A_139 = tpu.memref_squeeze %dma_start3A_138 : memref<1x128xi32, #tpu.memory_space<vmem>> -> memref<128xi32, #tpu.memory_space<vmem>>
          %dma_start3A_140 = arith.constant 0 : i32
          %dma_start3A_141 = arith.constant 0 : i32
          %dma_start3A_142 = tpu.memref_slice %arg13[%dma_start3A_140, %dma_start3A_141] : memref<10112x128xf32, #tpu.memory_space<vmem_shared>> -> memref<10112x128xf32, #tpu.memory_space<vmem_shared>>
          tpu.enqueue_indirect_dma source(%arg12 : memref<128x128xf32, #tpu.memory_space<vmem>>) target(%dma_start3A_142 : memref<10112x128xf32, #tpu.memory_space<vmem_shared>>) offsets(%dma_start3A_139 : memref<128xi32, #tpu.memory_space<vmem>>) semaphore(%run_scoped3A_136 : memref<!tpu.dma_semaphore, #tpu.memory_space<semaphore_mem>>) {add = true}
          %dma_wait3A_143 = arith.constant 0 : i32
          %dma_wait3A_144 = tpu.memref_slice %arg10[%run_scoped3A_75, %dma_wait3A_143] : memref<8x128xi32, #tpu.memory_space<vmem>> -> memref<1x128xi32, #tpu.memory_space<vmem>>
          %dma_wait3A_145 = tpu.memref_squeeze %dma_wait3A_144 : memref<1x128xi32, #tpu.memory_space<vmem>> -> memref<128xi32, #tpu.memory_space<vmem>>
          %dma_wait3A_146 = arith.constant 0 : i32
          %dma_wait3A_147 = arith.constant 0 : i32
          %dma_wait3A_148 = tpu.memref_slice %arg13[%dma_wait3A_146, %dma_wait3A_147] : memref<10112x128xf32, #tpu.memory_space<vmem_shared>> -> memref<10112x128xf32, #tpu.memory_space<vmem_shared>>
          tpu.wait_indirect_dma semaphore(%run_scoped3A_136 : memref<!tpu.dma_semaphore, #tpu.memory_space<semaphore_mem>>) src(%arg12 : memref<128x128xf32, #tpu.memory_space<vmem>>) dst(%dma_wait3A_148 : memref<10112x128xf32, #tpu.memory_space<vmem_shared>>)
          tpu.yield
        }) : () -> ()
        %dma_start3A_76 = arith.constant 4 : i32
        %dma_start3A_77 = arith.constant 0 : i32
        %dma_start3A_78 = tpu.memref_slice %arg9[%dma_start3A_76, %dma_start3A_77] : memref<8x128xi32, #tpu.memory_space<vmem>> -> memref<1x128xi32, #tpu.memory_space<vmem>>
        %dma_start3A_79 = tpu.memref_squeeze %dma_start3A_78 : memref<1x128xi32, #tpu.memory_space<vmem>> -> memref<128xi32, #tpu.memory_space<vmem>>
        %dma_start3A_80 = arith.constant 0 : i32
        %dma_start3A_81 = arith.constant 0 : i32
        %dma_start3A_82 = tpu.memref_slice %arg2[%dma_start3A_80, %dma_start3A_81] : memref<10000x128xf32, #tpu.memory_space<hbm>> -> memref<10000x128xf32, #tpu.memory_space<hbm>>
        tpu.enqueue_indirect_dma source(%dma_start3A_82 : memref<10000x128xf32, #tpu.memory_space<hbm>>) target(%arg11 : memref<128x128xf32, #tpu.memory_space<vmem>>) offsets(%dma_start3A_79 : memref<128xi32, #tpu.memory_space<vmem>>) semaphore(%arg14 : memref<!tpu.dma_semaphore, #tpu.memory_space<semaphore_mem>>)
        %dma_wait3A_83 = arith.constant 4 : i32
        %dma_wait3A_84 = arith.constant 0 : i32
        %dma_wait3A_85 = tpu.memref_slice %arg9[%dma_wait3A_83, %dma_wait3A_84] : memref<8x128xi32, #tpu.memory_space<vmem>> -> memref<1x128xi32, #tpu.memory_space<vmem>>
        %dma_wait3A_86 = tpu.memref_squeeze %dma_wait3A_85 : memref<1x128xi32, #tpu.memory_space<vmem>> -> memref<128xi32, #tpu.memory_space<vmem>>
        %dma_wait3A_87 = arith.constant 0 : i32
        %dma_wait3A_88 = arith.constant 0 : i32
        %dma_wait3A_89 = tpu.memref_slice %arg2[%dma_wait3A_87, %dma_wait3A_88] : memref<10000x128xf32, #tpu.memory_space<hbm>> -> memref<10000x128xf32, #tpu.memory_space<hbm>>
        tpu.wait_indirect_dma semaphore(%arg14 : memref<!tpu.dma_semaphore, #tpu.memory_space<semaphore_mem>>) src(%dma_wait3A_89 : memref<10000x128xf32, #tpu.memory_space<hbm>>) dst(%arg11 : memref<128x128xf32, #tpu.memory_space<vmem>>)
        %run_scoped3A_90 = arith.constant 4 : i32
        "tpu.region"() ({
          %run_scoped3A_136 = tpu.sem_alloc : memref<!tpu.dma_semaphore, #tpu.memory_space<semaphore_mem>>
          %dma_start3A_137 = arith.constant 0 : i32
          %dma_start3A_138 = tpu.memref_slice %arg10[%run_scoped3A_90, %dma_start3A_137] : memref<8x128xi32, #tpu.memory_space<vmem>> -> memref<1x128xi32, #tpu.memory_space<vmem>>
          %dma_start3A_139 = tpu.memref_squeeze %dma_start3A_138 : memref<1x128xi32, #tpu.memory_space<vmem>> -> memref<128xi32, #tpu.memory_space<vmem>>
          %dma_start3A_140 = arith.constant 0 : i32
          %dma_start3A_141 = arith.constant 0 : i32
          %dma_start3A_142 = tpu.memref_slice %arg13[%dma_start3A_140, %dma_start3A_141] : memref<10112x128xf32, #tpu.memory_space<vmem_shared>> -> memref<10112x128xf32, #tpu.memory_space<vmem_shared>>
          tpu.enqueue_indirect_dma source(%arg11 : memref<128x128xf32, #tpu.memory_space<vmem>>) target(%dma_start3A_142 : memref<10112x128xf32, #tpu.memory_space<vmem_shared>>) offsets(%dma_start3A_139 : memref<128xi32, #tpu.memory_space<vmem>>) semaphore(%run_scoped3A_136 : memref<!tpu.dma_semaphore, #tpu.memory_space<semaphore_mem>>) {add = true}
          %dma_wait3A_143 = arith.constant 0 : i32
          %dma_wait3A_144 = tpu.memref_slice %arg10[%run_scoped3A_90, %dma_wait3A_143] : memref<8x128xi32, #tpu.memory_space<vmem>> -> memref<1x128xi32, #tpu.memory_space<vmem>>
          %dma_wait3A_145 = tpu.memref_squeeze %dma_wait3A_144 : memref<1x128xi32, #tpu.memory_space<vmem>> -> memref<128xi32, #tpu.memory_space<vmem>>
          %dma_wait3A_146 = arith.constant 0 : i32
          %dma_wait3A_147 = arith.constant 0 : i32
          %dma_wait3A_148 = tpu.memref_slice %arg13[%dma_wait3A_146, %dma_wait3A_147] : memref<10112x128xf32, #tpu.memory_space<vmem_shared>> -> memref<10112x128xf32, #tpu.memory_space<vmem_shared>>
          tpu.wait_indirect_dma semaphore(%run_scoped3A_136 : memref<!tpu.dma_semaphore, #tpu.memory_space<semaphore_mem>>) src(%arg11 : memref<128x128xf32, #tpu.memory_space<vmem>>) dst(%dma_wait3A_148 : memref<10112x128xf32, #tpu.memory_space<vmem_shared>>)
          tpu.yield
        }) : () -> ()
        %dma_start3A_91 = arith.constant 5 : i32
        %dma_start3A_92 = arith.constant 0 : i32
        %dma_start3A_93 = tpu.memref_slice %arg9[%dma_start3A_91, %dma_start3A_92] : memref<8x128xi32, #tpu.memory_space<vmem>> -> memref<1x128xi32, #tpu.memory_space<vmem>>
        %dma_start3A_94 = tpu.memref_squeeze %dma_start3A_93 : memref<1x128xi32, #tpu.memory_space<vmem>> -> memref<128xi32, #tpu.memory_space<vmem>>
        %dma_start3A_95 = arith.constant 0 : i32
        %dma_start3A_96 = arith.constant 0 : i32
        %dma_start3A_97 = tpu.memref_slice %arg2[%dma_start3A_95, %dma_start3A_96] : memref<10000x128xf32, #tpu.memory_space<hbm>> -> memref<10000x128xf32, #tpu.memory_space<hbm>>
        tpu.enqueue_indirect_dma source(%dma_start3A_97 : memref<10000x128xf32, #tpu.memory_space<hbm>>) target(%arg12 : memref<128x128xf32, #tpu.memory_space<vmem>>) offsets(%dma_start3A_94 : memref<128xi32, #tpu.memory_space<vmem>>) semaphore(%arg15 : memref<!tpu.dma_semaphore, #tpu.memory_space<semaphore_mem>>)
        %dma_wait3A_98 = arith.constant 5 : i32
        %dma_wait3A_99 = arith.constant 0 : i32
        %dma_wait3A_100 = tpu.memref_slice %arg9[%dma_wait3A_98, %dma_wait3A_99] : memref<8x128xi32, #tpu.memory_space<vmem>> -> memref<1x128xi32, #tpu.memory_space<vmem>>
        %dma_wait3A_101 = tpu.memref_squeeze %dma_wait3A_100 : memref<1x128xi32, #tpu.memory_space<vmem>> -> memref<128xi32, #tpu.memory_space<vmem>>
        %dma_wait3A_102 = arith.constant 0 : i32
        %dma_wait3A_103 = arith.constant 0 : i32
        %dma_wait3A_104 = tpu.memref_slice %arg2[%dma_wait3A_102, %dma_wait3A_103] : memref<10000x128xf32, #tpu.memory_space<hbm>> -> memref<10000x128xf32, #tpu.memory_space<hbm>>
        tpu.wait_indirect_dma semaphore(%arg15 : memref<!tpu.dma_semaphore, #tpu.memory_space<semaphore_mem>>) src(%dma_wait3A_104 : memref<10000x128xf32, #tpu.memory_space<hbm>>) dst(%arg12 : memref<128x128xf32, #tpu.memory_space<vmem>>)
        %run_scoped3A_105 = arith.constant 5 : i32
        "tpu.region"() ({
          %run_scoped3A_136 = tpu.sem_alloc : memref<!tpu.dma_semaphore, #tpu.memory_space<semaphore_mem>>
          %dma_start3A_137 = arith.constant 0 : i32
          %dma_start3A_138 = tpu.memref_slice %arg10[%run_scoped3A_105, %dma_start3A_137] : memref<8x128xi32, #tpu.memory_space<vmem>> -> memref<1x128xi32, #tpu.memory_space<vmem>>
          %dma_start3A_139 = tpu.memref_squeeze %dma_start3A_138 : memref<1x128xi32, #tpu.memory_space<vmem>> -> memref<128xi32, #tpu.memory_space<vmem>>
          %dma_start3A_140 = arith.constant 0 : i32
          %dma_start3A_141 = arith.constant 0 : i32
          %dma_start3A_142 = tpu.memref_slice %arg13[%dma_start3A_140, %dma_start3A_141] : memref<10112x128xf32, #tpu.memory_space<vmem_shared>> -> memref<10112x128xf32, #tpu.memory_space<vmem_shared>>
          tpu.enqueue_indirect_dma source(%arg12 : memref<128x128xf32, #tpu.memory_space<vmem>>) target(%dma_start3A_142 : memref<10112x128xf32, #tpu.memory_space<vmem_shared>>) offsets(%dma_start3A_139 : memref<128xi32, #tpu.memory_space<vmem>>) semaphore(%run_scoped3A_136 : memref<!tpu.dma_semaphore, #tpu.memory_space<semaphore_mem>>) {add = true}
          %dma_wait3A_143 = arith.constant 0 : i32
          %dma_wait3A_144 = tpu.memref_slice %arg10[%run_scoped3A_105, %dma_wait3A_143] : memref<8x128xi32, #tpu.memory_space<vmem>> -> memref<1x128xi32, #tpu.memory_space<vmem>>
          %dma_wait3A_145 = tpu.memref_squeeze %dma_wait3A_144 : memref<1x128xi32, #tpu.memory_space<vmem>> -> memref<128xi32, #tpu.memory_space<vmem>>
          %dma_wait3A_146 = arith.constant 0 : i32
          %dma_wait3A_147 = arith.constant 0 : i32
          %dma_wait3A_148 = tpu.memref_slice %arg13[%dma_wait3A_146, %dma_wait3A_147] : memref<10112x128xf32, #tpu.memory_space<vmem_shared>> -> memref<10112x128xf32, #tpu.memory_space<vmem_shared>>
          tpu.wait_indirect_dma semaphore(%run_scoped3A_136 : memref<!tpu.dma_semaphore, #tpu.memory_space<semaphore_mem>>) src(%arg12 : memref<128x128xf32, #tpu.memory_space<vmem>>) dst(%dma_wait3A_148 : memref<10112x128xf32, #tpu.memory_space<vmem_shared>>)
          tpu.yield
        }) : () -> ()
        %dma_start3A_106 = arith.constant 6 : i32
        %dma_start3A_107 = arith.constant 0 : i32
        %dma_start3A_108 = tpu.memref_slice %arg9[%dma_start3A_106, %dma_start3A_107] : memref<8x128xi32, #tpu.memory_space<vmem>> -> memref<1x128xi32, #tpu.memory_space<vmem>>
        %dma_start3A_109 = tpu.memref_squeeze %dma_start3A_108 : memref<1x128xi32, #tpu.memory_space<vmem>> -> memref<128xi32, #tpu.memory_space<vmem>>
        %dma_start3A_110 = arith.constant 0 : i32
        %dma_start3A_111 = arith.constant 0 : i32
        %dma_start3A_112 = tpu.memref_slice %arg2[%dma_start3A_110, %dma_start3A_111] : memref<10000x128xf32, #tpu.memory_space<hbm>> -> memref<10000x128xf32, #tpu.memory_space<hbm>>
        tpu.enqueue_indirect_dma source(%dma_start3A_112 : memref<10000x128xf32, #tpu.memory_space<hbm>>) target(%arg11 : memref<128x128xf32, #tpu.memory_space<vmem>>) offsets(%dma_start3A_109 : memref<128xi32, #tpu.memory_space<vmem>>) semaphore(%arg14 : memref<!tpu.dma_semaphore, #tpu.memory_space<semaphore_mem>>)
        %dma_wait3A_113 = arith.constant 6 : i32
        %dma_wait3A_114 = arith.constant 0 : i32
        %dma_wait3A_115 = tpu.memref_slice %arg9[%dma_wait3A_113, %dma_wait3A_114] : memref<8x128xi32, #tpu.memory_space<vmem>> -> memref<1x128xi32, #tpu.memory_space<vmem>>
        %dma_wait3A_116 = tpu.memref_squeeze %dma_wait3A_115 : memref<1x128xi32, #tpu.memory_space<vmem>> -> memref<128xi32, #tpu.memory_space<vmem>>
        %dma_wait3A_117 = arith.constant 0 : i32
        %dma_wait3A_118 = arith.constant 0 : i32
        %dma_wait3A_119 = tpu.memref_slice %arg2[%dma_wait3A_117, %dma_wait3A_118] : memref<10000x128xf32, #tpu.memory_space<hbm>> -> memref<10000x128xf32, #tpu.memory_space<hbm>>
        tpu.wait_indirect_dma semaphore(%arg14 : memref<!tpu.dma_semaphore, #tpu.memory_space<semaphore_mem>>) src(%dma_wait3A_119 : memref<10000x128xf32, #tpu.memory_space<hbm>>) dst(%arg11 : memref<128x128xf32, #tpu.memory_space<vmem>>)
        %run_scoped3A_120 = arith.constant 6 : i32
        "tpu.region"() ({
          %run_scoped3A_136 = tpu.sem_alloc : memref<!tpu.dma_semaphore, #tpu.memory_space<semaphore_mem>>
          %dma_start3A_137 = arith.constant 0 : i32
          %dma_start3A_138 = tpu.memref_slice %arg10[%run_scoped3A_120, %dma_start3A_137] : memref<8x128xi32, #tpu.memory_space<vmem>> -> memref<1x128xi32, #tpu.memory_space<vmem>>
          %dma_start3A_139 = tpu.memref_squeeze %dma_start3A_138 : memref<1x128xi32, #tpu.memory_space<vmem>> -> memref<128xi32, #tpu.memory_space<vmem>>
          %dma_start3A_140 = arith.constant 0 : i32
          %dma_start3A_141 = arith.constant 0 : i32
          %dma_start3A_142 = tpu.memref_slice %arg13[%dma_start3A_140, %dma_start3A_141] : memref<10112x128xf32, #tpu.memory_space<vmem_shared>> -> memref<10112x128xf32, #tpu.memory_space<vmem_shared>>
          tpu.enqueue_indirect_dma source(%arg11 : memref<128x128xf32, #tpu.memory_space<vmem>>) target(%dma_start3A_142 : memref<10112x128xf32, #tpu.memory_space<vmem_shared>>) offsets(%dma_start3A_139 : memref<128xi32, #tpu.memory_space<vmem>>) semaphore(%run_scoped3A_136 : memref<!tpu.dma_semaphore, #tpu.memory_space<semaphore_mem>>) {add = true}
          %dma_wait3A_143 = arith.constant 0 : i32
          %dma_wait3A_144 = tpu.memref_slice %arg10[%run_scoped3A_120, %dma_wait3A_143] : memref<8x128xi32, #tpu.memory_space<vmem>> -> memref<1x128xi32, #tpu.memory_space<vmem>>
          %dma_wait3A_145 = tpu.memref_squeeze %dma_wait3A_144 : memref<1x128xi32, #tpu.memory_space<vmem>> -> memref<128xi32, #tpu.memory_space<vmem>>
          %dma_wait3A_146 = arith.constant 0 : i32
          %dma_wait3A_147 = arith.constant 0 : i32
          %dma_wait3A_148 = tpu.memref_slice %arg13[%dma_wait3A_146, %dma_wait3A_147] : memref<10112x128xf32, #tpu.memory_space<vmem_shared>> -> memref<10112x128xf32, #tpu.memory_space<vmem_shared>>
          tpu.wait_indirect_dma semaphore(%run_scoped3A_136 : memref<!tpu.dma_semaphore, #tpu.memory_space<semaphore_mem>>) src(%arg11 : memref<128x128xf32, #tpu.memory_space<vmem>>) dst(%dma_wait3A_148 : memref<10112x128xf32, #tpu.memory_space<vmem_shared>>)
          tpu.yield
        }) : () -> ()
        %dma_start3A_121 = arith.constant 7 : i32
        %dma_start3A_122 = arith.constant 0 : i32
        %dma_start3A_123 = tpu.memref_slice %arg9[%dma_start3A_121, %dma_start3A_122] : memref<8x128xi32, #tpu.memory_space<vmem>> -> memref<1x128xi32, #tpu.memory_space<vmem>>
        %dma_start3A_124 = tpu.memref_squeeze %dma_start3A_123 : memref<1x128xi32, #tpu.memory_space<vmem>> -> memref<128xi32, #tpu.memory_space<vmem>>
        %dma_start3A_125 = arith.constant 0 : i32
        %dma_start3A_126 = arith.constant 0 : i32
        %dma_start3A_127 = tpu.memref_slice %arg2[%dma_start3A_125, %dma_start3A_126] : memref<10000x128xf32, #tpu.memory_space<hbm>> -> memref<10000x128xf32, #tpu.memory_space<hbm>>
        tpu.enqueue_indirect_dma source(%dma_start3A_127 : memref<10000x128xf32, #tpu.memory_space<hbm>>) target(%arg12 : memref<128x128xf32, #tpu.memory_space<vmem>>) offsets(%dma_start3A_124 : memref<128xi32, #tpu.memory_space<vmem>>) semaphore(%arg15 : memref<!tpu.dma_semaphore, #tpu.memory_space<semaphore_mem>>)
        %dma_wait3A_128 = arith.constant 7 : i32
        %dma_wait3A_129 = arith.constant 0 : i32
        %dma_wait3A_130 = tpu.memref_slice %arg9[%dma_wait3A_128, %dma_wait3A_129] : memref<8x128xi32, #tpu.memory_space<vmem>> -> memref<1x128xi32, #tpu.memory_space<vmem>>
        %dma_wait3A_131 = tpu.memref_squeeze %dma_wait3A_130 : memref<1x128xi32, #tpu.memory_space<vmem>> -> memref<128xi32, #tpu.memory_space<vmem>>
        %dma_wait3A_132 = arith.constant 0 : i32
        %dma_wait3A_133 = arith.constant 0 : i32
        %dma_wait3A_134 = tpu.memref_slice %arg2[%dma_wait3A_132, %dma_wait3A_133] : memref<10000x128xf32, #tpu.memory_space<hbm>> -> memref<10000x128xf32, #tpu.memory_space<hbm>>
        tpu.wait_indirect_dma semaphore(%arg15 : memref<!tpu.dma_semaphore, #tpu.memory_space<semaphore_mem>>) src(%dma_wait3A_134 : memref<10000x128xf32, #tpu.memory_space<hbm>>) dst(%arg12 : memref<128x128xf32, #tpu.memory_space<vmem>>)
        %run_scoped3A_135 = arith.constant 7 : i32
        "tpu.region"() ({
          %run_scoped3A_136 = tpu.sem_alloc : memref<!tpu.dma_semaphore, #tpu.memory_space<semaphore_mem>>
          %dma_start3A_137 = arith.constant 0 : i32
          %dma_start3A_138 = tpu.memref_slice %arg10[%run_scoped3A_135, %dma_start3A_137] : memref<8x128xi32, #tpu.memory_space<vmem>> -> memref<1x128xi32, #tpu.memory_space<vmem>>
          %dma_start3A_139 = tpu.memref_squeeze %dma_start3A_138 : memref<1x128xi32, #tpu.memory_space<vmem>> -> memref<128xi32, #tpu.memory_space<vmem>>
          %dma_start3A_140 = arith.constant 0 : i32
          %dma_start3A_141 = arith.constant 0 : i32
          %dma_start3A_142 = tpu.memref_slice %arg13[%dma_start3A_140, %dma_start3A_141] : memref<10112x128xf32, #tpu.memory_space<vmem_shared>> -> memref<10112x128xf32, #tpu.memory_space<vmem_shared>>
          tpu.enqueue_indirect_dma source(%arg12 : memref<128x128xf32, #tpu.memory_space<vmem>>) target(%dma_start3A_142 : memref<10112x128xf32, #tpu.memory_space<vmem_shared>>) offsets(%dma_start3A_139 : memref<128xi32, #tpu.memory_space<vmem>>) semaphore(%run_scoped3A_136 : memref<!tpu.dma_semaphore, #tpu.memory_space<semaphore_mem>>) {add = true}
          %dma_wait3A_143 = arith.constant 0 : i32
          %dma_wait3A_144 = tpu.memref_slice %arg10[%run_scoped3A_135, %dma_wait3A_143] : memref<8x128xi32, #tpu.memory_space<vmem>> -> memref<1x128xi32, #tpu.memory_space<vmem>>
          %dma_wait3A_145 = tpu.memref_squeeze %dma_wait3A_144 : memref<1x128xi32, #tpu.memory_space<vmem>> -> memref<128xi32, #tpu.memory_space<vmem>>
          %dma_wait3A_146 = arith.constant 0 : i32
          %dma_wait3A_147 = arith.constant 0 : i32
          %dma_wait3A_148 = tpu.memref_slice %arg13[%dma_wait3A_146, %dma_wait3A_147] : memref<10112x128xf32, #tpu.memory_space<vmem_shared>> -> memref<10112x128xf32, #tpu.memory_space<vmem_shared>>
          tpu.wait_indirect_dma semaphore(%run_scoped3A_136 : memref<!tpu.dma_semaphore, #tpu.memory_space<semaphore_mem>>) src(%arg12 : memref<128x128xf32, #tpu.memory_space<vmem>>) dst(%dma_wait3A_148 : memref<10112x128xf32, #tpu.memory_space<vmem_shared>>)
          tpu.yield
        }) : () -> ()
      }
      %scan3A_17 = arith.constant 4 : i32
    } else {
    }
    %barrier3A_8 = arith.constant 0 : index
    tpu.barrier barrier_id(%barrier3A_8)
    %mul3A_9 = arith.constant 632 : i32
    %mul3A_10 = arith.muli %arg1, %mul3A_9 : i32
    %mul3A_11 = arith.constant 632 : i32
    %mul3A_12 = arith.muli %arg1, %mul3A_11 : i32
    "tpu.region"() ({
      %run_scoped3A = tpu.sem_alloc : memref<!tpu.dma_semaphore, #tpu.memory_space<semaphore_mem>>
      %dma_start3A = arith.constant 0 : i32
      %dma_start3A_13 = tpu.memref_slice %arg8[%arg0, %mul3A_12, %dma_start3A] : memref<2x10112x128xf32, #tpu.memory_space<hbm>> -> memref<1x632x128xf32, #tpu.memory_space<hbm>>
      %dma_start3A_14 = tpu.memref_squeeze %dma_start3A_13 : memref<1x632x128xf32, #tpu.memory_space<hbm>> -> memref<632x128xf32, #tpu.memory_space<hbm>>
      %dma_start3A_15 = arith.constant 0 : i32
      %dma_start3A_16 = tpu.memref_slice %arg13[%mul3A_10, %dma_start3A_15] : memref<10112x128xf32, #tpu.memory_space<vmem_shared>> -> memref<632x128xf32, #tpu.memory_space<vmem_shared>>
      tpu.enqueue_dma source(%dma_start3A_16 : memref<632x128xf32, #tpu.memory_space<vmem_shared>>) target(%dma_start3A_14 : memref<632x128xf32, #tpu.memory_space<hbm>>) target_semaphore(%run_scoped3A : memref<!tpu.dma_semaphore, #tpu.memory_space<semaphore_mem>>)
      %dma_wait3A = arith.constant 0 : i32
      %dma_wait3A_17 = tpu.memref_slice %arg8[%arg0, %mul3A_12, %dma_wait3A] : memref<2x10112x128xf32, #tpu.memory_space<hbm>> -> memref<1x632x128xf32, #tpu.memory_space<hbm>>
      %dma_wait3A_18 = tpu.memref_squeeze %dma_wait3A_17 : memref<1x632x128xf32, #tpu.memory_space<hbm>> -> memref<632x128xf32, #tpu.memory_space<hbm>>
      %dma_wait3A_19 = arith.constant 0 : i32
      %dma_wait3A_20 = tpu.memref_slice %arg13[%mul3A_10, %dma_wait3A_19] : memref<10112x128xf32, #tpu.memory_space<vmem_shared>> -> memref<632x128xf32, #tpu.memory_space<vmem_shared>>
      tpu.wait_dma2 semaphore(%run_scoped3A : memref<!tpu.dma_semaphore, #tpu.memory_space<semaphore_mem>>) src(%dma_wait3A_20 : memref<632x128xf32, #tpu.memory_space<vmem_shared>>) dst(%dma_wait3A_18 : memref<632x128xf32, #tpu.memory_space<hbm>>)
      tpu.yield
    }) : () -> ()
    return
  }
}

#map = affine_map<(d0, d1) -> (0, 0)>
#map1 = affine_map<(d0, d1) -> (0, 0, 0, 0)>
#map2 = affine_map<(d0, d1) -> (0, 0, 0)>
module attributes {stable_mosaic.version = 14 : i64} {
  func.func @agg_kernel(%arg0: i32, %arg1: i32, %arg2: memref<10000x128xf32, #tpu.memory_space<hbm>>, %arg3: memref<16x16x8x128xi32, #tpu.memory_space<hbm>>, %arg4: memref<16x16x8x128xi32, #tpu.memory_space<hbm>>, %arg5: memref<16x4x8x128xi32, #tpu.memory_space<hbm>>, %arg6: memref<16x4x8x128xi32, #tpu.memory_space<hbm>>, %arg7: memref<632x128xf32, #tpu.memory_space<hbm>>, %arg8: memref<2x10112x128xf32, #tpu.memory_space<hbm>>, %arg9: memref<8x128xi32, #tpu.memory_space<vmem>>, %arg10: memref<8x128xi32, #tpu.memory_space<vmem>>, %arg11: memref<128x128xf32, #tpu.memory_space<vmem>>, %arg12: memref<128x128xf32, #tpu.memory_space<vmem>>, %arg13: memref<10112x128xf32, #tpu.memory_space<vmem_shared>>, %arg14: memref<!tpu.dma_semaphore, #tpu.memory_space<semaphore_mem>>, %arg15: memref<!tpu.dma_semaphore, #tpu.memory_space<semaphore_mem>>) attributes {dimension_semantics = [#tpu.dimension_semantics<core_parallel>, #tpu.dimension_semantics<subcore_parallel>], iteration_bounds = array<i64: 2, 16>, scalar_prefetch = 0 : i64, scratch_operands = 7 : i64, tpu.core_type = #tpu.core_type<sc_vector_subcore>, window_params = [{transform_indices = #map}, {transform_indices = #map1}, {transform_indices = #map1}, {transform_indices = #map1}, {transform_indices = #map1}, {transform_indices = #map}, {transform_indices = #map2}]} {
    %mul3A = arith.constant 632 : i32
    %mul3A_0 = arith.muli %arg1, %mul3A : i32
    "tpu.region"() ({
      %run_scoped3A = tpu.sem_alloc : memref<!tpu.dma_semaphore, #tpu.memory_space<semaphore_mem>>
      %dma_start3A = arith.constant 0 : i32
      %dma_start3A_13 = tpu.memref_slice %arg13[%mul3A_0, %dma_start3A] : memref<10112x128xf32, #tpu.memory_space<vmem_shared>> -> memref<632x128xf32, #tpu.memory_space<vmem_shared>>
      tpu.enqueue_dma source(%arg7 : memref<632x128xf32, #tpu.memory_space<hbm>>) target(%dma_start3A_13 : memref<632x128xf32, #tpu.memory_space<vmem_shared>>) target_semaphore(%run_scoped3A : memref<!tpu.dma_semaphore, #tpu.memory_space<semaphore_mem>>)
      %dma_wait3A = arith.constant 0 : i32
      %dma_wait3A_14 = tpu.memref_slice %arg13[%mul3A_0, %dma_wait3A] : memref<10112x128xf32, #tpu.memory_space<vmem_shared>> -> memref<632x128xf32, #tpu.memory_space<vmem_shared>>
      tpu.wait_dma2 semaphore(%run_scoped3A : memref<!tpu.dma_semaphore, #tpu.memory_space<semaphore_mem>>) src(%arg7 : memref<632x128xf32, #tpu.memory_space<hbm>>) dst(%dma_wait3A_14 : memref<632x128xf32, #tpu.memory_space<vmem_shared>>)
      tpu.yield
    }) : () -> ()
    %barrier3A = arith.constant 0 : index
    tpu.barrier barrier_id(%barrier3A)
    %eq3A = arith.constant 0 : i32
    %eq3A_1 = arith.cmpi eq, %arg0, %eq3A : i32
    %convert_element_type3A = arith.extui %eq3A_1 : i1 to i32
    %cond3A = arith.constant 0 : i32
    %cond3A_2 = arith.cmpi ne, %convert_element_type3A, %cond3A : i32
    scf.if %cond3A_2 {
      %scan3A = arith.constant 0 : i32
      %scan3A_13 = arith.constant 0 : i32
      %scan3A_14 = arith.constant 16 : i32
      %scan3A_15 = arith.addi %scan3A_13, %scan3A_14 : i32
      %scan3A_16 = arith.constant 1 : i32
      scf.for %scan3A_18 = %scan3A_13 to %scan3A_15 step %scan3A_16  : i32 {
        "tpu.region"() ({
          %run_scoped3A_136 = tpu.sem_alloc : memref<!tpu.dma_semaphore, #tpu.memory_space<semaphore_mem>>
          %dma_start3A_137 = arith.constant 0 : i32
          %dma_start3A_138 = arith.constant 0 : i32
          %dma_start3A_139 = tpu.memref_slice %arg3[%arg1, %scan3A_18, %dma_start3A_137, %dma_start3A_138] : memref<16x16x8x128xi32, #tpu.memory_space<hbm>> -> memref<1x1x8x128xi32, #tpu.memory_space<hbm>>
          %dma_start3A_140 = tpu.memref_squeeze %dma_start3A_139 : memref<1x1x8x128xi32, #tpu.memory_space<hbm>> -> memref<8x128xi32, #tpu.memory_space<hbm>>
          %dma_start3A_141 = arith.constant 0 : i32
          %dma_start3A_142 = arith.constant 0 : i32
          %dma_start3A_143 = tpu.memref_slice %arg3[%arg1, %scan3A_18, %dma_start3A_141, %dma_start3A_142] : memref<16x16x8x128xi32, #tpu.memory_space<hbm>> -> memref<1x1x8x128xi32, #tpu.memory_space<hbm>>
          %dma_start3A_144 = tpu.memref_squeeze %dma_start3A_143 : memref<1x1x8x128xi32, #tpu.memory_space<hbm>> -> memref<8x128xi32, #tpu.memory_space<hbm>>
          tpu.enqueue_dma source(%dma_start3A_144 : memref<8x128xi32, #tpu.memory_space<hbm>>) target(%arg9 : memref<8x128xi32, #tpu.memory_space<vmem>>) target_semaphore(%run_scoped3A_136 : memref<!tpu.dma_semaphore, #tpu.memory_space<semaphore_mem>>)
          %dma_wait3A_145 = arith.constant 0 : i32
          %dma_wait3A_146 = arith.constant 0 : i32
          %dma_wait3A_147 = tpu.memref_slice %arg3[%arg1, %scan3A_18, %dma_wait3A_145, %dma_wait3A_146] : memref<16x16x8x128xi32, #tpu.memory_space<hbm>> -> memref<1x1x8x128xi32, #tpu.memory_space<hbm>>
          %dma_wait3A_148 = tpu.memref_squeeze %dma_wait3A_147 : memref<1x1x8x128xi32, #tpu.memory_space<hbm>> -> memref<8x128xi32, #tpu.memory_space<hbm>>
          %dma_wait3A_149 = arith.constant 0 : i32
          %dma_wait3A_150 = arith.constant 0 : i32
          %dma_wait3A_151 = tpu.memref_slice %arg3[%arg1, %scan3A_18, %dma_wait3A_149, %dma_wait3A_150] : memref<16x16x8x128xi32, #tpu.memory_space<hbm>> -> memref<1x1x8x128xi32, #tpu.memory_space<hbm>>
          %dma_wait3A_152 = tpu.memref_squeeze %dma_wait3A_151 : memref<1x1x8x128xi32, #tpu.memory_space<hbm>> -> memref<8x128xi32, #tpu.memory_space<hbm>>
          tpu.wait_dma2 semaphore(%run_scoped3A_136 : memref<!tpu.dma_semaphore, #tpu.memory_space<semaphore_mem>>) src(%dma_wait3A_152 : memref<8x128xi32, #tpu.memory_space<hbm>>) dst(%arg9 : memref<8x128xi32, #tpu.memory_space<vmem>>)
          tpu.yield
        }) : () -> ()
        "tpu.region"() ({
          %run_scoped3A_136 = tpu.sem_alloc : memref<!tpu.dma_semaphore, #tpu.memory_space<semaphore_mem>>
          %dma_start3A_137 = arith.constant 0 : i32
          %dma_start3A_138 = arith.constant 0 : i32
          %dma_start3A_139 = tpu.memref_slice %arg4[%arg1, %scan3A_18, %dma_start3A_137, %dma_start3A_138] : memref<16x16x8x128xi32, #tpu.memory_space<hbm>> -> memref<1x1x8x128xi32, #tpu.memory_space<hbm>>
          %dma_start3A_140 = tpu.memref_squeeze %dma_start3A_139 : memref<1x1x8x128xi32, #tpu.memory_space<hbm>> -> memref<8x128xi32, #tpu.memory_space<hbm>>
          %dma_start3A_141 = arith.constant 0 : i32
          %dma_start3A_142 = arith.constant 0 : i32
          %dma_start3A_143 = tpu.memref_slice %arg4[%arg1, %scan3A_18, %dma_start3A_141, %dma_start3A_142] : memref<16x16x8x128xi32, #tpu.memory_space<hbm>> -> memref<1x1x8x128xi32, #tpu.memory_space<hbm>>
          %dma_start3A_144 = tpu.memref_squeeze %dma_start3A_143 : memref<1x1x8x128xi32, #tpu.memory_space<hbm>> -> memref<8x128xi32, #tpu.memory_space<hbm>>
          tpu.enqueue_dma source(%dma_start3A_144 : memref<8x128xi32, #tpu.memory_space<hbm>>) target(%arg10 : memref<8x128xi32, #tpu.memory_space<vmem>>) target_semaphore(%run_scoped3A_136 : memref<!tpu.dma_semaphore, #tpu.memory_space<semaphore_mem>>)
          %dma_wait3A_145 = arith.constant 0 : i32
          %dma_wait3A_146 = arith.constant 0 : i32
          %dma_wait3A_147 = tpu.memref_slice %arg4[%arg1, %scan3A_18, %dma_wait3A_145, %dma_wait3A_146] : memref<16x16x8x128xi32, #tpu.memory_space<hbm>> -> memref<1x1x8x128xi32, #tpu.memory_space<hbm>>
          %dma_wait3A_148 = tpu.memref_squeeze %dma_wait3A_147 : memref<1x1x8x128xi32, #tpu.memory_space<hbm>> -> memref<8x128xi32, #tpu.memory_space<hbm>>
          %dma_wait3A_149 = arith.constant 0 : i32
          %dma_wait3A_150 = arith.constant 0 : i32
          %dma_wait3A_151 = tpu.memref_slice %arg4[%arg1, %scan3A_18, %dma_wait3A_149, %dma_wait3A_150] : memref<16x16x8x128xi32, #tpu.memory_space<hbm>> -> memref<1x1x8x128xi32, #tpu.memory_space<hbm>>
          %dma_wait3A_152 = tpu.memref_squeeze %dma_wait3A_151 : memref<1x1x8x128xi32, #tpu.memory_space<hbm>> -> memref<8x128xi32, #tpu.memory_space<hbm>>
          tpu.wait_dma2 semaphore(%run_scoped3A_136 : memref<!tpu.dma_semaphore, #tpu.memory_space<semaphore_mem>>) src(%dma_wait3A_152 : memref<8x128xi32, #tpu.memory_space<hbm>>) dst(%arg10 : memref<8x128xi32, #tpu.memory_space<vmem>>)
          tpu.yield
        }) : () -> ()
        %dma_start3A = arith.constant 0 : i32
        %dma_start3A_19 = arith.constant 0 : i32
        %dma_start3A_20 = tpu.memref_slice %arg9[%dma_start3A, %dma_start3A_19] : memref<8x128xi32, #tpu.memory_space<vmem>> -> memref<1x128xi32, #tpu.memory_space<vmem>>
        %dma_start3A_21 = tpu.memref_squeeze %dma_start3A_20 : memref<1x128xi32, #tpu.memory_space<vmem>> -> memref<128xi32, #tpu.memory_space<vmem>>
        %dma_start3A_22 = arith.constant 0 : i32
        %dma_start3A_23 = arith.constant 0 : i32
        %dma_start3A_24 = tpu.memref_slice %arg2[%dma_start3A_22, %dma_start3A_23] : memref<10000x128xf32, #tpu.memory_space<hbm>> -> memref<10000x128xf32, #tpu.memory_space<hbm>>
        tpu.enqueue_indirect_dma source(%dma_start3A_24 : memref<10000x128xf32, #tpu.memory_space<hbm>>) target(%arg11 : memref<128x128xf32, #tpu.memory_space<vmem>>) offsets(%dma_start3A_21 : memref<128xi32, #tpu.memory_space<vmem>>) semaphore(%arg14 : memref<!tpu.dma_semaphore, #tpu.memory_space<semaphore_mem>>)
        %dma_wait3A = arith.constant 0 : i32
        %dma_wait3A_25 = arith.constant 0 : i32
        %dma_wait3A_26 = tpu.memref_slice %arg9[%dma_wait3A, %dma_wait3A_25] : memref<8x128xi32, #tpu.memory_space<vmem>> -> memref<1x128xi32, #tpu.memory_space<vmem>>
        %dma_wait3A_27 = tpu.memref_squeeze %dma_wait3A_26 : memref<1x128xi32, #tpu.memory_space<vmem>> -> memref<128xi32, #tpu.memory_space<vmem>>
        %dma_wait3A_28 = arith.constant 0 : i32
        %dma_wait3A_29 = arith.constant 0 : i32
        %dma_wait3A_30 = tpu.memref_slice %arg2[%dma_wait3A_28, %dma_wait3A_29] : memref<10000x128xf32, #tpu.memory_space<hbm>> -> memref<10000x128xf32, #tpu.memory_space<hbm>>
        tpu.wait_indirect_dma semaphore(%arg14 : memref<!tpu.dma_semaphore, #tpu.memory_space<semaphore_mem>>) src(%dma_wait3A_30 : memref<10000x128xf32, #tpu.memory_space<hbm>>) dst(%arg11 : memref<128x128xf32, #tpu.memory_space<vmem>>)
        %run_scoped3A = arith.constant 0 : i32
        "tpu.region"() ({
          %run_scoped3A_136 = tpu.sem_alloc : memref<!tpu.dma_semaphore, #tpu.memory_space<semaphore_mem>>
          %dma_start3A_137 = arith.constant 0 : i32
          %dma_start3A_138 = tpu.memref_slice %arg10[%run_scoped3A, %dma_start3A_137] : memref<8x128xi32, #tpu.memory_space<vmem>> -> memref<1x128xi32, #tpu.memory_space<vmem>>
          %dma_start3A_139 = tpu.memref_squeeze %dma_start3A_138 : memref<1x128xi32, #tpu.memory_space<vmem>> -> memref<128xi32, #tpu.memory_space<vmem>>
          %dma_start3A_140 = arith.constant 0 : i32
          %dma_start3A_141 = arith.constant 0 : i32
          %dma_start3A_142 = tpu.memref_slice %arg13[%dma_start3A_140, %dma_start3A_141] : memref<10112x128xf32, #tpu.memory_space<vmem_shared>> -> memref<10112x128xf32, #tpu.memory_space<vmem_shared>>
          tpu.enqueue_indirect_dma source(%arg11 : memref<128x128xf32, #tpu.memory_space<vmem>>) target(%dma_start3A_142 : memref<10112x128xf32, #tpu.memory_space<vmem_shared>>) offsets(%dma_start3A_139 : memref<128xi32, #tpu.memory_space<vmem>>) semaphore(%run_scoped3A_136 : memref<!tpu.dma_semaphore, #tpu.memory_space<semaphore_mem>>) {add = true}
          %dma_wait3A_143 = arith.constant 0 : i32
          %dma_wait3A_144 = tpu.memref_slice %arg10[%run_scoped3A, %dma_wait3A_143] : memref<8x128xi32, #tpu.memory_space<vmem>> -> memref<1x128xi32, #tpu.memory_space<vmem>>
          %dma_wait3A_145 = tpu.memref_squeeze %dma_wait3A_144 : memref<1x128xi32, #tpu.memory_space<vmem>> -> memref<128xi32, #tpu.memory_space<vmem>>
          %dma_wait3A_146 = arith.constant 0 : i32
          %dma_wait3A_147 = arith.constant 0 : i32
          %dma_wait3A_148 = tpu.memref_slice %arg13[%dma_wait3A_146, %dma_wait3A_147] : memref<10112x128xf32, #tpu.memory_space<vmem_shared>> -> memref<10112x128xf32, #tpu.memory_space<vmem_shared>>
          tpu.wait_indirect_dma semaphore(%run_scoped3A_136 : memref<!tpu.dma_semaphore, #tpu.memory_space<semaphore_mem>>) src(%arg11 : memref<128x128xf32, #tpu.memory_space<vmem>>) dst(%dma_wait3A_148 : memref<10112x128xf32, #tpu.memory_space<vmem_shared>>)
          tpu.yield
        }) : () -> ()
        %dma_start3A_31 = arith.constant 1 : i32
        %dma_start3A_32 = arith.constant 0 : i32
        %dma_start3A_33 = tpu.memref_slice %arg9[%dma_start3A_31, %dma_start3A_32] : memref<8x128xi32, #tpu.memory_space<vmem>> -> memref<1x128xi32, #tpu.memory_space<vmem>>
        %dma_start3A_34 = tpu.memref_squeeze %dma_start3A_33 : memref<1x128xi32, #tpu.memory_space<vmem>> -> memref<128xi32, #tpu.memory_space<vmem>>
        %dma_start3A_35 = arith.constant 0 : i32
        %dma_start3A_36 = arith.constant 0 : i32
        %dma_start3A_37 = tpu.memref_slice %arg2[%dma_start3A_35, %dma_start3A_36] : memref<10000x128xf32, #tpu.memory_space<hbm>> -> memref<10000x128xf32, #tpu.memory_space<hbm>>
        tpu.enqueue_indirect_dma source(%dma_start3A_37 : memref<10000x128xf32, #tpu.memory_space<hbm>>) target(%arg12 : memref<128x128xf32, #tpu.memory_space<vmem>>) offsets(%dma_start3A_34 : memref<128xi32, #tpu.memory_space<vmem>>) semaphore(%arg15 : memref<!tpu.dma_semaphore, #tpu.memory_space<semaphore_mem>>)
        %dma_wait3A_38 = arith.constant 1 : i32
        %dma_wait3A_39 = arith.constant 0 : i32
        %dma_wait3A_40 = tpu.memref_slice %arg9[%dma_wait3A_38, %dma_wait3A_39] : memref<8x128xi32, #tpu.memory_space<vmem>> -> memref<1x128xi32, #tpu.memory_space<vmem>>
        %dma_wait3A_41 = tpu.memref_squeeze %dma_wait3A_40 : memref<1x128xi32, #tpu.memory_space<vmem>> -> memref<128xi32, #tpu.memory_space<vmem>>
        %dma_wait3A_42 = arith.constant 0 : i32
        %dma_wait3A_43 = arith.constant 0 : i32
        %dma_wait3A_44 = tpu.memref_slice %arg2[%dma_wait3A_42, %dma_wait3A_43] : memref<10000x128xf32, #tpu.memory_space<hbm>> -> memref<10000x128xf32, #tpu.memory_space<hbm>>
        tpu.wait_indirect_dma semaphore(%arg15 : memref<!tpu.dma_semaphore, #tpu.memory_space<semaphore_mem>>) src(%dma_wait3A_44 : memref<10000x128xf32, #tpu.memory_space<hbm>>) dst(%arg12 : memref<128x128xf32, #tpu.memory_space<vmem>>)
        %run_scoped3A_45 = arith.constant 1 : i32
        "tpu.region"() ({
          %run_scoped3A_136 = tpu.sem_alloc : memref<!tpu.dma_semaphore, #tpu.memory_space<semaphore_mem>>
          %dma_start3A_137 = arith.constant 0 : i32
          %dma_start3A_138 = tpu.memref_slice %arg10[%run_scoped3A_45, %dma_start3A_137] : memref<8x128xi32, #tpu.memory_space<vmem>> -> memref<1x128xi32, #tpu.memory_space<vmem>>
          %dma_start3A_139 = tpu.memref_squeeze %dma_start3A_138 : memref<1x128xi32, #tpu.memory_space<vmem>> -> memref<128xi32, #tpu.memory_space<vmem>>
          %dma_start3A_140 = arith.constant 0 : i32
          %dma_start3A_141 = arith.constant 0 : i32
          %dma_start3A_142 = tpu.memref_slice %arg13[%dma_start3A_140, %dma_start3A_141] : memref<10112x128xf32, #tpu.memory_space<vmem_shared>> -> memref<10112x128xf32, #tpu.memory_space<vmem_shared>>
          tpu.enqueue_indirect_dma source(%arg12 : memref<128x128xf32, #tpu.memory_space<vmem>>) target(%dma_start3A_142 : memref<10112x128xf32, #tpu.memory_space<vmem_shared>>) offsets(%dma_start3A_139 : memref<128xi32, #tpu.memory_space<vmem>>) semaphore(%run_scoped3A_136 : memref<!tpu.dma_semaphore, #tpu.memory_space<semaphore_mem>>) {add = true}
          %dma_wait3A_143 = arith.constant 0 : i32
          %dma_wait3A_144 = tpu.memref_slice %arg10[%run_scoped3A_45, %dma_wait3A_143] : memref<8x128xi32, #tpu.memory_space<vmem>> -> memref<1x128xi32, #tpu.memory_space<vmem>>
          %dma_wait3A_145 = tpu.memref_squeeze %dma_wait3A_144 : memref<1x128xi32, #tpu.memory_space<vmem>> -> memref<128xi32, #tpu.memory_space<vmem>>
          %dma_wait3A_146 = arith.constant 0 : i32
          %dma_wait3A_147 = arith.constant 0 : i32
          %dma_wait3A_148 = tpu.memref_slice %arg13[%dma_wait3A_146, %dma_wait3A_147] : memref<10112x128xf32, #tpu.memory_space<vmem_shared>> -> memref<10112x128xf32, #tpu.memory_space<vmem_shared>>
          tpu.wait_indirect_dma semaphore(%run_scoped3A_136 : memref<!tpu.dma_semaphore, #tpu.memory_space<semaphore_mem>>) src(%arg12 : memref<128x128xf32, #tpu.memory_space<vmem>>) dst(%dma_wait3A_148 : memref<10112x128xf32, #tpu.memory_space<vmem_shared>>)
          tpu.yield
        }) : () -> ()
        %dma_start3A_46 = arith.constant 2 : i32
        %dma_start3A_47 = arith.constant 0 : i32
        %dma_start3A_48 = tpu.memref_slice %arg9[%dma_start3A_46, %dma_start3A_47] : memref<8x128xi32, #tpu.memory_space<vmem>> -> memref<1x128xi32, #tpu.memory_space<vmem>>
        %dma_start3A_49 = tpu.memref_squeeze %dma_start3A_48 : memref<1x128xi32, #tpu.memory_space<vmem>> -> memref<128xi32, #tpu.memory_space<vmem>>
        %dma_start3A_50 = arith.constant 0 : i32
        %dma_start3A_51 = arith.constant 0 : i32
        %dma_start3A_52 = tpu.memref_slice %arg2[%dma_start3A_50, %dma_start3A_51] : memref<10000x128xf32, #tpu.memory_space<hbm>> -> memref<10000x128xf32, #tpu.memory_space<hbm>>
        tpu.enqueue_indirect_dma source(%dma_start3A_52 : memref<10000x128xf32, #tpu.memory_space<hbm>>) target(%arg11 : memref<128x128xf32, #tpu.memory_space<vmem>>) offsets(%dma_start3A_49 : memref<128xi32, #tpu.memory_space<vmem>>) semaphore(%arg14 : memref<!tpu.dma_semaphore, #tpu.memory_space<semaphore_mem>>)
        %dma_wait3A_53 = arith.constant 2 : i32
        %dma_wait3A_54 = arith.constant 0 : i32
        %dma_wait3A_55 = tpu.memref_slice %arg9[%dma_wait3A_53, %dma_wait3A_54] : memref<8x128xi32, #tpu.memory_space<vmem>> -> memref<1x128xi32, #tpu.memory_space<vmem>>
        %dma_wait3A_56 = tpu.memref_squeeze %dma_wait3A_55 : memref<1x128xi32, #tpu.memory_space<vmem>> -> memref<128xi32, #tpu.memory_space<vmem>>
        %dma_wait3A_57 = arith.constant 0 : i32
        %dma_wait3A_58 = arith.constant 0 : i32
        %dma_wait3A_59 = tpu.memref_slice %arg2[%dma_wait3A_57, %dma_wait3A_58] : memref<10000x128xf32, #tpu.memory_space<hbm>> -> memref<10000x128xf32, #tpu.memory_space<hbm>>
        tpu.wait_indirect_dma semaphore(%arg14 : memref<!tpu.dma_semaphore, #tpu.memory_space<semaphore_mem>>) src(%dma_wait3A_59 : memref<10000x128xf32, #tpu.memory_space<hbm>>) dst(%arg11 : memref<128x128xf32, #tpu.memory_space<vmem>>)
        %run_scoped3A_60 = arith.constant 2 : i32
        "tpu.region"() ({
          %run_scoped3A_136 = tpu.sem_alloc : memref<!tpu.dma_semaphore, #tpu.memory_space<semaphore_mem>>
          %dma_start3A_137 = arith.constant 0 : i32
          %dma_start3A_138 = tpu.memref_slice %arg10[%run_scoped3A_60, %dma_start3A_137] : memref<8x128xi32, #tpu.memory_space<vmem>> -> memref<1x128xi32, #tpu.memory_space<vmem>>
          %dma_start3A_139 = tpu.memref_squeeze %dma_start3A_138 : memref<1x128xi32, #tpu.memory_space<vmem>> -> memref<128xi32, #tpu.memory_space<vmem>>
          %dma_start3A_140 = arith.constant 0 : i32
          %dma_start3A_141 = arith.constant 0 : i32
          %dma_start3A_142 = tpu.memref_slice %arg13[%dma_start3A_140, %dma_start3A_141] : memref<10112x128xf32, #tpu.memory_space<vmem_shared>> -> memref<10112x128xf32, #tpu.memory_space<vmem_shared>>
          tpu.enqueue_indirect_dma source(%arg11 : memref<128x128xf32, #tpu.memory_space<vmem>>) target(%dma_start3A_142 : memref<10112x128xf32, #tpu.memory_space<vmem_shared>>) offsets(%dma_start3A_139 : memref<128xi32, #tpu.memory_space<vmem>>) semaphore(%run_scoped3A_136 : memref<!tpu.dma_semaphore, #tpu.memory_space<semaphore_mem>>) {add = true}
          %dma_wait3A_143 = arith.constant 0 : i32
          %dma_wait3A_144 = tpu.memref_slice %arg10[%run_scoped3A_60, %dma_wait3A_143] : memref<8x128xi32, #tpu.memory_space<vmem>> -> memref<1x128xi32, #tpu.memory_space<vmem>>
          %dma_wait3A_145 = tpu.memref_squeeze %dma_wait3A_144 : memref<1x128xi32, #tpu.memory_space<vmem>> -> memref<128xi32, #tpu.memory_space<vmem>>
          %dma_wait3A_146 = arith.constant 0 : i32
          %dma_wait3A_147 = arith.constant 0 : i32
          %dma_wait3A_148 = tpu.memref_slice %arg13[%dma_wait3A_146, %dma_wait3A_147] : memref<10112x128xf32, #tpu.memory_space<vmem_shared>> -> memref<10112x128xf32, #tpu.memory_space<vmem_shared>>
          tpu.wait_indirect_dma semaphore(%run_scoped3A_136 : memref<!tpu.dma_semaphore, #tpu.memory_space<semaphore_mem>>) src(%arg11 : memref<128x128xf32, #tpu.memory_space<vmem>>) dst(%dma_wait3A_148 : memref<10112x128xf32, #tpu.memory_space<vmem_shared>>)
          tpu.yield
        }) : () -> ()
        %dma_start3A_61 = arith.constant 3 : i32
        %dma_start3A_62 = arith.constant 0 : i32
        %dma_start3A_63 = tpu.memref_slice %arg9[%dma_start3A_61, %dma_start3A_62] : memref<8x128xi32, #tpu.memory_space<vmem>> -> memref<1x128xi32, #tpu.memory_space<vmem>>
        %dma_start3A_64 = tpu.memref_squeeze %dma_start3A_63 : memref<1x128xi32, #tpu.memory_space<vmem>> -> memref<128xi32, #tpu.memory_space<vmem>>
        %dma_start3A_65 = arith.constant 0 : i32
        %dma_start3A_66 = arith.constant 0 : i32
        %dma_start3A_67 = tpu.memref_slice %arg2[%dma_start3A_65, %dma_start3A_66] : memref<10000x128xf32, #tpu.memory_space<hbm>> -> memref<10000x128xf32, #tpu.memory_space<hbm>>
        tpu.enqueue_indirect_dma source(%dma_start3A_67 : memref<10000x128xf32, #tpu.memory_space<hbm>>) target(%arg12 : memref<128x128xf32, #tpu.memory_space<vmem>>) offsets(%dma_start3A_64 : memref<128xi32, #tpu.memory_space<vmem>>) semaphore(%arg15 : memref<!tpu.dma_semaphore, #tpu.memory_space<semaphore_mem>>)
        %dma_wait3A_68 = arith.constant 3 : i32
        %dma_wait3A_69 = arith.constant 0 : i32
        %dma_wait3A_70 = tpu.memref_slice %arg9[%dma_wait3A_68, %dma_wait3A_69] : memref<8x128xi32, #tpu.memory_space<vmem>> -> memref<1x128xi32, #tpu.memory_space<vmem>>
        %dma_wait3A_71 = tpu.memref_squeeze %dma_wait3A_70 : memref<1x128xi32, #tpu.memory_space<vmem>> -> memref<128xi32, #tpu.memory_space<vmem>>
        %dma_wait3A_72 = arith.constant 0 : i32
        %dma_wait3A_73 = arith.constant 0 : i32
        %dma_wait3A_74 = tpu.memref_slice %arg2[%dma_wait3A_72, %dma_wait3A_73] : memref<10000x128xf32, #tpu.memory_space<hbm>> -> memref<10000x128xf32, #tpu.memory_space<hbm>>
        tpu.wait_indirect_dma semaphore(%arg15 : memref<!tpu.dma_semaphore, #tpu.memory_space<semaphore_mem>>) src(%dma_wait3A_74 : memref<10000x128xf32, #tpu.memory_space<hbm>>) dst(%arg12 : memref<128x128xf32, #tpu.memory_space<vmem>>)
        %run_scoped3A_75 = arith.constant 3 : i32
        "tpu.region"() ({
          %run_scoped3A_136 = tpu.sem_alloc : memref<!tpu.dma_semaphore, #tpu.memory_space<semaphore_mem>>
          %dma_start3A_137 = arith.constant 0 : i32
          %dma_start3A_138 = tpu.memref_slice %arg10[%run_scoped3A_75, %dma_start3A_137] : memref<8x128xi32, #tpu.memory_space<vmem>> -> memref<1x128xi32, #tpu.memory_space<vmem>>
          %dma_start3A_139 = tpu.memref_squeeze %dma_start3A_138 : memref<1x128xi32, #tpu.memory_space<vmem>> -> memref<128xi32, #tpu.memory_space<vmem>>
          %dma_start3A_140 = arith.constant 0 : i32
          %dma_start3A_141 = arith.constant 0 : i32
          %dma_start3A_142 = tpu.memref_slice %arg13[%dma_start3A_140, %dma_start3A_141] : memref<10112x128xf32, #tpu.memory_space<vmem_shared>> -> memref<10112x128xf32, #tpu.memory_space<vmem_shared>>
          tpu.enqueue_indirect_dma source(%arg12 : memref<128x128xf32, #tpu.memory_space<vmem>>) target(%dma_start3A_142 : memref<10112x128xf32, #tpu.memory_space<vmem_shared>>) offsets(%dma_start3A_139 : memref<128xi32, #tpu.memory_space<vmem>>) semaphore(%run_scoped3A_136 : memref<!tpu.dma_semaphore, #tpu.memory_space<semaphore_mem>>) {add = true}
          %dma_wait3A_143 = arith.constant 0 : i32
          %dma_wait3A_144 = tpu.memref_slice %arg10[%run_scoped3A_75, %dma_wait3A_143] : memref<8x128xi32, #tpu.memory_space<vmem>> -> memref<1x128xi32, #tpu.memory_space<vmem>>
          %dma_wait3A_145 = tpu.memref_squeeze %dma_wait3A_144 : memref<1x128xi32, #tpu.memory_space<vmem>> -> memref<128xi32, #tpu.memory_space<vmem>>
          %dma_wait3A_146 = arith.constant 0 : i32
          %dma_wait3A_147 = arith.constant 0 : i32
          %dma_wait3A_148 = tpu.memref_slice %arg13[%dma_wait3A_146, %dma_wait3A_147] : memref<10112x128xf32, #tpu.memory_space<vmem_shared>> -> memref<10112x128xf32, #tpu.memory_space<vmem_shared>>
          tpu.wait_indirect_dma semaphore(%run_scoped3A_136 : memref<!tpu.dma_semaphore, #tpu.memory_space<semaphore_mem>>) src(%arg12 : memref<128x128xf32, #tpu.memory_space<vmem>>) dst(%dma_wait3A_148 : memref<10112x128xf32, #tpu.memory_space<vmem_shared>>)
          tpu.yield
        }) : () -> ()
        %dma_start3A_76 = arith.constant 4 : i32
        %dma_start3A_77 = arith.constant 0 : i32
        %dma_start3A_78 = tpu.memref_slice %arg9[%dma_start3A_76, %dma_start3A_77] : memref<8x128xi32, #tpu.memory_space<vmem>> -> memref<1x128xi32, #tpu.memory_space<vmem>>
        %dma_start3A_79 = tpu.memref_squeeze %dma_start3A_78 : memref<1x128xi32, #tpu.memory_space<vmem>> -> memref<128xi32, #tpu.memory_space<vmem>>
        %dma_start3A_80 = arith.constant 0 : i32
        %dma_start3A_81 = arith.constant 0 : i32
        %dma_start3A_82 = tpu.memref_slice %arg2[%dma_start3A_80, %dma_start3A_81] : memref<10000x128xf32, #tpu.memory_space<hbm>> -> memref<10000x128xf32, #tpu.memory_space<hbm>>
        tpu.enqueue_indirect_dma source(%dma_start3A_82 : memref<10000x128xf32, #tpu.memory_space<hbm>>) target(%arg11 : memref<128x128xf32, #tpu.memory_space<vmem>>) offsets(%dma_start3A_79 : memref<128xi32, #tpu.memory_space<vmem>>) semaphore(%arg14 : memref<!tpu.dma_semaphore, #tpu.memory_space<semaphore_mem>>)
        %dma_wait3A_83 = arith.constant 4 : i32
        %dma_wait3A_84 = arith.constant 0 : i32
        %dma_wait3A_85 = tpu.memref_slice %arg9[%dma_wait3A_83, %dma_wait3A_84] : memref<8x128xi32, #tpu.memory_space<vmem>> -> memref<1x128xi32, #tpu.memory_space<vmem>>
        %dma_wait3A_86 = tpu.memref_squeeze %dma_wait3A_85 : memref<1x128xi32, #tpu.memory_space<vmem>> -> memref<128xi32, #tpu.memory_space<vmem>>
        %dma_wait3A_87 = arith.constant 0 : i32
        %dma_wait3A_88 = arith.constant 0 : i32
        %dma_wait3A_89 = tpu.memref_slice %arg2[%dma_wait3A_87, %dma_wait3A_88] : memref<10000x128xf32, #tpu.memory_space<hbm>> -> memref<10000x128xf32, #tpu.memory_space<hbm>>
        tpu.wait_indirect_dma semaphore(%arg14 : memref<!tpu.dma_semaphore, #tpu.memory_space<semaphore_mem>>) src(%dma_wait3A_89 : memref<10000x128xf32, #tpu.memory_space<hbm>>) dst(%arg11 : memref<128x128xf32, #tpu.memory_space<vmem>>)
        %run_scoped3A_90 = arith.constant 4 : i32
        "tpu.region"() ({
          %run_scoped3A_136 = tpu.sem_alloc : memref<!tpu.dma_semaphore, #tpu.memory_space<semaphore_mem>>
          %dma_start3A_137 = arith.constant 0 : i32
          %dma_start3A_138 = tpu.memref_slice %arg10[%run_scoped3A_90, %dma_start3A_137] : memref<8x128xi32, #tpu.memory_space<vmem>> -> memref<1x128xi32, #tpu.memory_space<vmem>>
          %dma_start3A_139 = tpu.memref_squeeze %dma_start3A_138 : memref<1x128xi32, #tpu.memory_space<vmem>> -> memref<128xi32, #tpu.memory_space<vmem>>
          %dma_start3A_140 = arith.constant 0 : i32
          %dma_start3A_141 = arith.constant 0 : i32
          %dma_start3A_142 = tpu.memref_slice %arg13[%dma_start3A_140, %dma_start3A_141] : memref<10112x128xf32, #tpu.memory_space<vmem_shared>> -> memref<10112x128xf32, #tpu.memory_space<vmem_shared>>
          tpu.enqueue_indirect_dma source(%arg11 : memref<128x128xf32, #tpu.memory_space<vmem>>) target(%dma_start3A_142 : memref<10112x128xf32, #tpu.memory_space<vmem_shared>>) offsets(%dma_start3A_139 : memref<128xi32, #tpu.memory_space<vmem>>) semaphore(%run_scoped3A_136 : memref<!tpu.dma_semaphore, #tpu.memory_space<semaphore_mem>>) {add = true}
          %dma_wait3A_143 = arith.constant 0 : i32
          %dma_wait3A_144 = tpu.memref_slice %arg10[%run_scoped3A_90, %dma_wait3A_143] : memref<8x128xi32, #tpu.memory_space<vmem>> -> memref<1x128xi32, #tpu.memory_space<vmem>>
          %dma_wait3A_145 = tpu.memref_squeeze %dma_wait3A_144 : memref<1x128xi32, #tpu.memory_space<vmem>> -> memref<128xi32, #tpu.memory_space<vmem>>
          %dma_wait3A_146 = arith.constant 0 : i32
          %dma_wait3A_147 = arith.constant 0 : i32
          %dma_wait3A_148 = tpu.memref_slice %arg13[%dma_wait3A_146, %dma_wait3A_147] : memref<10112x128xf32, #tpu.memory_space<vmem_shared>> -> memref<10112x128xf32, #tpu.memory_space<vmem_shared>>
          tpu.wait_indirect_dma semaphore(%run_scoped3A_136 : memref<!tpu.dma_semaphore, #tpu.memory_space<semaphore_mem>>) src(%arg11 : memref<128x128xf32, #tpu.memory_space<vmem>>) dst(%dma_wait3A_148 : memref<10112x128xf32, #tpu.memory_space<vmem_shared>>)
          tpu.yield
        }) : () -> ()
        %dma_start3A_91 = arith.constant 5 : i32
        %dma_start3A_92 = arith.constant 0 : i32
        %dma_start3A_93 = tpu.memref_slice %arg9[%dma_start3A_91, %dma_start3A_92] : memref<8x128xi32, #tpu.memory_space<vmem>> -> memref<1x128xi32, #tpu.memory_space<vmem>>
        %dma_start3A_94 = tpu.memref_squeeze %dma_start3A_93 : memref<1x128xi32, #tpu.memory_space<vmem>> -> memref<128xi32, #tpu.memory_space<vmem>>
        %dma_start3A_95 = arith.constant 0 : i32
        %dma_start3A_96 = arith.constant 0 : i32
        %dma_start3A_97 = tpu.memref_slice %arg2[%dma_start3A_95, %dma_start3A_96] : memref<10000x128xf32, #tpu.memory_space<hbm>> -> memref<10000x128xf32, #tpu.memory_space<hbm>>
        tpu.enqueue_indirect_dma source(%dma_start3A_97 : memref<10000x128xf32, #tpu.memory_space<hbm>>) target(%arg12 : memref<128x128xf32, #tpu.memory_space<vmem>>) offsets(%dma_start3A_94 : memref<128xi32, #tpu.memory_space<vmem>>) semaphore(%arg15 : memref<!tpu.dma_semaphore, #tpu.memory_space<semaphore_mem>>)
        %dma_wait3A_98 = arith.constant 5 : i32
        %dma_wait3A_99 = arith.constant 0 : i32
        %dma_wait3A_100 = tpu.memref_slice %arg9[%dma_wait3A_98, %dma_wait3A_99] : memref<8x128xi32, #tpu.memory_space<vmem>> -> memref<1x128xi32, #tpu.memory_space<vmem>>
        %dma_wait3A_101 = tpu.memref_squeeze %dma_wait3A_100 : memref<1x128xi32, #tpu.memory_space<vmem>> -> memref<128xi32, #tpu.memory_space<vmem>>
        %dma_wait3A_102 = arith.constant 0 : i32
        %dma_wait3A_103 = arith.constant 0 : i32
        %dma_wait3A_104 = tpu.memref_slice %arg2[%dma_wait3A_102, %dma_wait3A_103] : memref<10000x128xf32, #tpu.memory_space<hbm>> -> memref<10000x128xf32, #tpu.memory_space<hbm>>
        tpu.wait_indirect_dma semaphore(%arg15 : memref<!tpu.dma_semaphore, #tpu.memory_space<semaphore_mem>>) src(%dma_wait3A_104 : memref<10000x128xf32, #tpu.memory_space<hbm>>) dst(%arg12 : memref<128x128xf32, #tpu.memory_space<vmem>>)
        %run_scoped3A_105 = arith.constant 5 : i32
        "tpu.region"() ({
          %run_scoped3A_136 = tpu.sem_alloc : memref<!tpu.dma_semaphore, #tpu.memory_space<semaphore_mem>>
          %dma_start3A_137 = arith.constant 0 : i32
          %dma_start3A_138 = tpu.memref_slice %arg10[%run_scoped3A_105, %dma_start3A_137] : memref<8x128xi32, #tpu.memory_space<vmem>> -> memref<1x128xi32, #tpu.memory_space<vmem>>
          %dma_start3A_139 = tpu.memref_squeeze %dma_start3A_138 : memref<1x128xi32, #tpu.memory_space<vmem>> -> memref<128xi32, #tpu.memory_space<vmem>>
          %dma_start3A_140 = arith.constant 0 : i32
          %dma_start3A_141 = arith.constant 0 : i32
          %dma_start3A_142 = tpu.memref_slice %arg13[%dma_start3A_140, %dma_start3A_141] : memref<10112x128xf32, #tpu.memory_space<vmem_shared>> -> memref<10112x128xf32, #tpu.memory_space<vmem_shared>>
          tpu.enqueue_indirect_dma source(%arg12 : memref<128x128xf32, #tpu.memory_space<vmem>>) target(%dma_start3A_142 : memref<10112x128xf32, #tpu.memory_space<vmem_shared>>) offsets(%dma_start3A_139 : memref<128xi32, #tpu.memory_space<vmem>>) semaphore(%run_scoped3A_136 : memref<!tpu.dma_semaphore, #tpu.memory_space<semaphore_mem>>) {add = true}
          %dma_wait3A_143 = arith.constant 0 : i32
          %dma_wait3A_144 = tpu.memref_slice %arg10[%run_scoped3A_105, %dma_wait3A_143] : memref<8x128xi32, #tpu.memory_space<vmem>> -> memref<1x128xi32, #tpu.memory_space<vmem>>
          %dma_wait3A_145 = tpu.memref_squeeze %dma_wait3A_144 : memref<1x128xi32, #tpu.memory_space<vmem>> -> memref<128xi32, #tpu.memory_space<vmem>>
          %dma_wait3A_146 = arith.constant 0 : i32
          %dma_wait3A_147 = arith.constant 0 : i32
          %dma_wait3A_148 = tpu.memref_slice %arg13[%dma_wait3A_146, %dma_wait3A_147] : memref<10112x128xf32, #tpu.memory_space<vmem_shared>> -> memref<10112x128xf32, #tpu.memory_space<vmem_shared>>
          tpu.wait_indirect_dma semaphore(%run_scoped3A_136 : memref<!tpu.dma_semaphore, #tpu.memory_space<semaphore_mem>>) src(%arg12 : memref<128x128xf32, #tpu.memory_space<vmem>>) dst(%dma_wait3A_148 : memref<10112x128xf32, #tpu.memory_space<vmem_shared>>)
          tpu.yield
        }) : () -> ()
        %dma_start3A_106 = arith.constant 6 : i32
        %dma_start3A_107 = arith.constant 0 : i32
        %dma_start3A_108 = tpu.memref_slice %arg9[%dma_start3A_106, %dma_start3A_107] : memref<8x128xi32, #tpu.memory_space<vmem>> -> memref<1x128xi32, #tpu.memory_space<vmem>>
        %dma_start3A_109 = tpu.memref_squeeze %dma_start3A_108 : memref<1x128xi32, #tpu.memory_space<vmem>> -> memref<128xi32, #tpu.memory_space<vmem>>
        %dma_start3A_110 = arith.constant 0 : i32
        %dma_start3A_111 = arith.constant 0 : i32
        %dma_start3A_112 = tpu.memref_slice %arg2[%dma_start3A_110, %dma_start3A_111] : memref<10000x128xf32, #tpu.memory_space<hbm>> -> memref<10000x128xf32, #tpu.memory_space<hbm>>
        tpu.enqueue_indirect_dma source(%dma_start3A_112 : memref<10000x128xf32, #tpu.memory_space<hbm>>) target(%arg11 : memref<128x128xf32, #tpu.memory_space<vmem>>) offsets(%dma_start3A_109 : memref<128xi32, #tpu.memory_space<vmem>>) semaphore(%arg14 : memref<!tpu.dma_semaphore, #tpu.memory_space<semaphore_mem>>)
        %dma_wait3A_113 = arith.constant 6 : i32
        %dma_wait3A_114 = arith.constant 0 : i32
        %dma_wait3A_115 = tpu.memref_slice %arg9[%dma_wait3A_113, %dma_wait3A_114] : memref<8x128xi32, #tpu.memory_space<vmem>> -> memref<1x128xi32, #tpu.memory_space<vmem>>
        %dma_wait3A_116 = tpu.memref_squeeze %dma_wait3A_115 : memref<1x128xi32, #tpu.memory_space<vmem>> -> memref<128xi32, #tpu.memory_space<vmem>>
        %dma_wait3A_117 = arith.constant 0 : i32
        %dma_wait3A_118 = arith.constant 0 : i32
        %dma_wait3A_119 = tpu.memref_slice %arg2[%dma_wait3A_117, %dma_wait3A_118] : memref<10000x128xf32, #tpu.memory_space<hbm>> -> memref<10000x128xf32, #tpu.memory_space<hbm>>
        tpu.wait_indirect_dma semaphore(%arg14 : memref<!tpu.dma_semaphore, #tpu.memory_space<semaphore_mem>>) src(%dma_wait3A_119 : memref<10000x128xf32, #tpu.memory_space<hbm>>) dst(%arg11 : memref<128x128xf32, #tpu.memory_space<vmem>>)
        %run_scoped3A_120 = arith.constant 6 : i32
        "tpu.region"() ({
          %run_scoped3A_136 = tpu.sem_alloc : memref<!tpu.dma_semaphore, #tpu.memory_space<semaphore_mem>>
          %dma_start3A_137 = arith.constant 0 : i32
          %dma_start3A_138 = tpu.memref_slice %arg10[%run_scoped3A_120, %dma_start3A_137] : memref<8x128xi32, #tpu.memory_space<vmem>> -> memref<1x128xi32, #tpu.memory_space<vmem>>
          %dma_start3A_139 = tpu.memref_squeeze %dma_start3A_138 : memref<1x128xi32, #tpu.memory_space<vmem>> -> memref<128xi32, #tpu.memory_space<vmem>>
          %dma_start3A_140 = arith.constant 0 : i32
          %dma_start3A_141 = arith.constant 0 : i32
          %dma_start3A_142 = tpu.memref_slice %arg13[%dma_start3A_140, %dma_start3A_141] : memref<10112x128xf32, #tpu.memory_space<vmem_shared>> -> memref<10112x128xf32, #tpu.memory_space<vmem_shared>>
          tpu.enqueue_indirect_dma source(%arg11 : memref<128x128xf32, #tpu.memory_space<vmem>>) target(%dma_start3A_142 : memref<10112x128xf32, #tpu.memory_space<vmem_shared>>) offsets(%dma_start3A_139 : memref<128xi32, #tpu.memory_space<vmem>>) semaphore(%run_scoped3A_136 : memref<!tpu.dma_semaphore, #tpu.memory_space<semaphore_mem>>) {add = true}
          %dma_wait3A_143 = arith.constant 0 : i32
          %dma_wait3A_144 = tpu.memref_slice %arg10[%run_scoped3A_120, %dma_wait3A_143] : memref<8x128xi32, #tpu.memory_space<vmem>> -> memref<1x128xi32, #tpu.memory_space<vmem>>
          %dma_wait3A_145 = tpu.memref_squeeze %dma_wait3A_144 : memref<1x128xi32, #tpu.memory_space<vmem>> -> memref<128xi32, #tpu.memory_space<vmem>>
          %dma_wait3A_146 = arith.constant 0 : i32
          %dma_wait3A_147 = arith.constant 0 : i32
          %dma_wait3A_148 = tpu.memref_slice %arg13[%dma_wait3A_146, %dma_wait3A_147] : memref<10112x128xf32, #tpu.memory_space<vmem_shared>> -> memref<10112x128xf32, #tpu.memory_space<vmem_shared>>
          tpu.wait_indirect_dma semaphore(%run_scoped3A_136 : memref<!tpu.dma_semaphore, #tpu.memory_space<semaphore_mem>>) src(%arg11 : memref<128x128xf32, #tpu.memory_space<vmem>>) dst(%dma_wait3A_148 : memref<10112x128xf32, #tpu.memory_space<vmem_shared>>)
          tpu.yield
        }) : () -> ()
        %dma_start3A_121 = arith.constant 7 : i32
        %dma_start3A_122 = arith.constant 0 : i32
        %dma_start3A_123 = tpu.memref_slice %arg9[%dma_start3A_121, %dma_start3A_122] : memref<8x128xi32, #tpu.memory_space<vmem>> -> memref<1x128xi32, #tpu.memory_space<vmem>>
        %dma_start3A_124 = tpu.memref_squeeze %dma_start3A_123 : memref<1x128xi32, #tpu.memory_space<vmem>> -> memref<128xi32, #tpu.memory_space<vmem>>
        %dma_start3A_125 = arith.constant 0 : i32
        %dma_start3A_126 = arith.constant 0 : i32
        %dma_start3A_127 = tpu.memref_slice %arg2[%dma_start3A_125, %dma_start3A_126] : memref<10000x128xf32, #tpu.memory_space<hbm>> -> memref<10000x128xf32, #tpu.memory_space<hbm>>
        tpu.enqueue_indirect_dma source(%dma_start3A_127 : memref<10000x128xf32, #tpu.memory_space<hbm>>) target(%arg12 : memref<128x128xf32, #tpu.memory_space<vmem>>) offsets(%dma_start3A_124 : memref<128xi32, #tpu.memory_space<vmem>>) semaphore(%arg15 : memref<!tpu.dma_semaphore, #tpu.memory_space<semaphore_mem>>)
        %dma_wait3A_128 = arith.constant 7 : i32
        %dma_wait3A_129 = arith.constant 0 : i32
        %dma_wait3A_130 = tpu.memref_slice %arg9[%dma_wait3A_128, %dma_wait3A_129] : memref<8x128xi32, #tpu.memory_space<vmem>> -> memref<1x128xi32, #tpu.memory_space<vmem>>
        %dma_wait3A_131 = tpu.memref_squeeze %dma_wait3A_130 : memref<1x128xi32, #tpu.memory_space<vmem>> -> memref<128xi32, #tpu.memory_space<vmem>>
        %dma_wait3A_132 = arith.constant 0 : i32
        %dma_wait3A_133 = arith.constant 0 : i32
        %dma_wait3A_134 = tpu.memref_slice %arg2[%dma_wait3A_132, %dma_wait3A_133] : memref<10000x128xf32, #tpu.memory_space<hbm>> -> memref<10000x128xf32, #tpu.memory_space<hbm>>
        tpu.wait_indirect_dma semaphore(%arg15 : memref<!tpu.dma_semaphore, #tpu.memory_space<semaphore_mem>>) src(%dma_wait3A_134 : memref<10000x128xf32, #tpu.memory_space<hbm>>) dst(%arg12 : memref<128x128xf32, #tpu.memory_space<vmem>>)
        %run_scoped3A_135 = arith.constant 7 : i32
        "tpu.region"() ({
          %run_scoped3A_136 = tpu.sem_alloc : memref<!tpu.dma_semaphore, #tpu.memory_space<semaphore_mem>>
          %dma_start3A_137 = arith.constant 0 : i32
          %dma_start3A_138 = tpu.memref_slice %arg10[%run_scoped3A_135, %dma_start3A_137] : memref<8x128xi32, #tpu.memory_space<vmem>> -> memref<1x128xi32, #tpu.memory_space<vmem>>
          %dma_start3A_139 = tpu.memref_squeeze %dma_start3A_138 : memref<1x128xi32, #tpu.memory_space<vmem>> -> memref<128xi32, #tpu.memory_space<vmem>>
          %dma_start3A_140 = arith.constant 0 : i32
          %dma_start3A_141 = arith.constant 0 : i32
          %dma_start3A_142 = tpu.memref_slice %arg13[%dma_start3A_140, %dma_start3A_141] : memref<10112x128xf32, #tpu.memory_space<vmem_shared>> -> memref<10112x128xf32, #tpu.memory_space<vmem_shared>>
          tpu.enqueue_indirect_dma source(%arg12 : memref<128x128xf32, #tpu.memory_space<vmem>>) target(%dma_start3A_142 : memref<10112x128xf32, #tpu.memory_space<vmem_shared>>) offsets(%dma_start3A_139 : memref<128xi32, #tpu.memory_space<vmem>>) semaphore(%run_scoped3A_136 : memref<!tpu.dma_semaphore, #tpu.memory_space<semaphore_mem>>) {add = true}
          %dma_wait3A_143 = arith.constant 0 : i32
          %dma_wait3A_144 = tpu.memref_slice %arg10[%run_scoped3A_135, %dma_wait3A_143] : memref<8x128xi32, #tpu.memory_space<vmem>> -> memref<1x128xi32, #tpu.memory_space<vmem>>
          %dma_wait3A_145 = tpu.memref_squeeze %dma_wait3A_144 : memref<1x128xi32, #tpu.memory_space<vmem>> -> memref<128xi32, #tpu.memory_space<vmem>>
          %dma_wait3A_146 = arith.constant 0 : i32
          %dma_wait3A_147 = arith.constant 0 : i32
          %dma_wait3A_148 = tpu.memref_slice %arg13[%dma_wait3A_146, %dma_wait3A_147] : memref<10112x128xf32, #tpu.memory_space<vmem_shared>> -> memref<10112x128xf32, #tpu.memory_space<vmem_shared>>
          tpu.wait_indirect_dma semaphore(%run_scoped3A_136 : memref<!tpu.dma_semaphore, #tpu.memory_space<semaphore_mem>>) src(%arg12 : memref<128x128xf32, #tpu.memory_space<vmem>>) dst(%dma_wait3A_148 : memref<10112x128xf32, #tpu.memory_space<vmem_shared>>)
          tpu.yield
        }) : () -> ()
      }
      %scan3A_17 = arith.constant 16 : i32
    } else {
    }
    %eq3A_3 = arith.constant 1 : i32
    %eq3A_4 = arith.cmpi eq, %arg0, %eq3A_3 : i32
    %convert_element_type3A_5 = arith.extui %eq3A_4 : i1 to i32
    %cond3A_6 = arith.constant 0 : i32
    %cond3A_7 = arith.cmpi ne, %convert_element_type3A_5, %cond3A_6 : i32
    scf.if %cond3A_7 {
      %scan3A = arith.constant 0 : i32
      %scan3A_13 = arith.constant 0 : i32
      %scan3A_14 = arith.constant 4 : i32
      %scan3A_15 = arith.addi %scan3A_13, %scan3A_14 : i32
      %scan3A_16 = arith.constant 1 : i32
      scf.for %scan3A_18 = %scan3A_13 to %scan3A_15 step %scan3A_16  : i32 {
        "tpu.region"() ({
          %run_scoped3A_136 = tpu.sem_alloc : memref<!tpu.dma_semaphore, #tpu.memory_space<semaphore_mem>>
          %dma_start3A_137 = arith.constant 0 : i32
          %dma_start3A_138 = arith.constant 0 : i32
          %dma_start3A_139 = tpu.memref_slice %arg5[%arg1, %scan3A_18, %dma_start3A_137, %dma_start3A_138] : memref<16x4x8x128xi32, #tpu.memory_space<hbm>> -> memref<1x1x8x128xi32, #tpu.memory_space<hbm>>
          %dma_start3A_140 = tpu.memref_squeeze %dma_start3A_139 : memref<1x1x8x128xi32, #tpu.memory_space<hbm>> -> memref<8x128xi32, #tpu.memory_space<hbm>>
          %dma_start3A_141 = arith.constant 0 : i32
          %dma_start3A_142 = arith.constant 0 : i32
          %dma_start3A_143 = tpu.memref_slice %arg5[%arg1, %scan3A_18, %dma_start3A_141, %dma_start3A_142] : memref<16x4x8x128xi32, #tpu.memory_space<hbm>> -> memref<1x1x8x128xi32, #tpu.memory_space<hbm>>
          %dma_start3A_144 = tpu.memref_squeeze %dma_start3A_143 : memref<1x1x8x128xi32, #tpu.memory_space<hbm>> -> memref<8x128xi32, #tpu.memory_space<hbm>>
          tpu.enqueue_dma source(%dma_start3A_144 : memref<8x128xi32, #tpu.memory_space<hbm>>) target(%arg9 : memref<8x128xi32, #tpu.memory_space<vmem>>) target_semaphore(%run_scoped3A_136 : memref<!tpu.dma_semaphore, #tpu.memory_space<semaphore_mem>>)
          %dma_wait3A_145 = arith.constant 0 : i32
          %dma_wait3A_146 = arith.constant 0 : i32
          %dma_wait3A_147 = tpu.memref_slice %arg5[%arg1, %scan3A_18, %dma_wait3A_145, %dma_wait3A_146] : memref<16x4x8x128xi32, #tpu.memory_space<hbm>> -> memref<1x1x8x128xi32, #tpu.memory_space<hbm>>
          %dma_wait3A_148 = tpu.memref_squeeze %dma_wait3A_147 : memref<1x1x8x128xi32, #tpu.memory_space<hbm>> -> memref<8x128xi32, #tpu.memory_space<hbm>>
          %dma_wait3A_149 = arith.constant 0 : i32
          %dma_wait3A_150 = arith.constant 0 : i32
          %dma_wait3A_151 = tpu.memref_slice %arg5[%arg1, %scan3A_18, %dma_wait3A_149, %dma_wait3A_150] : memref<16x4x8x128xi32, #tpu.memory_space<hbm>> -> memref<1x1x8x128xi32, #tpu.memory_space<hbm>>
          %dma_wait3A_152 = tpu.memref_squeeze %dma_wait3A_151 : memref<1x1x8x128xi32, #tpu.memory_space<hbm>> -> memref<8x128xi32, #tpu.memory_space<hbm>>
          tpu.wait_dma2 semaphore(%run_scoped3A_136 : memref<!tpu.dma_semaphore, #tpu.memory_space<semaphore_mem>>) src(%dma_wait3A_152 : memref<8x128xi32, #tpu.memory_space<hbm>>) dst(%arg9 : memref<8x128xi32, #tpu.memory_space<vmem>>)
          tpu.yield
        }) : () -> ()
        "tpu.region"() ({
          %run_scoped3A_136 = tpu.sem_alloc : memref<!tpu.dma_semaphore, #tpu.memory_space<semaphore_mem>>
          %dma_start3A_137 = arith.constant 0 : i32
          %dma_start3A_138 = arith.constant 0 : i32
          %dma_start3A_139 = tpu.memref_slice %arg6[%arg1, %scan3A_18, %dma_start3A_137, %dma_start3A_138] : memref<16x4x8x128xi32, #tpu.memory_space<hbm>> -> memref<1x1x8x128xi32, #tpu.memory_space<hbm>>
          %dma_start3A_140 = tpu.memref_squeeze %dma_start3A_139 : memref<1x1x8x128xi32, #tpu.memory_space<hbm>> -> memref<8x128xi32, #tpu.memory_space<hbm>>
          %dma_start3A_141 = arith.constant 0 : i32
          %dma_start3A_142 = arith.constant 0 : i32
          %dma_start3A_143 = tpu.memref_slice %arg6[%arg1, %scan3A_18, %dma_start3A_141, %dma_start3A_142] : memref<16x4x8x128xi32, #tpu.memory_space<hbm>> -> memref<1x1x8x128xi32, #tpu.memory_space<hbm>>
          %dma_start3A_144 = tpu.memref_squeeze %dma_start3A_143 : memref<1x1x8x128xi32, #tpu.memory_space<hbm>> -> memref<8x128xi32, #tpu.memory_space<hbm>>
          tpu.enqueue_dma source(%dma_start3A_144 : memref<8x128xi32, #tpu.memory_space<hbm>>) target(%arg10 : memref<8x128xi32, #tpu.memory_space<vmem>>) target_semaphore(%run_scoped3A_136 : memref<!tpu.dma_semaphore, #tpu.memory_space<semaphore_mem>>)
          %dma_wait3A_145 = arith.constant 0 : i32
          %dma_wait3A_146 = arith.constant 0 : i32
          %dma_wait3A_147 = tpu.memref_slice %arg6[%arg1, %scan3A_18, %dma_wait3A_145, %dma_wait3A_146] : memref<16x4x8x128xi32, #tpu.memory_space<hbm>> -> memref<1x1x8x128xi32, #tpu.memory_space<hbm>>
          %dma_wait3A_148 = tpu.memref_squeeze %dma_wait3A_147 : memref<1x1x8x128xi32, #tpu.memory_space<hbm>> -> memref<8x128xi32, #tpu.memory_space<hbm>>
          %dma_wait3A_149 = arith.constant 0 : i32
          %dma_wait3A_150 = arith.constant 0 : i32
          %dma_wait3A_151 = tpu.memref_slice %arg6[%arg1, %scan3A_18, %dma_wait3A_149, %dma_wait3A_150] : memref<16x4x8x128xi32, #tpu.memory_space<hbm>> -> memref<1x1x8x128xi32, #tpu.memory_space<hbm>>
          %dma_wait3A_152 = tpu.memref_squeeze %dma_wait3A_151 : memref<1x1x8x128xi32, #tpu.memory_space<hbm>> -> memref<8x128xi32, #tpu.memory_space<hbm>>
          tpu.wait_dma2 semaphore(%run_scoped3A_136 : memref<!tpu.dma_semaphore, #tpu.memory_space<semaphore_mem>>) src(%dma_wait3A_152 : memref<8x128xi32, #tpu.memory_space<hbm>>) dst(%arg10 : memref<8x128xi32, #tpu.memory_space<vmem>>)
          tpu.yield
        }) : () -> ()
        %dma_start3A = arith.constant 0 : i32
        %dma_start3A_19 = arith.constant 0 : i32
        %dma_start3A_20 = tpu.memref_slice %arg9[%dma_start3A, %dma_start3A_19] : memref<8x128xi32, #tpu.memory_space<vmem>> -> memref<1x128xi32, #tpu.memory_space<vmem>>
        %dma_start3A_21 = tpu.memref_squeeze %dma_start3A_20 : memref<1x128xi32, #tpu.memory_space<vmem>> -> memref<128xi32, #tpu.memory_space<vmem>>
        %dma_start3A_22 = arith.constant 0 : i32
        %dma_start3A_23 = arith.constant 0 : i32
        %dma_start3A_24 = tpu.memref_slice %arg2[%dma_start3A_22, %dma_start3A_23] : memref<10000x128xf32, #tpu.memory_space<hbm>> -> memref<10000x128xf32, #tpu.memory_space<hbm>>
        tpu.enqueue_indirect_dma source(%dma_start3A_24 : memref<10000x128xf32, #tpu.memory_space<hbm>>) target(%arg11 : memref<128x128xf32, #tpu.memory_space<vmem>>) offsets(%dma_start3A_21 : memref<128xi32, #tpu.memory_space<vmem>>) semaphore(%arg14 : memref<!tpu.dma_semaphore, #tpu.memory_space<semaphore_mem>>)
        %dma_wait3A = arith.constant 0 : i32
        %dma_wait3A_25 = arith.constant 0 : i32
        %dma_wait3A_26 = tpu.memref_slice %arg9[%dma_wait3A, %dma_wait3A_25] : memref<8x128xi32, #tpu.memory_space<vmem>> -> memref<1x128xi32, #tpu.memory_space<vmem>>
        %dma_wait3A_27 = tpu.memref_squeeze %dma_wait3A_26 : memref<1x128xi32, #tpu.memory_space<vmem>> -> memref<128xi32, #tpu.memory_space<vmem>>
        %dma_wait3A_28 = arith.constant 0 : i32
        %dma_wait3A_29 = arith.constant 0 : i32
        %dma_wait3A_30 = tpu.memref_slice %arg2[%dma_wait3A_28, %dma_wait3A_29] : memref<10000x128xf32, #tpu.memory_space<hbm>> -> memref<10000x128xf32, #tpu.memory_space<hbm>>
        tpu.wait_indirect_dma semaphore(%arg14 : memref<!tpu.dma_semaphore, #tpu.memory_space<semaphore_mem>>) src(%dma_wait3A_30 : memref<10000x128xf32, #tpu.memory_space<hbm>>) dst(%arg11 : memref<128x128xf32, #tpu.memory_space<vmem>>)
        %run_scoped3A = arith.constant 0 : i32
        "tpu.region"() ({
          %run_scoped3A_136 = tpu.sem_alloc : memref<!tpu.dma_semaphore, #tpu.memory_space<semaphore_mem>>
          %dma_start3A_137 = arith.constant 0 : i32
          %dma_start3A_138 = tpu.memref_slice %arg10[%run_scoped3A, %dma_start3A_137] : memref<8x128xi32, #tpu.memory_space<vmem>> -> memref<1x128xi32, #tpu.memory_space<vmem>>
          %dma_start3A_139 = tpu.memref_squeeze %dma_start3A_138 : memref<1x128xi32, #tpu.memory_space<vmem>> -> memref<128xi32, #tpu.memory_space<vmem>>
          %dma_start3A_140 = arith.constant 0 : i32
          %dma_start3A_141 = arith.constant 0 : i32
          %dma_start3A_142 = tpu.memref_slice %arg13[%dma_start3A_140, %dma_start3A_141] : memref<10112x128xf32, #tpu.memory_space<vmem_shared>> -> memref<10112x128xf32, #tpu.memory_space<vmem_shared>>
          tpu.enqueue_indirect_dma source(%arg11 : memref<128x128xf32, #tpu.memory_space<vmem>>) target(%dma_start3A_142 : memref<10112x128xf32, #tpu.memory_space<vmem_shared>>) offsets(%dma_start3A_139 : memref<128xi32, #tpu.memory_space<vmem>>) semaphore(%run_scoped3A_136 : memref<!tpu.dma_semaphore, #tpu.memory_space<semaphore_mem>>) {add = true}
          %dma_wait3A_143 = arith.constant 0 : i32
          %dma_wait3A_144 = tpu.memref_slice %arg10[%run_scoped3A, %dma_wait3A_143] : memref<8x128xi32, #tpu.memory_space<vmem>> -> memref<1x128xi32, #tpu.memory_space<vmem>>
          %dma_wait3A_145 = tpu.memref_squeeze %dma_wait3A_144 : memref<1x128xi32, #tpu.memory_space<vmem>> -> memref<128xi32, #tpu.memory_space<vmem>>
          %dma_wait3A_146 = arith.constant 0 : i32
          %dma_wait3A_147 = arith.constant 0 : i32
          %dma_wait3A_148 = tpu.memref_slice %arg13[%dma_wait3A_146, %dma_wait3A_147] : memref<10112x128xf32, #tpu.memory_space<vmem_shared>> -> memref<10112x128xf32, #tpu.memory_space<vmem_shared>>
          tpu.wait_indirect_dma semaphore(%run_scoped3A_136 : memref<!tpu.dma_semaphore, #tpu.memory_space<semaphore_mem>>) src(%arg11 : memref<128x128xf32, #tpu.memory_space<vmem>>) dst(%dma_wait3A_148 : memref<10112x128xf32, #tpu.memory_space<vmem_shared>>)
          tpu.yield
        }) : () -> ()
        %dma_start3A_31 = arith.constant 1 : i32
        %dma_start3A_32 = arith.constant 0 : i32
        %dma_start3A_33 = tpu.memref_slice %arg9[%dma_start3A_31, %dma_start3A_32] : memref<8x128xi32, #tpu.memory_space<vmem>> -> memref<1x128xi32, #tpu.memory_space<vmem>>
        %dma_start3A_34 = tpu.memref_squeeze %dma_start3A_33 : memref<1x128xi32, #tpu.memory_space<vmem>> -> memref<128xi32, #tpu.memory_space<vmem>>
        %dma_start3A_35 = arith.constant 0 : i32
        %dma_start3A_36 = arith.constant 0 : i32
        %dma_start3A_37 = tpu.memref_slice %arg2[%dma_start3A_35, %dma_start3A_36] : memref<10000x128xf32, #tpu.memory_space<hbm>> -> memref<10000x128xf32, #tpu.memory_space<hbm>>
        tpu.enqueue_indirect_dma source(%dma_start3A_37 : memref<10000x128xf32, #tpu.memory_space<hbm>>) target(%arg12 : memref<128x128xf32, #tpu.memory_space<vmem>>) offsets(%dma_start3A_34 : memref<128xi32, #tpu.memory_space<vmem>>) semaphore(%arg15 : memref<!tpu.dma_semaphore, #tpu.memory_space<semaphore_mem>>)
        %dma_wait3A_38 = arith.constant 1 : i32
        %dma_wait3A_39 = arith.constant 0 : i32
        %dma_wait3A_40 = tpu.memref_slice %arg9[%dma_wait3A_38, %dma_wait3A_39] : memref<8x128xi32, #tpu.memory_space<vmem>> -> memref<1x128xi32, #tpu.memory_space<vmem>>
        %dma_wait3A_41 = tpu.memref_squeeze %dma_wait3A_40 : memref<1x128xi32, #tpu.memory_space<vmem>> -> memref<128xi32, #tpu.memory_space<vmem>>
        %dma_wait3A_42 = arith.constant 0 : i32
        %dma_wait3A_43 = arith.constant 0 : i32
        %dma_wait3A_44 = tpu.memref_slice %arg2[%dma_wait3A_42, %dma_wait3A_43] : memref<10000x128xf32, #tpu.memory_space<hbm>> -> memref<10000x128xf32, #tpu.memory_space<hbm>>
        tpu.wait_indirect_dma semaphore(%arg15 : memref<!tpu.dma_semaphore, #tpu.memory_space<semaphore_mem>>) src(%dma_wait3A_44 : memref<10000x128xf32, #tpu.memory_space<hbm>>) dst(%arg12 : memref<128x128xf32, #tpu.memory_space<vmem>>)
        %run_scoped3A_45 = arith.constant 1 : i32
        "tpu.region"() ({
          %run_scoped3A_136 = tpu.sem_alloc : memref<!tpu.dma_semaphore, #tpu.memory_space<semaphore_mem>>
          %dma_start3A_137 = arith.constant 0 : i32
          %dma_start3A_138 = tpu.memref_slice %arg10[%run_scoped3A_45, %dma_start3A_137] : memref<8x128xi32, #tpu.memory_space<vmem>> -> memref<1x128xi32, #tpu.memory_space<vmem>>
          %dma_start3A_139 = tpu.memref_squeeze %dma_start3A_138 : memref<1x128xi32, #tpu.memory_space<vmem>> -> memref<128xi32, #tpu.memory_space<vmem>>
          %dma_start3A_140 = arith.constant 0 : i32
          %dma_start3A_141 = arith.constant 0 : i32
          %dma_start3A_142 = tpu.memref_slice %arg13[%dma_start3A_140, %dma_start3A_141] : memref<10112x128xf32, #tpu.memory_space<vmem_shared>> -> memref<10112x128xf32, #tpu.memory_space<vmem_shared>>
          tpu.enqueue_indirect_dma source(%arg12 : memref<128x128xf32, #tpu.memory_space<vmem>>) target(%dma_start3A_142 : memref<10112x128xf32, #tpu.memory_space<vmem_shared>>) offsets(%dma_start3A_139 : memref<128xi32, #tpu.memory_space<vmem>>) semaphore(%run_scoped3A_136 : memref<!tpu.dma_semaphore, #tpu.memory_space<semaphore_mem>>) {add = true}
          %dma_wait3A_143 = arith.constant 0 : i32
          %dma_wait3A_144 = tpu.memref_slice %arg10[%run_scoped3A_45, %dma_wait3A_143] : memref<8x128xi32, #tpu.memory_space<vmem>> -> memref<1x128xi32, #tpu.memory_space<vmem>>
          %dma_wait3A_145 = tpu.memref_squeeze %dma_wait3A_144 : memref<1x128xi32, #tpu.memory_space<vmem>> -> memref<128xi32, #tpu.memory_space<vmem>>
          %dma_wait3A_146 = arith.constant 0 : i32
          %dma_wait3A_147 = arith.constant 0 : i32
          %dma_wait3A_148 = tpu.memref_slice %arg13[%dma_wait3A_146, %dma_wait3A_147] : memref<10112x128xf32, #tpu.memory_space<vmem_shared>> -> memref<10112x128xf32, #tpu.memory_space<vmem_shared>>
          tpu.wait_indirect_dma semaphore(%run_scoped3A_136 : memref<!tpu.dma_semaphore, #tpu.memory_space<semaphore_mem>>) src(%arg12 : memref<128x128xf32, #tpu.memory_space<vmem>>) dst(%dma_wait3A_148 : memref<10112x128xf32, #tpu.memory_space<vmem_shared>>)
          tpu.yield
        }) : () -> ()
        %dma_start3A_46 = arith.constant 2 : i32
        %dma_start3A_47 = arith.constant 0 : i32
        %dma_start3A_48 = tpu.memref_slice %arg9[%dma_start3A_46, %dma_start3A_47] : memref<8x128xi32, #tpu.memory_space<vmem>> -> memref<1x128xi32, #tpu.memory_space<vmem>>
        %dma_start3A_49 = tpu.memref_squeeze %dma_start3A_48 : memref<1x128xi32, #tpu.memory_space<vmem>> -> memref<128xi32, #tpu.memory_space<vmem>>
        %dma_start3A_50 = arith.constant 0 : i32
        %dma_start3A_51 = arith.constant 0 : i32
        %dma_start3A_52 = tpu.memref_slice %arg2[%dma_start3A_50, %dma_start3A_51] : memref<10000x128xf32, #tpu.memory_space<hbm>> -> memref<10000x128xf32, #tpu.memory_space<hbm>>
        tpu.enqueue_indirect_dma source(%dma_start3A_52 : memref<10000x128xf32, #tpu.memory_space<hbm>>) target(%arg11 : memref<128x128xf32, #tpu.memory_space<vmem>>) offsets(%dma_start3A_49 : memref<128xi32, #tpu.memory_space<vmem>>) semaphore(%arg14 : memref<!tpu.dma_semaphore, #tpu.memory_space<semaphore_mem>>)
        %dma_wait3A_53 = arith.constant 2 : i32
        %dma_wait3A_54 = arith.constant 0 : i32
        %dma_wait3A_55 = tpu.memref_slice %arg9[%dma_wait3A_53, %dma_wait3A_54] : memref<8x128xi32, #tpu.memory_space<vmem>> -> memref<1x128xi32, #tpu.memory_space<vmem>>
        %dma_wait3A_56 = tpu.memref_squeeze %dma_wait3A_55 : memref<1x128xi32, #tpu.memory_space<vmem>> -> memref<128xi32, #tpu.memory_space<vmem>>
        %dma_wait3A_57 = arith.constant 0 : i32
        %dma_wait3A_58 = arith.constant 0 : i32
        %dma_wait3A_59 = tpu.memref_slice %arg2[%dma_wait3A_57, %dma_wait3A_58] : memref<10000x128xf32, #tpu.memory_space<hbm>> -> memref<10000x128xf32, #tpu.memory_space<hbm>>
        tpu.wait_indirect_dma semaphore(%arg14 : memref<!tpu.dma_semaphore, #tpu.memory_space<semaphore_mem>>) src(%dma_wait3A_59 : memref<10000x128xf32, #tpu.memory_space<hbm>>) dst(%arg11 : memref<128x128xf32, #tpu.memory_space<vmem>>)
        %run_scoped3A_60 = arith.constant 2 : i32
        "tpu.region"() ({
          %run_scoped3A_136 = tpu.sem_alloc : memref<!tpu.dma_semaphore, #tpu.memory_space<semaphore_mem>>
          %dma_start3A_137 = arith.constant 0 : i32
          %dma_start3A_138 = tpu.memref_slice %arg10[%run_scoped3A_60, %dma_start3A_137] : memref<8x128xi32, #tpu.memory_space<vmem>> -> memref<1x128xi32, #tpu.memory_space<vmem>>
          %dma_start3A_139 = tpu.memref_squeeze %dma_start3A_138 : memref<1x128xi32, #tpu.memory_space<vmem>> -> memref<128xi32, #tpu.memory_space<vmem>>
          %dma_start3A_140 = arith.constant 0 : i32
          %dma_start3A_141 = arith.constant 0 : i32
          %dma_start3A_142 = tpu.memref_slice %arg13[%dma_start3A_140, %dma_start3A_141] : memref<10112x128xf32, #tpu.memory_space<vmem_shared>> -> memref<10112x128xf32, #tpu.memory_space<vmem_shared>>
          tpu.enqueue_indirect_dma source(%arg11 : memref<128x128xf32, #tpu.memory_space<vmem>>) target(%dma_start3A_142 : memref<10112x128xf32, #tpu.memory_space<vmem_shared>>) offsets(%dma_start3A_139 : memref<128xi32, #tpu.memory_space<vmem>>) semaphore(%run_scoped3A_136 : memref<!tpu.dma_semaphore, #tpu.memory_space<semaphore_mem>>) {add = true}
          %dma_wait3A_143 = arith.constant 0 : i32
          %dma_wait3A_144 = tpu.memref_slice %arg10[%run_scoped3A_60, %dma_wait3A_143] : memref<8x128xi32, #tpu.memory_space<vmem>> -> memref<1x128xi32, #tpu.memory_space<vmem>>
          %dma_wait3A_145 = tpu.memref_squeeze %dma_wait3A_144 : memref<1x128xi32, #tpu.memory_space<vmem>> -> memref<128xi32, #tpu.memory_space<vmem>>
          %dma_wait3A_146 = arith.constant 0 : i32
          %dma_wait3A_147 = arith.constant 0 : i32
          %dma_wait3A_148 = tpu.memref_slice %arg13[%dma_wait3A_146, %dma_wait3A_147] : memref<10112x128xf32, #tpu.memory_space<vmem_shared>> -> memref<10112x128xf32, #tpu.memory_space<vmem_shared>>
          tpu.wait_indirect_dma semaphore(%run_scoped3A_136 : memref<!tpu.dma_semaphore, #tpu.memory_space<semaphore_mem>>) src(%arg11 : memref<128x128xf32, #tpu.memory_space<vmem>>) dst(%dma_wait3A_148 : memref<10112x128xf32, #tpu.memory_space<vmem_shared>>)
          tpu.yield
        }) : () -> ()
        %dma_start3A_61 = arith.constant 3 : i32
        %dma_start3A_62 = arith.constant 0 : i32
        %dma_start3A_63 = tpu.memref_slice %arg9[%dma_start3A_61, %dma_start3A_62] : memref<8x128xi32, #tpu.memory_space<vmem>> -> memref<1x128xi32, #tpu.memory_space<vmem>>
        %dma_start3A_64 = tpu.memref_squeeze %dma_start3A_63 : memref<1x128xi32, #tpu.memory_space<vmem>> -> memref<128xi32, #tpu.memory_space<vmem>>
        %dma_start3A_65 = arith.constant 0 : i32
        %dma_start3A_66 = arith.constant 0 : i32
        %dma_start3A_67 = tpu.memref_slice %arg2[%dma_start3A_65, %dma_start3A_66] : memref<10000x128xf32, #tpu.memory_space<hbm>> -> memref<10000x128xf32, #tpu.memory_space<hbm>>
        tpu.enqueue_indirect_dma source(%dma_start3A_67 : memref<10000x128xf32, #tpu.memory_space<hbm>>) target(%arg12 : memref<128x128xf32, #tpu.memory_space<vmem>>) offsets(%dma_start3A_64 : memref<128xi32, #tpu.memory_space<vmem>>) semaphore(%arg15 : memref<!tpu.dma_semaphore, #tpu.memory_space<semaphore_mem>>)
        %dma_wait3A_68 = arith.constant 3 : i32
        %dma_wait3A_69 = arith.constant 0 : i32
        %dma_wait3A_70 = tpu.memref_slice %arg9[%dma_wait3A_68, %dma_wait3A_69] : memref<8x128xi32, #tpu.memory_space<vmem>> -> memref<1x128xi32, #tpu.memory_space<vmem>>
        %dma_wait3A_71 = tpu.memref_squeeze %dma_wait3A_70 : memref<1x128xi32, #tpu.memory_space<vmem>> -> memref<128xi32, #tpu.memory_space<vmem>>
        %dma_wait3A_72 = arith.constant 0 : i32
        %dma_wait3A_73 = arith.constant 0 : i32
        %dma_wait3A_74 = tpu.memref_slice %arg2[%dma_wait3A_72, %dma_wait3A_73] : memref<10000x128xf32, #tpu.memory_space<hbm>> -> memref<10000x128xf32, #tpu.memory_space<hbm>>
        tpu.wait_indirect_dma semaphore(%arg15 : memref<!tpu.dma_semaphore, #tpu.memory_space<semaphore_mem>>) src(%dma_wait3A_74 : memref<10000x128xf32, #tpu.memory_space<hbm>>) dst(%arg12 : memref<128x128xf32, #tpu.memory_space<vmem>>)
        %run_scoped3A_75 = arith.constant 3 : i32
        "tpu.region"() ({
          %run_scoped3A_136 = tpu.sem_alloc : memref<!tpu.dma_semaphore, #tpu.memory_space<semaphore_mem>>
          %dma_start3A_137 = arith.constant 0 : i32
          %dma_start3A_138 = tpu.memref_slice %arg10[%run_scoped3A_75, %dma_start3A_137] : memref<8x128xi32, #tpu.memory_space<vmem>> -> memref<1x128xi32, #tpu.memory_space<vmem>>
          %dma_start3A_139 = tpu.memref_squeeze %dma_start3A_138 : memref<1x128xi32, #tpu.memory_space<vmem>> -> memref<128xi32, #tpu.memory_space<vmem>>
          %dma_start3A_140 = arith.constant 0 : i32
          %dma_start3A_141 = arith.constant 0 : i32
          %dma_start3A_142 = tpu.memref_slice %arg13[%dma_start3A_140, %dma_start3A_141] : memref<10112x128xf32, #tpu.memory_space<vmem_shared>> -> memref<10112x128xf32, #tpu.memory_space<vmem_shared>>
          tpu.enqueue_indirect_dma source(%arg12 : memref<128x128xf32, #tpu.memory_space<vmem>>) target(%dma_start3A_142 : memref<10112x128xf32, #tpu.memory_space<vmem_shared>>) offsets(%dma_start3A_139 : memref<128xi32, #tpu.memory_space<vmem>>) semaphore(%run_scoped3A_136 : memref<!tpu.dma_semaphore, #tpu.memory_space<semaphore_mem>>) {add = true}
          %dma_wait3A_143 = arith.constant 0 : i32
          %dma_wait3A_144 = tpu.memref_slice %arg10[%run_scoped3A_75, %dma_wait3A_143] : memref<8x128xi32, #tpu.memory_space<vmem>> -> memref<1x128xi32, #tpu.memory_space<vmem>>
          %dma_wait3A_145 = tpu.memref_squeeze %dma_wait3A_144 : memref<1x128xi32, #tpu.memory_space<vmem>> -> memref<128xi32, #tpu.memory_space<vmem>>
          %dma_wait3A_146 = arith.constant 0 : i32
          %dma_wait3A_147 = arith.constant 0 : i32
          %dma_wait3A_148 = tpu.memref_slice %arg13[%dma_wait3A_146, %dma_wait3A_147] : memref<10112x128xf32, #tpu.memory_space<vmem_shared>> -> memref<10112x128xf32, #tpu.memory_space<vmem_shared>>
          tpu.wait_indirect_dma semaphore(%run_scoped3A_136 : memref<!tpu.dma_semaphore, #tpu.memory_space<semaphore_mem>>) src(%arg12 : memref<128x128xf32, #tpu.memory_space<vmem>>) dst(%dma_wait3A_148 : memref<10112x128xf32, #tpu.memory_space<vmem_shared>>)
          tpu.yield
        }) : () -> ()
        %dma_start3A_76 = arith.constant 4 : i32
        %dma_start3A_77 = arith.constant 0 : i32
        %dma_start3A_78 = tpu.memref_slice %arg9[%dma_start3A_76, %dma_start3A_77] : memref<8x128xi32, #tpu.memory_space<vmem>> -> memref<1x128xi32, #tpu.memory_space<vmem>>
        %dma_start3A_79 = tpu.memref_squeeze %dma_start3A_78 : memref<1x128xi32, #tpu.memory_space<vmem>> -> memref<128xi32, #tpu.memory_space<vmem>>
        %dma_start3A_80 = arith.constant 0 : i32
        %dma_start3A_81 = arith.constant 0 : i32
        %dma_start3A_82 = tpu.memref_slice %arg2[%dma_start3A_80, %dma_start3A_81] : memref<10000x128xf32, #tpu.memory_space<hbm>> -> memref<10000x128xf32, #tpu.memory_space<hbm>>
        tpu.enqueue_indirect_dma source(%dma_start3A_82 : memref<10000x128xf32, #tpu.memory_space<hbm>>) target(%arg11 : memref<128x128xf32, #tpu.memory_space<vmem>>) offsets(%dma_start3A_79 : memref<128xi32, #tpu.memory_space<vmem>>) semaphore(%arg14 : memref<!tpu.dma_semaphore, #tpu.memory_space<semaphore_mem>>)
        %dma_wait3A_83 = arith.constant 4 : i32
        %dma_wait3A_84 = arith.constant 0 : i32
        %dma_wait3A_85 = tpu.memref_slice %arg9[%dma_wait3A_83, %dma_wait3A_84] : memref<8x128xi32, #tpu.memory_space<vmem>> -> memref<1x128xi32, #tpu.memory_space<vmem>>
        %dma_wait3A_86 = tpu.memref_squeeze %dma_wait3A_85 : memref<1x128xi32, #tpu.memory_space<vmem>> -> memref<128xi32, #tpu.memory_space<vmem>>
        %dma_wait3A_87 = arith.constant 0 : i32
        %dma_wait3A_88 = arith.constant 0 : i32
        %dma_wait3A_89 = tpu.memref_slice %arg2[%dma_wait3A_87, %dma_wait3A_88] : memref<10000x128xf32, #tpu.memory_space<hbm>> -> memref<10000x128xf32, #tpu.memory_space<hbm>>
        tpu.wait_indirect_dma semaphore(%arg14 : memref<!tpu.dma_semaphore, #tpu.memory_space<semaphore_mem>>) src(%dma_wait3A_89 : memref<10000x128xf32, #tpu.memory_space<hbm>>) dst(%arg11 : memref<128x128xf32, #tpu.memory_space<vmem>>)
        %run_scoped3A_90 = arith.constant 4 : i32
        "tpu.region"() ({
          %run_scoped3A_136 = tpu.sem_alloc : memref<!tpu.dma_semaphore, #tpu.memory_space<semaphore_mem>>
          %dma_start3A_137 = arith.constant 0 : i32
          %dma_start3A_138 = tpu.memref_slice %arg10[%run_scoped3A_90, %dma_start3A_137] : memref<8x128xi32, #tpu.memory_space<vmem>> -> memref<1x128xi32, #tpu.memory_space<vmem>>
          %dma_start3A_139 = tpu.memref_squeeze %dma_start3A_138 : memref<1x128xi32, #tpu.memory_space<vmem>> -> memref<128xi32, #tpu.memory_space<vmem>>
          %dma_start3A_140 = arith.constant 0 : i32
          %dma_start3A_141 = arith.constant 0 : i32
          %dma_start3A_142 = tpu.memref_slice %arg13[%dma_start3A_140, %dma_start3A_141] : memref<10112x128xf32, #tpu.memory_space<vmem_shared>> -> memref<10112x128xf32, #tpu.memory_space<vmem_shared>>
          tpu.enqueue_indirect_dma source(%arg11 : memref<128x128xf32, #tpu.memory_space<vmem>>) target(%dma_start3A_142 : memref<10112x128xf32, #tpu.memory_space<vmem_shared>>) offsets(%dma_start3A_139 : memref<128xi32, #tpu.memory_space<vmem>>) semaphore(%run_scoped3A_136 : memref<!tpu.dma_semaphore, #tpu.memory_space<semaphore_mem>>) {add = true}
          %dma_wait3A_143 = arith.constant 0 : i32
          %dma_wait3A_144 = tpu.memref_slice %arg10[%run_scoped3A_90, %dma_wait3A_143] : memref<8x128xi32, #tpu.memory_space<vmem>> -> memref<1x128xi32, #tpu.memory_space<vmem>>
          %dma_wait3A_145 = tpu.memref_squeeze %dma_wait3A_144 : memref<1x128xi32, #tpu.memory_space<vmem>> -> memref<128xi32, #tpu.memory_space<vmem>>
          %dma_wait3A_146 = arith.constant 0 : i32
          %dma_wait3A_147 = arith.constant 0 : i32
          %dma_wait3A_148 = tpu.memref_slice %arg13[%dma_wait3A_146, %dma_wait3A_147] : memref<10112x128xf32, #tpu.memory_space<vmem_shared>> -> memref<10112x128xf32, #tpu.memory_space<vmem_shared>>
          tpu.wait_indirect_dma semaphore(%run_scoped3A_136 : memref<!tpu.dma_semaphore, #tpu.memory_space<semaphore_mem>>) src(%arg11 : memref<128x128xf32, #tpu.memory_space<vmem>>) dst(%dma_wait3A_148 : memref<10112x128xf32, #tpu.memory_space<vmem_shared>>)
          tpu.yield
        }) : () -> ()
        %dma_start3A_91 = arith.constant 5 : i32
        %dma_start3A_92 = arith.constant 0 : i32
        %dma_start3A_93 = tpu.memref_slice %arg9[%dma_start3A_91, %dma_start3A_92] : memref<8x128xi32, #tpu.memory_space<vmem>> -> memref<1x128xi32, #tpu.memory_space<vmem>>
        %dma_start3A_94 = tpu.memref_squeeze %dma_start3A_93 : memref<1x128xi32, #tpu.memory_space<vmem>> -> memref<128xi32, #tpu.memory_space<vmem>>
        %dma_start3A_95 = arith.constant 0 : i32
        %dma_start3A_96 = arith.constant 0 : i32
        %dma_start3A_97 = tpu.memref_slice %arg2[%dma_start3A_95, %dma_start3A_96] : memref<10000x128xf32, #tpu.memory_space<hbm>> -> memref<10000x128xf32, #tpu.memory_space<hbm>>
        tpu.enqueue_indirect_dma source(%dma_start3A_97 : memref<10000x128xf32, #tpu.memory_space<hbm>>) target(%arg12 : memref<128x128xf32, #tpu.memory_space<vmem>>) offsets(%dma_start3A_94 : memref<128xi32, #tpu.memory_space<vmem>>) semaphore(%arg15 : memref<!tpu.dma_semaphore, #tpu.memory_space<semaphore_mem>>)
        %dma_wait3A_98 = arith.constant 5 : i32
        %dma_wait3A_99 = arith.constant 0 : i32
        %dma_wait3A_100 = tpu.memref_slice %arg9[%dma_wait3A_98, %dma_wait3A_99] : memref<8x128xi32, #tpu.memory_space<vmem>> -> memref<1x128xi32, #tpu.memory_space<vmem>>
        %dma_wait3A_101 = tpu.memref_squeeze %dma_wait3A_100 : memref<1x128xi32, #tpu.memory_space<vmem>> -> memref<128xi32, #tpu.memory_space<vmem>>
        %dma_wait3A_102 = arith.constant 0 : i32
        %dma_wait3A_103 = arith.constant 0 : i32
        %dma_wait3A_104 = tpu.memref_slice %arg2[%dma_wait3A_102, %dma_wait3A_103] : memref<10000x128xf32, #tpu.memory_space<hbm>> -> memref<10000x128xf32, #tpu.memory_space<hbm>>
        tpu.wait_indirect_dma semaphore(%arg15 : memref<!tpu.dma_semaphore, #tpu.memory_space<semaphore_mem>>) src(%dma_wait3A_104 : memref<10000x128xf32, #tpu.memory_space<hbm>>) dst(%arg12 : memref<128x128xf32, #tpu.memory_space<vmem>>)
        %run_scoped3A_105 = arith.constant 5 : i32
        "tpu.region"() ({
          %run_scoped3A_136 = tpu.sem_alloc : memref<!tpu.dma_semaphore, #tpu.memory_space<semaphore_mem>>
          %dma_start3A_137 = arith.constant 0 : i32
          %dma_start3A_138 = tpu.memref_slice %arg10[%run_scoped3A_105, %dma_start3A_137] : memref<8x128xi32, #tpu.memory_space<vmem>> -> memref<1x128xi32, #tpu.memory_space<vmem>>
          %dma_start3A_139 = tpu.memref_squeeze %dma_start3A_138 : memref<1x128xi32, #tpu.memory_space<vmem>> -> memref<128xi32, #tpu.memory_space<vmem>>
          %dma_start3A_140 = arith.constant 0 : i32
          %dma_start3A_141 = arith.constant 0 : i32
          %dma_start3A_142 = tpu.memref_slice %arg13[%dma_start3A_140, %dma_start3A_141] : memref<10112x128xf32, #tpu.memory_space<vmem_shared>> -> memref<10112x128xf32, #tpu.memory_space<vmem_shared>>
          tpu.enqueue_indirect_dma source(%arg12 : memref<128x128xf32, #tpu.memory_space<vmem>>) target(%dma_start3A_142 : memref<10112x128xf32, #tpu.memory_space<vmem_shared>>) offsets(%dma_start3A_139 : memref<128xi32, #tpu.memory_space<vmem>>) semaphore(%run_scoped3A_136 : memref<!tpu.dma_semaphore, #tpu.memory_space<semaphore_mem>>) {add = true}
          %dma_wait3A_143 = arith.constant 0 : i32
          %dma_wait3A_144 = tpu.memref_slice %arg10[%run_scoped3A_105, %dma_wait3A_143] : memref<8x128xi32, #tpu.memory_space<vmem>> -> memref<1x128xi32, #tpu.memory_space<vmem>>
          %dma_wait3A_145 = tpu.memref_squeeze %dma_wait3A_144 : memref<1x128xi32, #tpu.memory_space<vmem>> -> memref<128xi32, #tpu.memory_space<vmem>>
          %dma_wait3A_146 = arith.constant 0 : i32
          %dma_wait3A_147 = arith.constant 0 : i32
          %dma_wait3A_148 = tpu.memref_slice %arg13[%dma_wait3A_146, %dma_wait3A_147] : memref<10112x128xf32, #tpu.memory_space<vmem_shared>> -> memref<10112x128xf32, #tpu.memory_space<vmem_shared>>
          tpu.wait_indirect_dma semaphore(%run_scoped3A_136 : memref<!tpu.dma_semaphore, #tpu.memory_space<semaphore_mem>>) src(%arg12 : memref<128x128xf32, #tpu.memory_space<vmem>>) dst(%dma_wait3A_148 : memref<10112x128xf32, #tpu.memory_space<vmem_shared>>)
          tpu.yield
        }) : () -> ()
        %dma_start3A_106 = arith.constant 6 : i32
        %dma_start3A_107 = arith.constant 0 : i32
        %dma_start3A_108 = tpu.memref_slice %arg9[%dma_start3A_106, %dma_start3A_107] : memref<8x128xi32, #tpu.memory_space<vmem>> -> memref<1x128xi32, #tpu.memory_space<vmem>>
        %dma_start3A_109 = tpu.memref_squeeze %dma_start3A_108 : memref<1x128xi32, #tpu.memory_space<vmem>> -> memref<128xi32, #tpu.memory_space<vmem>>
        %dma_start3A_110 = arith.constant 0 : i32
        %dma_start3A_111 = arith.constant 0 : i32
        %dma_start3A_112 = tpu.memref_slice %arg2[%dma_start3A_110, %dma_start3A_111] : memref<10000x128xf32, #tpu.memory_space<hbm>> -> memref<10000x128xf32, #tpu.memory_space<hbm>>
        tpu.enqueue_indirect_dma source(%dma_start3A_112 : memref<10000x128xf32, #tpu.memory_space<hbm>>) target(%arg11 : memref<128x128xf32, #tpu.memory_space<vmem>>) offsets(%dma_start3A_109 : memref<128xi32, #tpu.memory_space<vmem>>) semaphore(%arg14 : memref<!tpu.dma_semaphore, #tpu.memory_space<semaphore_mem>>)
        %dma_wait3A_113 = arith.constant 6 : i32
        %dma_wait3A_114 = arith.constant 0 : i32
        %dma_wait3A_115 = tpu.memref_slice %arg9[%dma_wait3A_113, %dma_wait3A_114] : memref<8x128xi32, #tpu.memory_space<vmem>> -> memref<1x128xi32, #tpu.memory_space<vmem>>
        %dma_wait3A_116 = tpu.memref_squeeze %dma_wait3A_115 : memref<1x128xi32, #tpu.memory_space<vmem>> -> memref<128xi32, #tpu.memory_space<vmem>>
        %dma_wait3A_117 = arith.constant 0 : i32
        %dma_wait3A_118 = arith.constant 0 : i32
        %dma_wait3A_119 = tpu.memref_slice %arg2[%dma_wait3A_117, %dma_wait3A_118] : memref<10000x128xf32, #tpu.memory_space<hbm>> -> memref<10000x128xf32, #tpu.memory_space<hbm>>
        tpu.wait_indirect_dma semaphore(%arg14 : memref<!tpu.dma_semaphore, #tpu.memory_space<semaphore_mem>>) src(%dma_wait3A_119 : memref<10000x128xf32, #tpu.memory_space<hbm>>) dst(%arg11 : memref<128x128xf32, #tpu.memory_space<vmem>>)
        %run_scoped3A_120 = arith.constant 6 : i32
        "tpu.region"() ({
          %run_scoped3A_136 = tpu.sem_alloc : memref<!tpu.dma_semaphore, #tpu.memory_space<semaphore_mem>>
          %dma_start3A_137 = arith.constant 0 : i32
          %dma_start3A_138 = tpu.memref_slice %arg10[%run_scoped3A_120, %dma_start3A_137] : memref<8x128xi32, #tpu.memory_space<vmem>> -> memref<1x128xi32, #tpu.memory_space<vmem>>
          %dma_start3A_139 = tpu.memref_squeeze %dma_start3A_138 : memref<1x128xi32, #tpu.memory_space<vmem>> -> memref<128xi32, #tpu.memory_space<vmem>>
          %dma_start3A_140 = arith.constant 0 : i32
          %dma_start3A_141 = arith.constant 0 : i32
          %dma_start3A_142 = tpu.memref_slice %arg13[%dma_start3A_140, %dma_start3A_141] : memref<10112x128xf32, #tpu.memory_space<vmem_shared>> -> memref<10112x128xf32, #tpu.memory_space<vmem_shared>>
          tpu.enqueue_indirect_dma source(%arg11 : memref<128x128xf32, #tpu.memory_space<vmem>>) target(%dma_start3A_142 : memref<10112x128xf32, #tpu.memory_space<vmem_shared>>) offsets(%dma_start3A_139 : memref<128xi32, #tpu.memory_space<vmem>>) semaphore(%run_scoped3A_136 : memref<!tpu.dma_semaphore, #tpu.memory_space<semaphore_mem>>) {add = true}
          %dma_wait3A_143 = arith.constant 0 : i32
          %dma_wait3A_144 = tpu.memref_slice %arg10[%run_scoped3A_120, %dma_wait3A_143] : memref<8x128xi32, #tpu.memory_space<vmem>> -> memref<1x128xi32, #tpu.memory_space<vmem>>
          %dma_wait3A_145 = tpu.memref_squeeze %dma_wait3A_144 : memref<1x128xi32, #tpu.memory_space<vmem>> -> memref<128xi32, #tpu.memory_space<vmem>>
          %dma_wait3A_146 = arith.constant 0 : i32
          %dma_wait3A_147 = arith.constant 0 : i32
          %dma_wait3A_148 = tpu.memref_slice %arg13[%dma_wait3A_146, %dma_wait3A_147] : memref<10112x128xf32, #tpu.memory_space<vmem_shared>> -> memref<10112x128xf32, #tpu.memory_space<vmem_shared>>
          tpu.wait_indirect_dma semaphore(%run_scoped3A_136 : memref<!tpu.dma_semaphore, #tpu.memory_space<semaphore_mem>>) src(%arg11 : memref<128x128xf32, #tpu.memory_space<vmem>>) dst(%dma_wait3A_148 : memref<10112x128xf32, #tpu.memory_space<vmem_shared>>)
          tpu.yield
        }) : () -> ()
        %dma_start3A_121 = arith.constant 7 : i32
        %dma_start3A_122 = arith.constant 0 : i32
        %dma_start3A_123 = tpu.memref_slice %arg9[%dma_start3A_121, %dma_start3A_122] : memref<8x128xi32, #tpu.memory_space<vmem>> -> memref<1x128xi32, #tpu.memory_space<vmem>>
        %dma_start3A_124 = tpu.memref_squeeze %dma_start3A_123 : memref<1x128xi32, #tpu.memory_space<vmem>> -> memref<128xi32, #tpu.memory_space<vmem>>
        %dma_start3A_125 = arith.constant 0 : i32
        %dma_start3A_126 = arith.constant 0 : i32
        %dma_start3A_127 = tpu.memref_slice %arg2[%dma_start3A_125, %dma_start3A_126] : memref<10000x128xf32, #tpu.memory_space<hbm>> -> memref<10000x128xf32, #tpu.memory_space<hbm>>
        tpu.enqueue_indirect_dma source(%dma_start3A_127 : memref<10000x128xf32, #tpu.memory_space<hbm>>) target(%arg12 : memref<128x128xf32, #tpu.memory_space<vmem>>) offsets(%dma_start3A_124 : memref<128xi32, #tpu.memory_space<vmem>>) semaphore(%arg15 : memref<!tpu.dma_semaphore, #tpu.memory_space<semaphore_mem>>)
        %dma_wait3A_128 = arith.constant 7 : i32
        %dma_wait3A_129 = arith.constant 0 : i32
        %dma_wait3A_130 = tpu.memref_slice %arg9[%dma_wait3A_128, %dma_wait3A_129] : memref<8x128xi32, #tpu.memory_space<vmem>> -> memref<1x128xi32, #tpu.memory_space<vmem>>
        %dma_wait3A_131 = tpu.memref_squeeze %dma_wait3A_130 : memref<1x128xi32, #tpu.memory_space<vmem>> -> memref<128xi32, #tpu.memory_space<vmem>>
        %dma_wait3A_132 = arith.constant 0 : i32
        %dma_wait3A_133 = arith.constant 0 : i32
        %dma_wait3A_134 = tpu.memref_slice %arg2[%dma_wait3A_132, %dma_wait3A_133] : memref<10000x128xf32, #tpu.memory_space<hbm>> -> memref<10000x128xf32, #tpu.memory_space<hbm>>
        tpu.wait_indirect_dma semaphore(%arg15 : memref<!tpu.dma_semaphore, #tpu.memory_space<semaphore_mem>>) src(%dma_wait3A_134 : memref<10000x128xf32, #tpu.memory_space<hbm>>) dst(%arg12 : memref<128x128xf32, #tpu.memory_space<vmem>>)
        %run_scoped3A_135 = arith.constant 7 : i32
        "tpu.region"() ({
          %run_scoped3A_136 = tpu.sem_alloc : memref<!tpu.dma_semaphore, #tpu.memory_space<semaphore_mem>>
          %dma_start3A_137 = arith.constant 0 : i32
          %dma_start3A_138 = tpu.memref_slice %arg10[%run_scoped3A_135, %dma_start3A_137] : memref<8x128xi32, #tpu.memory_space<vmem>> -> memref<1x128xi32, #tpu.memory_space<vmem>>
          %dma_start3A_139 = tpu.memref_squeeze %dma_start3A_138 : memref<1x128xi32, #tpu.memory_space<vmem>> -> memref<128xi32, #tpu.memory_space<vmem>>
          %dma_start3A_140 = arith.constant 0 : i32
          %dma_start3A_141 = arith.constant 0 : i32
          %dma_start3A_142 = tpu.memref_slice %arg13[%dma_start3A_140, %dma_start3A_141] : memref<10112x128xf32, #tpu.memory_space<vmem_shared>> -> memref<10112x128xf32, #tpu.memory_space<vmem_shared>>
          tpu.enqueue_indirect_dma source(%arg12 : memref<128x128xf32, #tpu.memory_space<vmem>>) target(%dma_start3A_142 : memref<10112x128xf32, #tpu.memory_space<vmem_shared>>) offsets(%dma_start3A_139 : memref<128xi32, #tpu.memory_space<vmem>>) semaphore(%run_scoped3A_136 : memref<!tpu.dma_semaphore, #tpu.memory_space<semaphore_mem>>) {add = true}
          %dma_wait3A_143 = arith.constant 0 : i32
          %dma_wait3A_144 = tpu.memref_slice %arg10[%run_scoped3A_135, %dma_wait3A_143] : memref<8x128xi32, #tpu.memory_space<vmem>> -> memref<1x128xi32, #tpu.memory_space<vmem>>
          %dma_wait3A_145 = tpu.memref_squeeze %dma_wait3A_144 : memref<1x128xi32, #tpu.memory_space<vmem>> -> memref<128xi32, #tpu.memory_space<vmem>>
          %dma_wait3A_146 = arith.constant 0 : i32
          %dma_wait3A_147 = arith.constant 0 : i32
          %dma_wait3A_148 = tpu.memref_slice %arg13[%dma_wait3A_146, %dma_wait3A_147] : memref<10112x128xf32, #tpu.memory_space<vmem_shared>> -> memref<10112x128xf32, #tpu.memory_space<vmem_shared>>
          tpu.wait_indirect_dma semaphore(%run_scoped3A_136 : memref<!tpu.dma_semaphore, #tpu.memory_space<semaphore_mem>>) src(%arg12 : memref<128x128xf32, #tpu.memory_space<vmem>>) dst(%dma_wait3A_148 : memref<10112x128xf32, #tpu.memory_space<vmem_shared>>)
          tpu.yield
        }) : () -> ()
      }
      %scan3A_17 = arith.constant 4 : i32
    } else {
    }
    %barrier3A_8 = arith.constant 0 : index
    tpu.barrier barrier_id(%barrier3A_8)
    %mul3A_9 = arith.constant 632 : i32
    %mul3A_10 = arith.muli %arg1, %mul3A_9 : i32
    %mul3A_11 = arith.constant 632 : i32
    %mul3A_12 = arith.muli %arg1, %mul3A_11 : i32
    "tpu.region"() ({
      %run_scoped3A = tpu.sem_alloc : memref<!tpu.dma_semaphore, #tpu.memory_space<semaphore_mem>>
      %dma_start3A = arith.constant 0 : i32
      %dma_start3A_13 = tpu.memref_slice %arg8[%arg0, %mul3A_12, %dma_start3A] : memref<2x10112x128xf32, #tpu.memory_space<hbm>> -> memref<1x632x128xf32, #tpu.memory_space<hbm>>
      %dma_start3A_14 = tpu.memref_squeeze %dma_start3A_13 : memref<1x632x128xf32, #tpu.memory_space<hbm>> -> memref<632x128xf32, #tpu.memory_space<hbm>>
      %dma_start3A_15 = arith.constant 0 : i32
      %dma_start3A_16 = tpu.memref_slice %arg13[%mul3A_10, %dma_start3A_15] : memref<10112x128xf32, #tpu.memory_space<vmem_shared>> -> memref<632x128xf32, #tpu.memory_space<vmem_shared>>
      tpu.enqueue_dma source(%dma_start3A_16 : memref<632x128xf32, #tpu.memory_space<vmem_shared>>) target(%dma_start3A_14 : memref<632x128xf32, #tpu.memory_space<hbm>>) target_semaphore(%run_scoped3A : memref<!tpu.dma_semaphore, #tpu.memory_space<semaphore_mem>>)
      %dma_wait3A = arith.constant 0 : i32
      %dma_wait3A_17 = tpu.memref_slice %arg8[%arg0, %mul3A_12, %dma_wait3A] : memref<2x10112x128xf32, #tpu.memory_space<hbm>> -> memref<1x632x128xf32, #tpu.memory_space<hbm>>
      %dma_wait3A_18 = tpu.memref_squeeze %dma_wait3A_17 : memref<1x632x128xf32, #tpu.memory_space<hbm>> -> memref<632x128xf32, #tpu.memory_space<hbm>>
      %dma_wait3A_19 = arith.constant 0 : i32
      %dma_wait3A_20 = tpu.memref_slice %arg13[%mul3A_10, %dma_wait3A_19] : memref<10112x128xf32, #tpu.memory_space<vmem_shared>> -> memref<632x128xf32, #tpu.memory_space<vmem_shared>>
      tpu.wait_dma2 semaphore(%run_scoped3A : memref<!tpu.dma_semaphore, #tpu.memory_space<semaphore_mem>>) src(%dma_wait3A_20 : memref<632x128xf32, #tpu.memory_space<vmem_shared>>) dst(%dma_wait3A_18 : memref<632x128xf32, #tpu.memory_space<hbm>>)
      tpu.yield
    }) : () -> ()
    return
  }
}

module attributes {stable_mosaic.version = 14 : i64} {
  func.func @_mm_pre_body(%arg0: i32, %arg1: memref<2000x128xf32, #tpu.memory_space<vmem>>, %arg2: memref<128x128xf32, #tpu.memory_space<vmem>>, %arg3: memref<2x2000x128xf32, #tpu.memory_space<vmem>>, %arg4: memref<2000x128xf32, #tpu.memory_space<vmem>>) attributes {dimension_semantics = [#tpu.dimension_semantics<arbitrary>], iteration_bounds = array<i64: 5>, scalar_prefetch = 0 : i64, scratch_operands = 0 : i64, tpu.core_type = #tpu.core_type<tc>, window_params = [{transform_indices = @transform_0, window_bounds = array<i64: 2000, 128>}, {pipeline_mode = #tpu.pipeline_mode<synchronous>, transform_indices = @transform_1, window_bounds = array<i64: 128, 128>}, {transform_indices = @transform_2, window_bounds = array<i64: 2, 2000, 128>}, {transform_indices = @transform_3, window_bounds = array<i64: 2000, 128>}]} {
    %get3A = arith.constant 0 : index
    %get3A_0 = arith.constant 0 : index
    %get3A_1 = vector.load %arg1[%get3A, %get3A_0] : memref<2000x128xf32, #tpu.memory_space<vmem>>, vector<2000x128xf32>
    %get3A_2 = arith.constant 0 : index
    %get3A_3 = arith.constant 0 : index
    %get3A_4 = vector.load %arg2[%get3A_2, %get3A_3] : memref<128x128xf32, #tpu.memory_space<vmem>>, vector<128x128xf32>
    %dot_general3A = arith.constant dense<0.000000e+00> : vector<2000x128xf32>
    %dot_general3A_5 = tpu.matmul %get3A_1, %get3A_4, %dot_general3A {dimension_numbers = #tpu.dot_dimension_numbers<[1], [0], [0], [1], [0, 0, 1, 1], [], []>, transpose_lhs_hint = false} : vector<2000x128xf32>, vector<128x128xf32>, vector<2000x128xf32> -> vector<2000x128xf32>
    %get3A_6 = arith.constant 0 : index
    %get3A_7 = arith.constant 0 : index
    %get3A_8 = arith.constant 0 : index
    %get3A_9 = vector.load %arg3[%get3A_6, %get3A_7, %get3A_8] : memref<2x2000x128xf32, #tpu.memory_space<vmem>>, vector<1x2000x1xf32>
    %get3A_10 = vector.shape_cast %get3A_9 : vector<1x2000x1xf32> to vector<2000x1xf32>
    %get3A_11 = arith.constant 1 : index
    %get3A_12 = arith.constant 0 : index
    %get3A_13 = arith.constant 0 : index
    %get3A_14 = vector.load %arg3[%get3A_11, %get3A_12, %get3A_13] : memref<2x2000x128xf32, #tpu.memory_space<vmem>>, vector<1x2000x1xf32>
    %get3A_15 = vector.shape_cast %get3A_14 : vector<1x2000x1xf32> to vector<2000x1xf32>
    %add3A = arith.addf %get3A_10, %get3A_15 : vector<2000x1xf32>
    %add3A_16 = arith.constant 1.000000e+00 : f32
    %add3A_17 = vector.broadcast %add3A_16 : f32 to vector<2000x1xf32>
    %add3A_18 = arith.addf %add3A, %add3A_17 : vector<2000x1xf32>
    %rsqrt3A = math.rsqrt %add3A_18 : vector<2000x1xf32>
    %mul3A = vector.broadcast %rsqrt3A : vector<2000x1xf32> to vector<2000x128xf32>
    %mul3A_19 = arith.mulf %dot_general3A_5, %mul3A : vector<2000x128xf32>
    %swap3A = arith.constant 0 : index
    %swap3A_20 = arith.constant 0 : index
    %swap3A_21 = vector.load %arg4[%swap3A, %swap3A_20] : memref<2000x128xf32, #tpu.memory_space<vmem>>, vector<2000x128xf32>
    tpu.vector_store %arg4[%swap3A, %swap3A_20], %mul3A_19 {strides = array<i32>} : memref<2000x128xf32, #tpu.memory_space<vmem>>, vector<2000x128xf32>,
    return
  }
  func.func @transform_0(%arg0: i32) -> (i32, i32) {
    %c0_i32 = arith.constant 0 : i32
    %c0_i32_0 = arith.constant 0 : i32
    return %arg0, %c0_i32 : i32, i32
  }
  func.func @transform_1(%arg0: i32) -> (i32, i32) {
    %c0_i32 = arith.constant 0 : i32
    %c0_i32_0 = arith.constant 0 : i32
    %c0_i32_1 = arith.constant 0 : i32
    return %c0_i32, %c0_i32_0 : i32, i32
  }
  func.func @transform_2(%arg0: i32) -> (i32, i32, i32) {
    %c0_i32 = arith.constant 0 : i32
    %c0_i32_0 = arith.constant 0 : i32
    %c0_i32_1 = arith.constant 0 : i32
    return %c0_i32, %arg0, %c0_i32_0 : i32, i32, i32
  }
  func.func @transform_3(%arg0: i32) -> (i32, i32) {
    %c0_i32 = arith.constant 0 : i32
    %c0_i32_0 = arith.constant 0 : i32
    return %arg0, %c0_i32 : i32, i32
  }
}

module attributes {stable_mosaic.version = 14 : i64} {
  func.func @_mm_mid_body(%arg0: i32, %arg1: memref<2x2000x128xf32, #tpu.memory_space<vmem>>, %arg2: memref<2000x128xf32, #tpu.memory_space<vmem>>, %arg3: memref<2x2000x128xf32, #tpu.memory_space<vmem>>, %arg4: memref<1x128xf32, #tpu.memory_space<vmem>>, %arg5: memref<128x128xf32, #tpu.memory_space<vmem>>, %arg6: memref<2000x128xf32, #tpu.memory_space<vmem>>) attributes {dimension_semantics = [#tpu.dimension_semantics<arbitrary>], iteration_bounds = array<i64: 5>, scalar_prefetch = 0 : i64, scratch_operands = 0 : i64, tpu.core_type = #tpu.core_type<tc>, window_params = [{transform_indices = @transform_0, window_bounds = array<i64: 2, 2000, 128>}, {transform_indices = @transform_1, window_bounds = array<i64: 2000, 128>}, {transform_indices = @transform_2, window_bounds = array<i64: 2, 2000, 128>}, {pipeline_mode = #tpu.pipeline_mode<synchronous>, transform_indices = @transform_3, window_bounds = array<i64: 1, 128>}, {pipeline_mode = #tpu.pipeline_mode<synchronous>, transform_indices = @transform_4, window_bounds = array<i64: 128, 128>}, {transform_indices = @transform_5, window_bounds = array<i64: 2000, 128>}]} {
    %get3A = arith.constant 0 : index
    %get3A_0 = arith.constant 0 : index
    %get3A_1 = arith.constant 0 : index
    %get3A_2 = vector.load %arg3[%get3A, %get3A_0, %get3A_1] : memref<2x2000x128xf32, #tpu.memory_space<vmem>>, vector<1x2000x1xf32>
    %get3A_3 = vector.shape_cast %get3A_2 : vector<1x2000x1xf32> to vector<2000x1xf32>
    %get3A_4 = arith.constant 1 : index
    %get3A_5 = arith.constant 0 : index
    %get3A_6 = arith.constant 0 : index
    %get3A_7 = vector.load %arg3[%get3A_4, %get3A_5, %get3A_6] : memref<2x2000x128xf32, #tpu.memory_space<vmem>>, vector<1x2000x1xf32>
    %get3A_8 = vector.shape_cast %get3A_7 : vector<1x2000x1xf32> to vector<2000x1xf32>
    %add3A = arith.addf %get3A_3, %get3A_8 : vector<2000x1xf32>
    %add3A_9 = arith.constant 1.000000e+00 : f32
    %add3A_10 = vector.broadcast %add3A_9 : f32 to vector<2000x1xf32>
    %add3A_11 = arith.addf %add3A, %add3A_10 : vector<2000x1xf32>
    %rsqrt3A = math.rsqrt %add3A_11 : vector<2000x1xf32>
    %get3A_12 = arith.constant 0 : index
    %get3A_13 = arith.constant 0 : index
    %get3A_14 = arith.constant 0 : index
    %get3A_15 = vector.load %arg1[%get3A_12, %get3A_13, %get3A_14] : memref<2x2000x128xf32, #tpu.memory_space<vmem>>, vector<1x2000x128xf32>
    %get3A_16 = vector.shape_cast %get3A_15 : vector<1x2000x128xf32> to vector<2000x128xf32>
    %get3A_17 = arith.constant 1 : index
    %get3A_18 = arith.constant 0 : index
    %get3A_19 = arith.constant 0 : index
    %get3A_20 = vector.load %arg1[%get3A_17, %get3A_18, %get3A_19] : memref<2x2000x128xf32, #tpu.memory_space<vmem>>, vector<1x2000x128xf32>
    %get3A_21 = vector.shape_cast %get3A_20 : vector<1x2000x128xf32> to vector<2000x128xf32>
    %add3A_22 = arith.addf %get3A_16, %get3A_21 : vector<2000x128xf32>
    %get3A_23 = arith.constant 0 : index
    %get3A_24 = arith.constant 0 : index
    %get3A_25 = vector.load %arg2[%get3A_23, %get3A_24] : memref<2000x128xf32, #tpu.memory_space<vmem>>, vector<2000x128xf32>
    %add3A_26 = arith.addf %add3A_22, %get3A_25 : vector<2000x128xf32>
    %mul3A = vector.broadcast %rsqrt3A : vector<2000x1xf32> to vector<2000x128xf32>
    %mul3A_27 = arith.mulf %add3A_26, %mul3A : vector<2000x128xf32>
    %get3A_28 = arith.constant 0 : index
    %get3A_29 = arith.constant 0 : index
    %get3A_30 = vector.load %arg4[%get3A_28, %get3A_29] : memref<1x128xf32, #tpu.memory_space<vmem>>, vector<1x128xf32>
    %add3A_31 = vector.broadcast %get3A_30 : vector<1x128xf32> to vector<2000x128xf32>
    %add3A_32 = arith.addf %mul3A_27, %add3A_31 : vector<2000x128xf32>
    %max3A = arith.constant 0.000000e+00 : f32
    %max3A_33 = vector.broadcast %max3A : f32 to vector<2000x128xf32>
    %max3A_34 = arith.maximumf %add3A_32, %max3A_33 : vector<2000x128xf32>
    %get3A_35 = arith.constant 0 : index
    %get3A_36 = arith.constant 0 : index
    %get3A_37 = vector.load %arg5[%get3A_35, %get3A_36] : memref<128x128xf32, #tpu.memory_space<vmem>>, vector<128x128xf32>
    %dot_general3A = arith.constant dense<0.000000e+00> : vector<2000x128xf32>
    %dot_general3A_38 = tpu.matmul %max3A_34, %get3A_37, %dot_general3A {dimension_numbers = #tpu.dot_dimension_numbers<[1], [0], [0], [1], [0, 0, 1, 1], [], []>, transpose_lhs_hint = false} : vector<2000x128xf32>, vector<128x128xf32>, vector<2000x128xf32> -> vector<2000x128xf32>
    %mul3A_39 = vector.broadcast %rsqrt3A : vector<2000x1xf32> to vector<2000x128xf32>
    %mul3A_40 = arith.mulf %dot_general3A_38, %mul3A_39 : vector<2000x128xf32>
    %swap3A = arith.constant 0 : index
    %swap3A_41 = arith.constant 0 : index
    %swap3A_42 = vector.load %arg6[%swap3A, %swap3A_41] : memref<2000x128xf32, #tpu.memory_space<vmem>>, vector<2000x128xf32>
    tpu.vector_store %arg6[%swap3A, %swap3A_41], %mul3A_40 {strides = array<i32>} : memref<2000x128xf32, #tpu.memory_space<vmem>>, vector<2000x128xf32>,
    return
  }
  func.func @transform_0(%arg0: i32) -> (i32, i32, i32) {
    %c0_i32 = arith.constant 0 : i32
    %c0_i32_0 = arith.constant 0 : i32
    %c0_i32_1 = arith.constant 0 : i32
    return %c0_i32, %arg0, %c0_i32_0 : i32, i32, i32
  }
  func.func @transform_1(%arg0: i32) -> (i32, i32) {
    %c0_i32 = arith.constant 0 : i32
    %c0_i32_0 = arith.constant 0 : i32
    return %arg0, %c0_i32 : i32, i32
  }
  func.func @transform_2(%arg0: i32) -> (i32, i32, i32) {
    %c0_i32 = arith.constant 0 : i32
    %c0_i32_0 = arith.constant 0 : i32
    %c0_i32_1 = arith.constant 0 : i32
    return %c0_i32, %arg0, %c0_i32_0 : i32, i32, i32
  }
  func.func @transform_3(%arg0: i32) -> (i32, i32) {
    %c0_i32 = arith.constant 0 : i32
    %c0_i32_0 = arith.constant 0 : i32
    %c0_i32_1 = arith.constant 0 : i32
    return %c0_i32, %c0_i32_0 : i32, i32
  }
  func.func @transform_4(%arg0: i32) -> (i32, i32) {
    %c0_i32 = arith.constant 0 : i32
    %c0_i32_0 = arith.constant 0 : i32
    %c0_i32_1 = arith.constant 0 : i32
    return %c0_i32, %c0_i32_0 : i32, i32
  }
  func.func @transform_5(%arg0: i32) -> (i32, i32) {
    %c0_i32 = arith.constant 0 : i32
    %c0_i32_0 = arith.constant 0 : i32
    return %arg0, %c0_i32 : i32, i32
  }
}

module attributes {stable_mosaic.version = 14 : i64} {
  func.func @_final_body(%arg0: i32, %arg1: memref<2x2000x128xf32, #tpu.memory_space<vmem>>, %arg2: memref<2000x128xf32, #tpu.memory_space<vmem>>, %arg3: memref<2x2000x128xf32, #tpu.memory_space<vmem>>, %arg4: memref<1x128xf32, #tpu.memory_space<vmem>>, %arg5: memref<2000x64xf32, #tpu.memory_space<vmem>>) attributes {dimension_semantics = [#tpu.dimension_semantics<arbitrary>], iteration_bounds = array<i64: 5>, scalar_prefetch = 0 : i64, scratch_operands = 0 : i64, tpu.core_type = #tpu.core_type<tc>, window_params = [{transform_indices = @transform_0, window_bounds = array<i64: 2, 2000, 128>}, {transform_indices = @transform_1, window_bounds = array<i64: 2000, 128>}, {transform_indices = @transform_2, window_bounds = array<i64: 2, 2000, 128>}, {pipeline_mode = #tpu.pipeline_mode<synchronous>, transform_indices = @transform_3, window_bounds = array<i64: 1, 128>}, {transform_indices = @transform_4, window_bounds = array<i64: 2000, 64>}]} {
    %get3A = arith.constant 0 : index
    %get3A_0 = arith.constant 0 : index
    %get3A_1 = arith.constant 0 : index
    %get3A_2 = vector.load %arg3[%get3A, %get3A_0, %get3A_1] : memref<2x2000x128xf32, #tpu.memory_space<vmem>>, vector<1x2000x1xf32>
    %get3A_3 = vector.shape_cast %get3A_2 : vector<1x2000x1xf32> to vector<2000x1xf32>
    %get3A_4 = arith.constant 1 : index
    %get3A_5 = arith.constant 0 : index
    %get3A_6 = arith.constant 0 : index
    %get3A_7 = vector.load %arg3[%get3A_4, %get3A_5, %get3A_6] : memref<2x2000x128xf32, #tpu.memory_space<vmem>>, vector<1x2000x1xf32>
    %get3A_8 = vector.shape_cast %get3A_7 : vector<1x2000x1xf32> to vector<2000x1xf32>
    %add3A = arith.addf %get3A_3, %get3A_8 : vector<2000x1xf32>
    %add3A_9 = arith.constant 1.000000e+00 : f32
    %add3A_10 = vector.broadcast %add3A_9 : f32 to vector<2000x1xf32>
    %add3A_11 = arith.addf %add3A, %add3A_10 : vector<2000x1xf32>
    %rsqrt3A = math.rsqrt %add3A_11 : vector<2000x1xf32>
    %get3A_12 = arith.constant 0 : index
    %get3A_13 = arith.constant 0 : index
    %get3A_14 = arith.constant 0 : index
    %get3A_15 = vector.load %arg1[%get3A_12, %get3A_13, %get3A_14] : memref<2x2000x128xf32, #tpu.memory_space<vmem>>, vector<1x2000x128xf32>
    %get3A_16 = vector.shape_cast %get3A_15 : vector<1x2000x128xf32> to vector<2000x128xf32>
    %get3A_17 = arith.constant 1 : index
    %get3A_18 = arith.constant 0 : index
    %get3A_19 = arith.constant 0 : index
    %get3A_20 = vector.load %arg1[%get3A_17, %get3A_18, %get3A_19] : memref<2x2000x128xf32, #tpu.memory_space<vmem>>, vector<1x2000x128xf32>
    %get3A_21 = vector.shape_cast %get3A_20 : vector<1x2000x128xf32> to vector<2000x128xf32>
    %add3A_22 = arith.addf %get3A_16, %get3A_21 : vector<2000x128xf32>
    %get3A_23 = arith.constant 0 : index
    %get3A_24 = arith.constant 0 : index
    %get3A_25 = vector.load %arg2[%get3A_23, %get3A_24] : memref<2000x128xf32, #tpu.memory_space<vmem>>, vector<2000x128xf32>
    %add3A_26 = arith.addf %add3A_22, %get3A_25 : vector<2000x128xf32>
    %mul3A = vector.broadcast %rsqrt3A : vector<2000x1xf32> to vector<2000x128xf32>
    %mul3A_27 = arith.mulf %add3A_26, %mul3A : vector<2000x128xf32>
    %get3A_28 = arith.constant 0 : index
    %get3A_29 = arith.constant 0 : index
    %get3A_30 = vector.load %arg4[%get3A_28, %get3A_29] : memref<1x128xf32, #tpu.memory_space<vmem>>, vector<1x128xf32>
    %add3A_31 = vector.broadcast %get3A_30 : vector<1x128xf32> to vector<2000x128xf32>
    %add3A_32 = arith.addf %mul3A_27, %add3A_31 : vector<2000x128xf32>
    %slice3A = vector.extract_strided_slice %add3A_32 {offsets = [0, 0], sizes = [2000, 64], strides = [1, 1]} : vector<2000x128xf32> to vector<2000x64xf32>
    %swap3A = arith.constant 0 : index
    %swap3A_33 = arith.constant 0 : index
    %swap3A_34 = vector.load %arg5[%swap3A, %swap3A_33] : memref<2000x64xf32, #tpu.memory_space<vmem>>, vector<2000x64xf32>
    tpu.vector_store %arg5[%swap3A, %swap3A_33], %slice3A {strides = array<i32>} : memref<2000x64xf32, #tpu.memory_space<vmem>>, vector<2000x64xf32>,
    return
  }
  func.func @transform_0(%arg0: i32) -> (i32, i32, i32) {
    %c0_i32 = arith.constant 0 : i32
    %c0_i32_0 = arith.constant 0 : i32
    %c0_i32_1 = arith.constant 0 : i32
    return %c0_i32, %arg0, %c0_i32_0 : i32, i32, i32
  }
  func.func @transform_1(%arg0: i32) -> (i32, i32) {
    %c0_i32 = arith.constant 0 : i32
    %c0_i32_0 = arith.constant 0 : i32
    return %arg0, %c0_i32 : i32, i32
  }
  func.func @transform_2(%arg0: i32) -> (i32, i32, i32) {
    %c0_i32 = arith.constant 0 : i32
    %c0_i32_0 = arith.constant 0 : i32
    %c0_i32_1 = arith.constant 0 : i32
    return %c0_i32, %arg0, %c0_i32_0 : i32, i32, i32
  }
  func.func @transform_3(%arg0: i32) -> (i32, i32) {
    %c0_i32 = arith.constant 0 : i32
    %c0_i32_0 = arith.constant 0 : i32
    %c0_i32_1 = arith.constant 0 : i32
    return %c0_i32, %c0_i32_0 : i32, i32
  }
  func.func @transform_4(%arg0: i32) -> (i32, i32) {
    %c0_i32 = arith.constant 0 : i32
    %c0_i32_0 = arith.constant 0 : i32
    return %arg0, %c0_i32 : i32, i32
  }
}

</mosaic_0001>

<sc_bundles>
// kernel: kernel.10.cloned.1.call-start
scs
__scs_entry_jumppad:
0x0: {  	(pc) =	sbr.rel $0x88, $3  }
0x1: {  	(tag) =	ssettag $0x0;
	lr =	simm.s32 $0x1  }
0x2: {  	[smem:$0x3F99] =	sst lr;
	_ =	strace $0xD0000000  }
0x3: {  	_ = 	snop  }
0x4: {  	_ = 	snop  }
0x5: {  	_ = 	snop  }
0x6: {  	_ = 	snop  }
0x7: {  	_ = 	snop  }
__scs_overlays_trampoline_lowered:
0x8: {  	[smem:$0x3FA8] =	sst s0  }
0x9: {  	[smem:$0x3FA9] =	sst s1  }
0xa: {  	[smem:$0x3FAA] =	sst s2  }
0xb: {  	[smem:$0x3FAB] =	sst s3  }
0xc: {  	[smem:$0x3FAC] =	sst s4  }
0xd: {  	[smem:$0x3FAD] =	sst s5  }
0xe: {  	[smem:$0x3FAE] =	sst s6  }
0xf: {  	[smem:$0x3FAF] =	sst s7  }
0x10: {  	[smem:$0x3FB0] =	sst s8  }
0x11: {  	[smem:$0x3FB1] =	sst s9;
	s0 =	simm.s32 @!p0 $0x0  }
0x12: {  	s1 =	sld [smem:$0x3F97];
	s0 =	simm.s32 @p0 $0x1  }
0x13: {  	[smem:$0x3FB2] =	sst s0;
	s0 =	simm.s32 @!p1 $0x0  }
0x14: {  	s2 =	sld [smem:$0x3F96];
	s0 =	simm.s32 @p1 $0x1  }
0x15: {  	[smem:$0x3FB3] =	sst s0;
	s0 =	simm.s32 @!p2 $0x0  }
0x16: {  	s3 =	sld [smem:$0x3FDB];
	s0 =	simm.s32 @p2 $0x1  }
0x17: {  	s4 =	simm.s32 $0x1BF5;
	[smem:$0x3FB5] =	sst s0  }
0x18: {  	s0 =	sld [smem:$0x3F98];
	_ =	swait.ge [sflag:s4], $0x0  }
0x19: {  	s7 =	sld [smem:$0x3F99]  }
0x1a: {  	s8 =	sadd.s32 $0xFFFFE003, lr  }
0x1b: {  	s9 =	sadd.s32 $0xFFFFFEF7, lr;
	s5 =	simm.s32 $0xFFFFFFFF;
	p2 =	slt.u32 s8, $0xFFFFF086  }
0x1c: {  	p1 =	slt.u32 s9, $0xF7A;
	s5 =	simm.s32 @!p2 $0x0  }
0x1d: {  	s5 =	simm.s32 @p1 $0x1;
	p0 =	seq.s32 s7, s2  }
0x1e: {  	s7 =	smul.u32 @!p0 $0xF7A, s2;
	p2 =	seq.s32 @!p0 s5, $0x0  }
0x1f: {  	s9 =	smul.u32 $0xF7A, s1;
	s8 =	simm.s32 @!p0 $0x1BF5;
	p2 =	por !p2, p0  }
0x20: {  	[sflag:s8] =	ssyncset.s32 @!p0 $0xFFFFF086;
	s6 =	sadd.s32 @!p0 s3, s7;
	s7 =	simm.s32 @!p0 $0x108  }
0x21: {  	s3 =	sadd.s32 s3, s9;
	s6 =	sadd.s32 @!p0 $0x88, s6;
	s7 =	simm.s32 @p2 $0x1082  }
0x22: {  	[simem:s7], [sflag:s8] =	dma.local @!p0 [hbm:s6], $0xF7A  }
0x23: {  	s9 =	sor.u32 $0xD0000000, s2;
	s6 =	simm.s32 $0x108;
	_ =	swait.ge @!p0 [sflag:s8], $0x0  }
0x24: {  	s3 =	sadd.s32 $0x88, s3;
	s6 =	simm.s32 @!p1 $0x1082;
	[sflag:s4] =	ssyncset.s32 $0xFFFFF086  }
0x25: {  	[simem:s6], [sflag:s4] =	dma.local [hbm:s3], $0xF7A  }
0x26: {  	[smem:$0x3F99] =	sst s1;
	(tag) =	ssettag s2;
	_ =	strace s9  }
0x27: {  	s1 =	sld [smem:$0x3FA9]  }
0x28: {  	s2 =	sld [smem:$0x3FAA]  }
0x29: {  	s4 =	sld [smem:$0x3FAC]  }
0x2a: {  	p0 =	seq.s32 s5, $0x0;
	s5 =	sld [smem:$0x3FAD]  }
0x2b: {  	s6 =	sld [smem:$0x3FAE]  }
0x2c: {  	s7 =	sld [smem:$0x3FAF]  }
0x2d: {  	s3 =	simm.s32 $0x108;
	s8 =	sld [smem:$0x3FB0]  }
0x2e: {  	s3 =	simm.s32 @!p0 $0x1082;
	s9 =	sld [smem:$0x3FB1]  }
0x2f: {  	lr =	sadd.s32 s0, s3;
	s0 =	sld [smem:$0x3FA8]  }
0x30: {  	s3 =	sld [smem:$0x3FAB]  }
0x31: {  	[smem:$0x3FB4] =	sst s10  }
0x32: {  	s10 =	sld [smem:$0x3FB2];
	_ =	sdelay $0x3  }
0x33: {  	p0 =	seq.s32 s10, $0x1;
	s10 =	sld [smem:$0x3FB4];
	_ =	sdelay $0x3  }
0x34: {  	[smem:$0x3FB4] =	sst s10  }
0x35: {  	s10 =	sld [smem:$0x3FB3];
	_ =	sdelay $0x3  }
0x36: {  	p1 =	seq.s32 s10, $0x1;
	s10 =	sld [smem:$0x3FB4];
	_ =	sdelay $0x3  }
0x37: {  	[smem:$0x3FB4] =	sst s10  }
0x38: {  	s10 =	sld [smem:$0x3FB5]  }
0x39: {  	_ = 	snop;
	(pc) =	sbr.ind lr, $3  }
0x3a: {  	_ = 	snop  }
0x3b: {  	_ = 	snop  }
0x3c: {  	p2 =	seq.s32 s10, $0x1;
	s10 =	sld [smem:$0x3FB4]  }
0x3d: {  	_ =	shalt  }
0x3e: {  	_ =	shalt  }
0x3f: {  	_ =	shalt  }
0x40: {  	_ =	shalt  }
0x41: {  	_ =	shalt  }
0x42: {  	_ =	shalt  }
0x43: {  	_ =	shalt  }
0x44: {  	_ =	shalt  }
0x45: {  	_ =	shalt  }
0x46: {  	_ =	shalt  }
0x47: {  	_ =	shalt  }
0x48: {  	_ =	shalt  }
0x49: {  	_ =	shalt  }
0x4a: {  	_ =	shalt  }
0x4b: {  	_ =	shalt  }
0x4c: {  	_ =	shalt  }
0x4d: {  	_ =	shalt  }
0x4e: {  	_ =	shalt  }
0x4f: {  	_ =	shalt  }
0x50: {  	_ =	shalt  }
0x51: {  	_ =	shalt  }
0x52: {  	_ =	shalt  }
0x53: {  	_ =	shalt  }
0x54: {  	_ =	shalt  }
0x55: {  	_ =	shalt  }
0x56: {  	_ =	shalt  }
0x57: {  	_ =	shalt  }
0x58: {  	_ =	shalt  }
0x59: {  	_ =	shalt  }
0x5a: {  	_ =	shalt  }
0x5b: {  	_ =	shalt  }
0x5c: {  	_ =	shalt  }
0x5d: {  	_ =	shalt  }
0x5e: {  	_ =	shalt  }
0x5f: {  	_ =	shalt  }
0x60: {  	_ =	shalt  }
0x61: {  	_ =	shalt  }
0x62: {  	_ =	shalt  }
0x63: {  	_ =	shalt  }
0x64: {  	_ =	shalt  }
0x65: {  	_ =	shalt  }
0x66: {  	_ =	shalt  }
0x67: {  	_ =	shalt  }
0x68: {  	_ =	shalt  }
0x69: {  	_ =	shalt  }
0x6a: {  	_ =	shalt  }
0x6b: {  	_ =	shalt  }
0x6c: {  	_ =	shalt  }
0x6d: {  	_ =	shalt  }
0x6e: {  	_ =	shalt  }
0x6f: {  	_ =	shalt  }
0x70: {  	_ =	shalt  }
0x71: {  	_ =	shalt  }
0x72: {  	_ =	shalt  }
0x73: {  	_ =	shalt  }
0x74: {  	_ =	shalt  }
0x75: {  	_ =	shalt  }
0x76: {  	_ =	shalt  }
0x77: {  	_ =	shalt  }
0x78: {  	_ =	shalt  }
0x79: {  	_ =	shalt  }
0x7a: {  	_ =	shalt  }
0x7b: {  	_ =	shalt  }
0x7c: {  	_ =	shalt  }
0x7d: {  	_ =	shalt  }
0x7e: {  	_ =	shalt  }
0x7f: {  	_ =	shalt  }
0x80: {  	_ =	shalt  }
0x81: {  	_ =	shalt  }
0x82: {  	_ =	shalt  }
0x83: {  	_ =	shalt  }
0x84: {  	_ =	shalt  }
0x85: {  	_ =	shalt  }
0x86: {  	_ =	shalt  }
0x87: {  	_ =	shalt  }
.Lfunc_end0:
.L_simem_size_0:
called_computation_lowered:
.L_overlay_start_0:
0x88: {  	s2 =	sld [smem:$0x3FD9]  }
0x89: {  	s3 =	sld [smem:$0x3FFE];
	_ =	sdelay $0x1  }
0x8a: {  	s1 =	srdreg.scid  }
0x8b: {  	s0 =	sand.u32 $0x1, s1  }
0x8c: {  	s17 =	sshll.u32 s0, $0xA;
	s2 =	sadd.s32 s3, s2  }
0x8d: {  	s2 =	sadd.s32 s2, s17  }
0x8e: {  	[smem:$0x3FC0] =	sst s2  }
0x8f: {  	_ = 	snop  }
0x90: {  	s2 =	sld [smem:$0x3FD0];
	(tm) =	ssettm $0x1  }
0x91: {  	s18 =	sld [smem:$0x3FFB];
	_ =	sdelay $0x3  }
0x92: {  	_ =	strace s18  }
0x93: {  	s3 =	sld [smem:$0x3FFC];
	_ =	sdelay $0x3  }
0x94: {  	_ =	strace s3  }
0x95: {  	s3 =	sld [smem:$0x3FFD];
	_ =	sdelay $0x3  }
0x96: {  	_ =	strace s3  }
0x97: {  	_ =	strace $0x8FFFFFFF  }
0x98: {  	s19 =	sld [smem:$0x3FDB];
	_ =	sdelay $0x1  }
0x99: {  	s4 =	simm.s32 $_scs_section_size  }
0x9a: {  	s5 =	simm.s32 $_size__tile_overlayer_lowered;
	s6 =	simm.s32 $_tile_overlayer_lowered  }
0x9b: {  	s22 =	simm.s32 $0x1BFF;
	s21 =	sshll.u32 s6, $0x1;
	s3 =	sadd.s32 s4, s19  }
0x9c: {  	s7 =	simm.s32 $0x0;
	s20 =	sshll.u32 s5, $0x1;
	s5 =	sadd.s32 s21, s3  }
0x9d: {  	[timem:s7], [sflag:s22] =	dma.local [hbm:s5], s20  }
0x9e: {  	_ =	swait.ge [sflag:s22], s20  }
0x9f: {  	s4 =	ssub.s32 $0x0, s20;
	[sflag:s22] =	ssyncset.done $0x0  }
0xa0: {  	[sflag:s22] =	ssyncadd.s32 s4;
	_ =	sdelay $0x1  }
0xa1: {  	s23 =	simm.s32 $0x1B8B  }
0xa2: {  	_ =	swait.ge [sflag:s23], $0x1  }
0xa3: {  	[sflag:s23] =	ssyncset.done $0x0  }
0xa4: {  	s25 =	simm.s32 $0x1B8E;
	s24 =	sld [smem:$0x3FFE];
	[sflag:s23] =	ssyncadd.s32 $0xFFFFFFFF  }
0xa5: {  	s26 =	simm.s32 $execute0_lowered;
	[smem:$0x3FD2] =	sst s25  }
0xa6: {  	s5 =	sshll.u32 s26, $0x1;
	_ =	strace $0x80000046;
	[dreg:$0x1] =	wrdreg $0xFFFFFFFF  }
0xa7: {  	s28 =	simm.s32 $_size_execute0_lowered;
	s3 =	sadd.s32 s3, s5;
	[dreg:$0x0] =	wrdreg $0x0  }
0xa8: {  	s5 =	sshll.u32 s28, $0x1;
	[dreg:$0x2] =	wrdreg s3  }
0xa9: {  	[dreg:$0x3] =	wrdreg s5  }
0xaa: {  	[dreg:$0x4] =	wrdreg $0xC0  }
0xab: {  	_ =	task [dreg:s7], $0x5FFFF  }
0xac: {  	[dreg:$0x1] =	wrdreg $0xFFFFFFFF  }
0xad: {  	[dreg:$0x0] =	wrdreg $0x60  }
0xae: {  	[dreg:$0x2] =	wrdreg s2  }
0xaf: {  	[dreg:$0x3] =	wrdreg s24  }
0xb0: {  	[dreg:$0x4] =	wrdreg $0x44000  }
0xb1: {  	[dreg:$0x5] =	wrdreg $0x9  }
0xb2: {  	_ =	task.clear_ibuf [dreg:s7], $0x6FFFF;
	_ =	strace $0x90000046  }
0xb3: {  	s29 =	simm.s32 $0x9;
	_ =	strace $0x80000048  }
0xb4: {  	_ =	swait.ge [sflag:s29], $0x1  }
0xb5: {  	[sflag:s29] =	ssyncadd.s32 $0xFFFFFFFF  }
0xb6: {  	_ =	strace $0x90000048  }
0xb7: {  	_ =	sfence  }
0xb8: {  	s30 =	sld [smem:$0x0];
	_ =	sdelay $0x2  }
0xb9: {  	s31 =	sshll.u32 s1, $0xD;
	s1 =	sshrl.u32 s1, $0x2  }
0xba: {  	s3 =	sand.u32 $0x4000, s31;
	s1 =	sadd.s32 s1, s30  }
0xbb: {  	s0 =	sor.u32 s3, s0;
	s1 =	sshll.u32 s1, $0x11  }
0xbc: {  	s0 =	sor.u32 s1, s0  }
0xbd: {  	s0 =	sadd.s32 $0x8F2B, s0  }
0xbe: {  	[sflag:s0] =	ssyncadd.remote.s32 $0x1  }
0xbf: {  	_ =	sfence.sel $0xFFFF  }
0xc0: {  	[dreg:$0x0] =	wrdreg $0xFFFFFFFF;
	(pc) =	sbr.abs _section_cstart, $3  }
0xc1: {  	[dreg:$0x1] =	wrdreg $0xFFFFFFFF  }
0xc2: {  	_ =	task.clear_ibuf [dreg:s7], $0x2FFFF;
	_ =	strace $0x9FFFFFFF  }
0xc3: {  	(tm) =	ssettm $0x7FFFFFFF  }
tec
execute0_lowered:
.L_overlay_start_1:
0x0: {  	(tag) =	ssettag $0x1  }
0x1: {  	s8 =	rddreg [dreg:$0x0]  }
0x2: {  	s6 =	rddreg [dreg:$0x1]  }
0x3: {  	s1 =	rddreg [dreg:$0x2];
	s2 =	srdreg.scid  }
0x4: {  	s0 =	rddreg [dreg:$0x3];
	s3 =	simm.s32 $0x0;
	s13 =	simm.s32 $0x80  }
0x5: {  	s14 =	simm.s32 $0x100;
	s15 =	simm.s32 $0x180;
	s5 =	sand.u32 $0x1, s2  }
0x6: {  	s16 =	simm.s32 $0x200;
	s2 =	stileid.u32;
	s7 =	smul.u32 $0x13C000, s5  }
0x7: {  	s17 =	simm.s32 $0x280;
	s18 =	simm.s32 $0x300;
	s9 =	smul.u32 $0x13C00, s2  }
0x8: {  	s19 =	simm.s32 $0x380;
	s20 =	simm.s32 $0x0;
	s10 =	smul.u32 $0x4F000, s2  }
0x9: {  	[smem:$0x7FF] =	sst s3;
	s4 =	sadd.s32 $0x6200, s6;
	s28 =	smul.u32 $0x5000, s2  }
0xa: {  	_ =	strace $0x80000047;
	s11 =	ssub.s32 $0x2, s5;
	s12 =	smul.u32 $0x2800, s5  }
0xb: {  	s5 =	sadd.s32 $0x3A00, s6;
	s31 =	sshll.u32 s2, $0x6;
	s29 =	sshrl.u32 s11, $0x1  }
0xc: {  	s7 =	sadd.s32 s9, s7;
	s10 =	sshrl.u32 s10, $0x2;
	s9 =	sadd.s32 s12, s28  }
0xd: {  	s7 =	sshrl.u32 s7, $0x3;
	s30 =	sadd.s32 s10, s1;
	s9 =	sshrl.u32 s9, $0x3  }
0xe: {  	s10 =	simm.s32 $0x1;
	s6 =	sadd.s32 s7, s6;
	s7 =	ssub.s32 s11, s29  }
0xf: {  	s8 =	sadd.s32 s9, s8;
	s9 =	simm.s32 $0x400;
	s11 =	sor.u32 $0x1C01, s31  }
0x10: {  	s12 =	sshrl.u32 s30, $0x3;
	s6 =	sadd.s32 $0x6A00, s6;
	s7 =	smax.u32 s7, $0x1  }
.LBB2_1:
0x11: {  	[tilespmem:s9], [sflag:$0x1] =	stream.linear.gather [hbm4b:s4+s3], $0x4000, $0x38;
	[tilespmem:$0x18000] =	vst v63  }
0x12: {  	_ =	swait.ge [sflag:s10], $0x4000  }
0x13: {  	[sflag:s10] =	ssyncset.done $0x0  }
0x14: {  	[sflag:s10] =	ssyncadd.s32 $0xFFFFC000  }
0x15: {  	[spmem:s12], [sflag:s11] =	dma.local [hbm:s5], $0x2780  }
0x16: {  	_ =	swait.ge [sflag:s10], $0x2780  }
0x17: {  	[sflag:s10] =	ssyncset.done $0x0  }
0x18: {  	[sflag:s10] =	ssyncadd.s32 $0xFFFFD880  }
0x19: {  	s21 =	sadd.s32 $0x0, s8;
	[bflag:$0x0] =	sbarrier.arrive $0xFFFF  }
0x1a: {  	[tilespmem:s3], [sflag:$0x1] =	stream.linear.gather [hbm4b:s21+s3], $0x400, $0x38;
	[tilespmem:$0x18000] =	vst v63  }
0x1b: {  	_ =	swait.ge [sflag:s10], $0x400  }
0x1c: {  	[sflag:s10] =	ssyncset.done $0x0  }
0x1d: {  	[sflag:s10] =	ssyncadd.s32 $0xFFFFFC00  }
0x1e: {  	[spmem:s1] =	stream.indirect.scatter.add.f32 [tilespmem:s9], [sflag:$0x1], $0x80, s3, s13, $0xb8;
	[tilespmem:$0x18000] =	vst v63  }
0x1f: {  	_ =	swait.ge [sflag:s10], $0x4000  }
0x20: {  	[sflag:s10] =	ssyncset.done $0x0  }
0x21: {  	[sflag:s10] =	ssyncadd.s32 $0xFFFFC000  }
0x22: {  	[spmem:s1] =	stream.indirect.scatter.add.f32 [tilespmem:s9], [sflag:$0x1], $0x80, s13, s13, $0xb8;
	[tilespmem:$0x18000] =	vst v63  }
0x23: {  	_ =	swait.ge [sflag:s10], $0x4000  }
0x24: {  	[sflag:s10] =	ssyncset.done $0x0  }
0x25: {  	[sflag:s10] =	ssyncadd.s32 $0xFFFFC000  }
0x26: {  	[spmem:s1] =	stream.indirect.scatter.add.f32 [tilespmem:s9], [sflag:$0x1], $0x80, s14, s13, $0xb8;
	[tilespmem:$0x18000] =	vst v63  }
0x27: {  	_ =	swait.ge [sflag:s10], $0x4000  }
0x28: {  	[sflag:s10] =	ssyncset.done $0x0  }
0x29: {  	[sflag:s10] =	ssyncadd.s32 $0xFFFFC000  }
0x2a: {  	[spmem:s1] =	stream.indirect.scatter.add.f32 [tilespmem:s9], [sflag:$0x1], $0x80, s15, s13, $0xb8;
	[tilespmem:$0x18000] =	vst v63  }
0x2b: {  	_ =	swait.ge [sflag:s10], $0x4000  }
0x2c: {  	[sflag:s10] =	ssyncset.done $0x0  }
0x2d: {  	[sflag:s10] =	ssyncadd.s32 $0xFFFFC000  }
0x2e: {  	[spmem:s1] =	stream.indirect.scatter.add.f32 [tilespmem:s9], [sflag:$0x1], $0x80, s16, s13, $0xb8;
	[tilespmem:$0x18000] =	vst v63  }
0x2f: {  	_ =	swait.ge [sflag:s10], $0x4000  }
0x30: {  	[sflag:s10] =	ssyncset.done $0x0  }
0x31: {  	[sflag:s10] =	ssyncadd.s32 $0xFFFFC000  }
0x32: {  	[spmem:s1] =	stream.indirect.scatter.add.f32 [tilespmem:s9], [sflag:$0x1], $0x80, s17, s13, $0xb8;
	[tilespmem:$0x18000] =	vst v63  }
0x33: {  	_ =	swait.ge [sflag:s10], $0x4000  }
0x34: {  	[sflag:s10] =	ssyncset.done $0x0  }
0x35: {  	[sflag:s10] =	ssyncadd.s32 $0xFFFFC000  }
0x36: {  	[spmem:s1] =	stream.indirect.scatter.add.f32 [tilespmem:s9], [sflag:$0x1], $0x80, s18, s13, $0xb8;
	[tilespmem:$0x18000] =	vst v63  }
0x37: {  	_ =	swait.ge [sflag:s10], $0x4000  }
0x38: {  	[sflag:s10] =	ssyncset.done $0x0  }
0x39: {  	[sflag:s10] =	ssyncadd.s32 $0xFFFFC000  }
0x3a: {  	[spmem:s1] =	stream.indirect.scatter.add.f32 [tilespmem:s9], [sflag:$0x1], $0x80, s19, s13, $0xb8;
	[tilespmem:$0x18000] =	vst v63  }
0x3b: {  	_ =	swait.ge [sflag:s10], $0x4000  }
0x3c: {  	s23 =	simm.s32 $0x100;
	s21 =	simm.s32 $0x80;
	[sflag:s10] =	ssyncset.done $0x0  }
.LBB2_2:
0x3d: {  	s24 =	sadd.s32 s21, s8  }
0x3e: {  	[sflag:s10] =	ssyncadd.s32 $0xFFFFC000;
	s21 =	smov.u32 s23;
	s22 =	sadd.s32 $0x80, s23  }
0x3f: {  	[tilespmem:s3], [sflag:$0x1] =	stream.linear.gather [hbm4b:s24+s3], $0x400, $0x38;
	[tilespmem:$0x18000] =	vst v63  }
0x40: {  	p0 =	sne.s32 s23, $0x480;
	_ =	swait.ge [sflag:s10], $0x400  }
0x41: {  	[sflag:s10] =	ssyncset.done $0x0  }
0x42: {  	[sflag:s10] =	ssyncadd.s32 $0xFFFFFC00  }
0x43: {  	[spmem:s1] =	stream.indirect.scatter.add.f32 [tilespmem:s9], [sflag:$0x1], $0x80, s3, s13, $0xb8;
	[tilespmem:$0x18000] =	vst v63  }
0x44: {  	_ =	swait.ge [sflag:s10], $0x4000  }
0x45: {  	[sflag:s10] =	ssyncset.done $0x0  }
0x46: {  	[sflag:s10] =	ssyncadd.s32 $0xFFFFC000  }
0x47: {  	[spmem:s1] =	stream.indirect.scatter.add.f32 [tilespmem:s9], [sflag:$0x1], $0x80, s13, s13, $0xb8;
	[tilespmem:$0x18000] =	vst v63  }
0x48: {  	_ =	swait.ge [sflag:s10], $0x4000  }
0x49: {  	[sflag:s10] =	ssyncset.done $0x0  }
0x4a: {  	[sflag:s10] =	ssyncadd.s32 $0xFFFFC000  }
0x4b: {  	[spmem:s1] =	stream.indirect.scatter.add.f32 [tilespmem:s9], [sflag:$0x1], $0x80, s14, s13, $0xb8;
	[tilespmem:$0x18000] =	vst v63  }
0x4c: {  	_ =	swait.ge [sflag:s10], $0x4000  }
0x4d: {  	[sflag:s10] =	ssyncset.done $0x0  }
0x4e: {  	[sflag:s10] =	ssyncadd.s32 $0xFFFFC000  }
0x4f: {  	[spmem:s1] =	stream.indirect.scatter.add.f32 [tilespmem:s9], [sflag:$0x1], $0x80, s15, s13, $0xb8;
	[tilespmem:$0x18000] =	vst v63  }
0x50: {  	_ =	swait.ge [sflag:s10], $0x4000  }
0x51: {  	[sflag:s10] =	ssyncset.done $0x0  }
0x52: {  	[sflag:s10] =	ssyncadd.s32 $0xFFFFC000  }
0x53: {  	[spmem:s1] =	stream.indirect.scatter.add.f32 [tilespmem:s9], [sflag:$0x1], $0x80, s16, s13, $0xb8;
	[tilespmem:$0x18000] =	vst v63  }
0x54: {  	_ =	swait.ge [sflag:s10], $0x4000  }
0x55: {  	[sflag:s10] =	ssyncset.done $0x0  }
0x56: {  	[sflag:s10] =	ssyncadd.s32 $0xFFFFC000  }
0x57: {  	[spmem:s1] =	stream.indirect.scatter.add.f32 [tilespmem:s9], [sflag:$0x1], $0x80, s17, s13, $0xb8;
	[tilespmem:$0x18000] =	vst v63  }
0x58: {  	_ =	swait.ge [sflag:s10], $0x4000  }
0x59: {  	[sflag:s10] =	ssyncset.done $0x0  }
0x5a: {  	[sflag:s10] =	ssyncadd.s32 $0xFFFFC000  }
0x5b: {  	[spmem:s1] =	stream.indirect.scatter.add.f32 [tilespmem:s9], [sflag:$0x1], $0x80, s18, s13, $0xb8;
	[tilespmem:$0x18000] =	vst v63  }
0x5c: {  	_ =	swait.ge [sflag:s10], $0x4000  }
.Ltmp0:
0x5d: {  	[sflag:s10] =	ssyncset.done $0x0;
	(pc) =	sbr.rel @p0 .LBB2_2-.Ltmp0, $4  }
0x5e: {  	[sflag:s10] =	ssyncadd.s32 $0xFFFFC000  }
0x5f: {  	[spmem:s1] =	stream.indirect.scatter.add.f32 [tilespmem:s9], [sflag:$0x1], $0x80, s19, s13, $0xb8;
	[tilespmem:$0x18000] =	vst v63  }
0x60: {  	_ =	swait.ge [sflag:s10], $0x4000  }
0x61: {  	s23 =	smov.u32 s22;
	[sflag:s10] =	ssyncset.done $0x0  }
0x62: {  	s21 =	sadd.s32 s21, s8;
	[sflag:s10] =	ssyncadd.s32 $0xFFFFC000  }
0x63: {  	[tilespmem:s3], [sflag:$0x1] =	stream.linear.gather [hbm4b:s21+s3], $0x400, $0x38;
	[tilespmem:$0x18000] =	vst v63  }
0x64: {  	_ =	swait.ge [sflag:s10], $0x400  }
0x65: {  	[sflag:s10] =	ssyncset.done $0x0  }
0x66: {  	[sflag:s10] =	ssyncadd.s32 $0xFFFFFC00  }
0x67: {  	[spmem:s1] =	stream.indirect.scatter.add.f32 [tilespmem:s9], [sflag:$0x1], $0x80, s3, s13, $0xb8;
	[tilespmem:$0x18000] =	vst v63  }
0x68: {  	_ =	swait.ge [sflag:s10], $0x4000  }
0x69: {  	[sflag:s10] =	ssyncset.done $0x0  }
0x6a: {  	[sflag:s10] =	ssyncadd.s32 $0xFFFFC000  }
0x6b: {  	[spmem:s1] =	stream.indirect.scatter.add.f32 [tilespmem:s9], [sflag:$0x1], $0x80, s13, s13, $0xb8;
	[tilespmem:$0x18000] =	vst v63  }
0x6c: {  	_ =	swait.ge [sflag:s10], $0x4000  }
0x6d: {  	[sflag:s10] =	ssyncset.done $0x0  }
0x6e: {  	[sflag:s10] =	ssyncadd.s32 $0xFFFFC000  }
0x6f: {  	[spmem:s1] =	stream.indirect.scatter.add.f32 [tilespmem:s9], [sflag:$0x1], $0x80, s14, s13, $0xb8;
	[tilespmem:$0x18000] =	vst v63  }
0x70: {  	_ =	swait.ge [sflag:s10], $0x4000  }
0x71: {  	[sflag:s10] =	ssyncset.done $0x0  }
0x72: {  	[sflag:s10] =	ssyncadd.s32 $0xFFFFC000  }
0x73: {  	[spmem:s1] =	stream.indirect.scatter.add.f32 [tilespmem:s9], [sflag:$0x1], $0x80, s15, s13, $0xb8;
	[tilespmem:$0x18000] =	vst v63  }
0x74: {  	_ =	swait.ge [sflag:s10], $0x4000  }
0x75: {  	[sflag:s10] =	ssyncset.done $0x0  }
0x76: {  	[sflag:s10] =	ssyncadd.s32 $0xFFFFC000  }
0x77: {  	[spmem:s1] =	stream.indirect.scatter.add.f32 [tilespmem:s9], [sflag:$0x1], $0x80, s16, s13, $0xb8;
	[tilespmem:$0x18000] =	vst v63  }
0x78: {  	_ =	swait.ge [sflag:s10], $0x4000  }
0x79: {  	[sflag:s10] =	ssyncset.done $0x0  }
0x7a: {  	[sflag:s10] =	ssyncadd.s32 $0xFFFFC000  }
0x7b: {  	[spmem:s1] =	stream.indirect.scatter.add.f32 [tilespmem:s9], [sflag:$0x1], $0x80, s17, s13, $0xb8;
	[tilespmem:$0x18000] =	vst v63  }
0x7c: {  	_ =	swait.ge [sflag:s10], $0x4000  }
0x7d: {  	[sflag:s10] =	ssyncset.done $0x0  }
0x7e: {  	[sflag:s10] =	ssyncadd.s32 $0xFFFFC000  }
0x7f: {  	[spmem:s1] =	stream.indirect.scatter.add.f32 [tilespmem:s9], [sflag:$0x1], $0x80, s18, s13, $0xb8;
	[tilespmem:$0x18000] =	vst v63  }
0x80: {  	_ =	swait.ge [sflag:s10], $0x4000  }
0x81: {  	[sflag:s10] =	ssyncset.done $0x0  }
0x82: {  	[sflag:s10] =	ssyncadd.s32 $0xFFFFC000  }
0x83: {  	[spmem:s1] =	stream.indirect.scatter.add.f32 [tilespmem:s9], [sflag:$0x1], $0x80, s19, s13, $0xb8;
	[tilespmem:$0x18000] =	vst v63  }
0x84: {  	_ =	swait.ge [sflag:s10], $0x4000  }
0x85: {  	s20 =	sadd.s32 $0x1, s20;
	[sflag:s10] =	ssyncset.done $0x0  }
0x86: {  	p0 =	sne.s32 s20, s7;
	[sflag:s10] =	ssyncadd.s32 $0xFFFFC000  }
.Ltmp1:
0x87: {  	[bflag:$0x0] =	sbarrier.arrive $0xFFFF;
	(pc) =	sbr.rel @p0 .LBB2_1-.Ltmp1, $4  }
0x88: {  	[hbm:s6], [sflag:s11] =	dma.local [spmem:s12], $0x2780  }
0x89: {  	_ =	swait.ge [sflag:s10], $0x2780  }
0x8a: {  	[sflag:s10] =	ssyncset.done $0x0  }
0x8b: {  	[sflag:s10] =	ssyncadd.s32 $0xFFFFD880  }
0x8c: {  	_ =	sfence.sel $0x180000  }
0x8d: {  	[bflag:$0x0] =	sbarrier.arrive $0xFFFF  }
0x8e: {  	p0 =	sne.s32 s2, $0x0;
	_ =	strace $0x90000047  }
0x8f: {  	s0 =	sadd.s32 @!p0 $0x100000, s0;
	[bflag:$0x2] =	sbarrier.arrive $0xFFFF  }
0x90: {  	[sflag:s0] =	ssyncadd.tile.s32 @!p0 $0x1;
	_ =	shalt  }
.Lfunc_end2:
_tile_overlayer_lowered:
.L_overlay_start_2:
0x91: {  	(tag) =	ssettag $0x2  }
0x92: {  	s0 =	rddreg [dreg:$0x0];
	s2 =	stileid.u32  }
0x93: {  	s1 =	rddreg [dreg:$0x1];
	p0 =	sne.s32 s2, $0x0  }
0x94: {  	s3 =	rddreg [dreg:$0x2];
	[bflag:$0x3] =	sbarrier.arrive $0xFFFF;
	s2 =	simm.s32 @!p0 $0x1C01  }
0x95: {  	[timem:s3], [sflag:s2] =	dma.local @!p0 [hbm:s0], s1  }
0x96: {  	s0 =	simm.s32 @!p0 $0x1  }
0x97: {  	_ =	swait.ge @!p0 [sflag:s0], s1  }
0x98: {  	s1 =	ssub.s32 @!p0 $0x0, s1;
	[sflag:s0] =	ssyncset.done @!p0 $0x0  }
0x99: {  	[sflag:s0] =	ssyncadd.s32 @!p0 s1  }
0x9a: {  	[bflag:$0x3] =	sbarrier.arrive $0xFFFF  }
0x9b: {  	_ =	shalt  }

// kernel: kernel.13.cloned.1.call-start
scs
__scs_entry_jumppad:
0x0: {  	(pc) =	sbr.rel $0x88, $3  }
0x1: {  	(tag) =	ssettag $0x0;
	lr =	simm.s32 $0x1  }
0x2: {  	[smem:$0x3F99] =	sst lr;
	_ =	strace $0xD0000000  }
0x3: {  	_ = 	snop  }
0x4: {  	_ = 	snop  }
0x5: {  	_ = 	snop  }
0x6: {  	_ = 	snop  }
0x7: {  	_ = 	snop  }
__scs_overlays_trampoline_lowered:
0x8: {  	[smem:$0x3FA8] =	sst s0  }
0x9: {  	[smem:$0x3FA9] =	sst s1  }
0xa: {  	[smem:$0x3FAA] =	sst s2  }
0xb: {  	[smem:$0x3FAB] =	sst s3  }
0xc: {  	[smem:$0x3FAC] =	sst s4  }
0xd: {  	[smem:$0x3FAD] =	sst s5  }
0xe: {  	[smem:$0x3FAE] =	sst s6  }
0xf: {  	[smem:$0x3FAF] =	sst s7  }
0x10: {  	[smem:$0x3FB0] =	sst s8  }
0x11: {  	[smem:$0x3FB1] =	sst s9;
	s0 =	simm.s32 @!p0 $0x0  }
0x12: {  	s1 =	sld [smem:$0x3F97];
	s0 =	simm.s32 @p0 $0x1  }
0x13: {  	[smem:$0x3FB2] =	sst s0;
	s0 =	simm.s32 @!p1 $0x0  }
0x14: {  	s2 =	sld [smem:$0x3F96];
	s0 =	simm.s32 @p1 $0x1  }
0x15: {  	[smem:$0x3FB3] =	sst s0;
	s0 =	simm.s32 @!p2 $0x0  }
0x16: {  	s3 =	sld [smem:$0x3FDB];
	s0 =	simm.s32 @p2 $0x1  }
0x17: {  	s4 =	simm.s32 $0x1BF5;
	[smem:$0x3FB5] =	sst s0  }
0x18: {  	s0 =	sld [smem:$0x3F98];
	_ =	swait.ge [sflag:s4], $0x0  }
0x19: {  	s7 =	sld [smem:$0x3F99]  }
0x1a: {  	s8 =	sadd.s32 $0xFFFFE003, lr  }
0x1b: {  	s9 =	sadd.s32 $0xFFFFFEF7, lr;
	s5 =	simm.s32 $0xFFFFFFFF;
	p2 =	slt.u32 s8, $0xFFFFF086  }
0x1c: {  	p1 =	slt.u32 s9, $0xF7A;
	s5 =	simm.s32 @!p2 $0x0  }
0x1d: {  	s5 =	simm.s32 @p1 $0x1;
	p0 =	seq.s32 s7, s2  }
0x1e: {  	s7 =	smul.u32 @!p0 $0xF7A, s2;
	p2 =	seq.s32 @!p0 s5, $0x0  }
0x1f: {  	s9 =	smul.u32 $0xF7A, s1;
	s8 =	simm.s32 @!p0 $0x1BF5;
	p2 =	por !p2, p0  }
0x20: {  	[sflag:s8] =	ssyncset.s32 @!p0 $0xFFFFF086;
	s6 =	sadd.s32 @!p0 s3, s7;
	s7 =	simm.s32 @!p0 $0x108  }
0x21: {  	s3 =	sadd.s32 s3, s9;
	s6 =	sadd.s32 @!p0 $0x88, s6;
	s7 =	simm.s32 @p2 $0x1082  }
0x22: {  	[simem:s7], [sflag:s8] =	dma.local @!p0 [hbm:s6], $0xF7A  }
0x23: {  	s9 =	sor.u32 $0xD0000000, s2;
	s6 =	simm.s32 $0x108;
	_ =	swait.ge @!p0 [sflag:s8], $0x0  }
0x24: {  	s3 =	sadd.s32 $0x88, s3;
	s6 =	simm.s32 @!p1 $0x1082;
	[sflag:s4] =	ssyncset.s32 $0xFFFFF086  }
0x25: {  	[simem:s6], [sflag:s4] =	dma.local [hbm:s3], $0xF7A  }
0x26: {  	[smem:$0x3F99] =	sst s1;
	(tag) =	ssettag s2;
	_ =	strace s9  }
0x27: {  	s1 =	sld [smem:$0x3FA9]  }
0x28: {  	s2 =	sld [smem:$0x3FAA]  }
0x29: {  	s4 =	sld [smem:$0x3FAC]  }
0x2a: {  	p0 =	seq.s32 s5, $0x0;
	s5 =	sld [smem:$0x3FAD]  }
0x2b: {  	s6 =	sld [smem:$0x3FAE]  }
0x2c: {  	s7 =	sld [smem:$0x3FAF]  }
0x2d: {  	s3 =	simm.s32 $0x108;
	s8 =	sld [smem:$0x3FB0]  }
0x2e: {  	s3 =	simm.s32 @!p0 $0x1082;
	s9 =	sld [smem:$0x3FB1]  }
0x2f: {  	lr =	sadd.s32 s0, s3;
	s0 =	sld [smem:$0x3FA8]  }
0x30: {  	s3 =	sld [smem:$0x3FAB]  }
0x31: {  	[smem:$0x3FB4] =	sst s10  }
0x32: {  	s10 =	sld [smem:$0x3FB2];
	_ =	sdelay $0x3  }
0x33: {  	p0 =	seq.s32 s10, $0x1;
	s10 =	sld [smem:$0x3FB4];
	_ =	sdelay $0x3  }
0x34: {  	[smem:$0x3FB4] =	sst s10  }
0x35: {  	s10 =	sld [smem:$0x3FB3];
	_ =	sdelay $0x3  }
0x36: {  	p1 =	seq.s32 s10, $0x1;
	s10 =	sld [smem:$0x3FB4];
	_ =	sdelay $0x3  }
0x37: {  	[smem:$0x3FB4] =	sst s10  }
0x38: {  	s10 =	sld [smem:$0x3FB5]  }
0x39: {  	_ = 	snop;
	(pc) =	sbr.ind lr, $3  }
0x3a: {  	_ = 	snop  }
0x3b: {  	_ = 	snop  }
0x3c: {  	p2 =	seq.s32 s10, $0x1;
	s10 =	sld [smem:$0x3FB4]  }
0x3d: {  	_ =	shalt  }
0x3e: {  	_ =	shalt  }
0x3f: {  	_ =	shalt  }
0x40: {  	_ =	shalt  }
0x41: {  	_ =	shalt  }
0x42: {  	_ =	shalt  }
0x43: {  	_ =	shalt  }
0x44: {  	_ =	shalt  }
0x45: {  	_ =	shalt  }
0x46: {  	_ =	shalt  }
0x47: {  	_ =	shalt  }
0x48: {  	_ =	shalt  }
0x49: {  	_ =	shalt  }
0x4a: {  	_ =	shalt  }
0x4b: {  	_ =	shalt  }
0x4c: {  	_ =	shalt  }
0x4d: {  	_ =	shalt  }
0x4e: {  	_ =	shalt  }
0x4f: {  	_ =	shalt  }
0x50: {  	_ =	shalt  }
0x51: {  	_ =	shalt  }
0x52: {  	_ =	shalt  }
0x53: {  	_ =	shalt  }
0x54: {  	_ =	shalt  }
0x55: {  	_ =	shalt  }
0x56: {  	_ =	shalt  }
0x57: {  	_ =	shalt  }
0x58: {  	_ =	shalt  }
0x59: {  	_ =	shalt  }
0x5a: {  	_ =	shalt  }
0x5b: {  	_ =	shalt  }
0x5c: {  	_ =	shalt  }
0x5d: {  	_ =	shalt  }
0x5e: {  	_ =	shalt  }
0x5f: {  	_ =	shalt  }
0x60: {  	_ =	shalt  }
0x61: {  	_ =	shalt  }
0x62: {  	_ =	shalt  }
0x63: {  	_ =	shalt  }
0x64: {  	_ =	shalt  }
0x65: {  	_ =	shalt  }
0x66: {  	_ =	shalt  }
0x67: {  	_ =	shalt  }
0x68: {  	_ =	shalt  }
0x69: {  	_ =	shalt  }
0x6a: {  	_ =	shalt  }
0x6b: {  	_ =	shalt  }
0x6c: {  	_ =	shalt  }
0x6d: {  	_ =	shalt  }
0x6e: {  	_ =	shalt  }
0x6f: {  	_ =	shalt  }
0x70: {  	_ =	shalt  }
0x71: {  	_ =	shalt  }
0x72: {  	_ =	shalt  }
0x73: {  	_ =	shalt  }
0x74: {  	_ =	shalt  }
0x75: {  	_ =	shalt  }
0x76: {  	_ =	shalt  }
0x77: {  	_ =	shalt  }
0x78: {  	_ =	shalt  }
0x79: {  	_ =	shalt  }
0x7a: {  	_ =	shalt  }
0x7b: {  	_ =	shalt  }
0x7c: {  	_ =	shalt  }
0x7d: {  	_ =	shalt  }
0x7e: {  	_ =	shalt  }
0x7f: {  	_ =	shalt  }
0x80: {  	_ =	shalt  }
0x81: {  	_ =	shalt  }
0x82: {  	_ =	shalt  }
0x83: {  	_ =	shalt  }
0x84: {  	_ =	shalt  }
0x85: {  	_ =	shalt  }
0x86: {  	_ =	shalt  }
0x87: {  	_ =	shalt  }
.Lfunc_end0:
.L_simem_size_0:
called_computation.1_lowered:
.L_overlay_start_0:
0x88: {  	s2 =	sld [smem:$0x3FD9]  }
0x89: {  	s3 =	sld [smem:$0x3FFE];
	_ =	sdelay $0x1  }
0x8a: {  	s1 =	srdreg.scid  }
0x8b: {  	s0 =	sand.u32 $0x1, s1  }
0x8c: {  	s16 =	sshll.u32 s0, $0xA;
	s2 =	sadd.s32 s3, s2  }
0x8d: {  	s2 =	sadd.s32 s2, s16  }
0x8e: {  	[smem:$0x3FC0] =	sst s2  }
0x8f: {  	_ = 	snop  }
0x90: {  	(tm) =	ssettm $0x1  }
0x91: {  	s17 =	sld [smem:$0x3FFB];
	_ =	sdelay $0x3  }
0x92: {  	_ =	strace s17  }
0x93: {  	s2 =	sld [smem:$0x3FFC];
	_ =	sdelay $0x3  }
0x94: {  	_ =	strace s2  }
0x95: {  	s2 =	sld [smem:$0x3FFD];
	_ =	sdelay $0x3  }
0x96: {  	_ =	strace s2  }
0x97: {  	_ =	strace $0x8FFFFFFF  }
0x98: {  	s18 =	sld [smem:$0x3FDB];
	_ =	sdelay $0x1  }
0x99: {  	s19 =	simm.s32 $_scs_section_size  }
0x9a: {  	s4 =	simm.s32 $_size__tile_overlayer_lowered;
	s5 =	simm.s32 $_tile_overlayer_lowered  }
0x9b: {  	s22 =	simm.s32 $0x1BFF;
	s21 =	sshll.u32 s5, $0x1;
	s2 =	sadd.s32 s19, s18  }
0x9c: {  	s6 =	simm.s32 $0x0;
	s20 =	sshll.u32 s4, $0x1;
	s4 =	sadd.s32 s21, s2  }
0x9d: {  	[timem:s6], [sflag:s22] =	dma.local [hbm:s4], s20  }
0x9e: {  	_ =	swait.ge [sflag:s22], s20  }
0x9f: {  	s3 =	ssub.s32 $0x0, s20;
	[sflag:s22] =	ssyncset.done $0x0  }
0xa0: {  	[sflag:s22] =	ssyncadd.s32 s3;
	_ =	sdelay $0x1  }
0xa1: {  	s23 =	simm.s32 $0x1B8B  }
0xa2: {  	_ =	swait.ge [sflag:s23], $0x1  }
0xa3: {  	[sflag:s23] =	ssyncset.done $0x0  }
0xa4: {  	s25 =	simm.s32 $0x1B8E;
	s24 =	sld [smem:$0x3FFE];
	[sflag:s23] =	ssyncadd.s32 $0xFFFFFFFF  }
0xa5: {  	s26 =	simm.s32 $execute0_lowered;
	[smem:$0x3FD2] =	sst s25  }
0xa6: {  	s4 =	sshll.u32 s26, $0x1;
	_ =	strace $0x80000049;
	[dreg:$0x1] =	wrdreg $0xFFFFFFFF  }
0xa7: {  	s28 =	simm.s32 $_size_execute0_lowered;
	s2 =	sadd.s32 s2, s4;
	[dreg:$0x0] =	wrdreg $0x0  }
0xa8: {  	s4 =	sshll.u32 s28, $0x1;
	[dreg:$0x2] =	wrdreg s2  }
0xa9: {  	[dreg:$0x3] =	wrdreg s4  }
0xaa: {  	[dreg:$0x4] =	wrdreg $0xC0  }
0xab: {  	_ =	task [dreg:s6], $0x5FFFF  }
0xac: {  	[dreg:$0x1] =	wrdreg $0xFFFFFFFF  }
0xad: {  	[dreg:$0x0] =	wrdreg $0x60  }
0xae: {  	[dreg:$0x2] =	wrdreg s24  }
0xaf: {  	[dreg:$0x3] =	wrdreg $0x88000  }
0xb0: {  	[dreg:$0x4] =	wrdreg $0x9  }
0xb1: {  	_ =	task.clear_ibuf [dreg:s6], $0x5FFFF;
	_ =	strace $0x90000049  }
0xb2: {  	s29 =	simm.s32 $0x9;
	_ =	strace $0x8000004B  }
0xb3: {  	_ =	swait.ge [sflag:s29], $0x1  }
0xb4: {  	[sflag:s29] =	ssyncadd.s32 $0xFFFFFFFF  }
0xb5: {  	_ =	strace $0x9000004B  }
0xb6: {  	_ =	sfence  }
0xb7: {  	s30 =	sld [smem:$0x0];
	_ =	sdelay $0x2  }
0xb8: {  	s31 =	sshll.u32 s1, $0xD;
	s1 =	sshrl.u32 s1, $0x2  }
0xb9: {  	s3 =	sand.u32 $0x4000, s31;
	s1 =	sadd.s32 s1, s30  }
0xba: {  	s0 =	sor.u32 s3, s0;
	s1 =	sshll.u32 s1, $0x11  }
0xbb: {  	s0 =	sor.u32 s1, s0  }
0xbc: {  	s0 =	sadd.s32 $0x8F2B, s0  }
0xbd: {  	[sflag:s0] =	ssyncadd.remote.s32 $0x1  }
0xbe: {  	_ =	sfence.sel $0xFFFF  }
0xbf: {  	[dreg:$0x0] =	wrdreg $0xFFFFFFFF;
	(pc) =	sbr.abs _section_cstart, $3  }
0xc0: {  	[dreg:$0x1] =	wrdreg $0xFFFFFFFF  }
0xc1: {  	_ =	task.clear_ibuf [dreg:s6], $0x2FFFF;
	_ =	strace $0x9FFFFFFF  }
0xc2: {  	(tm) =	ssettm $0x7FFFFFFF  }
0xc3: {  	_ =	shalt  }
tec
execute0_lowered:
.L_overlay_start_1:
0x0: {  	(tag) =	ssettag $0x1  }
0x1: {  	s0 =	rddreg [dreg:$0x0]  }
0x2: {  	s1 =	rddreg [dreg:$0x1]  }
0x3: {  	s3 =	simm.s32 $0x0;
	s2 =	srdreg.scid;
	s10 =	stileid.u32  }
0x4: {  	s14 =	simm.s32 $0x3;
	s15 =	simm.s32 $0x400;
	s16 =	simm.s32 $0x80  }
0x5: {  	s17 =	simm.s32 $0x800;
	s18 =	simm.s32 $0x1;
	s19 =	simm.s32 $0x4800  }
0x6: {  	s28 =	simm.s32 $0x600;
	s29 =	simm.s32 $0x280;
	s30 =	simm.s32 $0x680  }
0x7: {  	s31 =	simm.s32 $0x300;
	[smem:$0x7FF] =	sst s3;
	s2 =	sand.u32 $0x1, s2  }
0x8: {  	s6 =	sshll.u32 s10, $0xB;
	s7 =	smul.u32 $0x13C00, s10;
	s4 =	sadd.s32 $0x69A00, s0  }
0x9: {  	s8 =	sshll.u32 s10, $0x9;
	s20 =	smul.u32 $0x4F000, s10;
	s9 =	sadd.s32 $0x3A00, s0  }
0xa: {  	s23 =	sshll.u32 s10, $0x6;
	s5 =	smul.u32 $0x13C000, s2;
	_ =	strace $0x8000004A  }
0xb: {  	s6 =	sadd.s32 s6, s0;
	s8 =	sadd.s32 s8, s0;
	[dreg:$0x4] =	wrdreg s9  }
0xc: {  	s21 =	ssub.s32 $0x2, s2;
	s9 =	sor.u32 $0x1C03, s23;
	p0 =	seq.s32 s2, $0x1  }
0xd: {  	s23 =	simm.s32 $0x500;
	s2 =	simm.s32 $0x380;
	s22 =	sshrl.u32 s21, $0x1  }
0xe: {  	s25 =	sadd.s32 $0x59A00, s6;
	s13 =	sadd.s32 $0x61A00, s6;
	[dreg:$0x5] =	wrdreg s9  }
0xf: {  	s26 =	sadd.s32 $0x55A00, s8;
	s10 =	sadd.s32 $0x57A00, s8;
	[dreg:$0x3] =	wrdreg s25  }
0x10: {  	s5 =	sadd.s32 s7, s5;
	s7 =	sshrl.u32 s20, $0x2;
	[dreg:$0x8] =	wrdreg s26  }
0x11: {  	s20 =	simm.s32 $0x2;
	s25 =	simm.s32 $0x580;
	s26 =	simm.s32 $0x200  }
0x12: {  	s11 =	smov.u32 s13;
	s5 =	sshrl.u32 s5, $0x3;
	s7 =	sadd.s32 s7, s1  }
.Ltmp0:
0x13: {  	s0 =	sadd.s32 s5, s0;
	s5 =	ssub.s32 s21, s22;
	(pc) =	sbr.rel .LBB2_1-.Ltmp0, $4  }
0x14: {  	s12 =	sshrl.u32 s7, $0x3;
	s21 =	simm.s32 $0x480;
	s22 =	simm.s32 $0x100  }
0x15: {  	s7 =	simm.s32 $0x0;
	s0 =	sadd.s32 $0x90C00, s0;
	[dreg:$0x9] =	wrdreg s12  }
0x16: {  	s24 =	smax.u32 s5, $0x1;
	s5 =	simm.s32 $0x780;
	[dreg:$0x6] =	wrdreg s0  }
0x17: {  	[dreg:$0x7] =	wrdreg s24;
	s24 =	simm.s32 $0x180;
	s0 =	simm.s32 $0x700  }
.LBB2_7:
0x18: {  	s6 =	sadd.s32 s8, s10;
	[sflag:s14] =	ssyncadd.s32 $0xFFFFC000  }
0x19: {  	[tilespmem:s3], [sflag:$0x3] =	stream.linear.gather [hbm4b:s6+s3], $0x400, $0x38;
	[tilespmem:$0x1C400] =	vst v63  }
0x1a: {  	_ =	swait.ge [sflag:s14], $0x400  }
0x1b: {  	[sflag:s14] =	ssyncset.done $0x0  }
0x1c: {  	s13 =	sadd.s32 s8, s12;
	[sflag:s14] =	ssyncadd.s32 $0xFFFFFC00  }
0x1d: {  	[tilespmem:s15], [sflag:$0x3] =	stream.linear.gather [hbm4b:s13+s3], $0x400, $0x38;
	[tilespmem:$0x1C400] =	vst v63  }
0x1e: {  	_ =	swait.ge [sflag:s14], $0x400  }
0x1f: {  	[sflag:s14] =	ssyncset.done $0x0  }
0x20: {  	[sflag:s14] =	ssyncadd.s32 $0xFFFFFC00  }
0x21: {  	[tilespmem:s17], [sflag:$0x1] =	stream.indirect.gather [hbm4b:s4+s16], $0x80, s3, s16, $0xb8;
	[tilespmem:$0x1C400] =	vst v63  }
0x22: {  	_ =	swait.ge [sflag:s18], $0x4000  }
0x23: {  	[sflag:s18] =	ssyncset.done $0x0  }
0x24: {  	[sflag:s18] =	ssyncadd.s32 $0xFFFFC000  }
0x25: {  	[spmem:s1] =	stream.indirect.scatter.add.f32 [tilespmem:s17], [sflag:$0x3], $0x80, s15, s16, $0xb8;
	[tilespmem:$0x1C400] =	vst v63  }
0x26: {  	_ =	swait.ge [sflag:s14], $0x4000  }
0x27: {  	[sflag:s14] =	ssyncset.done $0x0  }
0x28: {  	[sflag:s14] =	ssyncadd.s32 $0xFFFFC000  }
0x29: {  	[tilespmem:s19], [sflag:$0x2] =	stream.indirect.gather [hbm4b:s4+s16], $0x80, s16, s16, $0xb8;
	[tilespmem:$0x1C400] =	vst v63  }
0x2a: {  	_ =	swait.ge [sflag:s20], $0x4000  }
0x2b: {  	[sflag:s20] =	ssyncset.done $0x0  }
0x2c: {  	[sflag:s20] =	ssyncadd.s32 $0xFFFFC000  }
0x2d: {  	[spmem:s1] =	stream.indirect.scatter.add.f32 [tilespmem:s19], [sflag:$0x3], $0x80, s21, s16, $0xb8;
	[tilespmem:$0x1C400] =	vst v63  }
0x2e: {  	_ =	swait.ge [sflag:s14], $0x4000  }
0x2f: {  	[sflag:s14] =	ssyncset.done $0x0  }
0x30: {  	[sflag:s14] =	ssyncadd.s32 $0xFFFFC000  }
0x31: {  	[tilespmem:s17], [sflag:$0x1] =	stream.indirect.gather [hbm4b:s4+s16], $0x80, s22, s16, $0xb8;
	[tilespmem:$0x1C400] =	vst v63  }
0x32: {  	_ =	swait.ge [sflag:s18], $0x4000  }
0x33: {  	[sflag:s18] =	ssyncset.done $0x0  }
0x34: {  	[sflag:s18] =	ssyncadd.s32 $0xFFFFC000  }
0x35: {  	[spmem:s1] =	stream.indirect.scatter.add.f32 [tilespmem:s17], [sflag:$0x3], $0x80, s23, s16, $0xb8;
	[tilespmem:$0x1C400] =	vst v63  }
0x36: {  	_ =	swait.ge [sflag:s14], $0x4000  }
0x37: {  	[sflag:s14] =	ssyncset.done $0x0  }
0x38: {  	[sflag:s14] =	ssyncadd.s32 $0xFFFFC000  }
0x39: {  	[tilespmem:s19], [sflag:$0x2] =	stream.indirect.gather [hbm4b:s4+s16], $0x80, s24, s16, $0xb8;
	[tilespmem:$0x1C400] =	vst v63  }
0x3a: {  	_ =	swait.ge [sflag:s20], $0x4000  }
0x3b: {  	[sflag:s20] =	ssyncset.done $0x0  }
0x3c: {  	[sflag:s20] =	ssyncadd.s32 $0xFFFFC000  }
0x3d: {  	[spmem:s1] =	stream.indirect.scatter.add.f32 [tilespmem:s19], [sflag:$0x3], $0x80, s25, s16, $0xb8;
	[tilespmem:$0x1C400] =	vst v63  }
0x3e: {  	_ =	swait.ge [sflag:s14], $0x4000  }
0x3f: {  	[sflag:s14] =	ssyncset.done $0x0  }
0x40: {  	[sflag:s14] =	ssyncadd.s32 $0xFFFFC000  }
0x41: {  	[tilespmem:s17], [sflag:$0x1] =	stream.indirect.gather [hbm4b:s4+s16], $0x80, s26, s16, $0xb8;
	[tilespmem:$0x1C400] =	vst v63  }
0x42: {  	_ =	swait.ge [sflag:s18], $0x4000  }
0x43: {  	[sflag:s18] =	ssyncset.done $0x0  }
0x44: {  	[sflag:s18] =	ssyncadd.s32 $0xFFFFC000  }
0x45: {  	[spmem:s1] =	stream.indirect.scatter.add.f32 [tilespmem:s17], [sflag:$0x3], $0x80, s28, s16, $0xb8;
	[tilespmem:$0x1C400] =	vst v63  }
0x46: {  	_ =	swait.ge [sflag:s14], $0x4000  }
0x47: {  	[sflag:s14] =	ssyncset.done $0x0  }
0x48: {  	[sflag:s14] =	ssyncadd.s32 $0xFFFFC000  }
0x49: {  	[tilespmem:s19], [sflag:$0x2] =	stream.indirect.gather [hbm4b:s4+s16], $0x80, s29, s16, $0xb8;
	[tilespmem:$0x1C400] =	vst v63  }
0x4a: {  	_ =	swait.ge [sflag:s20], $0x4000  }
0x4b: {  	[sflag:s20] =	ssyncset.done $0x0  }
0x4c: {  	[sflag:s20] =	ssyncadd.s32 $0xFFFFC000  }
0x4d: {  	[spmem:s1] =	stream.indirect.scatter.add.f32 [tilespmem:s19], [sflag:$0x3], $0x80, s30, s16, $0xb8;
	[tilespmem:$0x1C400] =	vst v63  }
0x4e: {  	_ =	swait.ge [sflag:s14], $0x4000  }
0x4f: {  	[sflag:s14] =	ssyncset.done $0x0  }
0x50: {  	[sflag:s14] =	ssyncadd.s32 $0xFFFFC000  }
0x51: {  	[tilespmem:s17], [sflag:$0x1] =	stream.indirect.gather [hbm4b:s4+s16], $0x80, s31, s16, $0xb8;
	[tilespmem:$0x1C400] =	vst v63  }
0x52: {  	_ =	swait.ge [sflag:s18], $0x4000  }
0x53: {  	[sflag:s18] =	ssyncset.done $0x0  }
0x54: {  	[sflag:s18] =	ssyncadd.s32 $0xFFFFC000  }
0x55: {  	[spmem:s1] =	stream.indirect.scatter.add.f32 [tilespmem:s17], [sflag:$0x3], $0x80, s0, s16, $0xb8;
	[tilespmem:$0x1C400] =	vst v63  }
0x56: {  	_ =	swait.ge [sflag:s14], $0x4000  }
0x57: {  	[sflag:s14] =	ssyncset.done $0x0  }
0x58: {  	[sflag:s14] =	ssyncadd.s32 $0xFFFFC000  }
0x59: {  	[tilespmem:s19], [sflag:$0x2] =	stream.indirect.gather [hbm4b:s4+s16], $0x80, s2, s16, $0xb8;
	[tilespmem:$0x1C400] =	vst v63  }
0x5a: {  	_ =	swait.ge [sflag:s20], $0x4000  }
0x5b: {  	[sflag:s20] =	ssyncset.done $0x0  }
0x5c: {  	[sflag:s20] =	ssyncadd.s32 $0xFFFFC000  }
0x5d: {  	[spmem:s1] =	stream.indirect.scatter.add.f32 [tilespmem:s19], [sflag:$0x3], $0x80, s5, s16, $0xb8;
	[tilespmem:$0x1C400] =	vst v63  }
0x5e: {  	_ =	swait.ge [sflag:s14], $0x4000  }
0x5f: {  	[sflag:s14] =	ssyncset.done $0x0;
	s12 =	rddreg [dreg:$0x9]  }
0x60: {  	s13 =	smov.u32 s11;
	s7 =	rddreg [dreg:$0xa];
	[sflag:s14] =	ssyncadd.s32 $0xFFFFC000  }
.LBB2_8:
0x61: {  	[bflag:$0x0] =	sbarrier.arrive $0xFFFF  }
0x62: {  	s9 =	rddreg [dreg:$0x5]  }
0x63: {  	s6 =	rddreg [dreg:$0x6]  }
0x64: {  	[hbm:s6], [sflag:s9] =	dma.local [spmem:s12], $0x2780  }
0x65: {  	_ =	swait.ge [sflag:s14], $0x2780  }
0x66: {  	s7 =	sadd.s32 $0x1, s7;
	s8 =	rddreg [dreg:$0x7]  }
0x67: {  	p1 =	sne.s32 s7, s8  }
.Ltmp1:
0x68: {  	_ = 	snop;
	(pc) =	sbr.rel @!p1 .LBB2_9-.Ltmp1, $3  }
0x69: {  	_ =	sdelay $0x1  }
0x6a: {  	[sflag:s14] =	ssyncset.done $0x0  }
0x6b: {  	[sflag:s14] =	ssyncadd.s32 $0xFFFFD880  }
.LBB2_1:
0x6c: {  	[dreg:$0xa] =	wrdreg s7  }
0x6d: {  	s6 =	rddreg [dreg:$0x4]  }
0x6e: {  	[spmem:s12], [sflag:s9] =	dma.local [hbm:s6], $0x2780  }
.Ltmp2:
0x6f: {  	_ =	swait.ge [sflag:s14], $0x2780;
	(pc) =	sbr.rel @!p0 .LBB2_2-.Ltmp2, $3  }
0x70: {  	[sflag:s14] =	ssyncset.done $0x0  }
0x71: {  	[sflag:s14] =	ssyncadd.s32 $0xFFFFD880  }
0x72: {  	[bflag:$0x0] =	sbarrier.arrive $0xFFFF;
	_ =	sdelay $0x1  }
0x73: {  	s6 =	sadd.s32 $0x0, s10  }
0x74: {  	[tilespmem:s3], [sflag:$0x3] =	stream.linear.gather [hbm4b:s6+s3], $0x400, $0x38;
	[tilespmem:$0x1C400] =	vst v63  }
0x75: {  	_ =	swait.ge [sflag:s14], $0x400  }
0x76: {  	[sflag:s14] =	ssyncset.done $0x0;
	s12 =	rddreg [dreg:$0x8]  }
0x77: {  	[sflag:s14] =	ssyncadd.s32 $0xFFFFFC00;
	s13 =	sadd.s32 $0x0, s12  }
0x78: {  	[tilespmem:s15], [sflag:$0x3] =	stream.linear.gather [hbm4b:s13+s3], $0x400, $0x38;
	[tilespmem:$0x1C400] =	vst v63  }
0x79: {  	_ =	swait.ge [sflag:s14], $0x400  }
0x7a: {  	[sflag:s14] =	ssyncset.done $0x0  }
0x7b: {  	[sflag:s14] =	ssyncadd.s32 $0xFFFFFC00  }
0x7c: {  	[tilespmem:s17], [sflag:$0x1] =	stream.indirect.gather [hbm4b:s4+s16], $0x80, s3, s16, $0xb8;
	[tilespmem:$0x1C400] =	vst v63  }
0x7d: {  	_ =	swait.ge [sflag:s18], $0x4000  }
0x7e: {  	[sflag:s18] =	ssyncset.done $0x0  }
0x7f: {  	[sflag:s18] =	ssyncadd.s32 $0xFFFFC000  }
0x80: {  	[spmem:s1] =	stream.indirect.scatter.add.f32 [tilespmem:s17], [sflag:$0x3], $0x80, s15, s16, $0xb8;
	[tilespmem:$0x1C400] =	vst v63  }
0x81: {  	_ =	swait.ge [sflag:s14], $0x4000  }
0x82: {  	[sflag:s14] =	ssyncset.done $0x0  }
0x83: {  	[sflag:s14] =	ssyncadd.s32 $0xFFFFC000  }
0x84: {  	[tilespmem:s19], [sflag:$0x2] =	stream.indirect.gather [hbm4b:s4+s16], $0x80, s16, s16, $0xb8;
	[tilespmem:$0x1C400] =	vst v63  }
0x85: {  	_ =	swait.ge [sflag:s20], $0x4000  }
0x86: {  	[sflag:s20] =	ssyncset.done $0x0  }
0x87: {  	[sflag:s20] =	ssyncadd.s32 $0xFFFFC000  }
0x88: {  	[spmem:s1] =	stream.indirect.scatter.add.f32 [tilespmem:s19], [sflag:$0x3], $0x80, s21, s16, $0xb8;
	[tilespmem:$0x1C400] =	vst v63  }
0x89: {  	_ =	swait.ge [sflag:s14], $0x4000  }
0x8a: {  	[sflag:s14] =	ssyncset.done $0x0  }
0x8b: {  	[sflag:s14] =	ssyncadd.s32 $0xFFFFC000  }
0x8c: {  	[tilespmem:s17], [sflag:$0x1] =	stream.indirect.gather [hbm4b:s4+s16], $0x80, s22, s16, $0xb8;
	[tilespmem:$0x1C400] =	vst v63  }
0x8d: {  	_ =	swait.ge [sflag:s18], $0x4000  }
0x8e: {  	[sflag:s18] =	ssyncset.done $0x0  }
0x8f: {  	[sflag:s18] =	ssyncadd.s32 $0xFFFFC000  }
0x90: {  	[spmem:s1] =	stream.indirect.scatter.add.f32 [tilespmem:s17], [sflag:$0x3], $0x80, s23, s16, $0xb8;
	[tilespmem:$0x1C400] =	vst v63  }
0x91: {  	_ =	swait.ge [sflag:s14], $0x4000  }
0x92: {  	[sflag:s14] =	ssyncset.done $0x0  }
0x93: {  	[sflag:s14] =	ssyncadd.s32 $0xFFFFC000  }
0x94: {  	[tilespmem:s19], [sflag:$0x2] =	stream.indirect.gather [hbm4b:s4+s16], $0x80, s24, s16, $0xb8;
	[tilespmem:$0x1C400] =	vst v63  }
0x95: {  	_ =	swait.ge [sflag:s20], $0x4000  }
0x96: {  	[sflag:s20] =	ssyncset.done $0x0  }
0x97: {  	[sflag:s20] =	ssyncadd.s32 $0xFFFFC000  }
0x98: {  	[spmem:s1] =	stream.indirect.scatter.add.f32 [tilespmem:s19], [sflag:$0x3], $0x80, s25, s16, $0xb8;
	[tilespmem:$0x1C400] =	vst v63  }
0x99: {  	_ =	swait.ge [sflag:s14], $0x4000  }
0x9a: {  	[sflag:s14] =	ssyncset.done $0x0  }
0x9b: {  	[sflag:s14] =	ssyncadd.s32 $0xFFFFC000  }
0x9c: {  	[tilespmem:s17], [sflag:$0x1] =	stream.indirect.gather [hbm4b:s4+s16], $0x80, s26, s16, $0xb8;
	[tilespmem:$0x1C400] =	vst v63  }
0x9d: {  	_ =	swait.ge [sflag:s18], $0x4000  }
0x9e: {  	[sflag:s18] =	ssyncset.done $0x0  }
0x9f: {  	[sflag:s18] =	ssyncadd.s32 $0xFFFFC000  }
0xa0: {  	[spmem:s1] =	stream.indirect.scatter.add.f32 [tilespmem:s17], [sflag:$0x3], $0x80, s28, s16, $0xb8;
	[tilespmem:$0x1C400] =	vst v63  }
0xa1: {  	_ =	swait.ge [sflag:s14], $0x4000  }
0xa2: {  	[sflag:s14] =	ssyncset.done $0x0  }
0xa3: {  	[sflag:s14] =	ssyncadd.s32 $0xFFFFC000  }
0xa4: {  	[tilespmem:s19], [sflag:$0x2] =	stream.indirect.gather [hbm4b:s4+s16], $0x80, s29, s16, $0xb8;
	[tilespmem:$0x1C400] =	vst v63  }
0xa5: {  	_ =	swait.ge [sflag:s20], $0x4000  }
0xa6: {  	[sflag:s20] =	ssyncset.done $0x0  }
0xa7: {  	[sflag:s20] =	ssyncadd.s32 $0xFFFFC000  }
0xa8: {  	[spmem:s1] =	stream.indirect.scatter.add.f32 [tilespmem:s19], [sflag:$0x3], $0x80, s30, s16, $0xb8;
	[tilespmem:$0x1C400] =	vst v63  }
0xa9: {  	_ =	swait.ge [sflag:s14], $0x4000  }
0xaa: {  	[sflag:s14] =	ssyncset.done $0x0  }
0xab: {  	[sflag:s14] =	ssyncadd.s32 $0xFFFFC000  }
0xac: {  	[tilespmem:s17], [sflag:$0x1] =	stream.indirect.gather [hbm4b:s4+s16], $0x80, s31, s16, $0xb8;
	[tilespmem:$0x1C400] =	vst v63  }
0xad: {  	_ =	swait.ge [sflag:s18], $0x4000  }
0xae: {  	[sflag:s18] =	ssyncset.done $0x0  }
0xaf: {  	[sflag:s18] =	ssyncadd.s32 $0xFFFFC000  }
0xb0: {  	[spmem:s1] =	stream.indirect.scatter.add.f32 [tilespmem:s17], [sflag:$0x3], $0x80, s0, s16, $0xb8;
	[tilespmem:$0x1C400] =	vst v63  }
0xb1: {  	_ =	swait.ge [sflag:s14], $0x4000  }
0xb2: {  	[sflag:s14] =	ssyncset.done $0x0  }
0xb3: {  	[sflag:s14] =	ssyncadd.s32 $0xFFFFC000  }
0xb4: {  	[tilespmem:s19], [sflag:$0x2] =	stream.indirect.gather [hbm4b:s4+s16], $0x80, s2, s16, $0xb8;
	[tilespmem:$0x1C400] =	vst v63  }
0xb5: {  	_ =	swait.ge [sflag:s20], $0x4000  }
0xb6: {  	[sflag:s20] =	ssyncset.done $0x0  }
0xb7: {  	[sflag:s20] =	ssyncadd.s32 $0xFFFFC000  }
0xb8: {  	[spmem:s1] =	stream.indirect.scatter.add.f32 [tilespmem:s19], [sflag:$0x3], $0x80, s5, s16, $0xb8;
	[tilespmem:$0x1C400] =	vst v63  }
0xb9: {  	_ =	swait.ge [sflag:s14], $0x4000  }
0xba: {  	s8 =	simm.s32 $0x80;
	s13 =	simm.s32 $0x100;
	[sflag:s14] =	ssyncset.done $0x0  }
.LBB2_6:
0xbb: {  	s7 =	sadd.s32 s8, s10  }
0xbc: {  	[sflag:s14] =	ssyncadd.s32 $0xFFFFC000;
	s9 =	smov.u32 s13;
	s6 =	sadd.s32 $0x80, s13  }
0xbd: {  	[tilespmem:s3], [sflag:$0x3] =	stream.linear.gather [hbm4b:s7+s3], $0x400, $0x38;
	[tilespmem:$0x1C400] =	vst v63  }
0xbe: {  	p1 =	sne.s32 s13, $0x180;
	_ =	swait.ge [sflag:s14], $0x400  }
0xbf: {  	[sflag:s14] =	ssyncset.done $0x0  }
0xc0: {  	s7 =	sadd.s32 s8, s12;
	s8 =	smov.u32 s9;
	[sflag:s14] =	ssyncadd.s32 $0xFFFFFC00  }
0xc1: {  	[tilespmem:s15], [sflag:$0x3] =	stream.linear.gather [hbm4b:s7+s3], $0x400, $0x38;
	[tilespmem:$0x1C400] =	vst v63  }
0xc2: {  	_ =	swait.ge [sflag:s14], $0x400  }
0xc3: {  	[sflag:s14] =	ssyncset.done $0x0  }
0xc4: {  	[sflag:s14] =	ssyncadd.s32 $0xFFFFFC00  }
0xc5: {  	[tilespmem:s17], [sflag:$0x1] =	stream.indirect.gather [hbm4b:s4+s16], $0x80, s3, s16, $0xb8;
	[tilespmem:$0x1C400] =	vst v63  }
0xc6: {  	_ =	swait.ge [sflag:s18], $0x4000  }
0xc7: {  	[sflag:s18] =	ssyncset.done $0x0  }
0xc8: {  	[sflag:s18] =	ssyncadd.s32 $0xFFFFC000  }
0xc9: {  	[spmem:s1] =	stream.indirect.scatter.add.f32 [tilespmem:s17], [sflag:$0x3], $0x80, s15, s16, $0xb8;
	[tilespmem:$0x1C400] =	vst v63  }
0xca: {  	_ =	swait.ge [sflag:s14], $0x4000  }
0xcb: {  	[sflag:s14] =	ssyncset.done $0x0  }
0xcc: {  	[sflag:s14] =	ssyncadd.s32 $0xFFFFC000  }
0xcd: {  	[tilespmem:s19], [sflag:$0x2] =	stream.indirect.gather [hbm4b:s4+s16], $0x80, s16, s16, $0xb8;
	[tilespmem:$0x1C400] =	vst v63  }
0xce: {  	_ =	swait.ge [sflag:s20], $0x4000  }
0xcf: {  	[sflag:s20] =	ssyncset.done $0x0  }
0xd0: {  	[sflag:s20] =	ssyncadd.s32 $0xFFFFC000  }
0xd1: {  	[spmem:s1] =	stream.indirect.scatter.add.f32 [tilespmem:s19], [sflag:$0x3], $0x80, s21, s16, $0xb8;
	[tilespmem:$0x1C400] =	vst v63  }
0xd2: {  	_ =	swait.ge [sflag:s14], $0x4000  }
0xd3: {  	[sflag:s14] =	ssyncset.done $0x0  }
0xd4: {  	[sflag:s14] =	ssyncadd.s32 $0xFFFFC000  }
0xd5: {  	[tilespmem:s17], [sflag:$0x1] =	stream.indirect.gather [hbm4b:s4+s16], $0x80, s22, s16, $0xb8;
	[tilespmem:$0x1C400] =	vst v63  }
0xd6: {  	_ =	swait.ge [sflag:s18], $0x4000  }
0xd7: {  	[sflag:s18] =	ssyncset.done $0x0  }
0xd8: {  	[sflag:s18] =	ssyncadd.s32 $0xFFFFC000  }
0xd9: {  	[spmem:s1] =	stream.indirect.scatter.add.f32 [tilespmem:s17], [sflag:$0x3], $0x80, s23, s16, $0xb8;
	[tilespmem:$0x1C400] =	vst v63  }
0xda: {  	_ =	swait.ge [sflag:s14], $0x4000  }
0xdb: {  	[sflag:s14] =	ssyncset.done $0x0  }
0xdc: {  	[sflag:s14] =	ssyncadd.s32 $0xFFFFC000  }
0xdd: {  	[tilespmem:s19], [sflag:$0x2] =	stream.indirect.gather [hbm4b:s4+s16], $0x80, s24, s16, $0xb8;
	[tilespmem:$0x1C400] =	vst v63  }
0xde: {  	_ =	swait.ge [sflag:s20], $0x4000  }
0xdf: {  	[sflag:s20] =	ssyncset.done $0x0  }
0xe0: {  	[sflag:s20] =	ssyncadd.s32 $0xFFFFC000  }
0xe1: {  	[spmem:s1] =	stream.indirect.scatter.add.f32 [tilespmem:s19], [sflag:$0x3], $0x80, s25, s16, $0xb8;
	[tilespmem:$0x1C400] =	vst v63  }
0xe2: {  	_ =	swait.ge [sflag:s14], $0x4000  }
0xe3: {  	[sflag:s14] =	ssyncset.done $0x0  }
0xe4: {  	[sflag:s14] =	ssyncadd.s32 $0xFFFFC000  }
0xe5: {  	[tilespmem:s17], [sflag:$0x1] =	stream.indirect.gather [hbm4b:s4+s16], $0x80, s26, s16, $0xb8;
	[tilespmem:$0x1C400] =	vst v63  }
0xe6: {  	_ =	swait.ge [sflag:s18], $0x4000  }
0xe7: {  	[sflag:s18] =	ssyncset.done $0x0  }
0xe8: {  	[sflag:s18] =	ssyncadd.s32 $0xFFFFC000  }
0xe9: {  	[spmem:s1] =	stream.indirect.scatter.add.f32 [tilespmem:s17], [sflag:$0x3], $0x80, s28, s16, $0xb8;
	[tilespmem:$0x1C400] =	vst v63  }
0xea: {  	_ =	swait.ge [sflag:s14], $0x4000  }
0xeb: {  	[sflag:s14] =	ssyncset.done $0x0  }
0xec: {  	[sflag:s14] =	ssyncadd.s32 $0xFFFFC000  }
0xed: {  	[tilespmem:s19], [sflag:$0x2] =	stream.indirect.gather [hbm4b:s4+s16], $0x80, s29, s16, $0xb8;
	[tilespmem:$0x1C400] =	vst v63  }
0xee: {  	_ =	swait.ge [sflag:s20], $0x4000  }
0xef: {  	[sflag:s20] =	ssyncset.done $0x0  }
0xf0: {  	[sflag:s20] =	ssyncadd.s32 $0xFFFFC000  }
0xf1: {  	[spmem:s1] =	stream.indirect.scatter.add.f32 [tilespmem:s19], [sflag:$0x3], $0x80, s30, s16, $0xb8;
	[tilespmem:$0x1C400] =	vst v63  }
0xf2: {  	_ =	swait.ge [sflag:s14], $0x4000  }
0xf3: {  	[sflag:s14] =	ssyncset.done $0x0  }
0xf4: {  	[sflag:s14] =	ssyncadd.s32 $0xFFFFC000  }
0xf5: {  	[tilespmem:s17], [sflag:$0x1] =	stream.indirect.gather [hbm4b:s4+s16], $0x80, s31, s16, $0xb8;
	[tilespmem:$0x1C400] =	vst v63  }
0xf6: {  	_ =	swait.ge [sflag:s18], $0x4000  }
0xf7: {  	[sflag:s18] =	ssyncset.done $0x0  }
0xf8: {  	[sflag:s18] =	ssyncadd.s32 $0xFFFFC000  }
0xf9: {  	[spmem:s1] =	stream.indirect.scatter.add.f32 [tilespmem:s17], [sflag:$0x3], $0x80, s0, s16, $0xb8;
	[tilespmem:$0x1C400] =	vst v63  }
0xfa: {  	_ =	swait.ge [sflag:s14], $0x4000  }
0xfb: {  	[sflag:s14] =	ssyncset.done $0x0  }
0xfc: {  	[sflag:s14] =	ssyncadd.s32 $0xFFFFC000  }
0xfd: {  	[tilespmem:s19], [sflag:$0x2] =	stream.indirect.gather [hbm4b:s4+s16], $0x80, s2, s16, $0xb8;
	[tilespmem:$0x1C400] =	vst v63  }
0xfe: {  	_ =	swait.ge [sflag:s20], $0x4000  }
.Ltmp3:
0xff: {  	[sflag:s20] =	ssyncset.done $0x0;
	(pc) =	sbr.rel @p1 .LBB2_6-.Ltmp3, $4  }
0x100: {  	[sflag:s20] =	ssyncadd.s32 $0xFFFFC000  }
0x101: {  	[spmem:s1] =	stream.indirect.scatter.add.f32 [tilespmem:s19], [sflag:$0x3], $0x80, s5, s16, $0xb8;
	[tilespmem:$0x1C400] =	vst v63  }
0x102: {  	_ =	swait.ge [sflag:s14], $0x4000  }
0x103: {  	s13 =	smov.u32 s6;
	[sflag:s14] =	ssyncset.done $0x0  }
.Ltmp4:
0x104: {  	_ = 	snop;
	(pc) =	sbr.rel .LBB2_7-.Ltmp4, $1  }
0x105: {  	_ =	sdelay $0x3  }
.LBB2_2:
0x106: {  	s6 =	sadd.s32 $0x0, s13  }
0x107: {  	[tilespmem:s3], [sflag:$0x3] =	stream.linear.gather [hbm4b:s6+s3], $0x400, $0x38;
	[tilespmem:$0x1C400] =	vst v63  }
0x108: {  	_ =	swait.ge [sflag:s14], $0x400  }
0x109: {  	[sflag:s14] =	ssyncset.done $0x0;
	s9 =	rddreg [dreg:$0x3]  }
0x10a: {  	[sflag:s14] =	ssyncadd.s32 $0xFFFFFC00;
	s6 =	sadd.s32 $0x0, s9  }
0x10b: {  	[tilespmem:s15], [sflag:$0x3] =	stream.linear.gather [hbm4b:s6+s3], $0x400, $0x38;
	[tilespmem:$0x1C400] =	vst v63  }
0x10c: {  	_ =	swait.ge [sflag:s14], $0x400  }
0x10d: {  	[sflag:s14] =	ssyncset.done $0x0  }
0x10e: {  	[sflag:s14] =	ssyncadd.s32 $0xFFFFFC00  }
0x10f: {  	[tilespmem:s17], [sflag:$0x1] =	stream.indirect.gather [hbm4b:s4+s16], $0x80, s3, s16, $0xb8;
	[tilespmem:$0x1C400] =	vst v63  }
0x110: {  	_ =	swait.ge [sflag:s18], $0x4000  }
0x111: {  	[sflag:s18] =	ssyncset.done $0x0  }
0x112: {  	[sflag:s18] =	ssyncadd.s32 $0xFFFFC000  }
0x113: {  	[spmem:s1] =	stream.indirect.scatter.add.f32 [tilespmem:s17], [sflag:$0x3], $0x80, s15, s16, $0xb8;
	[tilespmem:$0x1C400] =	vst v63  }
0x114: {  	_ =	swait.ge [sflag:s14], $0x4000  }
0x115: {  	[sflag:s14] =	ssyncset.done $0x0  }
0x116: {  	[sflag:s14] =	ssyncadd.s32 $0xFFFFC000  }
0x117: {  	[tilespmem:s19], [sflag:$0x2] =	stream.indirect.gather [hbm4b:s4+s16], $0x80, s16, s16, $0xb8;
	[tilespmem:$0x1C400] =	vst v63  }
0x118: {  	_ =	swait.ge [sflag:s20], $0x4000  }
0x119: {  	[sflag:s20] =	ssyncset.done $0x0  }
0x11a: {  	[sflag:s20] =	ssyncadd.s32 $0xFFFFC000  }
0x11b: {  	[spmem:s1] =	stream.indirect.scatter.add.f32 [tilespmem:s19], [sflag:$0x3], $0x80, s21, s16, $0xb8;
	[tilespmem:$0x1C400] =	vst v63  }
0x11c: {  	_ =	swait.ge [sflag:s14], $0x4000  }
0x11d: {  	[sflag:s14] =	ssyncset.done $0x0  }
0x11e: {  	[sflag:s14] =	ssyncadd.s32 $0xFFFFC000  }
0x11f: {  	[tilespmem:s17], [sflag:$0x1] =	stream.indirect.gather [hbm4b:s4+s16], $0x80, s22, s16, $0xb8;
	[tilespmem:$0x1C400] =	vst v63  }
0x120: {  	_ =	swait.ge [sflag:s18], $0x4000  }
0x121: {  	[sflag:s18] =	ssyncset.done $0x0  }
0x122: {  	[sflag:s18] =	ssyncadd.s32 $0xFFFFC000  }
0x123: {  	[spmem:s1] =	stream.indirect.scatter.add.f32 [tilespmem:s17], [sflag:$0x3], $0x80, s23, s16, $0xb8;
	[tilespmem:$0x1C400] =	vst v63  }
0x124: {  	_ =	swait.ge [sflag:s14], $0x4000  }
0x125: {  	[sflag:s14] =	ssyncset.done $0x0  }
0x126: {  	[sflag:s14] =	ssyncadd.s32 $0xFFFFC000  }
0x127: {  	[tilespmem:s19], [sflag:$0x2] =	stream.indirect.gather [hbm4b:s4+s16], $0x80, s24, s16, $0xb8;
	[tilespmem:$0x1C400] =	vst v63  }
0x128: {  	_ =	swait.ge [sflag:s20], $0x4000  }
0x129: {  	[sflag:s20] =	ssyncset.done $0x0  }
0x12a: {  	[sflag:s20] =	ssyncadd.s32 $0xFFFFC000  }
0x12b: {  	[spmem:s1] =	stream.indirect.scatter.add.f32 [tilespmem:s19], [sflag:$0x3], $0x80, s25, s16, $0xb8;
	[tilespmem:$0x1C400] =	vst v63  }
0x12c: {  	_ =	swait.ge [sflag:s14], $0x4000  }
0x12d: {  	[sflag:s14] =	ssyncset.done $0x0  }
0x12e: {  	[sflag:s14] =	ssyncadd.s32 $0xFFFFC000  }
0x12f: {  	[tilespmem:s17], [sflag:$0x1] =	stream.indirect.gather [hbm4b:s4+s16], $0x80, s26, s16, $0xb8;
	[tilespmem:$0x1C400] =	vst v63  }
0x130: {  	_ =	swait.ge [sflag:s18], $0x4000  }
0x131: {  	[sflag:s18] =	ssyncset.done $0x0  }
0x132: {  	[sflag:s18] =	ssyncadd.s32 $0xFFFFC000  }
0x133: {  	[spmem:s1] =	stream.indirect.scatter.add.f32 [tilespmem:s17], [sflag:$0x3], $0x80, s28, s16, $0xb8;
	[tilespmem:$0x1C400] =	vst v63  }
0x134: {  	_ =	swait.ge [sflag:s14], $0x4000  }
0x135: {  	[sflag:s14] =	ssyncset.done $0x0  }
0x136: {  	[sflag:s14] =	ssyncadd.s32 $0xFFFFC000  }
0x137: {  	[tilespmem:s19], [sflag:$0x2] =	stream.indirect.gather [hbm4b:s4+s16], $0x80, s29, s16, $0xb8;
	[tilespmem:$0x1C400] =	vst v63  }
0x138: {  	_ =	swait.ge [sflag:s20], $0x4000  }
0x139: {  	[sflag:s20] =	ssyncset.done $0x0  }
0x13a: {  	[sflag:s20] =	ssyncadd.s32 $0xFFFFC000  }
0x13b: {  	[spmem:s1] =	stream.indirect.scatter.add.f32 [tilespmem:s19], [sflag:$0x3], $0x80, s30, s16, $0xb8;
	[tilespmem:$0x1C400] =	vst v63  }
0x13c: {  	_ =	swait.ge [sflag:s14], $0x4000  }
0x13d: {  	[sflag:s14] =	ssyncset.done $0x0  }
0x13e: {  	[sflag:s14] =	ssyncadd.s32 $0xFFFFC000  }
0x13f: {  	[tilespmem:s17], [sflag:$0x1] =	stream.indirect.gather [hbm4b:s4+s16], $0x80, s31, s16, $0xb8;
	[tilespmem:$0x1C400] =	vst v63  }
0x140: {  	_ =	swait.ge [sflag:s18], $0x4000  }
0x141: {  	[sflag:s18] =	ssyncset.done $0x0  }
0x142: {  	[sflag:s18] =	ssyncadd.s32 $0xFFFFC000  }
0x143: {  	[spmem:s1] =	stream.indirect.scatter.add.f32 [tilespmem:s17], [sflag:$0x3], $0x80, s0, s16, $0xb8;
	[tilespmem:$0x1C400] =	vst v63  }
0x144: {  	_ =	swait.ge [sflag:s14], $0x4000  }
0x145: {  	[sflag:s14] =	ssyncset.done $0x0  }
0x146: {  	[sflag:s14] =	ssyncadd.s32 $0xFFFFC000  }
0x147: {  	[tilespmem:s19], [sflag:$0x2] =	stream.indirect.gather [hbm4b:s4+s16], $0x80, s2, s16, $0xb8;
	[tilespmem:$0x1C400] =	vst v63  }
0x148: {  	_ =	swait.ge [sflag:s20], $0x4000  }
0x149: {  	[sflag:s20] =	ssyncset.done $0x0  }
0x14a: {  	[sflag:s20] =	ssyncadd.s32 $0xFFFFC000  }
0x14b: {  	[spmem:s1] =	stream.indirect.scatter.add.f32 [tilespmem:s19], [sflag:$0x3], $0x80, s5, s16, $0xb8;
	[tilespmem:$0x1C400] =	vst v63  }
0x14c: {  	_ =	swait.ge [sflag:s14], $0x4000  }
0x14d: {  	s8 =	simm.s32 $0x80;
	s6 =	simm.s32 $0x100;
	[sflag:s14] =	ssyncset.done $0x0  }
.LBB2_3:
0x14e: {  	s7 =	sadd.s32 s8, s13;
	[sflag:s14] =	ssyncadd.s32 $0xFFFFC000  }
0x14f: {  	[tilespmem:s3], [sflag:$0x3] =	stream.linear.gather [hbm4b:s7+s3], $0x400, $0x38;
	[tilespmem:$0x1C400] =	vst v63  }
0x150: {  	s7 =	rddreg [dreg:$0x3];
	_ =	swait.ge [sflag:s14], $0x400  }
0x151: {  	s9 =	smov.u32 s6;
	s13 =	sadd.s32 $0x80, s6;
	[sflag:s14] =	ssyncset.done $0x0  }
0x152: {  	p1 =	seq.s32 s6, $0x780;
	s6 =	sadd.s32 s8, s7;
	[sflag:s14] =	ssyncadd.s32 $0xFFFFFC00  }
0x153: {  	[tilespmem:s15], [sflag:$0x3] =	stream.linear.gather [hbm4b:s6+s3], $0x400, $0x38;
	[tilespmem:$0x1C400] =	vst v63  }
0x154: {  	_ =	swait.ge [sflag:s14], $0x400  }
0x155: {  	[sflag:s14] =	ssyncset.done $0x0  }
0x156: {  	[sflag:s14] =	ssyncadd.s32 $0xFFFFFC00  }
0x157: {  	[tilespmem:s17], [sflag:$0x1] =	stream.indirect.gather [hbm4b:s4+s16], $0x80, s3, s16, $0xb8;
	[tilespmem:$0x1C400] =	vst v63  }
0x158: {  	_ =	swait.ge [sflag:s18], $0x4000  }
0x159: {  	[sflag:s18] =	ssyncset.done $0x0  }
0x15a: {  	[sflag:s18] =	ssyncadd.s32 $0xFFFFC000  }
0x15b: {  	[spmem:s1] =	stream.indirect.scatter.add.f32 [tilespmem:s17], [sflag:$0x3], $0x80, s15, s16, $0xb8;
	[tilespmem:$0x1C400] =	vst v63  }
0x15c: {  	_ =	swait.ge [sflag:s14], $0x4000  }
0x15d: {  	[sflag:s14] =	ssyncset.done $0x0  }
0x15e: {  	[sflag:s14] =	ssyncadd.s32 $0xFFFFC000  }
0x15f: {  	[tilespmem:s19], [sflag:$0x2] =	stream.indirect.gather [hbm4b:s4+s16], $0x80, s16, s16, $0xb8;
	[tilespmem:$0x1C400] =	vst v63  }
0x160: {  	_ =	swait.ge [sflag:s20], $0x4000  }
0x161: {  	[sflag:s20] =	ssyncset.done $0x0  }
0x162: {  	[sflag:s20] =	ssyncadd.s32 $0xFFFFC000  }
0x163: {  	[spmem:s1] =	stream.indirect.scatter.add.f32 [tilespmem:s19], [sflag:$0x3], $0x80, s21, s16, $0xb8;
	[tilespmem:$0x1C400] =	vst v63  }
0x164: {  	_ =	swait.ge [sflag:s14], $0x4000  }
0x165: {  	[sflag:s14] =	ssyncset.done $0x0  }
0x166: {  	[sflag:s14] =	ssyncadd.s32 $0xFFFFC000  }
0x167: {  	[tilespmem:s17], [sflag:$0x1] =	stream.indirect.gather [hbm4b:s4+s16], $0x80, s22, s16, $0xb8;
	[tilespmem:$0x1C400] =	vst v63  }
0x168: {  	_ =	swait.ge [sflag:s18], $0x4000  }
0x169: {  	[sflag:s18] =	ssyncset.done $0x0  }
0x16a: {  	[sflag:s18] =	ssyncadd.s32 $0xFFFFC000  }
0x16b: {  	[spmem:s1] =	stream.indirect.scatter.add.f32 [tilespmem:s17], [sflag:$0x3], $0x80, s23, s16, $0xb8;
	[tilespmem:$0x1C400] =	vst v63  }
0x16c: {  	_ =	swait.ge [sflag:s14], $0x4000  }
0x16d: {  	[sflag:s14] =	ssyncset.done $0x0  }
0x16e: {  	[sflag:s14] =	ssyncadd.s32 $0xFFFFC000  }
0x16f: {  	[tilespmem:s19], [sflag:$0x2] =	stream.indirect.gather [hbm4b:s4+s16], $0x80, s24, s16, $0xb8;
	[tilespmem:$0x1C400] =	vst v63  }
0x170: {  	_ =	swait.ge [sflag:s20], $0x4000  }
0x171: {  	[sflag:s20] =	ssyncset.done $0x0  }
0x172: {  	[sflag:s20] =	ssyncadd.s32 $0xFFFFC000  }
0x173: {  	[spmem:s1] =	stream.indirect.scatter.add.f32 [tilespmem:s19], [sflag:$0x3], $0x80, s25, s16, $0xb8;
	[tilespmem:$0x1C400] =	vst v63  }
0x174: {  	_ =	swait.ge [sflag:s14], $0x4000  }
0x175: {  	[sflag:s14] =	ssyncset.done $0x0  }
0x176: {  	[sflag:s14] =	ssyncadd.s32 $0xFFFFC000  }
0x177: {  	[tilespmem:s17], [sflag:$0x1] =	stream.indirect.gather [hbm4b:s4+s16], $0x80, s26, s16, $0xb8;
	[tilespmem:$0x1C400] =	vst v63  }
0x178: {  	_ =	swait.ge [sflag:s18], $0x4000  }
0x179: {  	[sflag:s18] =	ssyncset.done $0x0  }
0x17a: {  	[sflag:s18] =	ssyncadd.s32 $0xFFFFC000  }
0x17b: {  	[spmem:s1] =	stream.indirect.scatter.add.f32 [tilespmem:s17], [sflag:$0x3], $0x80, s28, s16, $0xb8;
	[tilespmem:$0x1C400] =	vst v63  }
0x17c: {  	_ =	swait.ge [sflag:s14], $0x4000  }
0x17d: {  	[sflag:s14] =	ssyncset.done $0x0  }
0x17e: {  	[sflag:s14] =	ssyncadd.s32 $0xFFFFC000  }
0x17f: {  	[tilespmem:s19], [sflag:$0x2] =	stream.indirect.gather [hbm4b:s4+s16], $0x80, s29, s16, $0xb8;
	[tilespmem:$0x1C400] =	vst v63  }
0x180: {  	_ =	swait.ge [sflag:s20], $0x4000  }
0x181: {  	[sflag:s20] =	ssyncset.done $0x0  }
0x182: {  	[sflag:s20] =	ssyncadd.s32 $0xFFFFC000  }
0x183: {  	[spmem:s1] =	stream.indirect.scatter.add.f32 [tilespmem:s19], [sflag:$0x3], $0x80, s30, s16, $0xb8;
	[tilespmem:$0x1C400] =	vst v63  }
0x184: {  	_ =	swait.ge [sflag:s14], $0x4000  }
0x185: {  	[sflag:s14] =	ssyncset.done $0x0  }
0x186: {  	[sflag:s14] =	ssyncadd.s32 $0xFFFFC000  }
0x187: {  	[tilespmem:s17], [sflag:$0x1] =	stream.indirect.gather [hbm4b:s4+s16], $0x80, s31, s16, $0xb8;
	[tilespmem:$0x1C400] =	vst v63  }
0x188: {  	_ =	swait.ge [sflag:s18], $0x4000  }
0x189: {  	[sflag:s18] =	ssyncset.done $0x0  }
0x18a: {  	[sflag:s18] =	ssyncadd.s32 $0xFFFFC000  }
0x18b: {  	[spmem:s1] =	stream.indirect.scatter.add.f32 [tilespmem:s17], [sflag:$0x3], $0x80, s0, s16, $0xb8;
	[tilespmem:$0x1C400] =	vst v63  }
0x18c: {  	_ =	swait.ge [sflag:s14], $0x4000  }
0x18d: {  	[sflag:s14] =	ssyncset.done $0x0  }
0x18e: {  	[sflag:s14] =	ssyncadd.s32 $0xFFFFC000  }
0x18f: {  	[tilespmem:s19], [sflag:$0x2] =	stream.indirect.gather [hbm4b:s4+s16], $0x80, s2, s16, $0xb8;
	[tilespmem:$0x1C400] =	vst v63  }
0x190: {  	_ =	swait.ge [sflag:s20], $0x4000  }
.Ltmp5:
0x191: {  	[sflag:s20] =	ssyncset.done $0x0;
	(pc) =	sbr.rel @!p1 .LBB2_3-.Ltmp5, $4  }
0x192: {  	[sflag:s20] =	ssyncadd.s32 $0xFFFFC000  }
0x193: {  	[spmem:s1] =	stream.indirect.scatter.add.f32 [tilespmem:s19], [sflag:$0x3], $0x80, s5, s16, $0xb8;
	[tilespmem:$0x1C400] =	vst v63  }
0x194: {  	s8 =	smov.u32 s9;
	_ =	swait.ge [sflag:s14], $0x4000  }
0x195: {  	s6 =	smov.u32 s13;
	s13 =	smov.u32 s11;
	[sflag:s14] =	ssyncset.done $0x0  }
0x196: {  	s6 =	sadd.s32 s8, s13;
	[sflag:s14] =	ssyncadd.s32 $0xFFFFC000  }
0x197: {  	[tilespmem:s3], [sflag:$0x3] =	stream.linear.gather [hbm4b:s6+s3], $0x400, $0x38;
	[tilespmem:$0x1C400] =	vst v63  }
0x198: {  	_ =	swait.ge [sflag:s14], $0x400  }
0x199: {  	[sflag:s14] =	ssyncset.done $0x0  }
0x19a: {  	s9 =	sadd.s32 s8, s7;
	[sflag:s14] =	ssyncadd.s32 $0xFFFFFC00  }
0x19b: {  	[tilespmem:s15], [sflag:$0x3] =	stream.linear.gather [hbm4b:s9+s3], $0x400, $0x38;
	[tilespmem:$0x1C400] =	vst v63  }
0x19c: {  	_ =	swait.ge [sflag:s14], $0x400  }
0x19d: {  	[sflag:s14] =	ssyncset.done $0x0  }
0x19e: {  	[sflag:s14] =	ssyncadd.s32 $0xFFFFFC00  }
0x19f: {  	[tilespmem:s17], [sflag:$0x1] =	stream.indirect.gather [hbm4b:s4+s16], $0x80, s3, s16, $0xb8;
	[tilespmem:$0x1C400] =	vst v63  }
0x1a0: {  	_ =	swait.ge [sflag:s18], $0x4000  }
0x1a1: {  	[sflag:s18] =	ssyncset.done $0x0  }
0x1a2: {  	[sflag:s18] =	ssyncadd.s32 $0xFFFFC000  }
0x1a3: {  	[spmem:s1] =	stream.indirect.scatter.add.f32 [tilespmem:s17], [sflag:$0x3], $0x80, s15, s16, $0xb8;
	[tilespmem:$0x1C400] =	vst v63  }
0x1a4: {  	_ =	swait.ge [sflag:s14], $0x4000  }
0x1a5: {  	[sflag:s14] =	ssyncset.done $0x0  }
0x1a6: {  	[sflag:s14] =	ssyncadd.s32 $0xFFFFC000  }
0x1a7: {  	[tilespmem:s19], [sflag:$0x2] =	stream.indirect.gather [hbm4b:s4+s16], $0x80, s16, s16, $0xb8;
	[tilespmem:$0x1C400] =	vst v63  }
0x1a8: {  	_ =	swait.ge [sflag:s20], $0x4000  }
0x1a9: {  	[sflag:s20] =	ssyncset.done $0x0  }
0x1aa: {  	[sflag:s20] =	ssyncadd.s32 $0xFFFFC000  }
0x1ab: {  	[spmem:s1] =	stream.indirect.scatter.add.f32 [tilespmem:s19], [sflag:$0x3], $0x80, s21, s16, $0xb8;
	[tilespmem:$0x1C400] =	vst v63  }
0x1ac: {  	_ =	swait.ge [sflag:s14], $0x4000  }
0x1ad: {  	[sflag:s14] =	ssyncset.done $0x0  }
0x1ae: {  	[sflag:s14] =	ssyncadd.s32 $0xFFFFC000  }
0x1af: {  	[tilespmem:s17], [sflag:$0x1] =	stream.indirect.gather [hbm4b:s4+s16], $0x80, s22, s16, $0xb8;
	[tilespmem:$0x1C400] =	vst v63  }
0x1b0: {  	_ =	swait.ge [sflag:s18], $0x4000  }
0x1b1: {  	[sflag:s18] =	ssyncset.done $0x0  }
0x1b2: {  	[sflag:s18] =	ssyncadd.s32 $0xFFFFC000  }
0x1b3: {  	[spmem:s1] =	stream.indirect.scatter.add.f32 [tilespmem:s17], [sflag:$0x3], $0x80, s23, s16, $0xb8;
	[tilespmem:$0x1C400] =	vst v63  }
0x1b4: {  	_ =	swait.ge [sflag:s14], $0x4000  }
0x1b5: {  	[sflag:s14] =	ssyncset.done $0x0  }
0x1b6: {  	[sflag:s14] =	ssyncadd.s32 $0xFFFFC000  }
0x1b7: {  	[tilespmem:s19], [sflag:$0x2] =	stream.indirect.gather [hbm4b:s4+s16], $0x80, s24, s16, $0xb8;
	[tilespmem:$0x1C400] =	vst v63  }
0x1b8: {  	_ =	swait.ge [sflag:s20], $0x4000  }
0x1b9: {  	[sflag:s20] =	ssyncset.done $0x0  }
0x1ba: {  	[sflag:s20] =	ssyncadd.s32 $0xFFFFC000  }
0x1bb: {  	[spmem:s1] =	stream.indirect.scatter.add.f32 [tilespmem:s19], [sflag:$0x3], $0x80, s25, s16, $0xb8;
	[tilespmem:$0x1C400] =	vst v63  }
0x1bc: {  	_ =	swait.ge [sflag:s14], $0x4000  }
0x1bd: {  	[sflag:s14] =	ssyncset.done $0x0  }
0x1be: {  	[sflag:s14] =	ssyncadd.s32 $0xFFFFC000  }
0x1bf: {  	[tilespmem:s17], [sflag:$0x1] =	stream.indirect.gather [hbm4b:s4+s16], $0x80, s26, s16, $0xb8;
	[tilespmem:$0x1C400] =	vst v63  }
0x1c0: {  	_ =	swait.ge [sflag:s18], $0x4000  }
0x1c1: {  	[sflag:s18] =	ssyncset.done $0x0  }
0x1c2: {  	[sflag:s18] =	ssyncadd.s32 $0xFFFFC000  }
0x1c3: {  	[spmem:s1] =	stream.indirect.scatter.add.f32 [tilespmem:s17], [sflag:$0x3], $0x80, s28, s16, $0xb8;
	[tilespmem:$0x1C400] =	vst v63  }
0x1c4: {  	_ =	swait.ge [sflag:s14], $0x4000  }
0x1c5: {  	[sflag:s14] =	ssyncset.done $0x0  }
0x1c6: {  	[sflag:s14] =	ssyncadd.s32 $0xFFFFC000  }
0x1c7: {  	[tilespmem:s19], [sflag:$0x2] =	stream.indirect.gather [hbm4b:s4+s16], $0x80, s29, s16, $0xb8;
	[tilespmem:$0x1C400] =	vst v63  }
0x1c8: {  	_ =	swait.ge [sflag:s20], $0x4000  }
0x1c9: {  	[sflag:s20] =	ssyncset.done $0x0  }
0x1ca: {  	[sflag:s20] =	ssyncadd.s32 $0xFFFFC000  }
0x1cb: {  	[spmem:s1] =	stream.indirect.scatter.add.f32 [tilespmem:s19], [sflag:$0x3], $0x80, s30, s16, $0xb8;
	[tilespmem:$0x1C400] =	vst v63  }
0x1cc: {  	_ =	swait.ge [sflag:s14], $0x4000  }
0x1cd: {  	[sflag:s14] =	ssyncset.done $0x0  }
0x1ce: {  	[sflag:s14] =	ssyncadd.s32 $0xFFFFC000  }
0x1cf: {  	[tilespmem:s17], [sflag:$0x1] =	stream.indirect.gather [hbm4b:s4+s16], $0x80, s31, s16, $0xb8;
	[tilespmem:$0x1C400] =	vst v63  }
0x1d0: {  	_ =	swait.ge [sflag:s18], $0x4000  }
0x1d1: {  	[sflag:s18] =	ssyncset.done $0x0  }
0x1d2: {  	[sflag:s18] =	ssyncadd.s32 $0xFFFFC000  }
0x1d3: {  	[spmem:s1] =	stream.indirect.scatter.add.f32 [tilespmem:s17], [sflag:$0x3], $0x80, s0, s16, $0xb8;
	[tilespmem:$0x1C400] =	vst v63  }
0x1d4: {  	_ =	swait.ge [sflag:s14], $0x4000  }
0x1d5: {  	[sflag:s14] =	ssyncset.done $0x0  }
0x1d6: {  	[sflag:s14] =	ssyncadd.s32 $0xFFFFC000  }
0x1d7: {  	[tilespmem:s19], [sflag:$0x2] =	stream.indirect.gather [hbm4b:s4+s16], $0x80, s2, s16, $0xb8;
	[tilespmem:$0x1C400] =	vst v63  }
0x1d8: {  	_ =	swait.ge [sflag:s20], $0x4000  }
0x1d9: {  	[sflag:s20] =	ssyncset.done $0x0  }
.Ltmp6:
0x1da: {  	[sflag:s20] =	ssyncadd.s32 $0xFFFFC000;
	(pc) =	sbr.rel .LBB2_8-.Ltmp6, $4  }
0x1db: {  	[spmem:s1] =	stream.indirect.scatter.add.f32 [tilespmem:s19], [sflag:$0x3], $0x80, s5, s16, $0xb8;
	[tilespmem:$0x1C400] =	vst v63  }
0x1dc: {  	_ =	swait.ge [sflag:s14], $0x4000  }
0x1dd: {  	[sflag:s14] =	ssyncset.done $0x0  }
0x1de: {  	s7 =	rddreg [dreg:$0xa];
	[sflag:s14] =	ssyncadd.s32 $0xFFFFC000  }
.LBB2_9:
0x1df: {  	_ =	sfence.sel $0x180000  }
0x1e0: {  	[bflag:$0x0] =	sbarrier.arrive $0xFFFF  }
0x1e1: {  	_ =	strace $0x9000004A  }
0x1e2: {  	s0 =	stileid.u32;
	[bflag:$0x2] =	sbarrier.arrive $0xFFFF  }
0x1e3: {  	p0 =	sne.s32 s0, $0x0;
	s0 =	rddreg [dreg:$0x2]  }
0x1e4: {  	s0 =	sadd.s32 @!p0 $0x100000, s0  }
0x1e5: {  	[sflag:s0] =	ssyncadd.tile.s32 @!p0 $0x1;
	_ =	shalt  }
.Lfunc_end2:
_tile_overlayer_lowered:
.L_overlay_start_2:
0x1e6: {  	(tag) =	ssettag $0x2  }
0x1e7: {  	s0 =	rddreg [dreg:$0x0];
	s2 =	stileid.u32  }
0x1e8: {  	s1 =	rddreg [dreg:$0x1];
	p0 =	sne.s32 s2, $0x0  }
0x1e9: {  	s3 =	rddreg [dreg:$0x2];
	[bflag:$0x3] =	sbarrier.arrive $0xFFFF;
	s2 =	simm.s32 @!p0 $0x1C03  }
0x1ea: {  	[timem:s3], [sflag:s2] =	dma.local @!p0 [hbm:s0], s1  }
0x1eb: {  	s0 =	simm.s32 @!p0 $0x3  }
0x1ec: {  	_ =	swait.ge @!p0 [sflag:s0], s1  }
0x1ed: {  	s1 =	ssub.s32 @!p0 $0x0, s1;
	[sflag:s0] =	ssyncset.done @!p0 $0x0  }
0x1ee: {  	[sflag:s0] =	ssyncadd.s32 @!p0 s1  }
0x1ef: {  	[bflag:$0x3] =	sbarrier.arrive $0xFFFF  }
0x1f0: {  	_ =	shalt  }

// kernel: kernel.16.cloned.1.call-start
scs
__scs_entry_jumppad:
0x0: {  	(pc) =	sbr.rel $0x88, $3  }
0x1: {  	(tag) =	ssettag $0x0;
	lr =	simm.s32 $0x1  }
0x2: {  	[smem:$0x3F99] =	sst lr;
	_ =	strace $0xD0000000  }
0x3: {  	_ = 	snop  }
0x4: {  	_ = 	snop  }
0x5: {  	_ = 	snop  }
0x6: {  	_ = 	snop  }
0x7: {  	_ = 	snop  }
__scs_overlays_trampoline_lowered:
0x8: {  	[smem:$0x3FA8] =	sst s0  }
0x9: {  	[smem:$0x3FA9] =	sst s1  }
0xa: {  	[smem:$0x3FAA] =	sst s2  }
0xb: {  	[smem:$0x3FAB] =	sst s3  }
0xc: {  	[smem:$0x3FAC] =	sst s4  }
0xd: {  	[smem:$0x3FAD] =	sst s5  }
0xe: {  	[smem:$0x3FAE] =	sst s6  }
0xf: {  	[smem:$0x3FAF] =	sst s7  }
0x10: {  	[smem:$0x3FB0] =	sst s8  }
0x11: {  	[smem:$0x3FB1] =	sst s9;
	s0 =	simm.s32 @!p0 $0x0  }
0x12: {  	s1 =	sld [smem:$0x3F97];
	s0 =	simm.s32 @p0 $0x1  }
0x13: {  	[smem:$0x3FB2] =	sst s0;
	s0 =	simm.s32 @!p1 $0x0  }
0x14: {  	s2 =	sld [smem:$0x3F96];
	s0 =	simm.s32 @p1 $0x1  }
0x15: {  	[smem:$0x3FB3] =	sst s0;
	s0 =	simm.s32 @!p2 $0x0  }
0x16: {  	s3 =	sld [smem:$0x3FDB];
	s0 =	simm.s32 @p2 $0x1  }
0x17: {  	s4 =	simm.s32 $0x1BF5;
	[smem:$0x3FB5] =	sst s0  }
0x18: {  	s0 =	sld [smem:$0x3F98];
	_ =	swait.ge [sflag:s4], $0x0  }
0x19: {  	s7 =	sld [smem:$0x3F99]  }
0x1a: {  	s8 =	sadd.s32 $0xFFFFE003, lr  }
0x1b: {  	s9 =	sadd.s32 $0xFFFFFEF7, lr;
	s5 =	simm.s32 $0xFFFFFFFF;
	p2 =	slt.u32 s8, $0xFFFFF086  }
0x1c: {  	p1 =	slt.u32 s9, $0xF7A;
	s5 =	simm.s32 @!p2 $0x0  }
0x1d: {  	s5 =	simm.s32 @p1 $0x1;
	p0 =	seq.s32 s7, s2  }
0x1e: {  	s7 =	smul.u32 @!p0 $0xF7A, s2;
	p2 =	seq.s32 @!p0 s5, $0x0  }
0x1f: {  	s9 =	smul.u32 $0xF7A, s1;
	s8 =	simm.s32 @!p0 $0x1BF5;
	p2 =	por !p2, p0  }
0x20: {  	[sflag:s8] =	ssyncset.s32 @!p0 $0xFFFFF086;
	s6 =	sadd.s32 @!p0 s3, s7;
	s7 =	simm.s32 @!p0 $0x108  }
0x21: {  	s3 =	sadd.s32 s3, s9;
	s6 =	sadd.s32 @!p0 $0x88, s6;
	s7 =	simm.s32 @p2 $0x1082  }
0x22: {  	[simem:s7], [sflag:s8] =	dma.local @!p0 [hbm:s6], $0xF7A  }
0x23: {  	s9 =	sor.u32 $0xD0000000, s2;
	s6 =	simm.s32 $0x108;
	_ =	swait.ge @!p0 [sflag:s8], $0x0  }
0x24: {  	s3 =	sadd.s32 $0x88, s3;
	s6 =	simm.s32 @!p1 $0x1082;
	[sflag:s4] =	ssyncset.s32 $0xFFFFF086  }
0x25: {  	[simem:s6], [sflag:s4] =	dma.local [hbm:s3], $0xF7A  }
0x26: {  	[smem:$0x3F99] =	sst s1;
	(tag) =	ssettag s2;
	_ =	strace s9  }
0x27: {  	s1 =	sld [smem:$0x3FA9]  }
0x28: {  	s2 =	sld [smem:$0x3FAA]  }
0x29: {  	s4 =	sld [smem:$0x3FAC]  }
0x2a: {  	p0 =	seq.s32 s5, $0x0;
	s5 =	sld [smem:$0x3FAD]  }
0x2b: {  	s6 =	sld [smem:$0x3FAE]  }
0x2c: {  	s7 =	sld [smem:$0x3FAF]  }
0x2d: {  	s3 =	simm.s32 $0x108;
	s8 =	sld [smem:$0x3FB0]  }
0x2e: {  	s3 =	simm.s32 @!p0 $0x1082;
	s9 =	sld [smem:$0x3FB1]  }
0x2f: {  	lr =	sadd.s32 s0, s3;
	s0 =	sld [smem:$0x3FA8]  }
0x30: {  	s3 =	sld [smem:$0x3FAB]  }
0x31: {  	[smem:$0x3FB4] =	sst s10  }
0x32: {  	s10 =	sld [smem:$0x3FB2];
	_ =	sdelay $0x3  }
0x33: {  	p0 =	seq.s32 s10, $0x1;
	s10 =	sld [smem:$0x3FB4];
	_ =	sdelay $0x3  }
0x34: {  	[smem:$0x3FB4] =	sst s10  }
0x35: {  	s10 =	sld [smem:$0x3FB3];
	_ =	sdelay $0x3  }
0x36: {  	p1 =	seq.s32 s10, $0x1;
	s10 =	sld [smem:$0x3FB4];
	_ =	sdelay $0x3  }
0x37: {  	[smem:$0x3FB4] =	sst s10  }
0x38: {  	s10 =	sld [smem:$0x3FB5]  }
0x39: {  	_ = 	snop;
	(pc) =	sbr.ind lr, $3  }
0x3a: {  	_ = 	snop  }
0x3b: {  	_ = 	snop  }
0x3c: {  	p2 =	seq.s32 s10, $0x1;
	s10 =	sld [smem:$0x3FB4]  }
0x3d: {  	_ =	shalt  }
0x3e: {  	_ =	shalt  }
0x3f: {  	_ =	shalt  }
0x40: {  	_ =	shalt  }
0x41: {  	_ =	shalt  }
0x42: {  	_ =	shalt  }
0x43: {  	_ =	shalt  }
0x44: {  	_ =	shalt  }
0x45: {  	_ =	shalt  }
0x46: {  	_ =	shalt  }
0x47: {  	_ =	shalt  }
0x48: {  	_ =	shalt  }
0x49: {  	_ =	shalt  }
0x4a: {  	_ =	shalt  }
0x4b: {  	_ =	shalt  }
0x4c: {  	_ =	shalt  }
0x4d: {  	_ =	shalt  }
0x4e: {  	_ =	shalt  }
0x4f: {  	_ =	shalt  }
0x50: {  	_ =	shalt  }
0x51: {  	_ =	shalt  }
0x52: {  	_ =	shalt  }
0x53: {  	_ =	shalt  }
0x54: {  	_ =	shalt  }
0x55: {  	_ =	shalt  }
0x56: {  	_ =	shalt  }
0x57: {  	_ =	shalt  }
0x58: {  	_ =	shalt  }
0x59: {  	_ =	shalt  }
0x5a: {  	_ =	shalt  }
0x5b: {  	_ =	shalt  }
0x5c: {  	_ =	shalt  }
0x5d: {  	_ =	shalt  }
0x5e: {  	_ =	shalt  }
0x5f: {  	_ =	shalt  }
0x60: {  	_ =	shalt  }
0x61: {  	_ =	shalt  }
0x62: {  	_ =	shalt  }
0x63: {  	_ =	shalt  }
0x64: {  	_ =	shalt  }
0x65: {  	_ =	shalt  }
0x66: {  	_ =	shalt  }
0x67: {  	_ =	shalt  }
0x68: {  	_ =	shalt  }
0x69: {  	_ =	shalt  }
0x6a: {  	_ =	shalt  }
0x6b: {  	_ =	shalt  }
0x6c: {  	_ =	shalt  }
0x6d: {  	_ =	shalt  }
0x6e: {  	_ =	shalt  }
0x6f: {  	_ =	shalt  }
0x70: {  	_ =	shalt  }
0x71: {  	_ =	shalt  }
0x72: {  	_ =	shalt  }
0x73: {  	_ =	shalt  }
0x74: {  	_ =	shalt  }
0x75: {  	_ =	shalt  }
0x76: {  	_ =	shalt  }
0x77: {  	_ =	shalt  }
0x78: {  	_ =	shalt  }
0x79: {  	_ =	shalt  }
0x7a: {  	_ =	shalt  }
0x7b: {  	_ =	shalt  }
0x7c: {  	_ =	shalt  }
0x7d: {  	_ =	shalt  }
0x7e: {  	_ =	shalt  }
0x7f: {  	_ =	shalt  }
0x80: {  	_ =	shalt  }
0x81: {  	_ =	shalt  }
0x82: {  	_ =	shalt  }
0x83: {  	_ =	shalt  }
0x84: {  	_ =	shalt  }
0x85: {  	_ =	shalt  }
0x86: {  	_ =	shalt  }
0x87: {  	_ =	shalt  }
.Lfunc_end0:
.L_simem_size_0:
called_computation.2_lowered:
.L_overlay_start_0:
0x88: {  	s2 =	sld [smem:$0x3FD9]  }
0x89: {  	s3 =	sld [smem:$0x3FFE];
	_ =	sdelay $0x1  }
0x8a: {  	s1 =	srdreg.scid  }
0x8b: {  	s0 =	sand.u32 $0x1, s1  }
0x8c: {  	s16 =	sshll.u32 s0, $0xA;
	s2 =	sadd.s32 s3, s2  }
0x8d: {  	s2 =	sadd.s32 s2, s16  }
0x8e: {  	[smem:$0x3FC0] =	sst s2  }
0x8f: {  	_ = 	snop  }
0x90: {  	(tm) =	ssettm $0x1  }
0x91: {  	s17 =	sld [smem:$0x3FFB];
	_ =	sdelay $0x3  }
0x92: {  	_ =	strace s17  }
0x93: {  	s2 =	sld [smem:$0x3FFC];
	_ =	sdelay $0x3  }
0x94: {  	_ =	strace s2  }
0x95: {  	s2 =	sld [smem:$0x3FFD];
	_ =	sdelay $0x3  }
0x96: {  	_ =	strace s2  }
0x97: {  	_ =	strace $0x8FFFFFFF  }
0x98: {  	s18 =	sld [smem:$0x3FDB];
	_ =	sdelay $0x1  }
0x99: {  	s19 =	simm.s32 $_scs_section_size  }
0x9a: {  	s4 =	simm.s32 $_size__tile_overlayer_lowered;
	s5 =	simm.s32 $_tile_overlayer_lowered  }
0x9b: {  	s22 =	simm.s32 $0x1BFF;
	s21 =	sshll.u32 s5, $0x1;
	s2 =	sadd.s32 s19, s18  }
0x9c: {  	s6 =	simm.s32 $0x0;
	s20 =	sshll.u32 s4, $0x1;
	s4 =	sadd.s32 s21, s2  }
0x9d: {  	[timem:s6], [sflag:s22] =	dma.local [hbm:s4], s20  }
0x9e: {  	_ =	swait.ge [sflag:s22], s20  }
0x9f: {  	s3 =	ssub.s32 $0x0, s20;
	[sflag:s22] =	ssyncset.done $0x0  }
0xa0: {  	[sflag:s22] =	ssyncadd.s32 s3;
	_ =	sdelay $0x1  }
0xa1: {  	s23 =	simm.s32 $0x1B8B  }
0xa2: {  	_ =	swait.ge [sflag:s23], $0x1  }
0xa3: {  	[sflag:s23] =	ssyncset.done $0x0  }
0xa4: {  	s25 =	simm.s32 $0x1B8E;
	s24 =	sld [smem:$0x3FFE];
	[sflag:s23] =	ssyncadd.s32 $0xFFFFFFFF  }
0xa5: {  	s26 =	simm.s32 $execute0_lowered;
	[smem:$0x3FD2] =	sst s25  }
0xa6: {  	s4 =	sshll.u32 s26, $0x1;
	_ =	strace $0x8000004C;
	[dreg:$0x1] =	wrdreg $0xFFFFFFFF  }
0xa7: {  	s28 =	simm.s32 $_size_execute0_lowered;
	s2 =	sadd.s32 s2, s4;
	[dreg:$0x0] =	wrdreg $0x0  }
0xa8: {  	s4 =	sshll.u32 s28, $0x1;
	[dreg:$0x2] =	wrdreg s2  }
0xa9: {  	[dreg:$0x3] =	wrdreg s4  }
0xaa: {  	[dreg:$0x4] =	wrdreg $0xC0  }
0xab: {  	_ =	task [dreg:s6], $0x5FFFF  }
0xac: {  	[dreg:$0x1] =	wrdreg $0xFFFFFFFF  }
0xad: {  	[dreg:$0x0] =	wrdreg $0x60  }
0xae: {  	[dreg:$0x2] =	wrdreg s24  }
0xaf: {  	[dreg:$0x3] =	wrdreg $0x88000  }
0xb0: {  	[dreg:$0x4] =	wrdreg $0x9  }
0xb1: {  	_ =	task.clear_ibuf [dreg:s6], $0x5FFFF;
	_ =	strace $0x9000004C  }
0xb2: {  	s29 =	simm.s32 $0x9;
	_ =	strace $0x8000004E  }
0xb3: {  	_ =	swait.ge [sflag:s29], $0x1  }
0xb4: {  	[sflag:s29] =	ssyncadd.s32 $0xFFFFFFFF  }
0xb5: {  	_ =	strace $0x9000004E  }
0xb6: {  	_ =	sfence  }
0xb7: {  	s30 =	sld [smem:$0x0];
	_ =	sdelay $0x2  }
0xb8: {  	s31 =	sshll.u32 s1, $0xD;
	s1 =	sshrl.u32 s1, $0x2  }
0xb9: {  	s3 =	sand.u32 $0x4000, s31;
	s1 =	sadd.s32 s1, s30  }
0xba: {  	s0 =	sor.u32 s3, s0;
	s1 =	sshll.u32 s1, $0x11  }
0xbb: {  	s0 =	sor.u32 s1, s0  }
0xbc: {  	s0 =	sadd.s32 $0x8F2B, s0  }
0xbd: {  	[sflag:s0] =	ssyncadd.remote.s32 $0x1  }
0xbe: {  	_ =	sfence.sel $0xFFFF  }
0xbf: {  	[dreg:$0x0] =	wrdreg $0xFFFFFFFF;
	(pc) =	sbr.abs _section_cstart, $3  }
0xc0: {  	[dreg:$0x1] =	wrdreg $0xFFFFFFFF  }
0xc1: {  	_ =	task.clear_ibuf [dreg:s6], $0x2FFFF;
	_ =	strace $0x9FFFFFFF  }
0xc2: {  	(tm) =	ssettm $0x7FFFFFFF  }
0xc3: {  	_ =	shalt  }
tec
execute0_lowered:
.L_overlay_start_1:
0x0: {  	(tag) =	ssettag $0x1  }
0x1: {  	s0 =	rddreg [dreg:$0x0]  }
0x2: {  	s1 =	rddreg [dreg:$0x1]  }
0x3: {  	s3 =	simm.s32 $0x0;
	s2 =	srdreg.scid;
	s10 =	stileid.u32  }
0x4: {  	s14 =	simm.s32 $0x3;
	s15 =	simm.s32 $0x400;
	s16 =	simm.s32 $0x80  }
0x5: {  	s17 =	simm.s32 $0x800;
	s18 =	simm.s32 $0x1;
	s19 =	simm.s32 $0x4800  }
0x6: {  	s28 =	simm.s32 $0x600;
	s29 =	simm.s32 $0x280;
	s30 =	simm.s32 $0x680  }
0x7: {  	s31 =	simm.s32 $0x300;
	[smem:$0x7FF] =	sst s3;
	s2 =	sand.u32 $0x1, s2  }
0x8: {  	s6 =	sshll.u32 s10, $0xB;
	s7 =	smul.u32 $0x13C00, s10;
	s4 =	sadd.s32 $0x69A00, s0  }
0x9: {  	s8 =	sshll.u32 s10, $0x9;
	s20 =	smul.u32 $0x4F000, s10;
	s9 =	sadd.s32 $0x3A00, s0  }
0xa: {  	s23 =	sshll.u32 s10, $0x6;
	s5 =	smul.u32 $0x13C000, s2;
	_ =	strace $0x8000004D  }
0xb: {  	s6 =	sadd.s32 s6, s0;
	s8 =	sadd.s32 s8, s0;
	[dreg:$0x4] =	wrdreg s9  }
0xc: {  	s21 =	ssub.s32 $0x2, s2;
	s9 =	sor.u32 $0x1C03, s23;
	p0 =	seq.s32 s2, $0x1  }
0xd: {  	s23 =	simm.s32 $0x500;
	s2 =	simm.s32 $0x380;
	s22 =	sshrl.u32 s21, $0x1  }
0xe: {  	s25 =	sadd.s32 $0x59A00, s6;
	s13 =	sadd.s32 $0x61A00, s6;
	[dreg:$0x5] =	wrdreg s9  }
0xf: {  	s26 =	sadd.s32 $0x55A00, s8;
	s10 =	sadd.s32 $0x57A00, s8;
	[dreg:$0x3] =	wrdreg s25  }
0x10: {  	s5 =	sadd.s32 s7, s5;
	s7 =	sshrl.u32 s20, $0x2;
	[dreg:$0x8] =	wrdreg s26  }
0x11: {  	s20 =	simm.s32 $0x2;
	s25 =	simm.s32 $0x580;
	s26 =	simm.s32 $0x200  }
0x12: {  	s11 =	smov.u32 s13;
	s5 =	sshrl.u32 s5, $0x3;
	s7 =	sadd.s32 s7, s1  }
.Ltmp0:
0x13: {  	s0 =	sadd.s32 s5, s0;
	s5 =	ssub.s32 s21, s22;
	(pc) =	sbr.rel .LBB2_1-.Ltmp0, $4  }
0x14: {  	s12 =	sshrl.u32 s7, $0x3;
	s21 =	simm.s32 $0x480;
	s22 =	simm.s32 $0x100  }
0x15: {  	s7 =	simm.s32 $0x0;
	s0 =	sadd.s32 $0x90C00, s0;
	[dreg:$0x9] =	wrdreg s12  }
0x16: {  	s24 =	smax.u32 s5, $0x1;
	s5 =	simm.s32 $0x780;
	[dreg:$0x6] =	wrdreg s0  }
0x17: {  	[dreg:$0x7] =	wrdreg s24;
	s24 =	simm.s32 $0x180;
	s0 =	simm.s32 $0x700  }
.LBB2_7:
0x18: {  	s6 =	sadd.s32 s8, s10;
	[sflag:s14] =	ssyncadd.s32 $0xFFFFC000  }
0x19: {  	[tilespmem:s3], [sflag:$0x3] =	stream.linear.gather [hbm4b:s6+s3], $0x400, $0x38;
	[tilespmem:$0x1C400] =	vst v63  }
0x1a: {  	_ =	swait.ge [sflag:s14], $0x400  }
0x1b: {  	[sflag:s14] =	ssyncset.done $0x0  }
0x1c: {  	s13 =	sadd.s32 s8, s12;
	[sflag:s14] =	ssyncadd.s32 $0xFFFFFC00  }
0x1d: {  	[tilespmem:s15], [sflag:$0x3] =	stream.linear.gather [hbm4b:s13+s3], $0x400, $0x38;
	[tilespmem:$0x1C400] =	vst v63  }
0x1e: {  	_ =	swait.ge [sflag:s14], $0x400  }
0x1f: {  	[sflag:s14] =	ssyncset.done $0x0  }
0x20: {  	[sflag:s14] =	ssyncadd.s32 $0xFFFFFC00  }
0x21: {  	[tilespmem:s17], [sflag:$0x1] =	stream.indirect.gather [hbm4b:s4+s16], $0x80, s3, s16, $0xb8;
	[tilespmem:$0x1C400] =	vst v63  }
0x22: {  	_ =	swait.ge [sflag:s18], $0x4000  }
0x23: {  	[sflag:s18] =	ssyncset.done $0x0  }
0x24: {  	[sflag:s18] =	ssyncadd.s32 $0xFFFFC000  }
0x25: {  	[spmem:s1] =	stream.indirect.scatter.add.f32 [tilespmem:s17], [sflag:$0x3], $0x80, s15, s16, $0xb8;
	[tilespmem:$0x1C400] =	vst v63  }
0x26: {  	_ =	swait.ge [sflag:s14], $0x4000  }
0x27: {  	[sflag:s14] =	ssyncset.done $0x0  }
0x28: {  	[sflag:s14] =	ssyncadd.s32 $0xFFFFC000  }
0x29: {  	[tilespmem:s19], [sflag:$0x2] =	stream.indirect.gather [hbm4b:s4+s16], $0x80, s16, s16, $0xb8;
	[tilespmem:$0x1C400] =	vst v63  }
0x2a: {  	_ =	swait.ge [sflag:s20], $0x4000  }
0x2b: {  	[sflag:s20] =	ssyncset.done $0x0  }
0x2c: {  	[sflag:s20] =	ssyncadd.s32 $0xFFFFC000  }
0x2d: {  	[spmem:s1] =	stream.indirect.scatter.add.f32 [tilespmem:s19], [sflag:$0x3], $0x80, s21, s16, $0xb8;
	[tilespmem:$0x1C400] =	vst v63  }
0x2e: {  	_ =	swait.ge [sflag:s14], $0x4000  }
0x2f: {  	[sflag:s14] =	ssyncset.done $0x0  }
0x30: {  	[sflag:s14] =	ssyncadd.s32 $0xFFFFC000  }
0x31: {  	[tilespmem:s17], [sflag:$0x1] =	stream.indirect.gather [hbm4b:s4+s16], $0x80, s22, s16, $0xb8;
	[tilespmem:$0x1C400] =	vst v63  }
0x32: {  	_ =	swait.ge [sflag:s18], $0x4000  }
0x33: {  	[sflag:s18] =	ssyncset.done $0x0  }
0x34: {  	[sflag:s18] =	ssyncadd.s32 $0xFFFFC000  }
0x35: {  	[spmem:s1] =	stream.indirect.scatter.add.f32 [tilespmem:s17], [sflag:$0x3], $0x80, s23, s16, $0xb8;
	[tilespmem:$0x1C400] =	vst v63  }
0x36: {  	_ =	swait.ge [sflag:s14], $0x4000  }
0x37: {  	[sflag:s14] =	ssyncset.done $0x0  }
0x38: {  	[sflag:s14] =	ssyncadd.s32 $0xFFFFC000  }
0x39: {  	[tilespmem:s19], [sflag:$0x2] =	stream.indirect.gather [hbm4b:s4+s16], $0x80, s24, s16, $0xb8;
	[tilespmem:$0x1C400] =	vst v63  }
0x3a: {  	_ =	swait.ge [sflag:s20], $0x4000  }
0x3b: {  	[sflag:s20] =	ssyncset.done $0x0  }
0x3c: {  	[sflag:s20] =	ssyncadd.s32 $0xFFFFC000  }
0x3d: {  	[spmem:s1] =	stream.indirect.scatter.add.f32 [tilespmem:s19], [sflag:$0x3], $0x80, s25, s16, $0xb8;
	[tilespmem:$0x1C400] =	vst v63  }
0x3e: {  	_ =	swait.ge [sflag:s14], $0x4000  }
0x3f: {  	[sflag:s14] =	ssyncset.done $0x0  }
0x40: {  	[sflag:s14] =	ssyncadd.s32 $0xFFFFC000  }
0x41: {  	[tilespmem:s17], [sflag:$0x1] =	stream.indirect.gather [hbm4b:s4+s16], $0x80, s26, s16, $0xb8;
	[tilespmem:$0x1C400] =	vst v63  }
0x42: {  	_ =	swait.ge [sflag:s18], $0x4000  }
0x43: {  	[sflag:s18] =	ssyncset.done $0x0  }
0x44: {  	[sflag:s18] =	ssyncadd.s32 $0xFFFFC000  }
0x45: {  	[spmem:s1] =	stream.indirect.scatter.add.f32 [tilespmem:s17], [sflag:$0x3], $0x80, s28, s16, $0xb8;
	[tilespmem:$0x1C400] =	vst v63  }
0x46: {  	_ =	swait.ge [sflag:s14], $0x4000  }
0x47: {  	[sflag:s14] =	ssyncset.done $0x0  }
0x48: {  	[sflag:s14] =	ssyncadd.s32 $0xFFFFC000  }
0x49: {  	[tilespmem:s19], [sflag:$0x2] =	stream.indirect.gather [hbm4b:s4+s16], $0x80, s29, s16, $0xb8;
	[tilespmem:$0x1C400] =	vst v63  }
0x4a: {  	_ =	swait.ge [sflag:s20], $0x4000  }
0x4b: {  	[sflag:s20] =	ssyncset.done $0x0  }
0x4c: {  	[sflag:s20] =	ssyncadd.s32 $0xFFFFC000  }
0x4d: {  	[spmem:s1] =	stream.indirect.scatter.add.f32 [tilespmem:s19], [sflag:$0x3], $0x80, s30, s16, $0xb8;
	[tilespmem:$0x1C400] =	vst v63  }
0x4e: {  	_ =	swait.ge [sflag:s14], $0x4000  }
0x4f: {  	[sflag:s14] =	ssyncset.done $0x0  }
0x50: {  	[sflag:s14] =	ssyncadd.s32 $0xFFFFC000  }
0x51: {  	[tilespmem:s17], [sflag:$0x1] =	stream.indirect.gather [hbm4b:s4+s16], $0x80, s31, s16, $0xb8;
	[tilespmem:$0x1C400] =	vst v63  }
0x52: {  	_ =	swait.ge [sflag:s18], $0x4000  }
0x53: {  	[sflag:s18] =	ssyncset.done $0x0  }
0x54: {  	[sflag:s18] =	ssyncadd.s32 $0xFFFFC000  }
0x55: {  	[spmem:s1] =	stream.indirect.scatter.add.f32 [tilespmem:s17], [sflag:$0x3], $0x80, s0, s16, $0xb8;
	[tilespmem:$0x1C400] =	vst v63  }
0x56: {  	_ =	swait.ge [sflag:s14], $0x4000  }
0x57: {  	[sflag:s14] =	ssyncset.done $0x0  }
0x58: {  	[sflag:s14] =	ssyncadd.s32 $0xFFFFC000  }
0x59: {  	[tilespmem:s19], [sflag:$0x2] =	stream.indirect.gather [hbm4b:s4+s16], $0x80, s2, s16, $0xb8;
	[tilespmem:$0x1C400] =	vst v63  }
0x5a: {  	_ =	swait.ge [sflag:s20], $0x4000  }
0x5b: {  	[sflag:s20] =	ssyncset.done $0x0  }
0x5c: {  	[sflag:s20] =	ssyncadd.s32 $0xFFFFC000  }
0x5d: {  	[spmem:s1] =	stream.indirect.scatter.add.f32 [tilespmem:s19], [sflag:$0x3], $0x80, s5, s16, $0xb8;
	[tilespmem:$0x1C400] =	vst v63  }
0x5e: {  	_ =	swait.ge [sflag:s14], $0x4000  }
0x5f: {  	[sflag:s14] =	ssyncset.done $0x0;
	s12 =	rddreg [dreg:$0x9]  }
0x60: {  	s13 =	smov.u32 s11;
	s7 =	rddreg [dreg:$0xa];
	[sflag:s14] =	ssyncadd.s32 $0xFFFFC000  }
.LBB2_8:
0x61: {  	[bflag:$0x0] =	sbarrier.arrive $0xFFFF  }
0x62: {  	s9 =	rddreg [dreg:$0x5]  }
0x63: {  	s6 =	rddreg [dreg:$0x6]  }
0x64: {  	[hbm:s6], [sflag:s9] =	dma.local [spmem:s12], $0x2780  }
0x65: {  	_ =	swait.ge [sflag:s14], $0x2780  }
0x66: {  	s7 =	sadd.s32 $0x1, s7;
	s8 =	rddreg [dreg:$0x7]  }
0x67: {  	p1 =	sne.s32 s7, s8  }
.Ltmp1:
0x68: {  	_ = 	snop;
	(pc) =	sbr.rel @!p1 .LBB2_9-.Ltmp1, $3  }
0x69: {  	_ =	sdelay $0x1  }
0x6a: {  	[sflag:s14] =	ssyncset.done $0x0  }
0x6b: {  	[sflag:s14] =	ssyncadd.s32 $0xFFFFD880  }
.LBB2_1:
0x6c: {  	[dreg:$0xa] =	wrdreg s7  }
0x6d: {  	s6 =	rddreg [dreg:$0x4]  }
0x6e: {  	[spmem:s12], [sflag:s9] =	dma.local [hbm:s6], $0x2780  }
.Ltmp2:
0x6f: {  	_ =	swait.ge [sflag:s14], $0x2780;
	(pc) =	sbr.rel @!p0 .LBB2_2-.Ltmp2, $3  }
0x70: {  	[sflag:s14] =	ssyncset.done $0x0  }
0x71: {  	[sflag:s14] =	ssyncadd.s32 $0xFFFFD880  }
0x72: {  	[bflag:$0x0] =	sbarrier.arrive $0xFFFF;
	_ =	sdelay $0x1  }
0x73: {  	s6 =	sadd.s32 $0x0, s10  }
0x74: {  	[tilespmem:s3], [sflag:$0x3] =	stream.linear.gather [hbm4b:s6+s3], $0x400, $0x38;
	[tilespmem:$0x1C400] =	vst v63  }
0x75: {  	_ =	swait.ge [sflag:s14], $0x400  }
0x76: {  	[sflag:s14] =	ssyncset.done $0x0;
	s12 =	rddreg [dreg:$0x8]  }
0x77: {  	[sflag:s14] =	ssyncadd.s32 $0xFFFFFC00;
	s13 =	sadd.s32 $0x0, s12  }
0x78: {  	[tilespmem:s15], [sflag:$0x3] =	stream.linear.gather [hbm4b:s13+s3], $0x400, $0x38;
	[tilespmem:$0x1C400] =	vst v63  }
0x79: {  	_ =	swait.ge [sflag:s14], $0x400  }
0x7a: {  	[sflag:s14] =	ssyncset.done $0x0  }
0x7b: {  	[sflag:s14] =	ssyncadd.s32 $0xFFFFFC00  }
0x7c: {  	[tilespmem:s17], [sflag:$0x1] =	stream.indirect.gather [hbm4b:s4+s16], $0x80, s3, s16, $0xb8;
	[tilespmem:$0x1C400] =	vst v63  }
0x7d: {  	_ =	swait.ge [sflag:s18], $0x4000  }
0x7e: {  	[sflag:s18] =	ssyncset.done $0x0  }
0x7f: {  	[sflag:s18] =	ssyncadd.s32 $0xFFFFC000  }
0x80: {  	[spmem:s1] =	stream.indirect.scatter.add.f32 [tilespmem:s17], [sflag:$0x3], $0x80, s15, s16, $0xb8;
	[tilespmem:$0x1C400] =	vst v63  }
0x81: {  	_ =	swait.ge [sflag:s14], $0x4000  }
0x82: {  	[sflag:s14] =	ssyncset.done $0x0  }
0x83: {  	[sflag:s14] =	ssyncadd.s32 $0xFFFFC000  }
0x84: {  	[tilespmem:s19], [sflag:$0x2] =	stream.indirect.gather [hbm4b:s4+s16], $0x80, s16, s16, $0xb8;
	[tilespmem:$0x1C400] =	vst v63  }
0x85: {  	_ =	swait.ge [sflag:s20], $0x4000  }
0x86: {  	[sflag:s20] =	ssyncset.done $0x0  }
0x87: {  	[sflag:s20] =	ssyncadd.s32 $0xFFFFC000  }
0x88: {  	[spmem:s1] =	stream.indirect.scatter.add.f32 [tilespmem:s19], [sflag:$0x3], $0x80, s21, s16, $0xb8;
	[tilespmem:$0x1C400] =	vst v63  }
0x89: {  	_ =	swait.ge [sflag:s14], $0x4000  }
0x8a: {  	[sflag:s14] =	ssyncset.done $0x0  }
0x8b: {  	[sflag:s14] =	ssyncadd.s32 $0xFFFFC000  }
0x8c: {  	[tilespmem:s17], [sflag:$0x1] =	stream.indirect.gather [hbm4b:s4+s16], $0x80, s22, s16, $0xb8;
	[tilespmem:$0x1C400] =	vst v63  }
0x8d: {  	_ =	swait.ge [sflag:s18], $0x4000  }
0x8e: {  	[sflag:s18] =	ssyncset.done $0x0  }
0x8f: {  	[sflag:s18] =	ssyncadd.s32 $0xFFFFC000  }
0x90: {  	[spmem:s1] =	stream.indirect.scatter.add.f32 [tilespmem:s17], [sflag:$0x3], $0x80, s23, s16, $0xb8;
	[tilespmem:$0x1C400] =	vst v63  }
0x91: {  	_ =	swait.ge [sflag:s14], $0x4000  }
0x92: {  	[sflag:s14] =	ssyncset.done $0x0  }
0x93: {  	[sflag:s14] =	ssyncadd.s32 $0xFFFFC000  }
0x94: {  	[tilespmem:s19], [sflag:$0x2] =	stream.indirect.gather [hbm4b:s4+s16], $0x80, s24, s16, $0xb8;
	[tilespmem:$0x1C400] =	vst v63  }
0x95: {  	_ =	swait.ge [sflag:s20], $0x4000  }
0x96: {  	[sflag:s20] =	ssyncset.done $0x0  }
0x97: {  	[sflag:s20] =	ssyncadd.s32 $0xFFFFC000  }
0x98: {  	[spmem:s1] =	stream.indirect.scatter.add.f32 [tilespmem:s19], [sflag:$0x3], $0x80, s25, s16, $0xb8;
	[tilespmem:$0x1C400] =	vst v63  }
0x99: {  	_ =	swait.ge [sflag:s14], $0x4000  }
0x9a: {  	[sflag:s14] =	ssyncset.done $0x0  }
0x9b: {  	[sflag:s14] =	ssyncadd.s32 $0xFFFFC000  }
0x9c: {  	[tilespmem:s17], [sflag:$0x1] =	stream.indirect.gather [hbm4b:s4+s16], $0x80, s26, s16, $0xb8;
	[tilespmem:$0x1C400] =	vst v63  }
0x9d: {  	_ =	swait.ge [sflag:s18], $0x4000  }
0x9e: {  	[sflag:s18] =	ssyncset.done $0x0  }
0x9f: {  	[sflag:s18] =	ssyncadd.s32 $0xFFFFC000  }
0xa0: {  	[spmem:s1] =	stream.indirect.scatter.add.f32 [tilespmem:s17], [sflag:$0x3], $0x80, s28, s16, $0xb8;
	[tilespmem:$0x1C400] =	vst v63  }
0xa1: {  	_ =	swait.ge [sflag:s14], $0x4000  }
0xa2: {  	[sflag:s14] =	ssyncset.done $0x0  }
0xa3: {  	[sflag:s14] =	ssyncadd.s32 $0xFFFFC000  }
0xa4: {  	[tilespmem:s19], [sflag:$0x2] =	stream.indirect.gather [hbm4b:s4+s16], $0x80, s29, s16, $0xb8;
	[tilespmem:$0x1C400] =	vst v63  }
0xa5: {  	_ =	swait.ge [sflag:s20], $0x4000  }
0xa6: {  	[sflag:s20] =	ssyncset.done $0x0  }
0xa7: {  	[sflag:s20] =	ssyncadd.s32 $0xFFFFC000  }
0xa8: {  	[spmem:s1] =	stream.indirect.scatter.add.f32 [tilespmem:s19], [sflag:$0x3], $0x80, s30, s16, $0xb8;
	[tilespmem:$0x1C400] =	vst v63  }
0xa9: {  	_ =	swait.ge [sflag:s14], $0x4000  }
0xaa: {  	[sflag:s14] =	ssyncset.done $0x0  }
0xab: {  	[sflag:s14] =	ssyncadd.s32 $0xFFFFC000  }
0xac: {  	[tilespmem:s17], [sflag:$0x1] =	stream.indirect.gather [hbm4b:s4+s16], $0x80, s31, s16, $0xb8;
	[tilespmem:$0x1C400] =	vst v63  }
0xad: {  	_ =	swait.ge [sflag:s18], $0x4000  }
0xae: {  	[sflag:s18] =	ssyncset.done $0x0  }
0xaf: {  	[sflag:s18] =	ssyncadd.s32 $0xFFFFC000  }
0xb0: {  	[spmem:s1] =	stream.indirect.scatter.add.f32 [tilespmem:s17], [sflag:$0x3], $0x80, s0, s16, $0xb8;
	[tilespmem:$0x1C400] =	vst v63  }
0xb1: {  	_ =	swait.ge [sflag:s14], $0x4000  }
0xb2: {  	[sflag:s14] =	ssyncset.done $0x0  }
0xb3: {  	[sflag:s14] =	ssyncadd.s32 $0xFFFFC000  }
0xb4: {  	[tilespmem:s19], [sflag:$0x2] =	stream.indirect.gather [hbm4b:s4+s16], $0x80, s2, s16, $0xb8;
	[tilespmem:$0x1C400] =	vst v63  }
0xb5: {  	_ =	swait.ge [sflag:s20], $0x4000  }
0xb6: {  	[sflag:s20] =	ssyncset.done $0x0  }
0xb7: {  	[sflag:s20] =	ssyncadd.s32 $0xFFFFC000  }
0xb8: {  	[spmem:s1] =	stream.indirect.scatter.add.f32 [tilespmem:s19], [sflag:$0x3], $0x80, s5, s16, $0xb8;
	[tilespmem:$0x1C400] =	vst v63  }
0xb9: {  	_ =	swait.ge [sflag:s14], $0x4000  }
0xba: {  	s8 =	simm.s32 $0x80;
	s13 =	simm.s32 $0x100;
	[sflag:s14] =	ssyncset.done $0x0  }
.LBB2_6:
0xbb: {  	s7 =	sadd.s32 s8, s10  }
0xbc: {  	[sflag:s14] =	ssyncadd.s32 $0xFFFFC000;
	s9 =	smov.u32 s13;
	s6 =	sadd.s32 $0x80, s13  }
0xbd: {  	[tilespmem:s3], [sflag:$0x3] =	stream.linear.gather [hbm4b:s7+s3], $0x400, $0x38;
	[tilespmem:$0x1C400] =	vst v63  }
0xbe: {  	p1 =	sne.s32 s13, $0x180;
	_ =	swait.ge [sflag:s14], $0x400  }
0xbf: {  	[sflag:s14] =	ssyncset.done $0x0  }
0xc0: {  	s7 =	sadd.s32 s8, s12;
	s8 =	smov.u32 s9;
	[sflag:s14] =	ssyncadd.s32 $0xFFFFFC00  }
0xc1: {  	[tilespmem:s15], [sflag:$0x3] =	stream.linear.gather [hbm4b:s7+s3], $0x400, $0x38;
	[tilespmem:$0x1C400] =	vst v63  }
0xc2: {  	_ =	swait.ge [sflag:s14], $0x400  }
0xc3: {  	[sflag:s14] =	ssyncset.done $0x0  }
0xc4: {  	[sflag:s14] =	ssyncadd.s32 $0xFFFFFC00  }
0xc5: {  	[tilespmem:s17], [sflag:$0x1] =	stream.indirect.gather [hbm4b:s4+s16], $0x80, s3, s16, $0xb8;
	[tilespmem:$0x1C400] =	vst v63  }
0xc6: {  	_ =	swait.ge [sflag:s18], $0x4000  }
0xc7: {  	[sflag:s18] =	ssyncset.done $0x0  }
0xc8: {  	[sflag:s18] =	ssyncadd.s32 $0xFFFFC000  }
0xc9: {  	[spmem:s1] =	stream.indirect.scatter.add.f32 [tilespmem:s17], [sflag:$0x3], $0x80, s15, s16, $0xb8;
	[tilespmem:$0x1C400] =	vst v63  }
0xca: {  	_ =	swait.ge [sflag:s14], $0x4000  }
0xcb: {  	[sflag:s14] =	ssyncset.done $0x0  }
0xcc: {  	[sflag:s14] =	ssyncadd.s32 $0xFFFFC000  }
0xcd: {  	[tilespmem:s19], [sflag:$0x2] =	stream.indirect.gather [hbm4b:s4+s16], $0x80, s16, s16, $0xb8;
	[tilespmem:$0x1C400] =	vst v63  }
0xce: {  	_ =	swait.ge [sflag:s20], $0x4000  }
0xcf: {  	[sflag:s20] =	ssyncset.done $0x0  }
0xd0: {  	[sflag:s20] =	ssyncadd.s32 $0xFFFFC000  }
0xd1: {  	[spmem:s1] =	stream.indirect.scatter.add.f32 [tilespmem:s19], [sflag:$0x3], $0x80, s21, s16, $0xb8;
	[tilespmem:$0x1C400] =	vst v63  }
0xd2: {  	_ =	swait.ge [sflag:s14], $0x4000  }
0xd3: {  	[sflag:s14] =	ssyncset.done $0x0  }
0xd4: {  	[sflag:s14] =	ssyncadd.s32 $0xFFFFC000  }
0xd5: {  	[tilespmem:s17], [sflag:$0x1] =	stream.indirect.gather [hbm4b:s4+s16], $0x80, s22, s16, $0xb8;
	[tilespmem:$0x1C400] =	vst v63  }
0xd6: {  	_ =	swait.ge [sflag:s18], $0x4000  }
0xd7: {  	[sflag:s18] =	ssyncset.done $0x0  }
0xd8: {  	[sflag:s18] =	ssyncadd.s32 $0xFFFFC000  }
0xd9: {  	[spmem:s1] =	stream.indirect.scatter.add.f32 [tilespmem:s17], [sflag:$0x3], $0x80, s23, s16, $0xb8;
	[tilespmem:$0x1C400] =	vst v63  }
0xda: {  	_ =	swait.ge [sflag:s14], $0x4000  }
0xdb: {  	[sflag:s14] =	ssyncset.done $0x0  }
0xdc: {  	[sflag:s14] =	ssyncadd.s32 $0xFFFFC000  }
0xdd: {  	[tilespmem:s19], [sflag:$0x2] =	stream.indirect.gather [hbm4b:s4+s16], $0x80, s24, s16, $0xb8;
	[tilespmem:$0x1C400] =	vst v63  }
0xde: {  	_ =	swait.ge [sflag:s20], $0x4000  }
0xdf: {  	[sflag:s20] =	ssyncset.done $0x0  }
0xe0: {  	[sflag:s20] =	ssyncadd.s32 $0xFFFFC000  }
0xe1: {  	[spmem:s1] =	stream.indirect.scatter.add.f32 [tilespmem:s19], [sflag:$0x3], $0x80, s25, s16, $0xb8;
	[tilespmem:$0x1C400] =	vst v63  }
0xe2: {  	_ =	swait.ge [sflag:s14], $0x4000  }
0xe3: {  	[sflag:s14] =	ssyncset.done $0x0  }
0xe4: {  	[sflag:s14] =	ssyncadd.s32 $0xFFFFC000  }
0xe5: {  	[tilespmem:s17], [sflag:$0x1] =	stream.indirect.gather [hbm4b:s4+s16], $0x80, s26, s16, $0xb8;
	[tilespmem:$0x1C400] =	vst v63  }
0xe6: {  	_ =	swait.ge [sflag:s18], $0x4000  }
0xe7: {  	[sflag:s18] =	ssyncset.done $0x0  }
0xe8: {  	[sflag:s18] =	ssyncadd.s32 $0xFFFFC000  }
0xe9: {  	[spmem:s1] =	stream.indirect.scatter.add.f32 [tilespmem:s17], [sflag:$0x3], $0x80, s28, s16, $0xb8;
	[tilespmem:$0x1C400] =	vst v63  }
0xea: {  	_ =	swait.ge [sflag:s14], $0x4000  }
0xeb: {  	[sflag:s14] =	ssyncset.done $0x0  }
0xec: {  	[sflag:s14] =	ssyncadd.s32 $0xFFFFC000  }
0xed: {  	[tilespmem:s19], [sflag:$0x2] =	stream.indirect.gather [hbm4b:s4+s16], $0x80, s29, s16, $0xb8;
	[tilespmem:$0x1C400] =	vst v63  }
0xee: {  	_ =	swait.ge [sflag:s20], $0x4000  }
0xef: {  	[sflag:s20] =	ssyncset.done $0x0  }
0xf0: {  	[sflag:s20] =	ssyncadd.s32 $0xFFFFC000  }
0xf1: {  	[spmem:s1] =	stream.indirect.scatter.add.f32 [tilespmem:s19], [sflag:$0x3], $0x80, s30, s16, $0xb8;
	[tilespmem:$0x1C400] =	vst v63  }
0xf2: {  	_ =	swait.ge [sflag:s14], $0x4000  }
0xf3: {  	[sflag:s14] =	ssyncset.done $0x0  }
0xf4: {  	[sflag:s14] =	ssyncadd.s32 $0xFFFFC000  }
0xf5: {  	[tilespmem:s17], [sflag:$0x1] =	stream.indirect.gather [hbm4b:s4+s16], $0x80, s31, s16, $0xb8;
	[tilespmem:$0x1C400] =	vst v63  }
0xf6: {  	_ =	swait.ge [sflag:s18], $0x4000  }
0xf7: {  	[sflag:s18] =	ssyncset.done $0x0  }
0xf8: {  	[sflag:s18] =	ssyncadd.s32 $0xFFFFC000  }
0xf9: {  	[spmem:s1] =	stream.indirect.scatter.add.f32 [tilespmem:s17], [sflag:$0x3], $0x80, s0, s16, $0xb8;
	[tilespmem:$0x1C400] =	vst v63  }
0xfa: {  	_ =	swait.ge [sflag:s14], $0x4000  }
0xfb: {  	[sflag:s14] =	ssyncset.done $0x0  }
0xfc: {  	[sflag:s14] =	ssyncadd.s32 $0xFFFFC000  }
0xfd: {  	[tilespmem:s19], [sflag:$0x2] =	stream.indirect.gather [hbm4b:s4+s16], $0x80, s2, s16, $0xb8;
	[tilespmem:$0x1C400] =	vst v63  }
0xfe: {  	_ =	swait.ge [sflag:s20], $0x4000  }
.Ltmp3:
0xff: {  	[sflag:s20] =	ssyncset.done $0x0;
	(pc) =	sbr.rel @p1 .LBB2_6-.Ltmp3, $4  }
0x100: {  	[sflag:s20] =	ssyncadd.s32 $0xFFFFC000  }
0x101: {  	[spmem:s1] =	stream.indirect.scatter.add.f32 [tilespmem:s19], [sflag:$0x3], $0x80, s5, s16, $0xb8;
	[tilespmem:$0x1C400] =	vst v63  }
0x102: {  	_ =	swait.ge [sflag:s14], $0x4000  }
0x103: {  	s13 =	smov.u32 s6;
	[sflag:s14] =	ssyncset.done $0x0  }
.Ltmp4:
0x104: {  	_ = 	snop;
	(pc) =	sbr.rel .LBB2_7-.Ltmp4, $1  }
0x105: {  	_ =	sdelay $0x3  }
.LBB2_2:
0x106: {  	s6 =	sadd.s32 $0x0, s13  }
0x107: {  	[tilespmem:s3], [sflag:$0x3] =	stream.linear.gather [hbm4b:s6+s3], $0x400, $0x38;
	[tilespmem:$0x1C400] =	vst v63  }
0x108: {  	_ =	swait.ge [sflag:s14], $0x400  }
0x109: {  	[sflag:s14] =	ssyncset.done $0x0;
	s9 =	rddreg [dreg:$0x3]  }
0x10a: {  	[sflag:s14] =	ssyncadd.s32 $0xFFFFFC00;
	s6 =	sadd.s32 $0x0, s9  }
0x10b: {  	[tilespmem:s15], [sflag:$0x3] =	stream.linear.gather [hbm4b:s6+s3], $0x400, $0x38;
	[tilespmem:$0x1C400] =	vst v63  }
0x10c: {  	_ =	swait.ge [sflag:s14], $0x400  }
0x10d: {  	[sflag:s14] =	ssyncset.done $0x0  }
0x10e: {  	[sflag:s14] =	ssyncadd.s32 $0xFFFFFC00  }
0x10f: {  	[tilespmem:s17], [sflag:$0x1] =	stream.indirect.gather [hbm4b:s4+s16], $0x80, s3, s16, $0xb8;
	[tilespmem:$0x1C400] =	vst v63  }
0x110: {  	_ =	swait.ge [sflag:s18], $0x4000  }
0x111: {  	[sflag:s18] =	ssyncset.done $0x0  }
0x112: {  	[sflag:s18] =	ssyncadd.s32 $0xFFFFC000  }
0x113: {  	[spmem:s1] =	stream.indirect.scatter.add.f32 [tilespmem:s17], [sflag:$0x3], $0x80, s15, s16, $0xb8;
	[tilespmem:$0x1C400] =	vst v63  }
0x114: {  	_ =	swait.ge [sflag:s14], $0x4000  }
0x115: {  	[sflag:s14] =	ssyncset.done $0x0  }
0x116: {  	[sflag:s14] =	ssyncadd.s32 $0xFFFFC000  }
0x117: {  	[tilespmem:s19], [sflag:$0x2] =	stream.indirect.gather [hbm4b:s4+s16], $0x80, s16, s16, $0xb8;
	[tilespmem:$0x1C400] =	vst v63  }
0x118: {  	_ =	swait.ge [sflag:s20], $0x4000  }
0x119: {  	[sflag:s20] =	ssyncset.done $0x0  }
0x11a: {  	[sflag:s20] =	ssyncadd.s32 $0xFFFFC000  }
0x11b: {  	[spmem:s1] =	stream.indirect.scatter.add.f32 [tilespmem:s19], [sflag:$0x3], $0x80, s21, s16, $0xb8;
	[tilespmem:$0x1C400] =	vst v63  }
0x11c: {  	_ =	swait.ge [sflag:s14], $0x4000  }
0x11d: {  	[sflag:s14] =	ssyncset.done $0x0  }
0x11e: {  	[sflag:s14] =	ssyncadd.s32 $0xFFFFC000  }
0x11f: {  	[tilespmem:s17], [sflag:$0x1] =	stream.indirect.gather [hbm4b:s4+s16], $0x80, s22, s16, $0xb8;
	[tilespmem:$0x1C400] =	vst v63  }
0x120: {  	_ =	swait.ge [sflag:s18], $0x4000  }
0x121: {  	[sflag:s18] =	ssyncset.done $0x0  }
0x122: {  	[sflag:s18] =	ssyncadd.s32 $0xFFFFC000  }
0x123: {  	[spmem:s1] =	stream.indirect.scatter.add.f32 [tilespmem:s17], [sflag:$0x3], $0x80, s23, s16, $0xb8;
	[tilespmem:$0x1C400] =	vst v63  }
0x124: {  	_ =	swait.ge [sflag:s14], $0x4000  }
0x125: {  	[sflag:s14] =	ssyncset.done $0x0  }
0x126: {  	[sflag:s14] =	ssyncadd.s32 $0xFFFFC000  }
0x127: {  	[tilespmem:s19], [sflag:$0x2] =	stream.indirect.gather [hbm4b:s4+s16], $0x80, s24, s16, $0xb8;
	[tilespmem:$0x1C400] =	vst v63  }
0x128: {  	_ =	swait.ge [sflag:s20], $0x4000  }
0x129: {  	[sflag:s20] =	ssyncset.done $0x0  }
0x12a: {  	[sflag:s20] =	ssyncadd.s32 $0xFFFFC000  }
0x12b: {  	[spmem:s1] =	stream.indirect.scatter.add.f32 [tilespmem:s19], [sflag:$0x3], $0x80, s25, s16, $0xb8;
	[tilespmem:$0x1C400] =	vst v63  }
0x12c: {  	_ =	swait.ge [sflag:s14], $0x4000  }
0x12d: {  	[sflag:s14] =	ssyncset.done $0x0  }
0x12e: {  	[sflag:s14] =	ssyncadd.s32 $0xFFFFC000  }
0x12f: {  	[tilespmem:s17], [sflag:$0x1] =	stream.indirect.gather [hbm4b:s4+s16], $0x80, s26, s16, $0xb8;
	[tilespmem:$0x1C400] =	vst v63  }
0x130: {  	_ =	swait.ge [sflag:s18], $0x4000  }
0x131: {  	[sflag:s18] =	ssyncset.done $0x0  }
0x132: {  	[sflag:s18] =	ssyncadd.s32 $0xFFFFC000  }
0x133: {  	[spmem:s1] =	stream.indirect.scatter.add.f32 [tilespmem:s17], [sflag:$0x3], $0x80, s28, s16, $0xb8;
	[tilespmem:$0x1C400] =	vst v63  }
0x134: {  	_ =	swait.ge [sflag:s14], $0x4000  }
0x135: {  	[sflag:s14] =	ssyncset.done $0x0  }
0x136: {  	[sflag:s14] =	ssyncadd.s32 $0xFFFFC000  }
0x137: {  	[tilespmem:s19], [sflag:$0x2] =	stream.indirect.gather [hbm4b:s4+s16], $0x80, s29, s16, $0xb8;
	[tilespmem:$0x1C400] =	vst v63  }
0x138: {  	_ =	swait.ge [sflag:s20], $0x4000  }
0x139: {  	[sflag:s20] =	ssyncset.done $0x0  }
0x13a: {  	[sflag:s20] =	ssyncadd.s32 $0xFFFFC000  }
0x13b: {  	[spmem:s1] =	stream.indirect.scatter.add.f32 [tilespmem:s19], [sflag:$0x3], $0x80, s30, s16, $0xb8;
	[tilespmem:$0x1C400] =	vst v63  }
0x13c: {  	_ =	swait.ge [sflag:s14], $0x4000  }
0x13d: {  	[sflag:s14] =	ssyncset.done $0x0  }
0x13e: {  	[sflag:s14] =	ssyncadd.s32 $0xFFFFC000  }
0x13f: {  	[tilespmem:s17], [sflag:$0x1] =	stream.indirect.gather [hbm4b:s4+s16], $0x80, s31, s16, $0xb8;
	[tilespmem:$0x1C400] =	vst v63  }
0x140: {  	_ =	swait.ge [sflag:s18], $0x4000  }
0x141: {  	[sflag:s18] =	ssyncset.done $0x0  }
0x142: {  	[sflag:s18] =	ssyncadd.s32 $0xFFFFC000  }
0x143: {  	[spmem:s1] =	stream.indirect.scatter.add.f32 [tilespmem:s17], [sflag:$0x3], $0x80, s0, s16, $0xb8;
	[tilespmem:$0x1C400] =	vst v63  }
0x144: {  	_ =	swait.ge [sflag:s14], $0x4000  }
0x145: {  	[sflag:s14] =	ssyncset.done $0x0  }
0x146: {  	[sflag:s14] =	ssyncadd.s32 $0xFFFFC000  }
0x147: {  	[tilespmem:s19], [sflag:$0x2] =	stream.indirect.gather [hbm4b:s4+s16], $0x80, s2, s16, $0xb8;
	[tilespmem:$0x1C400] =	vst v63  }
0x148: {  	_ =	swait.ge [sflag:s20], $0x4000  }
0x149: {  	[sflag:s20] =	ssyncset.done $0x0  }
0x14a: {  	[sflag:s20] =	ssyncadd.s32 $0xFFFFC000  }
0x14b: {  	[spmem:s1] =	stream.indirect.scatter.add.f32 [tilespmem:s19], [sflag:$0x3], $0x80, s5, s16, $0xb8;
	[tilespmem:$0x1C400] =	vst v63  }
0x14c: {  	_ =	swait.ge [sflag:s14], $0x4000  }
0x14d: {  	s8 =	simm.s32 $0x80;
	s6 =	simm.s32 $0x100;
	[sflag:s14] =	ssyncset.done $0x0  }
.LBB2_3:
0x14e: {  	s7 =	sadd.s32 s8, s13;
	[sflag:s14] =	ssyncadd.s32 $0xFFFFC000  }
0x14f: {  	[tilespmem:s3], [sflag:$0x3] =	stream.linear.gather [hbm4b:s7+s3], $0x400, $0x38;
	[tilespmem:$0x1C400] =	vst v63  }
0x150: {  	s7 =	rddreg [dreg:$0x3];
	_ =	swait.ge [sflag:s14], $0x400  }
0x151: {  	s9 =	smov.u32 s6;
	s13 =	sadd.s32 $0x80, s6;
	[sflag:s14] =	ssyncset.done $0x0  }
0x152: {  	p1 =	seq.s32 s6, $0x780;
	s6 =	sadd.s32 s8, s7;
	[sflag:s14] =	ssyncadd.s32 $0xFFFFFC00  }
0x153: {  	[tilespmem:s15], [sflag:$0x3] =	stream.linear.gather [hbm4b:s6+s3], $0x400, $0x38;
	[tilespmem:$0x1C400] =	vst v63  }
0x154: {  	_ =	swait.ge [sflag:s14], $0x400  }
0x155: {  	[sflag:s14] =	ssyncset.done $0x0  }
0x156: {  	[sflag:s14] =	ssyncadd.s32 $0xFFFFFC00  }
0x157: {  	[tilespmem:s17], [sflag:$0x1] =	stream.indirect.gather [hbm4b:s4+s16], $0x80, s3, s16, $0xb8;
	[tilespmem:$0x1C400] =	vst v63  }
0x158: {  	_ =	swait.ge [sflag:s18], $0x4000  }
0x159: {  	[sflag:s18] =	ssyncset.done $0x0  }
0x15a: {  	[sflag:s18] =	ssyncadd.s32 $0xFFFFC000  }
0x15b: {  	[spmem:s1] =	stream.indirect.scatter.add.f32 [tilespmem:s17], [sflag:$0x3], $0x80, s15, s16, $0xb8;
	[tilespmem:$0x1C400] =	vst v63  }
0x15c: {  	_ =	swait.ge [sflag:s14], $0x4000  }
0x15d: {  	[sflag:s14] =	ssyncset.done $0x0  }
0x15e: {  	[sflag:s14] =	ssyncadd.s32 $0xFFFFC000  }
0x15f: {  	[tilespmem:s19], [sflag:$0x2] =	stream.indirect.gather [hbm4b:s4+s16], $0x80, s16, s16, $0xb8;
	[tilespmem:$0x1C400] =	vst v63  }
0x160: {  	_ =	swait.ge [sflag:s20], $0x4000  }
0x161: {  	[sflag:s20] =	ssyncset.done $0x0  }
0x162: {  	[sflag:s20] =	ssyncadd.s32 $0xFFFFC000  }
0x163: {  	[spmem:s1] =	stream.indirect.scatter.add.f32 [tilespmem:s19], [sflag:$0x3], $0x80, s21, s16, $0xb8;
	[tilespmem:$0x1C400] =	vst v63  }
0x164: {  	_ =	swait.ge [sflag:s14], $0x4000  }
0x165: {  	[sflag:s14] =	ssyncset.done $0x0  }
0x166: {  	[sflag:s14] =	ssyncadd.s32 $0xFFFFC000  }
0x167: {  	[tilespmem:s17], [sflag:$0x1] =	stream.indirect.gather [hbm4b:s4+s16], $0x80, s22, s16, $0xb8;
	[tilespmem:$0x1C400] =	vst v63  }
0x168: {  	_ =	swait.ge [sflag:s18], $0x4000  }
0x169: {  	[sflag:s18] =	ssyncset.done $0x0  }
0x16a: {  	[sflag:s18] =	ssyncadd.s32 $0xFFFFC000  }
0x16b: {  	[spmem:s1] =	stream.indirect.scatter.add.f32 [tilespmem:s17], [sflag:$0x3], $0x80, s23, s16, $0xb8;
	[tilespmem:$0x1C400] =	vst v63  }
0x16c: {  	_ =	swait.ge [sflag:s14], $0x4000  }
0x16d: {  	[sflag:s14] =	ssyncset.done $0x0  }
0x16e: {  	[sflag:s14] =	ssyncadd.s32 $0xFFFFC000  }
0x16f: {  	[tilespmem:s19], [sflag:$0x2] =	stream.indirect.gather [hbm4b:s4+s16], $0x80, s24, s16, $0xb8;
	[tilespmem:$0x1C400] =	vst v63  }
0x170: {  	_ =	swait.ge [sflag:s20], $0x4000  }
0x171: {  	[sflag:s20] =	ssyncset.done $0x0  }
0x172: {  	[sflag:s20] =	ssyncadd.s32 $0xFFFFC000  }
0x173: {  	[spmem:s1] =	stream.indirect.scatter.add.f32 [tilespmem:s19], [sflag:$0x3], $0x80, s25, s16, $0xb8;
	[tilespmem:$0x1C400] =	vst v63  }
0x174: {  	_ =	swait.ge [sflag:s14], $0x4000  }
0x175: {  	[sflag:s14] =	ssyncset.done $0x0  }
0x176: {  	[sflag:s14] =	ssyncadd.s32 $0xFFFFC000  }
0x177: {  	[tilespmem:s17], [sflag:$0x1] =	stream.indirect.gather [hbm4b:s4+s16], $0x80, s26, s16, $0xb8;
	[tilespmem:$0x1C400] =	vst v63  }
0x178: {  	_ =	swait.ge [sflag:s18], $0x4000  }
0x179: {  	[sflag:s18] =	ssyncset.done $0x0  }
0x17a: {  	[sflag:s18] =	ssyncadd.s32 $0xFFFFC000  }
0x17b: {  	[spmem:s1] =	stream.indirect.scatter.add.f32 [tilespmem:s17], [sflag:$0x3], $0x80, s28, s16, $0xb8;
	[tilespmem:$0x1C400] =	vst v63  }
0x17c: {  	_ =	swait.ge [sflag:s14], $0x4000  }
0x17d: {  	[sflag:s14] =	ssyncset.done $0x0  }
0x17e: {  	[sflag:s14] =	ssyncadd.s32 $0xFFFFC000  }
0x17f: {  	[tilespmem:s19], [sflag:$0x2] =	stream.indirect.gather [hbm4b:s4+s16], $0x80, s29, s16, $0xb8;
	[tilespmem:$0x1C400] =	vst v63  }
0x180: {  	_ =	swait.ge [sflag:s20], $0x4000  }
0x181: {  	[sflag:s20] =	ssyncset.done $0x0  }
0x182: {  	[sflag:s20] =	ssyncadd.s32 $0xFFFFC000  }
0x183: {  	[spmem:s1] =	stream.indirect.scatter.add.f32 [tilespmem:s19], [sflag:$0x3], $0x80, s30, s16, $0xb8;
	[tilespmem:$0x1C400] =	vst v63  }
0x184: {  	_ =	swait.ge [sflag:s14], $0x4000  }
0x185: {  	[sflag:s14] =	ssyncset.done $0x0  }
0x186: {  	[sflag:s14] =	ssyncadd.s32 $0xFFFFC000  }
0x187: {  	[tilespmem:s17], [sflag:$0x1] =	stream.indirect.gather [hbm4b:s4+s16], $0x80, s31, s16, $0xb8;
	[tilespmem:$0x1C400] =	vst v63  }
0x188: {  	_ =	swait.ge [sflag:s18], $0x4000  }
0x189: {  	[sflag:s18] =	ssyncset.done $0x0  }
0x18a: {  	[sflag:s18] =	ssyncadd.s32 $0xFFFFC000  }
0x18b: {  	[spmem:s1] =	stream.indirect.scatter.add.f32 [tilespmem:s17], [sflag:$0x3], $0x80, s0, s16, $0xb8;
	[tilespmem:$0x1C400] =	vst v63  }
0x18c: {  	_ =	swait.ge [sflag:s14], $0x4000  }
0x18d: {  	[sflag:s14] =	ssyncset.done $0x0  }
0x18e: {  	[sflag:s14] =	ssyncadd.s32 $0xFFFFC000  }
0x18f: {  	[tilespmem:s19], [sflag:$0x2] =	stream.indirect.gather [hbm4b:s4+s16], $0x80, s2, s16, $0xb8;
	[tilespmem:$0x1C400] =	vst v63  }
0x190: {  	_ =	swait.ge [sflag:s20], $0x4000  }
.Ltmp5:
0x191: {  	[sflag:s20] =	ssyncset.done $0x0;
	(pc) =	sbr.rel @!p1 .LBB2_3-.Ltmp5, $4  }
0x192: {  	[sflag:s20] =	ssyncadd.s32 $0xFFFFC000  }
0x193: {  	[spmem:s1] =	stream.indirect.scatter.add.f32 [tilespmem:s19], [sflag:$0x3], $0x80, s5, s16, $0xb8;
	[tilespmem:$0x1C400] =	vst v63  }
0x194: {  	s8 =	smov.u32 s9;
	_ =	swait.ge [sflag:s14], $0x4000  }
0x195: {  	s6 =	smov.u32 s13;
	s13 =	smov.u32 s11;
	[sflag:s14] =	ssyncset.done $0x0  }
0x196: {  	s6 =	sadd.s32 s8, s13;
	[sflag:s14] =	ssyncadd.s32 $0xFFFFC000  }
0x197: {  	[tilespmem:s3], [sflag:$0x3] =	stream.linear.gather [hbm4b:s6+s3], $0x400, $0x38;
	[tilespmem:$0x1C400] =	vst v63  }
0x198: {  	_ =	swait.ge [sflag:s14], $0x400  }
0x199: {  	[sflag:s14] =	ssyncset.done $0x0  }
0x19a: {  	s9 =	sadd.s32 s8, s7;
	[sflag:s14] =	ssyncadd.s32 $0xFFFFFC00  }
0x19b: {  	[tilespmem:s15], [sflag:$0x3] =	stream.linear.gather [hbm4b:s9+s3], $0x400, $0x38;
	[tilespmem:$0x1C400] =	vst v63  }
0x19c: {  	_ =	swait.ge [sflag:s14], $0x400  }
0x19d: {  	[sflag:s14] =	ssyncset.done $0x0  }
0x19e: {  	[sflag:s14] =	ssyncadd.s32 $0xFFFFFC00  }
0x19f: {  	[tilespmem:s17], [sflag:$0x1] =	stream.indirect.gather [hbm4b:s4+s16], $0x80, s3, s16, $0xb8;
	[tilespmem:$0x1C400] =	vst v63  }
0x1a0: {  	_ =	swait.ge [sflag:s18], $0x4000  }
0x1a1: {  	[sflag:s18] =	ssyncset.done $0x0  }
0x1a2: {  	[sflag:s18] =	ssyncadd.s32 $0xFFFFC000  }
0x1a3: {  	[spmem:s1] =	stream.indirect.scatter.add.f32 [tilespmem:s17], [sflag:$0x3], $0x80, s15, s16, $0xb8;
	[tilespmem:$0x1C400] =	vst v63  }
0x1a4: {  	_ =	swait.ge [sflag:s14], $0x4000  }
0x1a5: {  	[sflag:s14] =	ssyncset.done $0x0  }
0x1a6: {  	[sflag:s14] =	ssyncadd.s32 $0xFFFFC000  }
0x1a7: {  	[tilespmem:s19], [sflag:$0x2] =	stream.indirect.gather [hbm4b:s4+s16], $0x80, s16, s16, $0xb8;
	[tilespmem:$0x1C400] =	vst v63  }
0x1a8: {  	_ =	swait.ge [sflag:s20], $0x4000  }
0x1a9: {  	[sflag:s20] =	ssyncset.done $0x0  }
0x1aa: {  	[sflag:s20] =	ssyncadd.s32 $0xFFFFC000  }
0x1ab: {  	[spmem:s1] =	stream.indirect.scatter.add.f32 [tilespmem:s19], [sflag:$0x3], $0x80, s21, s16, $0xb8;
	[tilespmem:$0x1C400] =	vst v63  }
0x1ac: {  	_ =	swait.ge [sflag:s14], $0x4000  }
0x1ad: {  	[sflag:s14] =	ssyncset.done $0x0  }
0x1ae: {  	[sflag:s14] =	ssyncadd.s32 $0xFFFFC000  }
0x1af: {  	[tilespmem:s17], [sflag:$0x1] =	stream.indirect.gather [hbm4b:s4+s16], $0x80, s22, s16, $0xb8;
	[tilespmem:$0x1C400] =	vst v63  }
0x1b0: {  	_ =	swait.ge [sflag:s18], $0x4000  }
0x1b1: {  	[sflag:s18] =	ssyncset.done $0x0  }
0x1b2: {  	[sflag:s18] =	ssyncadd.s32 $0xFFFFC000  }
0x1b3: {  	[spmem:s1] =	stream.indirect.scatter.add.f32 [tilespmem:s17], [sflag:$0x3], $0x80, s23, s16, $0xb8;
	[tilespmem:$0x1C400] =	vst v63  }
0x1b4: {  	_ =	swait.ge [sflag:s14], $0x4000  }
0x1b5: {  	[sflag:s14] =	ssyncset.done $0x0  }
0x1b6: {  	[sflag:s14] =	ssyncadd.s32 $0xFFFFC000  }
0x1b7: {  	[tilespmem:s19], [sflag:$0x2] =	stream.indirect.gather [hbm4b:s4+s16], $0x80, s24, s16, $0xb8;
	[tilespmem:$0x1C400] =	vst v63  }
0x1b8: {  	_ =	swait.ge [sflag:s20], $0x4000  }
0x1b9: {  	[sflag:s20] =	ssyncset.done $0x0  }
0x1ba: {  	[sflag:s20] =	ssyncadd.s32 $0xFFFFC000  }
0x1bb: {  	[spmem:s1] =	stream.indirect.scatter.add.f32 [tilespmem:s19], [sflag:$0x3], $0x80, s25, s16, $0xb8;
	[tilespmem:$0x1C400] =	vst v63  }
0x1bc: {  	_ =	swait.ge [sflag:s14], $0x4000  }
0x1bd: {  	[sflag:s14] =	ssyncset.done $0x0  }
0x1be: {  	[sflag:s14] =	ssyncadd.s32 $0xFFFFC000  }
0x1bf: {  	[tilespmem:s17], [sflag:$0x1] =	stream.indirect.gather [hbm4b:s4+s16], $0x80, s26, s16, $0xb8;
	[tilespmem:$0x1C400] =	vst v63  }
0x1c0: {  	_ =	swait.ge [sflag:s18], $0x4000  }
0x1c1: {  	[sflag:s18] =	ssyncset.done $0x0  }
0x1c2: {  	[sflag:s18] =	ssyncadd.s32 $0xFFFFC000  }
0x1c3: {  	[spmem:s1] =	stream.indirect.scatter.add.f32 [tilespmem:s17], [sflag:$0x3], $0x80, s28, s16, $0xb8;
	[tilespmem:$0x1C400] =	vst v63  }
0x1c4: {  	_ =	swait.ge [sflag:s14], $0x4000  }
0x1c5: {  	[sflag:s14] =	ssyncset.done $0x0  }
0x1c6: {  	[sflag:s14] =	ssyncadd.s32 $0xFFFFC000  }
0x1c7: {  	[tilespmem:s19], [sflag:$0x2] =	stream.indirect.gather [hbm4b:s4+s16], $0x80, s29, s16, $0xb8;
	[tilespmem:$0x1C400] =	vst v63  }
0x1c8: {  	_ =	swait.ge [sflag:s20], $0x4000  }
0x1c9: {  	[sflag:s20] =	ssyncset.done $0x0  }
0x1ca: {  	[sflag:s20] =	ssyncadd.s32 $0xFFFFC000  }
0x1cb: {  	[spmem:s1] =	stream.indirect.scatter.add.f32 [tilespmem:s19], [sflag:$0x3], $0x80, s30, s16, $0xb8;
	[tilespmem:$0x1C400] =	vst v63  }
0x1cc: {  	_ =	swait.ge [sflag:s14], $0x4000  }
0x1cd: {  	[sflag:s14] =	ssyncset.done $0x0  }
0x1ce: {  	[sflag:s14] =	ssyncadd.s32 $0xFFFFC000  }
0x1cf: {  	[tilespmem:s17], [sflag:$0x1] =	stream.indirect.gather [hbm4b:s4+s16], $0x80, s31, s16, $0xb8;
	[tilespmem:$0x1C400] =	vst v63  }
0x1d0: {  	_ =	swait.ge [sflag:s18], $0x4000  }
0x1d1: {  	[sflag:s18] =	ssyncset.done $0x0  }
0x1d2: {  	[sflag:s18] =	ssyncadd.s32 $0xFFFFC000  }
0x1d3: {  	[spmem:s1] =	stream.indirect.scatter.add.f32 [tilespmem:s17], [sflag:$0x3], $0x80, s0, s16, $0xb8;
	[tilespmem:$0x1C400] =	vst v63  }
0x1d4: {  	_ =	swait.ge [sflag:s14], $0x4000  }
0x1d5: {  	[sflag:s14] =	ssyncset.done $0x0  }
0x1d6: {  	[sflag:s14] =	ssyncadd.s32 $0xFFFFC000  }
0x1d7: {  	[tilespmem:s19], [sflag:$0x2] =	stream.indirect.gather [hbm4b:s4+s16], $0x80, s2, s16, $0xb8;
	[tilespmem:$0x1C400] =	vst v63  }
0x1d8: {  	_ =	swait.ge [sflag:s20], $0x4000  }
0x1d9: {  	[sflag:s20] =	ssyncset.done $0x0  }
.Ltmp6:
0x1da: {  	[sflag:s20] =	ssyncadd.s32 $0xFFFFC000;
	(pc) =	sbr.rel .LBB2_8-.Ltmp6, $4  }
0x1db: {  	[spmem:s1] =	stream.indirect.scatter.add.f32 [tilespmem:s19], [sflag:$0x3], $0x80, s5, s16, $0xb8;
	[tilespmem:$0x1C400] =	vst v63  }
0x1dc: {  	_ =	swait.ge [sflag:s14], $0x4000  }
0x1dd: {  	[sflag:s14] =	ssyncset.done $0x0  }
0x1de: {  	s7 =	rddreg [dreg:$0xa];
	[sflag:s14] =	ssyncadd.s32 $0xFFFFC000  }
.LBB2_9:
0x1df: {  	_ =	sfence.sel $0x180000  }
0x1e0: {  	[bflag:$0x0] =	sbarrier.arrive $0xFFFF  }
0x1e1: {  	_ =	strace $0x9000004D  }
0x1e2: {  	s0 =	stileid.u32;
	[bflag:$0x2] =	sbarrier.arrive $0xFFFF  }
0x1e3: {  	p0 =	sne.s32 s0, $0x0;
	s0 =	rddreg [dreg:$0x2]  }
0x1e4: {  	s0 =	sadd.s32 @!p0 $0x100000, s0  }
0x1e5: {  	[sflag:s0] =	ssyncadd.tile.s32 @!p0 $0x1;
	_ =	shalt  }
.Lfunc_end2:
_tile_overlayer_lowered:
.L_overlay_start_2:
0x1e6: {  	(tag) =	ssettag $0x2  }
0x1e7: {  	s0 =	rddreg [dreg:$0x0];
	s2 =	stileid.u32  }
0x1e8: {  	s1 =	rddreg [dreg:$0x1];
	p0 =	sne.s32 s2, $0x0  }
0x1e9: {  	s3 =	rddreg [dreg:$0x2];
	[bflag:$0x3] =	sbarrier.arrive $0xFFFF;
	s2 =	simm.s32 @!p0 $0x1C03  }
0x1ea: {  	[timem:s3], [sflag:s2] =	dma.local @!p0 [hbm:s0], s1  }
0x1eb: {  	s0 =	simm.s32 @!p0 $0x3  }
0x1ec: {  	_ =	swait.ge @!p0 [sflag:s0], s1  }
0x1ed: {  	s1 =	ssub.s32 @!p0 $0x0, s1;
	[sflag:s0] =	ssyncset.done @!p0 $0x0  }
0x1ee: {  	[sflag:s0] =	ssyncadd.s32 @!p0 s1  }
0x1ef: {  	[bflag:$0x3] =	sbarrier.arrive $0xFFFF  }
0x1f0: {  	_ =	shalt  }

// kernel: kernel.19.cloned.1.call-start
scs
__scs_entry_jumppad:
0x0: {  	(pc) =	sbr.rel $0x88, $3  }
0x1: {  	(tag) =	ssettag $0x0;
	lr =	simm.s32 $0x1  }
0x2: {  	[smem:$0x3F99] =	sst lr;
	_ =	strace $0xD0000000  }
0x3: {  	_ = 	snop  }
0x4: {  	_ = 	snop  }
0x5: {  	_ = 	snop  }
0x6: {  	_ = 	snop  }
0x7: {  	_ = 	snop  }
__scs_overlays_trampoline_lowered:
0x8: {  	[smem:$0x3FA8] =	sst s0  }
0x9: {  	[smem:$0x3FA9] =	sst s1  }
0xa: {  	[smem:$0x3FAA] =	sst s2  }
0xb: {  	[smem:$0x3FAB] =	sst s3  }
0xc: {  	[smem:$0x3FAC] =	sst s4  }
0xd: {  	[smem:$0x3FAD] =	sst s5  }
0xe: {  	[smem:$0x3FAE] =	sst s6  }
0xf: {  	[smem:$0x3FAF] =	sst s7  }
0x10: {  	[smem:$0x3FB0] =	sst s8  }
0x11: {  	[smem:$0x3FB1] =	sst s9;
	s0 =	simm.s32 @!p0 $0x0  }
0x12: {  	s1 =	sld [smem:$0x3F97];
	s0 =	simm.s32 @p0 $0x1  }
0x13: {  	[smem:$0x3FB2] =	sst s0;
	s0 =	simm.s32 @!p1 $0x0  }
0x14: {  	s2 =	sld [smem:$0x3F96];
	s0 =	simm.s32 @p1 $0x1  }
0x15: {  	[smem:$0x3FB3] =	sst s0;
	s0 =	simm.s32 @!p2 $0x0  }
0x16: {  	s3 =	sld [smem:$0x3FDB];
	s0 =	simm.s32 @p2 $0x1  }
0x17: {  	s4 =	simm.s32 $0x1BF5;
	[smem:$0x3FB5] =	sst s0  }
0x18: {  	s0 =	sld [smem:$0x3F98];
	_ =	swait.ge [sflag:s4], $0x0  }
0x19: {  	s7 =	sld [smem:$0x3F99]  }
0x1a: {  	s8 =	sadd.s32 $0xFFFFE003, lr  }
0x1b: {  	s9 =	sadd.s32 $0xFFFFFEF7, lr;
	s5 =	simm.s32 $0xFFFFFFFF;
	p2 =	slt.u32 s8, $0xFFFFF086  }
0x1c: {  	p1 =	slt.u32 s9, $0xF7A;
	s5 =	simm.s32 @!p2 $0x0  }
0x1d: {  	s5 =	simm.s32 @p1 $0x1;
	p0 =	seq.s32 s7, s2  }
0x1e: {  	s7 =	smul.u32 @!p0 $0xF7A, s2;
	p2 =	seq.s32 @!p0 s5, $0x0  }
0x1f: {  	s9 =	smul.u32 $0xF7A, s1;
	s8 =	simm.s32 @!p0 $0x1BF5;
	p2 =	por !p2, p0  }
0x20: {  	[sflag:s8] =	ssyncset.s32 @!p0 $0xFFFFF086;
	s6 =	sadd.s32 @!p0 s3, s7;
	s7 =	simm.s32 @!p0 $0x108  }
0x21: {  	s3 =	sadd.s32 s3, s9;
	s6 =	sadd.s32 @!p0 $0x88, s6;
	s7 =	simm.s32 @p2 $0x1082  }
0x22: {  	[simem:s7], [sflag:s8] =	dma.local @!p0 [hbm:s6], $0xF7A  }
0x23: {  	s9 =	sor.u32 $0xD0000000, s2;
	s6 =	simm.s32 $0x108;
	_ =	swait.ge @!p0 [sflag:s8], $0x0  }
0x24: {  	s3 =	sadd.s32 $0x88, s3;
	s6 =	simm.s32 @!p1 $0x1082;
	[sflag:s4] =	ssyncset.s32 $0xFFFFF086  }
0x25: {  	[simem:s6], [sflag:s4] =	dma.local [hbm:s3], $0xF7A  }
0x26: {  	[smem:$0x3F99] =	sst s1;
	(tag) =	ssettag s2;
	_ =	strace s9  }
0x27: {  	s1 =	sld [smem:$0x3FA9]  }
0x28: {  	s2 =	sld [smem:$0x3FAA]  }
0x29: {  	s4 =	sld [smem:$0x3FAC]  }
0x2a: {  	p0 =	seq.s32 s5, $0x0;
	s5 =	sld [smem:$0x3FAD]  }
0x2b: {  	s6 =	sld [smem:$0x3FAE]  }
0x2c: {  	s7 =	sld [smem:$0x3FAF]  }
0x2d: {  	s3 =	simm.s32 $0x108;
	s8 =	sld [smem:$0x3FB0]  }
0x2e: {  	s3 =	simm.s32 @!p0 $0x1082;
	s9 =	sld [smem:$0x3FB1]  }
0x2f: {  	lr =	sadd.s32 s0, s3;
	s0 =	sld [smem:$0x3FA8]  }
0x30: {  	s3 =	sld [smem:$0x3FAB]  }
0x31: {  	[smem:$0x3FB4] =	sst s10  }
0x32: {  	s10 =	sld [smem:$0x3FB2];
	_ =	sdelay $0x3  }
0x33: {  	p0 =	seq.s32 s10, $0x1;
	s10 =	sld [smem:$0x3FB4];
	_ =	sdelay $0x3  }
0x34: {  	[smem:$0x3FB4] =	sst s10  }
0x35: {  	s10 =	sld [smem:$0x3FB3];
	_ =	sdelay $0x3  }
0x36: {  	p1 =	seq.s32 s10, $0x1;
	s10 =	sld [smem:$0x3FB4];
	_ =	sdelay $0x3  }
0x37: {  	[smem:$0x3FB4] =	sst s10  }
0x38: {  	s10 =	sld [smem:$0x3FB5]  }
0x39: {  	_ = 	snop;
	(pc) =	sbr.ind lr, $3  }
0x3a: {  	_ = 	snop  }
0x3b: {  	_ = 	snop  }
0x3c: {  	p2 =	seq.s32 s10, $0x1;
	s10 =	sld [smem:$0x3FB4]  }
0x3d: {  	_ =	shalt  }
0x3e: {  	_ =	shalt  }
0x3f: {  	_ =	shalt  }
0x40: {  	_ =	shalt  }
0x41: {  	_ =	shalt  }
0x42: {  	_ =	shalt  }
0x43: {  	_ =	shalt  }
0x44: {  	_ =	shalt  }
0x45: {  	_ =	shalt  }
0x46: {  	_ =	shalt  }
0x47: {  	_ =	shalt  }
0x48: {  	_ =	shalt  }
0x49: {  	_ =	shalt  }
0x4a: {  	_ =	shalt  }
0x4b: {  	_ =	shalt  }
0x4c: {  	_ =	shalt  }
0x4d: {  	_ =	shalt  }
0x4e: {  	_ =	shalt  }
0x4f: {  	_ =	shalt  }
0x50: {  	_ =	shalt  }
0x51: {  	_ =	shalt  }
0x52: {  	_ =	shalt  }
0x53: {  	_ =	shalt  }
0x54: {  	_ =	shalt  }
0x55: {  	_ =	shalt  }
0x56: {  	_ =	shalt  }
0x57: {  	_ =	shalt  }
0x58: {  	_ =	shalt  }
0x59: {  	_ =	shalt  }
0x5a: {  	_ =	shalt  }
0x5b: {  	_ =	shalt  }
0x5c: {  	_ =	shalt  }
0x5d: {  	_ =	shalt  }
0x5e: {  	_ =	shalt  }
0x5f: {  	_ =	shalt  }
0x60: {  	_ =	shalt  }
0x61: {  	_ =	shalt  }
0x62: {  	_ =	shalt  }
0x63: {  	_ =	shalt  }
0x64: {  	_ =	shalt  }
0x65: {  	_ =	shalt  }
0x66: {  	_ =	shalt  }
0x67: {  	_ =	shalt  }
0x68: {  	_ =	shalt  }
0x69: {  	_ =	shalt  }
0x6a: {  	_ =	shalt  }
0x6b: {  	_ =	shalt  }
0x6c: {  	_ =	shalt  }
0x6d: {  	_ =	shalt  }
0x6e: {  	_ =	shalt  }
0x6f: {  	_ =	shalt  }
0x70: {  	_ =	shalt  }
0x71: {  	_ =	shalt  }
0x72: {  	_ =	shalt  }
0x73: {  	_ =	shalt  }
0x74: {  	_ =	shalt  }
0x75: {  	_ =	shalt  }
0x76: {  	_ =	shalt  }
0x77: {  	_ =	shalt  }
0x78: {  	_ =	shalt  }
0x79: {  	_ =	shalt  }
0x7a: {  	_ =	shalt  }
0x7b: {  	_ =	shalt  }
0x7c: {  	_ =	shalt  }
0x7d: {  	_ =	shalt  }
0x7e: {  	_ =	shalt  }
0x7f: {  	_ =	shalt  }
0x80: {  	_ =	shalt  }
0x81: {  	_ =	shalt  }
0x82: {  	_ =	shalt  }
0x83: {  	_ =	shalt  }
0x84: {  	_ =	shalt  }
0x85: {  	_ =	shalt  }
0x86: {  	_ =	shalt  }
0x87: {  	_ =	shalt  }
.Lfunc_end0:
.L_simem_size_0:
called_computation.3_lowered:
.L_overlay_start_0:
0x88: {  	s2 =	sld [smem:$0x3FD9]  }
0x89: {  	s3 =	sld [smem:$0x3FFE];
	_ =	sdelay $0x1  }
0x8a: {  	s1 =	srdreg.scid  }
0x8b: {  	s0 =	sand.u32 $0x1, s1  }
0x8c: {  	s16 =	sshll.u32 s0, $0xA;
	s2 =	sadd.s32 s3, s2  }
0x8d: {  	s2 =	sadd.s32 s2, s16  }
0x8e: {  	[smem:$0x3FC0] =	sst s2  }
0x8f: {  	_ = 	snop  }
0x90: {  	(tm) =	ssettm $0x1  }
0x91: {  	s17 =	sld [smem:$0x3FFB];
	_ =	sdelay $0x3  }
0x92: {  	_ =	strace s17  }
0x93: {  	s2 =	sld [smem:$0x3FFC];
	_ =	sdelay $0x3  }
0x94: {  	_ =	strace s2  }
0x95: {  	s2 =	sld [smem:$0x3FFD];
	_ =	sdelay $0x3  }
0x96: {  	_ =	strace s2  }
0x97: {  	_ =	strace $0x8FFFFFFF  }
0x98: {  	s18 =	sld [smem:$0x3FDB];
	_ =	sdelay $0x1  }
0x99: {  	s19 =	simm.s32 $_scs_section_size  }
0x9a: {  	s4 =	simm.s32 $_size__tile_overlayer_lowered;
	s5 =	simm.s32 $_tile_overlayer_lowered  }
0x9b: {  	s22 =	simm.s32 $0x1BFF;
	s21 =	sshll.u32 s5, $0x1;
	s2 =	sadd.s32 s19, s18  }
0x9c: {  	s6 =	simm.s32 $0x0;
	s20 =	sshll.u32 s4, $0x1;
	s4 =	sadd.s32 s21, s2  }
0x9d: {  	[timem:s6], [sflag:s22] =	dma.local [hbm:s4], s20  }
0x9e: {  	_ =	swait.ge [sflag:s22], s20  }
0x9f: {  	s3 =	ssub.s32 $0x0, s20;
	[sflag:s22] =	ssyncset.done $0x0  }
0xa0: {  	[sflag:s22] =	ssyncadd.s32 s3;
	_ =	sdelay $0x1  }
0xa1: {  	s23 =	simm.s32 $0x1B8B  }
0xa2: {  	_ =	swait.ge [sflag:s23], $0x1  }
0xa3: {  	[sflag:s23] =	ssyncset.done $0x0  }
0xa4: {  	s25 =	simm.s32 $0x1B8E;
	s24 =	sld [smem:$0x3FFE];
	[sflag:s23] =	ssyncadd.s32 $0xFFFFFFFF  }
0xa5: {  	s26 =	simm.s32 $execute0_lowered;
	[smem:$0x3FD2] =	sst s25  }
0xa6: {  	s4 =	sshll.u32 s26, $0x1;
	_ =	strace $0x8000004F;
	[dreg:$0x1] =	wrdreg $0xFFFFFFFF  }
0xa7: {  	s28 =	simm.s32 $_size_execute0_lowered;
	s2 =	sadd.s32 s2, s4;
	[dreg:$0x0] =	wrdreg $0x0  }
0xa8: {  	s4 =	sshll.u32 s28, $0x1;
	[dreg:$0x2] =	wrdreg s2  }
0xa9: {  	[dreg:$0x3] =	wrdreg s4  }
0xaa: {  	[dreg:$0x4] =	wrdreg $0xC0  }
0xab: {  	_ =	task [dreg:s6], $0x5FFFF  }
0xac: {  	[dreg:$0x1] =	wrdreg $0xFFFFFFFF  }
0xad: {  	[dreg:$0x0] =	wrdreg $0x60  }
0xae: {  	[dreg:$0x2] =	wrdreg s24  }
0xaf: {  	[dreg:$0x3] =	wrdreg $0x88000  }
0xb0: {  	[dreg:$0x4] =	wrdreg $0x9  }
0xb1: {  	_ =	task.clear_ibuf [dreg:s6], $0x5FFFF;
	_ =	strace $0x9000004F  }
0xb2: {  	s29 =	simm.s32 $0x9;
	_ =	strace $0x80000051  }
0xb3: {  	_ =	swait.ge [sflag:s29], $0x1  }
0xb4: {  	[sflag:s29] =	ssyncadd.s32 $0xFFFFFFFF  }
0xb5: {  	_ =	strace $0x90000051  }
0xb6: {  	_ =	sfence  }
0xb7: {  	s30 =	sld [smem:$0x0];
	_ =	sdelay $0x2  }
0xb8: {  	s31 =	sshll.u32 s1, $0xD;
	s1 =	sshrl.u32 s1, $0x2  }
0xb9: {  	s3 =	sand.u32 $0x4000, s31;
	s1 =	sadd.s32 s1, s30  }
0xba: {  	s0 =	sor.u32 s3, s0;
	s1 =	sshll.u32 s1, $0x11  }
0xbb: {  	s0 =	sor.u32 s1, s0  }
0xbc: {  	s0 =	sadd.s32 $0x8F2B, s0  }
0xbd: {  	[sflag:s0] =	ssyncadd.remote.s32 $0x1  }
0xbe: {  	_ =	sfence.sel $0xFFFF  }
0xbf: {  	[dreg:$0x0] =	wrdreg $0xFFFFFFFF;
	(pc) =	sbr.abs _section_cstart, $3  }
0xc0: {  	[dreg:$0x1] =	wrdreg $0xFFFFFFFF  }
0xc1: {  	_ =	task.clear_ibuf [dreg:s6], $0x2FFFF;
	_ =	strace $0x9FFFFFFF  }
0xc2: {  	(tm) =	ssettm $0x7FFFFFFF  }
0xc3: {  	_ =	shalt  }
tec
execute0_lowered:
.L_overlay_start_1:
0x0: {  	(tag) =	ssettag $0x1  }
0x1: {  	s0 =	rddreg [dreg:$0x0]  }
0x2: {  	s1 =	rddreg [dreg:$0x1]  }
0x3: {  	s3 =	simm.s32 $0x0;
	s2 =	srdreg.scid;
	s10 =	stileid.u32  }
0x4: {  	s14 =	simm.s32 $0x3;
	s15 =	simm.s32 $0x400;
	s16 =	simm.s32 $0x80  }
0x5: {  	s17 =	simm.s32 $0x800;
	s18 =	simm.s32 $0x1;
	s19 =	simm.s32 $0x4800  }
0x6: {  	s28 =	simm.s32 $0x600;
	s29 =	simm.s32 $0x280;
	s30 =	simm.s32 $0x680  }
0x7: {  	s31 =	simm.s32 $0x300;
	[smem:$0x7FF] =	sst s3;
	s2 =	sand.u32 $0x1, s2  }
0x8: {  	s6 =	sshll.u32 s10, $0xB;
	s7 =	smul.u32 $0x13C00, s10;
	s4 =	sadd.s32 $0x69A00, s0  }
0x9: {  	s8 =	sshll.u32 s10, $0x9;
	s20 =	smul.u32 $0x4F000, s10;
	s9 =	sadd.s32 $0x3A00, s0  }
0xa: {  	s23 =	sshll.u32 s10, $0x6;
	s5 =	smul.u32 $0x13C000, s2;
	_ =	strace $0x80000050  }
0xb: {  	s6 =	sadd.s32 s6, s0;
	s8 =	sadd.s32 s8, s0;
	[dreg:$0x4] =	wrdreg s9  }
0xc: {  	s21 =	ssub.s32 $0x2, s2;
	s9 =	sor.u32 $0x1C03, s23;
	p0 =	seq.s32 s2, $0x1  }
0xd: {  	s23 =	simm.s32 $0x500;
	s2 =	simm.s32 $0x380;
	s22 =	sshrl.u32 s21, $0x1  }
0xe: {  	s25 =	sadd.s32 $0x59A00, s6;
	s13 =	sadd.s32 $0x61A00, s6;
	[dreg:$0x5] =	wrdreg s9  }
0xf: {  	s26 =	sadd.s32 $0x55A00, s8;
	s10 =	sadd.s32 $0x57A00, s8;
	[dreg:$0x3] =	wrdreg s25  }
0x10: {  	s5 =	sadd.s32 s7, s5;
	s7 =	sshrl.u32 s20, $0x2;
	[dreg:$0x8] =	wrdreg s26  }
0x11: {  	s20 =	simm.s32 $0x2;
	s25 =	simm.s32 $0x580;
	s26 =	simm.s32 $0x200  }
0x12: {  	s11 =	smov.u32 s13;
	s5 =	sshrl.u32 s5, $0x3;
	s7 =	sadd.s32 s7, s1  }
.Ltmp0:
0x13: {  	s0 =	sadd.s32 s5, s0;
	s5 =	ssub.s32 s21, s22;
	(pc) =	sbr.rel .LBB2_1-.Ltmp0, $4  }
0x14: {  	s12 =	sshrl.u32 s7, $0x3;
	s21 =	simm.s32 $0x480;
	s22 =	simm.s32 $0x100  }
0x15: {  	s7 =	simm.s32 $0x0;
	s0 =	sadd.s32 $0x90C00, s0;
	[dreg:$0x9] =	wrdreg s12  }
0x16: {  	s24 =	smax.u32 s5, $0x1;
	s5 =	simm.s32 $0x780;
	[dreg:$0x6] =	wrdreg s0  }
0x17: {  	[dreg:$0x7] =	wrdreg s24;
	s24 =	simm.s32 $0x180;
	s0 =	simm.s32 $0x700  }
.LBB2_7:
0x18: {  	s6 =	sadd.s32 s8, s10;
	[sflag:s14] =	ssyncadd.s32 $0xFFFFC000  }
0x19: {  	[tilespmem:s3], [sflag:$0x3] =	stream.linear.gather [hbm4b:s6+s3], $0x400, $0x38;
	[tilespmem:$0x1C400] =	vst v63  }
0x1a: {  	_ =	swait.ge [sflag:s14], $0x400  }
0x1b: {  	[sflag:s14] =	ssyncset.done $0x0  }
0x1c: {  	s13 =	sadd.s32 s8, s12;
	[sflag:s14] =	ssyncadd.s32 $0xFFFFFC00  }
0x1d: {  	[tilespmem:s15], [sflag:$0x3] =	stream.linear.gather [hbm4b:s13+s3], $0x400, $0x38;
	[tilespmem:$0x1C400] =	vst v63  }
0x1e: {  	_ =	swait.ge [sflag:s14], $0x400  }
0x1f: {  	[sflag:s14] =	ssyncset.done $0x0  }
0x20: {  	[sflag:s14] =	ssyncadd.s32 $0xFFFFFC00  }
0x21: {  	[tilespmem:s17], [sflag:$0x1] =	stream.indirect.gather [hbm4b:s4+s16], $0x80, s3, s16, $0xb8;
	[tilespmem:$0x1C400] =	vst v63  }
0x22: {  	_ =	swait.ge [sflag:s18], $0x4000  }
0x23: {  	[sflag:s18] =	ssyncset.done $0x0  }
0x24: {  	[sflag:s18] =	ssyncadd.s32 $0xFFFFC000  }
0x25: {  	[spmem:s1] =	stream.indirect.scatter.add.f32 [tilespmem:s17], [sflag:$0x3], $0x80, s15, s16, $0xb8;
	[tilespmem:$0x1C400] =	vst v63  }
0x26: {  	_ =	swait.ge [sflag:s14], $0x4000  }
0x27: {  	[sflag:s14] =	ssyncset.done $0x0  }
0x28: {  	[sflag:s14] =	ssyncadd.s32 $0xFFFFC000  }
0x29: {  	[tilespmem:s19], [sflag:$0x2] =	stream.indirect.gather [hbm4b:s4+s16], $0x80, s16, s16, $0xb8;
	[tilespmem:$0x1C400] =	vst v63  }
0x2a: {  	_ =	swait.ge [sflag:s20], $0x4000  }
0x2b: {  	[sflag:s20] =	ssyncset.done $0x0  }
0x2c: {  	[sflag:s20] =	ssyncadd.s32 $0xFFFFC000  }
0x2d: {  	[spmem:s1] =	stream.indirect.scatter.add.f32 [tilespmem:s19], [sflag:$0x3], $0x80, s21, s16, $0xb8;
	[tilespmem:$0x1C400] =	vst v63  }
0x2e: {  	_ =	swait.ge [sflag:s14], $0x4000  }
0x2f: {  	[sflag:s14] =	ssyncset.done $0x0  }
0x30: {  	[sflag:s14] =	ssyncadd.s32 $0xFFFFC000  }
0x31: {  	[tilespmem:s17], [sflag:$0x1] =	stream.indirect.gather [hbm4b:s4+s16], $0x80, s22, s16, $0xb8;
	[tilespmem:$0x1C400] =	vst v63  }
0x32: {  	_ =	swait.ge [sflag:s18], $0x4000  }
0x33: {  	[sflag:s18] =	ssyncset.done $0x0  }
0x34: {  	[sflag:s18] =	ssyncadd.s32 $0xFFFFC000  }
0x35: {  	[spmem:s1] =	stream.indirect.scatter.add.f32 [tilespmem:s17], [sflag:$0x3], $0x80, s23, s16, $0xb8;
	[tilespmem:$0x1C400] =	vst v63  }
0x36: {  	_ =	swait.ge [sflag:s14], $0x4000  }
0x37: {  	[sflag:s14] =	ssyncset.done $0x0  }
0x38: {  	[sflag:s14] =	ssyncadd.s32 $0xFFFFC000  }
0x39: {  	[tilespmem:s19], [sflag:$0x2] =	stream.indirect.gather [hbm4b:s4+s16], $0x80, s24, s16, $0xb8;
	[tilespmem:$0x1C400] =	vst v63  }
0x3a: {  	_ =	swait.ge [sflag:s20], $0x4000  }
0x3b: {  	[sflag:s20] =	ssyncset.done $0x0  }
0x3c: {  	[sflag:s20] =	ssyncadd.s32 $0xFFFFC000  }
0x3d: {  	[spmem:s1] =	stream.indirect.scatter.add.f32 [tilespmem:s19], [sflag:$0x3], $0x80, s25, s16, $0xb8;
	[tilespmem:$0x1C400] =	vst v63  }
0x3e: {  	_ =	swait.ge [sflag:s14], $0x4000  }
0x3f: {  	[sflag:s14] =	ssyncset.done $0x0  }
0x40: {  	[sflag:s14] =	ssyncadd.s32 $0xFFFFC000  }
0x41: {  	[tilespmem:s17], [sflag:$0x1] =	stream.indirect.gather [hbm4b:s4+s16], $0x80, s26, s16, $0xb8;
	[tilespmem:$0x1C400] =	vst v63  }
0x42: {  	_ =	swait.ge [sflag:s18], $0x4000  }
0x43: {  	[sflag:s18] =	ssyncset.done $0x0  }
0x44: {  	[sflag:s18] =	ssyncadd.s32 $0xFFFFC000  }
0x45: {  	[spmem:s1] =	stream.indirect.scatter.add.f32 [tilespmem:s17], [sflag:$0x3], $0x80, s28, s16, $0xb8;
	[tilespmem:$0x1C400] =	vst v63  }
0x46: {  	_ =	swait.ge [sflag:s14], $0x4000  }
0x47: {  	[sflag:s14] =	ssyncset.done $0x0  }
0x48: {  	[sflag:s14] =	ssyncadd.s32 $0xFFFFC000  }
0x49: {  	[tilespmem:s19], [sflag:$0x2] =	stream.indirect.gather [hbm4b:s4+s16], $0x80, s29, s16, $0xb8;
	[tilespmem:$0x1C400] =	vst v63  }
0x4a: {  	_ =	swait.ge [sflag:s20], $0x4000  }
0x4b: {  	[sflag:s20] =	ssyncset.done $0x0  }
0x4c: {  	[sflag:s20] =	ssyncadd.s32 $0xFFFFC000  }
0x4d: {  	[spmem:s1] =	stream.indirect.scatter.add.f32 [tilespmem:s19], [sflag:$0x3], $0x80, s30, s16, $0xb8;
	[tilespmem:$0x1C400] =	vst v63  }
0x4e: {  	_ =	swait.ge [sflag:s14], $0x4000  }
0x4f: {  	[sflag:s14] =	ssyncset.done $0x0  }
0x50: {  	[sflag:s14] =	ssyncadd.s32 $0xFFFFC000  }
0x51: {  	[tilespmem:s17], [sflag:$0x1] =	stream.indirect.gather [hbm4b:s4+s16], $0x80, s31, s16, $0xb8;
	[tilespmem:$0x1C400] =	vst v63  }
0x52: {  	_ =	swait.ge [sflag:s18], $0x4000  }
0x53: {  	[sflag:s18] =	ssyncset.done $0x0  }
0x54: {  	[sflag:s18] =	ssyncadd.s32 $0xFFFFC000  }
0x55: {  	[spmem:s1] =	stream.indirect.scatter.add.f32 [tilespmem:s17], [sflag:$0x3], $0x80, s0, s16, $0xb8;
	[tilespmem:$0x1C400] =	vst v63  }
0x56: {  	_ =	swait.ge [sflag:s14], $0x4000  }
0x57: {  	[sflag:s14] =	ssyncset.done $0x0  }
0x58: {  	[sflag:s14] =	ssyncadd.s32 $0xFFFFC000  }
0x59: {  	[tilespmem:s19], [sflag:$0x2] =	stream.indirect.gather [hbm4b:s4+s16], $0x80, s2, s16, $0xb8;
	[tilespmem:$0x1C400] =	vst v63  }
0x5a: {  	_ =	swait.ge [sflag:s20], $0x4000  }
0x5b: {  	[sflag:s20] =	ssyncset.done $0x0  }
0x5c: {  	[sflag:s20] =	ssyncadd.s32 $0xFFFFC000  }
0x5d: {  	[spmem:s1] =	stream.indirect.scatter.add.f32 [tilespmem:s19], [sflag:$0x3], $0x80, s5, s16, $0xb8;
	[tilespmem:$0x1C400] =	vst v63  }
0x5e: {  	_ =	swait.ge [sflag:s14], $0x4000  }
0x5f: {  	[sflag:s14] =	ssyncset.done $0x0;
	s12 =	rddreg [dreg:$0x9]  }
0x60: {  	s13 =	smov.u32 s11;
	s7 =	rddreg [dreg:$0xa];
	[sflag:s14] =	ssyncadd.s32 $0xFFFFC000  }
.LBB2_8:
0x61: {  	[bflag:$0x0] =	sbarrier.arrive $0xFFFF  }
0x62: {  	s9 =	rddreg [dreg:$0x5]  }
0x63: {  	s6 =	rddreg [dreg:$0x6]  }
0x64: {  	[hbm:s6], [sflag:s9] =	dma.local [spmem:s12], $0x2780  }
0x65: {  	_ =	swait.ge [sflag:s14], $0x2780  }
0x66: {  	s7 =	sadd.s32 $0x1, s7;
	s8 =	rddreg [dreg:$0x7]  }
0x67: {  	p1 =	sne.s32 s7, s8  }
.Ltmp1:
0x68: {  	_ = 	snop;
	(pc) =	sbr.rel @!p1 .LBB2_9-.Ltmp1, $3  }
0x69: {  	_ =	sdelay $0x1  }
0x6a: {  	[sflag:s14] =	ssyncset.done $0x0  }
0x6b: {  	[sflag:s14] =	ssyncadd.s32 $0xFFFFD880  }
.LBB2_1:
0x6c: {  	[dreg:$0xa] =	wrdreg s7  }
0x6d: {  	s6 =	rddreg [dreg:$0x4]  }
0x6e: {  	[spmem:s12], [sflag:s9] =	dma.local [hbm:s6], $0x2780  }
.Ltmp2:
0x6f: {  	_ =	swait.ge [sflag:s14], $0x2780;
	(pc) =	sbr.rel @!p0 .LBB2_2-.Ltmp2, $3  }
0x70: {  	[sflag:s14] =	ssyncset.done $0x0  }
0x71: {  	[sflag:s14] =	ssyncadd.s32 $0xFFFFD880  }
0x72: {  	[bflag:$0x0] =	sbarrier.arrive $0xFFFF;
	_ =	sdelay $0x1  }
0x73: {  	s6 =	sadd.s32 $0x0, s10  }
0x74: {  	[tilespmem:s3], [sflag:$0x3] =	stream.linear.gather [hbm4b:s6+s3], $0x400, $0x38;
	[tilespmem:$0x1C400] =	vst v63  }
0x75: {  	_ =	swait.ge [sflag:s14], $0x400  }
0x76: {  	[sflag:s14] =	ssyncset.done $0x0;
	s12 =	rddreg [dreg:$0x8]  }
0x77: {  	[sflag:s14] =	ssyncadd.s32 $0xFFFFFC00;
	s13 =	sadd.s32 $0x0, s12  }
0x78: {  	[tilespmem:s15], [sflag:$0x3] =	stream.linear.gather [hbm4b:s13+s3], $0x400, $0x38;
	[tilespmem:$0x1C400] =	vst v63  }
0x79: {  	_ =	swait.ge [sflag:s14], $0x400  }
0x7a: {  	[sflag:s14] =	ssyncset.done $0x0  }
0x7b: {  	[sflag:s14] =	ssyncadd.s32 $0xFFFFFC00  }
0x7c: {  	[tilespmem:s17], [sflag:$0x1] =	stream.indirect.gather [hbm4b:s4+s16], $0x80, s3, s16, $0xb8;
	[tilespmem:$0x1C400] =	vst v63  }
0x7d: {  	_ =	swait.ge [sflag:s18], $0x4000  }
0x7e: {  	[sflag:s18] =	ssyncset.done $0x0  }
0x7f: {  	[sflag:s18] =	ssyncadd.s32 $0xFFFFC000  }
0x80: {  	[spmem:s1] =	stream.indirect.scatter.add.f32 [tilespmem:s17], [sflag:$0x3], $0x80, s15, s16, $0xb8;
	[tilespmem:$0x1C400] =	vst v63  }
0x81: {  	_ =	swait.ge [sflag:s14], $0x4000  }
0x82: {  	[sflag:s14] =	ssyncset.done $0x0  }
0x83: {  	[sflag:s14] =	ssyncadd.s32 $0xFFFFC000  }
0x84: {  	[tilespmem:s19], [sflag:$0x2] =	stream.indirect.gather [hbm4b:s4+s16], $0x80, s16, s16, $0xb8;
	[tilespmem:$0x1C400] =	vst v63  }
0x85: {  	_ =	swait.ge [sflag:s20], $0x4000  }
0x86: {  	[sflag:s20] =	ssyncset.done $0x0  }
0x87: {  	[sflag:s20] =	ssyncadd.s32 $0xFFFFC000  }
0x88: {  	[spmem:s1] =	stream.indirect.scatter.add.f32 [tilespmem:s19], [sflag:$0x3], $0x80, s21, s16, $0xb8;
	[tilespmem:$0x1C400] =	vst v63  }
0x89: {  	_ =	swait.ge [sflag:s14], $0x4000  }
0x8a: {  	[sflag:s14] =	ssyncset.done $0x0  }
0x8b: {  	[sflag:s14] =	ssyncadd.s32 $0xFFFFC000  }
0x8c: {  	[tilespmem:s17], [sflag:$0x1] =	stream.indirect.gather [hbm4b:s4+s16], $0x80, s22, s16, $0xb8;
	[tilespmem:$0x1C400] =	vst v63  }
0x8d: {  	_ =	swait.ge [sflag:s18], $0x4000  }
0x8e: {  	[sflag:s18] =	ssyncset.done $0x0  }
0x8f: {  	[sflag:s18] =	ssyncadd.s32 $0xFFFFC000  }
0x90: {  	[spmem:s1] =	stream.indirect.scatter.add.f32 [tilespmem:s17], [sflag:$0x3], $0x80, s23, s16, $0xb8;
	[tilespmem:$0x1C400] =	vst v63  }
0x91: {  	_ =	swait.ge [sflag:s14], $0x4000  }
0x92: {  	[sflag:s14] =	ssyncset.done $0x0  }
0x93: {  	[sflag:s14] =	ssyncadd.s32 $0xFFFFC000  }
0x94: {  	[tilespmem:s19], [sflag:$0x2] =	stream.indirect.gather [hbm4b:s4+s16], $0x80, s24, s16, $0xb8;
	[tilespmem:$0x1C400] =	vst v63  }
0x95: {  	_ =	swait.ge [sflag:s20], $0x4000  }
0x96: {  	[sflag:s20] =	ssyncset.done $0x0  }
0x97: {  	[sflag:s20] =	ssyncadd.s32 $0xFFFFC000  }
0x98: {  	[spmem:s1] =	stream.indirect.scatter.add.f32 [tilespmem:s19], [sflag:$0x3], $0x80, s25, s16, $0xb8;
	[tilespmem:$0x1C400] =	vst v63  }
0x99: {  	_ =	swait.ge [sflag:s14], $0x4000  }
0x9a: {  	[sflag:s14] =	ssyncset.done $0x0  }
0x9b: {  	[sflag:s14] =	ssyncadd.s32 $0xFFFFC000  }
0x9c: {  	[tilespmem:s17], [sflag:$0x1] =	stream.indirect.gather [hbm4b:s4+s16], $0x80, s26, s16, $0xb8;
	[tilespmem:$0x1C400] =	vst v63  }
0x9d: {  	_ =	swait.ge [sflag:s18], $0x4000  }
0x9e: {  	[sflag:s18] =	ssyncset.done $0x0  }
0x9f: {  	[sflag:s18] =	ssyncadd.s32 $0xFFFFC000  }
0xa0: {  	[spmem:s1] =	stream.indirect.scatter.add.f32 [tilespmem:s17], [sflag:$0x3], $0x80, s28, s16, $0xb8;
	[tilespmem:$0x1C400] =	vst v63  }
0xa1: {  	_ =	swait.ge [sflag:s14], $0x4000  }
0xa2: {  	[sflag:s14] =	ssyncset.done $0x0  }
0xa3: {  	[sflag:s14] =	ssyncadd.s32 $0xFFFFC000  }
0xa4: {  	[tilespmem:s19], [sflag:$0x2] =	stream.indirect.gather [hbm4b:s4+s16], $0x80, s29, s16, $0xb8;
	[tilespmem:$0x1C400] =	vst v63  }
0xa5: {  	_ =	swait.ge [sflag:s20], $0x4000  }
0xa6: {  	[sflag:s20] =	ssyncset.done $0x0  }
0xa7: {  	[sflag:s20] =	ssyncadd.s32 $0xFFFFC000  }
0xa8: {  	[spmem:s1] =	stream.indirect.scatter.add.f32 [tilespmem:s19], [sflag:$0x3], $0x80, s30, s16, $0xb8;
	[tilespmem:$0x1C400] =	vst v63  }
0xa9: {  	_ =	swait.ge [sflag:s14], $0x4000  }
0xaa: {  	[sflag:s14] =	ssyncset.done $0x0  }
0xab: {  	[sflag:s14] =	ssyncadd.s32 $0xFFFFC000  }
0xac: {  	[tilespmem:s17], [sflag:$0x1] =	stream.indirect.gather [hbm4b:s4+s16], $0x80, s31, s16, $0xb8;
	[tilespmem:$0x1C400] =	vst v63  }
0xad: {  	_ =	swait.ge [sflag:s18], $0x4000  }
0xae: {  	[sflag:s18] =	ssyncset.done $0x0  }
0xaf: {  	[sflag:s18] =	ssyncadd.s32 $0xFFFFC000  }
0xb0: {  	[spmem:s1] =	stream.indirect.scatter.add.f32 [tilespmem:s17], [sflag:$0x3], $0x80, s0, s16, $0xb8;
	[tilespmem:$0x1C400] =	vst v63  }
0xb1: {  	_ =	swait.ge [sflag:s14], $0x4000  }
0xb2: {  	[sflag:s14] =	ssyncset.done $0x0  }
0xb3: {  	[sflag:s14] =	ssyncadd.s32 $0xFFFFC000  }
0xb4: {  	[tilespmem:s19], [sflag:$0x2] =	stream.indirect.gather [hbm4b:s4+s16], $0x80, s2, s16, $0xb8;
	[tilespmem:$0x1C400] =	vst v63  }
0xb5: {  	_ =	swait.ge [sflag:s20], $0x4000  }
0xb6: {  	[sflag:s20] =	ssyncset.done $0x0  }
0xb7: {  	[sflag:s20] =	ssyncadd.s32 $0xFFFFC000  }
0xb8: {  	[spmem:s1] =	stream.indirect.scatter.add.f32 [tilespmem:s19], [sflag:$0x3], $0x80, s5, s16, $0xb8;
	[tilespmem:$0x1C400] =	vst v63  }
0xb9: {  	_ =	swait.ge [sflag:s14], $0x4000  }
0xba: {  	s8 =	simm.s32 $0x80;
	s13 =	simm.s32 $0x100;
	[sflag:s14] =	ssyncset.done $0x0  }
.LBB2_6:
0xbb: {  	s7 =	sadd.s32 s8, s10  }
0xbc: {  	[sflag:s14] =	ssyncadd.s32 $0xFFFFC000;
	s9 =	smov.u32 s13;
	s6 =	sadd.s32 $0x80, s13  }
0xbd: {  	[tilespmem:s3], [sflag:$0x3] =	stream.linear.gather [hbm4b:s7+s3], $0x400, $0x38;
	[tilespmem:$0x1C400] =	vst v63  }
0xbe: {  	p1 =	sne.s32 s13, $0x180;
	_ =	swait.ge [sflag:s14], $0x400  }
0xbf: {  	[sflag:s14] =	ssyncset.done $0x0  }
0xc0: {  	s7 =	sadd.s32 s8, s12;
	s8 =	smov.u32 s9;
	[sflag:s14] =	ssyncadd.s32 $0xFFFFFC00  }
0xc1: {  	[tilespmem:s15], [sflag:$0x3] =	stream.linear.gather [hbm4b:s7+s3], $0x400, $0x38;
	[tilespmem:$0x1C400] =	vst v63  }
0xc2: {  	_ =	swait.ge [sflag:s14], $0x400  }
0xc3: {  	[sflag:s14] =	ssyncset.done $0x0  }
0xc4: {  	[sflag:s14] =	ssyncadd.s32 $0xFFFFFC00  }
0xc5: {  	[tilespmem:s17], [sflag:$0x1] =	stream.indirect.gather [hbm4b:s4+s16], $0x80, s3, s16, $0xb8;
	[tilespmem:$0x1C400] =	vst v63  }
0xc6: {  	_ =	swait.ge [sflag:s18], $0x4000  }
0xc7: {  	[sflag:s18] =	ssyncset.done $0x0  }
0xc8: {  	[sflag:s18] =	ssyncadd.s32 $0xFFFFC000  }
0xc9: {  	[spmem:s1] =	stream.indirect.scatter.add.f32 [tilespmem:s17], [sflag:$0x3], $0x80, s15, s16, $0xb8;
	[tilespmem:$0x1C400] =	vst v63  }
0xca: {  	_ =	swait.ge [sflag:s14], $0x4000  }
0xcb: {  	[sflag:s14] =	ssyncset.done $0x0  }
0xcc: {  	[sflag:s14] =	ssyncadd.s32 $0xFFFFC000  }
0xcd: {  	[tilespmem:s19], [sflag:$0x2] =	stream.indirect.gather [hbm4b:s4+s16], $0x80, s16, s16, $0xb8;
	[tilespmem:$0x1C400] =	vst v63  }
0xce: {  	_ =	swait.ge [sflag:s20], $0x4000  }
0xcf: {  	[sflag:s20] =	ssyncset.done $0x0  }
0xd0: {  	[sflag:s20] =	ssyncadd.s32 $0xFFFFC000  }
0xd1: {  	[spmem:s1] =	stream.indirect.scatter.add.f32 [tilespmem:s19], [sflag:$0x3], $0x80, s21, s16, $0xb8;
	[tilespmem:$0x1C400] =	vst v63  }
0xd2: {  	_ =	swait.ge [sflag:s14], $0x4000  }
0xd3: {  	[sflag:s14] =	ssyncset.done $0x0  }
0xd4: {  	[sflag:s14] =	ssyncadd.s32 $0xFFFFC000  }
0xd5: {  	[tilespmem:s17], [sflag:$0x1] =	stream.indirect.gather [hbm4b:s4+s16], $0x80, s22, s16, $0xb8;
	[tilespmem:$0x1C400] =	vst v63  }
0xd6: {  	_ =	swait.ge [sflag:s18], $0x4000  }
0xd7: {  	[sflag:s18] =	ssyncset.done $0x0  }
0xd8: {  	[sflag:s18] =	ssyncadd.s32 $0xFFFFC000  }
0xd9: {  	[spmem:s1] =	stream.indirect.scatter.add.f32 [tilespmem:s17], [sflag:$0x3], $0x80, s23, s16, $0xb8;
	[tilespmem:$0x1C400] =	vst v63  }
0xda: {  	_ =	swait.ge [sflag:s14], $0x4000  }
0xdb: {  	[sflag:s14] =	ssyncset.done $0x0  }
0xdc: {  	[sflag:s14] =	ssyncadd.s32 $0xFFFFC000  }
0xdd: {  	[tilespmem:s19], [sflag:$0x2] =	stream.indirect.gather [hbm4b:s4+s16], $0x80, s24, s16, $0xb8;
	[tilespmem:$0x1C400] =	vst v63  }
0xde: {  	_ =	swait.ge [sflag:s20], $0x4000  }
0xdf: {  	[sflag:s20] =	ssyncset.done $0x0  }
0xe0: {  	[sflag:s20] =	ssyncadd.s32 $0xFFFFC000  }
0xe1: {  	[spmem:s1] =	stream.indirect.scatter.add.f32 [tilespmem:s19], [sflag:$0x3], $0x80, s25, s16, $0xb8;
	[tilespmem:$0x1C400] =	vst v63  }
0xe2: {  	_ =	swait.ge [sflag:s14], $0x4000  }
0xe3: {  	[sflag:s14] =	ssyncset.done $0x0  }
0xe4: {  	[sflag:s14] =	ssyncadd.s32 $0xFFFFC000  }
0xe5: {  	[tilespmem:s17], [sflag:$0x1] =	stream.indirect.gather [hbm4b:s4+s16], $0x80, s26, s16, $0xb8;
	[tilespmem:$0x1C400] =	vst v63  }
0xe6: {  	_ =	swait.ge [sflag:s18], $0x4000  }
0xe7: {  	[sflag:s18] =	ssyncset.done $0x0  }
0xe8: {  	[sflag:s18] =	ssyncadd.s32 $0xFFFFC000  }
0xe9: {  	[spmem:s1] =	stream.indirect.scatter.add.f32 [tilespmem:s17], [sflag:$0x3], $0x80, s28, s16, $0xb8;
	[tilespmem:$0x1C400] =	vst v63  }
0xea: {  	_ =	swait.ge [sflag:s14], $0x4000  }
0xeb: {  	[sflag:s14] =	ssyncset.done $0x0  }
0xec: {  	[sflag:s14] =	ssyncadd.s32 $0xFFFFC000  }
0xed: {  	[tilespmem:s19], [sflag:$0x2] =	stream.indirect.gather [hbm4b:s4+s16], $0x80, s29, s16, $0xb8;
	[tilespmem:$0x1C400] =	vst v63  }
0xee: {  	_ =	swait.ge [sflag:s20], $0x4000  }
0xef: {  	[sflag:s20] =	ssyncset.done $0x0  }
0xf0: {  	[sflag:s20] =	ssyncadd.s32 $0xFFFFC000  }
0xf1: {  	[spmem:s1] =	stream.indirect.scatter.add.f32 [tilespmem:s19], [sflag:$0x3], $0x80, s30, s16, $0xb8;
	[tilespmem:$0x1C400] =	vst v63  }
0xf2: {  	_ =	swait.ge [sflag:s14], $0x4000  }
0xf3: {  	[sflag:s14] =	ssyncset.done $0x0  }
0xf4: {  	[sflag:s14] =	ssyncadd.s32 $0xFFFFC000  }
0xf5: {  	[tilespmem:s17], [sflag:$0x1] =	stream.indirect.gather [hbm4b:s4+s16], $0x80, s31, s16, $0xb8;
	[tilespmem:$0x1C400] =	vst v63  }
0xf6: {  	_ =	swait.ge [sflag:s18], $0x4000  }
0xf7: {  	[sflag:s18] =	ssyncset.done $0x0  }
0xf8: {  	[sflag:s18] =	ssyncadd.s32 $0xFFFFC000  }
0xf9: {  	[spmem:s1] =	stream.indirect.scatter.add.f32 [tilespmem:s17], [sflag:$0x3], $0x80, s0, s16, $0xb8;
	[tilespmem:$0x1C400] =	vst v63  }
0xfa: {  	_ =	swait.ge [sflag:s14], $0x4000  }
0xfb: {  	[sflag:s14] =	ssyncset.done $0x0  }
0xfc: {  	[sflag:s14] =	ssyncadd.s32 $0xFFFFC000  }
0xfd: {  	[tilespmem:s19], [sflag:$0x2] =	stream.indirect.gather [hbm4b:s4+s16], $0x80, s2, s16, $0xb8;
	[tilespmem:$0x1C400] =	vst v63  }
0xfe: {  	_ =	swait.ge [sflag:s20], $0x4000  }
.Ltmp3:
0xff: {  	[sflag:s20] =	ssyncset.done $0x0;
	(pc) =	sbr.rel @p1 .LBB2_6-.Ltmp3, $4  }
0x100: {  	[sflag:s20] =	ssyncadd.s32 $0xFFFFC000  }
0x101: {  	[spmem:s1] =	stream.indirect.scatter.add.f32 [tilespmem:s19], [sflag:$0x3], $0x80, s5, s16, $0xb8;
	[tilespmem:$0x1C400] =	vst v63  }
0x102: {  	_ =	swait.ge [sflag:s14], $0x4000  }
0x103: {  	s13 =	smov.u32 s6;
	[sflag:s14] =	ssyncset.done $0x0  }
.Ltmp4:
0x104: {  	_ = 	snop;
	(pc) =	sbr.rel .LBB2_7-.Ltmp4, $1  }
0x105: {  	_ =	sdelay $0x3  }
.LBB2_2:
0x106: {  	s6 =	sadd.s32 $0x0, s13  }
0x107: {  	[tilespmem:s3], [sflag:$0x3] =	stream.linear.gather [hbm4b:s6+s3], $0x400, $0x38;
	[tilespmem:$0x1C400] =	vst v63  }
0x108: {  	_ =	swait.ge [sflag:s14], $0x400  }
0x109: {  	[sflag:s14] =	ssyncset.done $0x0;
	s9 =	rddreg [dreg:$0x3]  }
0x10a: {  	[sflag:s14] =	ssyncadd.s32 $0xFFFFFC00;
	s6 =	sadd.s32 $0x0, s9  }
0x10b: {  	[tilespmem:s15], [sflag:$0x3] =	stream.linear.gather [hbm4b:s6+s3], $0x400, $0x38;
	[tilespmem:$0x1C400] =	vst v63  }
0x10c: {  	_ =	swait.ge [sflag:s14], $0x400  }
0x10d: {  	[sflag:s14] =	ssyncset.done $0x0  }
0x10e: {  	[sflag:s14] =	ssyncadd.s32 $0xFFFFFC00  }
0x10f: {  	[tilespmem:s17], [sflag:$0x1] =	stream.indirect.gather [hbm4b:s4+s16], $0x80, s3, s16, $0xb8;
	[tilespmem:$0x1C400] =	vst v63  }
0x110: {  	_ =	swait.ge [sflag:s18], $0x4000  }
0x111: {  	[sflag:s18] =	ssyncset.done $0x0  }
0x112: {  	[sflag:s18] =	ssyncadd.s32 $0xFFFFC000  }
0x113: {  	[spmem:s1] =	stream.indirect.scatter.add.f32 [tilespmem:s17], [sflag:$0x3], $0x80, s15, s16, $0xb8;
	[tilespmem:$0x1C400] =	vst v63  }
0x114: {  	_ =	swait.ge [sflag:s14], $0x4000  }
0x115: {  	[sflag:s14] =	ssyncset.done $0x0  }
0x116: {  	[sflag:s14] =	ssyncadd.s32 $0xFFFFC000  }
0x117: {  	[tilespmem:s19], [sflag:$0x2] =	stream.indirect.gather [hbm4b:s4+s16], $0x80, s16, s16, $0xb8;
	[tilespmem:$0x1C400] =	vst v63  }
0x118: {  	_ =	swait.ge [sflag:s20], $0x4000  }
0x119: {  	[sflag:s20] =	ssyncset.done $0x0  }
0x11a: {  	[sflag:s20] =	ssyncadd.s32 $0xFFFFC000  }
0x11b: {  	[spmem:s1] =	stream.indirect.scatter.add.f32 [tilespmem:s19], [sflag:$0x3], $0x80, s21, s16, $0xb8;
	[tilespmem:$0x1C400] =	vst v63  }
0x11c: {  	_ =	swait.ge [sflag:s14], $0x4000  }
0x11d: {  	[sflag:s14] =	ssyncset.done $0x0  }
0x11e: {  	[sflag:s14] =	ssyncadd.s32 $0xFFFFC000  }
0x11f: {  	[tilespmem:s17], [sflag:$0x1] =	stream.indirect.gather [hbm4b:s4+s16], $0x80, s22, s16, $0xb8;
	[tilespmem:$0x1C400] =	vst v63  }
0x120: {  	_ =	swait.ge [sflag:s18], $0x4000  }
0x121: {  	[sflag:s18] =	ssyncset.done $0x0  }
0x122: {  	[sflag:s18] =	ssyncadd.s32 $0xFFFFC000  }
0x123: {  	[spmem:s1] =	stream.indirect.scatter.add.f32 [tilespmem:s17], [sflag:$0x3], $0x80, s23, s16, $0xb8;
	[tilespmem:$0x1C400] =	vst v63  }
0x124: {  	_ =	swait.ge [sflag:s14], $0x4000  }
0x125: {  	[sflag:s14] =	ssyncset.done $0x0  }
0x126: {  	[sflag:s14] =	ssyncadd.s32 $0xFFFFC000  }
0x127: {  	[tilespmem:s19], [sflag:$0x2] =	stream.indirect.gather [hbm4b:s4+s16], $0x80, s24, s16, $0xb8;
	[tilespmem:$0x1C400] =	vst v63  }
0x128: {  	_ =	swait.ge [sflag:s20], $0x4000  }
0x129: {  	[sflag:s20] =	ssyncset.done $0x0  }
0x12a: {  	[sflag:s20] =	ssyncadd.s32 $0xFFFFC000  }
0x12b: {  	[spmem:s1] =	stream.indirect.scatter.add.f32 [tilespmem:s19], [sflag:$0x3], $0x80, s25, s16, $0xb8;
	[tilespmem:$0x1C400] =	vst v63  }
0x12c: {  	_ =	swait.ge [sflag:s14], $0x4000  }
0x12d: {  	[sflag:s14] =	ssyncset.done $0x0  }
0x12e: {  	[sflag:s14] =	ssyncadd.s32 $0xFFFFC000  }
0x12f: {  	[tilespmem:s17], [sflag:$0x1] =	stream.indirect.gather [hbm4b:s4+s16], $0x80, s26, s16, $0xb8;
	[tilespmem:$0x1C400] =	vst v63  }
0x130: {  	_ =	swait.ge [sflag:s18], $0x4000  }
0x131: {  	[sflag:s18] =	ssyncset.done $0x0  }
0x132: {  	[sflag:s18] =	ssyncadd.s32 $0xFFFFC000  }
0x133: {  	[spmem:s1] =	stream.indirect.scatter.add.f32 [tilespmem:s17], [sflag:$0x3], $0x80, s28, s16, $0xb8;
	[tilespmem:$0x1C400] =	vst v63  }
0x134: {  	_ =	swait.ge [sflag:s14], $0x4000  }
0x135: {  	[sflag:s14] =	ssyncset.done $0x0  }
0x136: {  	[sflag:s14] =	ssyncadd.s32 $0xFFFFC000  }
0x137: {  	[tilespmem:s19], [sflag:$0x2] =	stream.indirect.gather [hbm4b:s4+s16], $0x80, s29, s16, $0xb8;
	[tilespmem:$0x1C400] =	vst v63  }
0x138: {  	_ =	swait.ge [sflag:s20], $0x4000  }
0x139: {  	[sflag:s20] =	ssyncset.done $0x0  }
0x13a: {  	[sflag:s20] =	ssyncadd.s32 $0xFFFFC000  }
0x13b: {  	[spmem:s1] =	stream.indirect.scatter.add.f32 [tilespmem:s19], [sflag:$0x3], $0x80, s30, s16, $0xb8;
	[tilespmem:$0x1C400] =	vst v63  }
0x13c: {  	_ =	swait.ge [sflag:s14], $0x4000  }
0x13d: {  	[sflag:s14] =	ssyncset.done $0x0  }
0x13e: {  	[sflag:s14] =	ssyncadd.s32 $0xFFFFC000  }
0x13f: {  	[tilespmem:s17], [sflag:$0x1] =	stream.indirect.gather [hbm4b:s4+s16], $0x80, s31, s16, $0xb8;
	[tilespmem:$0x1C400] =	vst v63  }
0x140: {  	_ =	swait.ge [sflag:s18], $0x4000  }
0x141: {  	[sflag:s18] =	ssyncset.done $0x0  }
0x142: {  	[sflag:s18] =	ssyncadd.s32 $0xFFFFC000  }
0x143: {  	[spmem:s1] =	stream.indirect.scatter.add.f32 [tilespmem:s17], [sflag:$0x3], $0x80, s0, s16, $0xb8;
	[tilespmem:$0x1C400] =	vst v63  }
0x144: {  	_ =	swait.ge [sflag:s14], $0x4000  }
0x145: {  	[sflag:s14] =	ssyncset.done $0x0  }
0x146: {  	[sflag:s14] =	ssyncadd.s32 $0xFFFFC000  }
0x147: {  	[tilespmem:s19], [sflag:$0x2] =	stream.indirect.gather [hbm4b:s4+s16], $0x80, s2, s16, $0xb8;
	[tilespmem:$0x1C400] =	vst v63  }
0x148: {  	_ =	swait.ge [sflag:s20], $0x4000  }
0x149: {  	[sflag:s20] =	ssyncset.done $0x0  }
0x14a: {  	[sflag:s20] =	ssyncadd.s32 $0xFFFFC000  }
0x14b: {  	[spmem:s1] =	stream.indirect.scatter.add.f32 [tilespmem:s19], [sflag:$0x3], $0x80, s5, s16, $0xb8;
	[tilespmem:$0x1C400] =	vst v63  }
0x14c: {  	_ =	swait.ge [sflag:s14], $0x4000  }
0x14d: {  	s8 =	simm.s32 $0x80;
	s6 =	simm.s32 $0x100;
	[sflag:s14] =	ssyncset.done $0x0  }
.LBB2_3:
0x14e: {  	s7 =	sadd.s32 s8, s13;
	[sflag:s14] =	ssyncadd.s32 $0xFFFFC000  }
0x14f: {  	[tilespmem:s3], [sflag:$0x3] =	stream.linear.gather [hbm4b:s7+s3], $0x400, $0x38;
	[tilespmem:$0x1C400] =	vst v63  }
0x150: {  	s7 =	rddreg [dreg:$0x3];
	_ =	swait.ge [sflag:s14], $0x400  }
0x151: {  	s9 =	smov.u32 s6;
	s13 =	sadd.s32 $0x80, s6;
	[sflag:s14] =	ssyncset.done $0x0  }
0x152: {  	p1 =	seq.s32 s6, $0x780;
	s6 =	sadd.s32 s8, s7;
	[sflag:s14] =	ssyncadd.s32 $0xFFFFFC00  }
0x153: {  	[tilespmem:s15], [sflag:$0x3] =	stream.linear.gather [hbm4b:s6+s3], $0x400, $0x38;
	[tilespmem:$0x1C400] =	vst v63  }
0x154: {  	_ =	swait.ge [sflag:s14], $0x400  }
0x155: {  	[sflag:s14] =	ssyncset.done $0x0  }
0x156: {  	[sflag:s14] =	ssyncadd.s32 $0xFFFFFC00  }
0x157: {  	[tilespmem:s17], [sflag:$0x1] =	stream.indirect.gather [hbm4b:s4+s16], $0x80, s3, s16, $0xb8;
	[tilespmem:$0x1C400] =	vst v63  }
0x158: {  	_ =	swait.ge [sflag:s18], $0x4000  }
0x159: {  	[sflag:s18] =	ssyncset.done $0x0  }
0x15a: {  	[sflag:s18] =	ssyncadd.s32 $0xFFFFC000  }
0x15b: {  	[spmem:s1] =	stream.indirect.scatter.add.f32 [tilespmem:s17], [sflag:$0x3], $0x80, s15, s16, $0xb8;
	[tilespmem:$0x1C400] =	vst v63  }
0x15c: {  	_ =	swait.ge [sflag:s14], $0x4000  }
0x15d: {  	[sflag:s14] =	ssyncset.done $0x0  }
0x15e: {  	[sflag:s14] =	ssyncadd.s32 $0xFFFFC000  }
0x15f: {  	[tilespmem:s19], [sflag:$0x2] =	stream.indirect.gather [hbm4b:s4+s16], $0x80, s16, s16, $0xb8;
	[tilespmem:$0x1C400] =	vst v63  }
0x160: {  	_ =	swait.ge [sflag:s20], $0x4000  }
0x161: {  	[sflag:s20] =	ssyncset.done $0x0  }
0x162: {  	[sflag:s20] =	ssyncadd.s32 $0xFFFFC000  }
0x163: {  	[spmem:s1] =	stream.indirect.scatter.add.f32 [tilespmem:s19], [sflag:$0x3], $0x80, s21, s16, $0xb8;
	[tilespmem:$0x1C400] =	vst v63  }
0x164: {  	_ =	swait.ge [sflag:s14], $0x4000  }
0x165: {  	[sflag:s14] =	ssyncset.done $0x0  }
0x166: {  	[sflag:s14] =	ssyncadd.s32 $0xFFFFC000  }
0x167: {  	[tilespmem:s17], [sflag:$0x1] =	stream.indirect.gather [hbm4b:s4+s16], $0x80, s22, s16, $0xb8;
	[tilespmem:$0x1C400] =	vst v63  }
0x168: {  	_ =	swait.ge [sflag:s18], $0x4000  }
0x169: {  	[sflag:s18] =	ssyncset.done $0x0  }
0x16a: {  	[sflag:s18] =	ssyncadd.s32 $0xFFFFC000  }
0x16b: {  	[spmem:s1] =	stream.indirect.scatter.add.f32 [tilespmem:s17], [sflag:$0x3], $0x80, s23, s16, $0xb8;
	[tilespmem:$0x1C400] =	vst v63  }
0x16c: {  	_ =	swait.ge [sflag:s14], $0x4000  }
0x16d: {  	[sflag:s14] =	ssyncset.done $0x0  }
0x16e: {  	[sflag:s14] =	ssyncadd.s32 $0xFFFFC000  }
0x16f: {  	[tilespmem:s19], [sflag:$0x2] =	stream.indirect.gather [hbm4b:s4+s16], $0x80, s24, s16, $0xb8;
	[tilespmem:$0x1C400] =	vst v63  }
0x170: {  	_ =	swait.ge [sflag:s20], $0x4000  }
0x171: {  	[sflag:s20] =	ssyncset.done $0x0  }
0x172: {  	[sflag:s20] =	ssyncadd.s32 $0xFFFFC000  }
0x173: {  	[spmem:s1] =	stream.indirect.scatter.add.f32 [tilespmem:s19], [sflag:$0x3], $0x80, s25, s16, $0xb8;
	[tilespmem:$0x1C400] =	vst v63  }
0x174: {  	_ =	swait.ge [sflag:s14], $0x4000  }
0x175: {  	[sflag:s14] =	ssyncset.done $0x0  }
0x176: {  	[sflag:s14] =	ssyncadd.s32 $0xFFFFC000  }
0x177: {  	[tilespmem:s17], [sflag:$0x1] =	stream.indirect.gather [hbm4b:s4+s16], $0x80, s26, s16, $0xb8;
	[tilespmem:$0x1C400] =	vst v63  }
0x178: {  	_ =	swait.ge [sflag:s18], $0x4000  }
0x179: {  	[sflag:s18] =	ssyncset.done $0x0  }
0x17a: {  	[sflag:s18] =	ssyncadd.s32 $0xFFFFC000  }
0x17b: {  	[spmem:s1] =	stream.indirect.scatter.add.f32 [tilespmem:s17], [sflag:$0x3], $0x80, s28, s16, $0xb8;
	[tilespmem:$0x1C400] =	vst v63  }
0x17c: {  	_ =	swait.ge [sflag:s14], $0x4000  }
0x17d: {  	[sflag:s14] =	ssyncset.done $0x0  }
0x17e: {  	[sflag:s14] =	ssyncadd.s32 $0xFFFFC000  }
0x17f: {  	[tilespmem:s19], [sflag:$0x2] =	stream.indirect.gather [hbm4b:s4+s16], $0x80, s29, s16, $0xb8;
	[tilespmem:$0x1C400] =	vst v63  }
0x180: {  	_ =	swait.ge [sflag:s20], $0x4000  }
0x181: {  	[sflag:s20] =	ssyncset.done $0x0  }
0x182: {  	[sflag:s20] =	ssyncadd.s32 $0xFFFFC000  }
0x183: {  	[spmem:s1] =	stream.indirect.scatter.add.f32 [tilespmem:s19], [sflag:$0x3], $0x80, s30, s16, $0xb8;
	[tilespmem:$0x1C400] =	vst v63  }
0x184: {  	_ =	swait.ge [sflag:s14], $0x4000  }
0x185: {  	[sflag:s14] =	ssyncset.done $0x0  }
0x186: {  	[sflag:s14] =	ssyncadd.s32 $0xFFFFC000  }
0x187: {  	[tilespmem:s17], [sflag:$0x1] =	stream.indirect.gather [hbm4b:s4+s16], $0x80, s31, s16, $0xb8;
	[tilespmem:$0x1C400] =	vst v63  }
0x188: {  	_ =	swait.ge [sflag:s18], $0x4000  }
0x189: {  	[sflag:s18] =	ssyncset.done $0x0  }
0x18a: {  	[sflag:s18] =	ssyncadd.s32 $0xFFFFC000  }
0x18b: {  	[spmem:s1] =	stream.indirect.scatter.add.f32 [tilespmem:s17], [sflag:$0x3], $0x80, s0, s16, $0xb8;
	[tilespmem:$0x1C400] =	vst v63  }
0x18c: {  	_ =	swait.ge [sflag:s14], $0x4000  }
0x18d: {  	[sflag:s14] =	ssyncset.done $0x0  }
0x18e: {  	[sflag:s14] =	ssyncadd.s32 $0xFFFFC000  }
0x18f: {  	[tilespmem:s19], [sflag:$0x2] =	stream.indirect.gather [hbm4b:s4+s16], $0x80, s2, s16, $0xb8;
	[tilespmem:$0x1C400] =	vst v63  }
0x190: {  	_ =	swait.ge [sflag:s20], $0x4000  }
.Ltmp5:
0x191: {  	[sflag:s20] =	ssyncset.done $0x0;
	(pc) =	sbr.rel @!p1 .LBB2_3-.Ltmp5, $4  }
0x192: {  	[sflag:s20] =	ssyncadd.s32 $0xFFFFC000  }
0x193: {  	[spmem:s1] =	stream.indirect.scatter.add.f32 [tilespmem:s19], [sflag:$0x3], $0x80, s5, s16, $0xb8;
	[tilespmem:$0x1C400] =	vst v63  }
0x194: {  	s8 =	smov.u32 s9;
	_ =	swait.ge [sflag:s14], $0x4000  }
0x195: {  	s6 =	smov.u32 s13;
	s13 =	smov.u32 s11;
	[sflag:s14] =	ssyncset.done $0x0  }
0x196: {  	s6 =	sadd.s32 s8, s13;
	[sflag:s14] =	ssyncadd.s32 $0xFFFFC000  }
0x197: {  	[tilespmem:s3], [sflag:$0x3] =	stream.linear.gather [hbm4b:s6+s3], $0x400, $0x38;
	[tilespmem:$0x1C400] =	vst v63  }
0x198: {  	_ =	swait.ge [sflag:s14], $0x400  }
0x199: {  	[sflag:s14] =	ssyncset.done $0x0  }
0x19a: {  	s9 =	sadd.s32 s8, s7;
	[sflag:s14] =	ssyncadd.s32 $0xFFFFFC00  }
0x19b: {  	[tilespmem:s15], [sflag:$0x3] =	stream.linear.gather [hbm4b:s9+s3], $0x400, $0x38;
	[tilespmem:$0x1C400] =	vst v63  }
0x19c: {  	_ =	swait.ge [sflag:s14], $0x400  }
0x19d: {  	[sflag:s14] =	ssyncset.done $0x0  }
0x19e: {  	[sflag:s14] =	ssyncadd.s32 $0xFFFFFC00  }
0x19f: {  	[tilespmem:s17], [sflag:$0x1] =	stream.indirect.gather [hbm4b:s4+s16], $0x80, s3, s16, $0xb8;
	[tilespmem:$0x1C400] =	vst v63  }
0x1a0: {  	_ =	swait.ge [sflag:s18], $0x4000  }
0x1a1: {  	[sflag:s18] =	ssyncset.done $0x0  }
0x1a2: {  	[sflag:s18] =	ssyncadd.s32 $0xFFFFC000  }
0x1a3: {  	[spmem:s1] =	stream.indirect.scatter.add.f32 [tilespmem:s17], [sflag:$0x3], $0x80, s15, s16, $0xb8;
	[tilespmem:$0x1C400] =	vst v63  }
0x1a4: {  	_ =	swait.ge [sflag:s14], $0x4000  }
0x1a5: {  	[sflag:s14] =	ssyncset.done $0x0  }
0x1a6: {  	[sflag:s14] =	ssyncadd.s32 $0xFFFFC000  }
0x1a7: {  	[tilespmem:s19], [sflag:$0x2] =	stream.indirect.gather [hbm4b:s4+s16], $0x80, s16, s16, $0xb8;
	[tilespmem:$0x1C400] =	vst v63  }
0x1a8: {  	_ =	swait.ge [sflag:s20], $0x4000  }
0x1a9: {  	[sflag:s20] =	ssyncset.done $0x0  }
0x1aa: {  	[sflag:s20] =	ssyncadd.s32 $0xFFFFC000  }
0x1ab: {  	[spmem:s1] =	stream.indirect.scatter.add.f32 [tilespmem:s19], [sflag:$0x3], $0x80, s21, s16, $0xb8;
	[tilespmem:$0x1C400] =	vst v63  }
0x1ac: {  	_ =	swait.ge [sflag:s14], $0x4000  }
0x1ad: {  	[sflag:s14] =	ssyncset.done $0x0  }
0x1ae: {  	[sflag:s14] =	ssyncadd.s32 $0xFFFFC000  }
0x1af: {  	[tilespmem:s17], [sflag:$0x1] =	stream.indirect.gather [hbm4b:s4+s16], $0x80, s22, s16, $0xb8;
	[tilespmem:$0x1C400] =	vst v63  }
0x1b0: {  	_ =	swait.ge [sflag:s18], $0x4000  }
0x1b1: {  	[sflag:s18] =	ssyncset.done $0x0  }
0x1b2: {  	[sflag:s18] =	ssyncadd.s32 $0xFFFFC000  }
0x1b3: {  	[spmem:s1] =	stream.indirect.scatter.add.f32 [tilespmem:s17], [sflag:$0x3], $0x80, s23, s16, $0xb8;
	[tilespmem:$0x1C400] =	vst v63  }
0x1b4: {  	_ =	swait.ge [sflag:s14], $0x4000  }
0x1b5: {  	[sflag:s14] =	ssyncset.done $0x0  }
0x1b6: {  	[sflag:s14] =	ssyncadd.s32 $0xFFFFC000  }
0x1b7: {  	[tilespmem:s19], [sflag:$0x2] =	stream.indirect.gather [hbm4b:s4+s16], $0x80, s24, s16, $0xb8;
	[tilespmem:$0x1C400] =	vst v63  }
0x1b8: {  	_ =	swait.ge [sflag:s20], $0x4000  }
0x1b9: {  	[sflag:s20] =	ssyncset.done $0x0  }
0x1ba: {  	[sflag:s20] =	ssyncadd.s32 $0xFFFFC000  }
0x1bb: {  	[spmem:s1] =	stream.indirect.scatter.add.f32 [tilespmem:s19], [sflag:$0x3], $0x80, s25, s16, $0xb8;
	[tilespmem:$0x1C400] =	vst v63  }
0x1bc: {  	_ =	swait.ge [sflag:s14], $0x4000  }
0x1bd: {  	[sflag:s14] =	ssyncset.done $0x0  }
0x1be: {  	[sflag:s14] =	ssyncadd.s32 $0xFFFFC000  }
0x1bf: {  	[tilespmem:s17], [sflag:$0x1] =	stream.indirect.gather [hbm4b:s4+s16], $0x80, s26, s16, $0xb8;
	[tilespmem:$0x1C400] =	vst v63  }
0x1c0: {  	_ =	swait.ge [sflag:s18], $0x4000  }
0x1c1: {  	[sflag:s18] =	ssyncset.done $0x0  }
0x1c2: {  	[sflag:s18] =	ssyncadd.s32 $0xFFFFC000  }
0x1c3: {  	[spmem:s1] =	stream.indirect.scatter.add.f32 [tilespmem:s17], [sflag:$0x3], $0x80, s28, s16, $0xb8;
	[tilespmem:$0x1C400] =	vst v63  }
0x1c4: {  	_ =	swait.ge [sflag:s14], $0x4000  }
0x1c5: {  	[sflag:s14] =	ssyncset.done $0x0  }
0x1c6: {  	[sflag:s14] =	ssyncadd.s32 $0xFFFFC000  }
0x1c7: {  	[tilespmem:s19], [sflag:$0x2] =	stream.indirect.gather [hbm4b:s4+s16], $0x80, s29, s16, $0xb8;
	[tilespmem:$0x1C400] =	vst v63  }
0x1c8: {  	_ =	swait.ge [sflag:s20], $0x4000  }
0x1c9: {  	[sflag:s20] =	ssyncset.done $0x0  }
0x1ca: {  	[sflag:s20] =	ssyncadd.s32 $0xFFFFC000  }
0x1cb: {  	[spmem:s1] =	stream.indirect.scatter.add.f32 [tilespmem:s19], [sflag:$0x3], $0x80, s30, s16, $0xb8;
	[tilespmem:$0x1C400] =	vst v63  }
0x1cc: {  	_ =	swait.ge [sflag:s14], $0x4000  }
0x1cd: {  	[sflag:s14] =	ssyncset.done $0x0  }
0x1ce: {  	[sflag:s14] =	ssyncadd.s32 $0xFFFFC000  }
0x1cf: {  	[tilespmem:s17], [sflag:$0x1] =	stream.indirect.gather [hbm4b:s4+s16], $0x80, s31, s16, $0xb8;
	[tilespmem:$0x1C400] =	vst v63  }
0x1d0: {  	_ =	swait.ge [sflag:s18], $0x4000  }
0x1d1: {  	[sflag:s18] =	ssyncset.done $0x0  }
0x1d2: {  	[sflag:s18] =	ssyncadd.s32 $0xFFFFC000  }
0x1d3: {  	[spmem:s1] =	stream.indirect.scatter.add.f32 [tilespmem:s17], [sflag:$0x3], $0x80, s0, s16, $0xb8;
	[tilespmem:$0x1C400] =	vst v63  }
0x1d4: {  	_ =	swait.ge [sflag:s14], $0x4000  }
0x1d5: {  	[sflag:s14] =	ssyncset.done $0x0  }
0x1d6: {  	[sflag:s14] =	ssyncadd.s32 $0xFFFFC000  }
0x1d7: {  	[tilespmem:s19], [sflag:$0x2] =	stream.indirect.gather [hbm4b:s4+s16], $0x80, s2, s16, $0xb8;
	[tilespmem:$0x1C400] =	vst v63  }
0x1d8: {  	_ =	swait.ge [sflag:s20], $0x4000  }
0x1d9: {  	[sflag:s20] =	ssyncset.done $0x0  }
.Ltmp6:
0x1da: {  	[sflag:s20] =	ssyncadd.s32 $0xFFFFC000;
	(pc) =	sbr.rel .LBB2_8-.Ltmp6, $4  }
0x1db: {  	[spmem:s1] =	stream.indirect.scatter.add.f32 [tilespmem:s19], [sflag:$0x3], $0x80, s5, s16, $0xb8;
	[tilespmem:$0x1C400] =	vst v63  }
0x1dc: {  	_ =	swait.ge [sflag:s14], $0x4000  }
0x1dd: {  	[sflag:s14] =	ssyncset.done $0x0  }
0x1de: {  	s7 =	rddreg [dreg:$0xa];
	[sflag:s14] =	ssyncadd.s32 $0xFFFFC000  }
.LBB2_9:
0x1df: {  	_ =	sfence.sel $0x180000  }
0x1e0: {  	[bflag:$0x0] =	sbarrier.arrive $0xFFFF  }
0x1e1: {  	_ =	strace $0x90000050  }
0x1e2: {  	s0 =	stileid.u32;
	[bflag:$0x2] =	sbarrier.arrive $0xFFFF  }
0x1e3: {  	p0 =	sne.s32 s0, $0x0;
	s0 =	rddreg [dreg:$0x2]  }
0x1e4: {  	s0 =	sadd.s32 @!p0 $0x100000, s0  }
0x1e5: {  	[sflag:s0] =	ssyncadd.tile.s32 @!p0 $0x1;
	_ =	shalt  }
.Lfunc_end2:
_tile_overlayer_lowered:
.L_overlay_start_2:
0x1e6: {  	(tag) =	ssettag $0x2  }
0x1e7: {  	s0 =	rddreg [dreg:$0x0];
	s2 =	stileid.u32  }
0x1e8: {  	s1 =	rddreg [dreg:$0x1];
	p0 =	sne.s32 s2, $0x0  }
0x1e9: {  	s3 =	rddreg [dreg:$0x2];
	[bflag:$0x3] =	sbarrier.arrive $0xFFFF;
	s2 =	simm.s32 @!p0 $0x1C03  }
0x1ea: {  	[timem:s3], [sflag:s2] =	dma.local @!p0 [hbm:s0], s1  }
0x1eb: {  	s0 =	simm.s32 @!p0 $0x3  }
0x1ec: {  	_ =	swait.ge @!p0 [sflag:s0], s1  }
0x1ed: {  	s1 =	ssub.s32 @!p0 $0x0, s1;
	[sflag:s0] =	ssyncset.done @!p0 $0x0  }
0x1ee: {  	[sflag:s0] =	ssyncadd.s32 @!p0 s1  }
0x1ef: {  	[bflag:$0x3] =	sbarrier.arrive $0xFFFF  }
0x1f0: {  	_ =	shalt  }

</sc_bundles>
